<compile_context>
chip_gen: v7x
topology: tpu7x:2x2x1
jax: 0.10.2.dev20260603
libtpu: 0.0.44.dev20260713+nightly
codegen_flags: <defaults>
</compile_context>

<pallas_src>
import functools
import jax
import jax.numpy as jnp
from jax import lax
from jax.experimental import pallas as pl
from jax.experimental.pallas import tpu as pltpu
from jax.experimental.pallas import tpu_sc as plsc

_N = 10000
_E = 160000
_D = 256
_DH = 128
_NC = 2
_NT = 16
_NPAD = 10240
_RPT = _NPAD // _NT
_CH = 128
_GS = 8
_NGRP = 10
_NCHUNK = _NGRP * _GS
_EPT = _NCHUNK * _CH
_EPAD = _EPT * _NT
_BR = 640



def _deg_body(dsts, ones_hbm, out, dst_v, ones_v, acc):
    c = lax.axis_index("c")
    s = lax.axis_index("s")
    pltpu.sync_copy(dsts.at[s], dst_v)
    pltpu.sync_copy(ones_hbm.at[pl.ds(0, _CH)], ones_v)
    pltpu.sync_copy(ones_hbm, acc.at[pl.ds(s * _RPT, _RPT)])
    plsc.subcore_barrier()

    half = _NCHUNK // 2

    def chunk(j, carry):
        r = c * half + j
        pltpu.sync_copy(ones_v, acc.at[dst_v.at[r // _GS, r % _GS]],
                        add=True)
        return carry

    lax.fori_loop(0, half, chunk, 0)
    plsc.subcore_barrier()
    pltpu.sync_copy(acc.at[pl.ds(s * _RPT, _RPT)],
                    out.at[c, pl.ds(s * _RPT, _RPT)])


_deg_kernel = functools.partial(
    pl.kernel,
    out_type=jax.ShapeDtypeStruct((_NC, _NPAD, _DH), jnp.float32),
    mesh=plsc.VectorSubcoreMesh(core_axis_name="c", subcore_axis_name="s"),
    scratch_types=[
        pltpu.VMEM((_NGRP, _GS, _CH), jnp.int32),
        pltpu.VMEM((_CH, _DH), jnp.float32),
        pltpu.VMEM_SHARED((_NPAD, _DH), jnp.float32),
    ],
)(_deg_body)


def _agg_body(table, srcs, dsts, out, gsA, gdA, gsB, gdB, bufa, bufb,
              sema, semb, gsemA, gsemB, acc):
    c = lax.axis_index("c")
    s = lax.axis_index("s")
    pltpu.sync_copy(srcs.at[c, s, 0], gsA)
    pltpu.sync_copy(dsts.at[s, 0], gdA)
    pltpu.sync_copy(table.at[pl.ds(c * _NPAD + s * _RPT, _RPT)],
                    acc.at[pl.ds(s * _RPT, _RPT)])
    plsc.subcore_barrier()

    def issue_idx(g, gs_ref, gd_ref, gsem):
        pltpu.async_copy(srcs.at[c, s, g], gs_ref, gsem)
        pltpu.async_copy(dsts.at[s, g], gd_ref, gsem)

    def wait_idx(gs_ref, gd_ref, gsem):
        pltpu.make_async_copy(srcs.at[c, s, 0], gs_ref, gsem).wait()
        pltpu.make_async_copy(dsts.at[s, 0], gd_ref, gsem).wait()

    bufs = (bufa, bufb)
    sems = (sema, semb)

    def gather(idx_row, buf, sem):
        pltpu.async_copy(table.at[idx_row], buf, sem)

    def wait_gather(buf, sem):
        pltpu.make_async_copy(table.at[gsA.at[0]], buf, sem).wait()

    def section(g, cur_s, cur_d, nxt_s, nxt_d, sem_nxt, my_sem, last):
        wait_idx(nxt_s, nxt_d, sem_nxt)
        for k in range(_GS):
            nrow = cur_s.at[k + 1] if k + 1 < _GS else nxt_s.at[0]
            gather(nrow, bufs[(k + 1) % 2], sems[(k + 1) % 2])
            wait_gather(bufs[k % 2], sems[k % 2])
            pltpu.sync_copy(bufs[k % 2], acc.at[cur_d.at[k]], add=True)
        issue_idx(jnp.minimum(g + 2, _NGRP - 1), cur_s, cur_d, my_sem)

    issue_idx(1, gsB, gdB, gsemB)
    gather(gsA.at[0], bufa, sema)

    def body(q, carry):
        g = 2 * q
        section(g, gsA, gdA, gsB, gdB, gsemB, gsemA, False)
        section(g + 1, gsB, gdB, gsA, gdA, gsemA, gsemB, False)
        return carry

    lax.fori_loop(0, _NGRP // 2, body, 0)
    wait_gather(bufa, sema)
    wait_idx(gsB, gdB, gsemB)
    plsc.subcore_barrier()
    pltpu.sync_copy(acc.at[pl.ds(s * _RPT, _RPT)],
                    out.at[c, pl.ds(s * _RPT, _RPT)])


_agg_kernel = functools.partial(
    pl.kernel,
    out_type=jax.ShapeDtypeStruct((_NC, _NPAD, _DH), jnp.float32),
    mesh=plsc.VectorSubcoreMesh(core_axis_name="c", subcore_axis_name="s"),
    scratch_types=[
        pltpu.VMEM((_GS, _CH), jnp.int32),
        pltpu.VMEM((_GS, _CH), jnp.int32),
        pltpu.VMEM((_GS, _CH), jnp.int32),
        pltpu.VMEM((_GS, _CH), jnp.int32),
        pltpu.VMEM((_CH, _DH), jnp.float32),
        pltpu.VMEM((_CH, _DH), jnp.float32),
        pltpu.SemaphoreType.DMA,
        pltpu.SemaphoreType.DMA,
        pltpu.SemaphoreType.DMA,
        pltpu.SemaphoreType.DMA,
        pltpu.VMEM_SHARED((_NPAD, _DH), jnp.float32),
    ],
)(_agg_body)



def _dinv_of(dg_blk):
    deg = dg_blk[0, :, 0:1] + dg_blk[1, :, 0:1] - 1.0
    return lax.rsqrt(deg)


def _mm0_body(x_ref, w_ref, out_ref):
    out_ref[...] = jnp.dot(x_ref[...], w_ref[...],
                           preferred_element_type=jnp.float32)


def _scale1_body(h_ref, dg_ref, out_ref):
    dinv = _dinv_of(dg_ref[...])
    ht = h_ref[...] * dinv
    out_ref[0, :, :] = ht[:, :_DH]
    out_ref[1, :, :] = ht[:, _DH:]


def _mm2_body(agg_ref, dg_ref, b_ref, w_ref, out_ref):
    dinv = _dinv_of(dg_ref[...])
    full = agg_ref[...]
    pre = full * dinv[None, :, :] + b_ref[...][:, None, :]
    h1 = jnp.maximum(pre, 0.0)
    h1f = jnp.concatenate([h1[0], h1[1]], axis=1)
    h2 = jnp.dot(h1f, w_ref[...], preferred_element_type=jnp.float32)
    ht2 = h2 * dinv
    out_ref[0, :, :] = ht2[:, :_DH]
    out_ref[1, :, :] = ht2[:, _DH:]


def _head_body(agg_ref, dg_ref, b_ref, wh_ref, bh_ref, out_ref):
    dinv = _dinv_of(dg_ref[...])
    full = agg_ref[...]
    pre = full * dinv[None, :, :] + b_ref[...][:, None, :]
    h2 = jnp.maximum(pre, 0.0)
    h2f = jnp.concatenate([h2[0], h2[1]], axis=1)
    z = jnp.dot(h2f, wh_ref[...], preferred_element_type=jnp.float32)
    out_ref[...] = jax.nn.sigmoid(z + bh_ref[0, 0])


_G = _NPAD // _BR

_split_spec = pl.BlockSpec((2, _BR, _DH), lambda i: (0, i, 0))
_dg_spec = pl.BlockSpec((2, _BR, 16), lambda i: (0, i, 0))
_b_spec = pl.BlockSpec((2, _DH), lambda i: (0, 0))

_mm0 = pl.pallas_call(
    _mm0_body,
    grid=(_G,),
    in_specs=[
        pl.BlockSpec((_BR, _D), lambda i: (i, 0)),
        pl.BlockSpec((_D, _D), lambda i: (0, 0)),
    ],
    out_specs=pl.BlockSpec((_BR, _D), lambda i: (i, 0)),
    out_shape=jax.ShapeDtypeStruct((_NPAD, _D), jnp.float32),
)

_scale1 = pl.pallas_call(
    _scale1_body,
    grid=(_G,),
    in_specs=[
        pl.BlockSpec((_BR, _D), lambda i: (i, 0)),
        _dg_spec,
    ],
    out_specs=_split_spec,
    out_shape=jax.ShapeDtypeStruct((2, _NPAD, _DH), jnp.float32),
)

_mm2 = pl.pallas_call(
    _mm2_body,
    grid=(_G,),
    in_specs=[
        _split_spec,
        _dg_spec,
        _b_spec,
        pl.BlockSpec((_D, _D), lambda i: (0, 0)),
    ],
    out_specs=_split_spec,
    out_shape=jax.ShapeDtypeStruct((2, _NPAD, _DH), jnp.float32),
)

_head = pl.pallas_call(
    _head_body,
    grid=(_G,),
    in_specs=[
        _split_spec,
        _dg_spec,
        _b_spec,
        pl.BlockSpec((_D, 1), lambda i: (0, 0)),
        pl.BlockSpec((1, 1), lambda i: (0, 0)),
    ],
    out_specs=pl.BlockSpec((_BR, 1), lambda i: (i, 0)),
    out_shape=jax.ShapeDtypeStruct((_NPAD, 1), jnp.float32),
)


def kernel(x, edge_index, W1, b1, W2, b2, Wh, bh):
    src = edge_index[0]
    dst = edge_index[1]
    pad = _EPAD - _E
    srcp = jnp.concatenate([src, jnp.zeros((pad,), jnp.int32)])
    dstp = jnp.concatenate([dst, jnp.full((pad,), _N, jnp.int32)])
    src3 = srcp.reshape(_NT, _NGRP, _GS, _CH)
    dst3 = dstp.reshape(_NT, _NGRP, _GS, _CH)
    srcs = jnp.stack([src3, src3 + _NPAD])

    ones_rows = jnp.ones((_RPT, _DH), jnp.float32)

    dg = _deg_kernel(dst3, ones_rows)[:, :, :16]

    h1 = _mm0(x, W1)
    ht1 = _scale1(h1, dg)
    agg1 = _agg_kernel(ht1.reshape(_NC * _NPAD, _DH), srcs, dst3)
    ht2 = _mm2(agg1, dg, b1.reshape(2, _DH), W2)
    agg2 = _agg_kernel(ht2.reshape(_NC * _NPAD, _DH), srcs, dst3)
    risk = _head(agg2, dg, b2.reshape(2, _DH), Wh, bh.reshape(1, 1))
    return risk[:_N, 0]

# --- scband reference (transcript-rebuilt; emitter-appended) ---
"""Pipeline reference for scband-climate-risk-gnn-6081673691202 (READ-ONLY COPY).

The authoritative reference and input builder live on the scoring server;
editing this copy changes nothing except your own understanding.
"""

import jax, jax.numpy as jnp
import numpy as np

N = 10000
E = 160000
D_IN = 256
D_HID = 256
D_OUT = 1


def setup_inputs(seed: int = 0) -> dict:
    key = jax.random.key(seed)
    ks = jax.random.split(key, 8)
    x = jax.random.normal(ks[0], (N, D_IN), dtype=jnp.float32)
    edge_index = jax.random.randint(ks[1], (2, E), 0, N, dtype=jnp.int32)
    W1 = jax.random.normal(ks[2], (D_IN, D_HID), dtype=jnp.float32) * (1.0 / np.sqrt(D_IN))
    b1 = jnp.zeros((D_HID,), dtype=jnp.float32)
    W2 = jax.random.normal(ks[3], (D_HID, D_HID), dtype=jnp.float32) * (1.0 / np.sqrt(D_HID))
    b2 = jnp.zeros((D_HID,), dtype=jnp.float32)
    Wh = jax.random.normal(ks[4], (D_HID, D_OUT), dtype=jnp.float32) * (1.0 / np.sqrt(D_HID))
    bh = jnp.zeros((D_OUT,), dtype=jnp.float32)
    return {"x": x, "edge_index": edge_index, "W1": W1, "b1": b1, "W2": W2, "b2": b2, "Wh": Wh, "bh": bh}


def _gcn_conv(x, src, dst, W, b, n):
    # PyG GCNConv: h = x @ W; add self-loops; norm = deg^{-1/2}[src] * deg^{-1/2}[dst];
    # out = scatter_add(norm * h[src] -> dst) + b
    h = x @ W
    deg = jnp.zeros((n,), dtype=x.dtype).at[dst].add(1.0)
    dinv = jnp.where(deg > 0, 1.0 / jnp.sqrt(deg), 0.0)
    norm = dinv[src] * dinv[dst]
    msg = h[src] * norm[:, None]
    out = jnp.zeros((n, h.shape[1]), dtype=h.dtype).at[dst].add(msg)
    return out + b


def reference(x, edge_index, W1, b1, W2, b2, Wh, bh):
    n = x.shape[0]
    loop = jnp.arange(n, dtype=edge_index.dtype)
    src = jnp.concatenate([edge_index[0], loop])
    dst = jnp.concatenate([edge_index[1], loop])
    h = _gcn_conv(x, src, dst, W1, b1, n)
    h = jax.nn.relu(h)
    # dropout p=0.2 is identity in eval mode
    h = _gcn_conv(h, src, dst, W2, b2, n)
    h = jax.nn.relu(h)
    risk = jax.nn.sigmoid(h @ Wh + bh)
    return jnp.squeeze(risk, axis=-1)

if __name__ == "__main__":
    import jax
    _d = setup_inputs()
    print(jax.jit(kernel)(*tuple(_d.values())))

</pallas_src>

<mosaic_0001>
#map = affine_map<(d0, d1) -> (0, 0)>
#map1 = affine_map<(d0, d1) -> (0, 0, 0, 0, 0)>
#map2 = affine_map<(d0, d1) -> (0, 0, 0, 0)>
#map3 = affine_map<(d0, d1) -> (0, 0, 0)>
module attributes {stable_mosaic.version = 14 : i64} {
  func.func @_agg_body(%arg0: i32, %arg1: i32, %arg2: memref<20480x128xf32, #tpu.memory_space<hbm>>, %arg3: memref<2x16x10x8x128xi32, #tpu.memory_space<hbm>>, %arg4: memref<16x10x8x128xi32, #tpu.memory_space<hbm>>, %arg5: memref<2x10240x128xf32, #tpu.memory_space<hbm>>, %arg6: memref<8x128xi32, #tpu.memory_space<vmem>>, %arg7: memref<8x128xi32, #tpu.memory_space<vmem>>, %arg8: memref<8x128xi32, #tpu.memory_space<vmem>>, %arg9: memref<8x128xi32, #tpu.memory_space<vmem>>, %arg10: memref<128x128xf32, #tpu.memory_space<vmem>>, %arg11: memref<128x128xf32, #tpu.memory_space<vmem>>, %arg12: memref<!tpu.dma_semaphore, #tpu.memory_space<semaphore_mem>>, %arg13: memref<!tpu.dma_semaphore, #tpu.memory_space<semaphore_mem>>, %arg14: memref<!tpu.dma_semaphore, #tpu.memory_space<semaphore_mem>>, %arg15: memref<!tpu.dma_semaphore, #tpu.memory_space<semaphore_mem>>, %arg16: memref<10240x128xf32, #tpu.memory_space<vmem_shared>>) attributes {dimension_semantics = [#tpu.dimension_semantics<core_parallel>, #tpu.dimension_semantics<subcore_parallel>], iteration_bounds = array<i64: 2, 16>, scalar_prefetch = 0 : i64, scratch_operands = 11 : i64, tpu.core_type = #tpu.core_type<sc_vector_subcore>, window_params = [{transform_indices = #map}, {transform_indices = #map1}, {transform_indices = #map2}, {transform_indices = #map3}]} {
    %run_scoped3A = arith.constant 0 : i32
    "tpu.region"() ({
      %run_scoped3A_64 = tpu.sem_alloc : memref<!tpu.dma_semaphore, #tpu.memory_space<semaphore_mem>>
      %dma_start3A_65 = arith.constant 0 : i32
      %dma_start3A_66 = arith.constant 0 : i32
      %dma_start3A_67 = tpu.memref_slice %arg3[%arg0, %arg1, %run_scoped3A, %dma_start3A_65, %dma_start3A_66] : memref<2x16x10x8x128xi32, #tpu.memory_space<hbm>> -> memref<1x1x1x8x128xi32, #tpu.memory_space<hbm>>
      %dma_start3A_68 = tpu.memref_squeeze %dma_start3A_67 : memref<1x1x1x8x128xi32, #tpu.memory_space<hbm>> -> memref<8x128xi32, #tpu.memory_space<hbm>>
      %dma_start3A_69 = arith.constant 0 : i32
      %dma_start3A_70 = arith.constant 0 : i32
      %dma_start3A_71 = tpu.memref_slice %arg3[%arg0, %arg1, %run_scoped3A, %dma_start3A_69, %dma_start3A_70] : memref<2x16x10x8x128xi32, #tpu.memory_space<hbm>> -> memref<1x1x1x8x128xi32, #tpu.memory_space<hbm>>
      %dma_start3A_72 = tpu.memref_squeeze %dma_start3A_71 : memref<1x1x1x8x128xi32, #tpu.memory_space<hbm>> -> memref<8x128xi32, #tpu.memory_space<hbm>>
      tpu.enqueue_dma source(%dma_start3A_72 : memref<8x128xi32, #tpu.memory_space<hbm>>) target(%arg6 : memref<8x128xi32, #tpu.memory_space<vmem>>) target_semaphore(%run_scoped3A_64 : memref<!tpu.dma_semaphore, #tpu.memory_space<semaphore_mem>>)
      %dma_wait3A_73 = arith.constant 0 : i32
      %dma_wait3A_74 = arith.constant 0 : i32
      %dma_wait3A_75 = tpu.memref_slice %arg3[%arg0, %arg1, %run_scoped3A, %dma_wait3A_73, %dma_wait3A_74] : memref<2x16x10x8x128xi32, #tpu.memory_space<hbm>> -> memref<1x1x1x8x128xi32, #tpu.memory_space<hbm>>
      %dma_wait3A_76 = tpu.memref_squeeze %dma_wait3A_75 : memref<1x1x1x8x128xi32, #tpu.memory_space<hbm>> -> memref<8x128xi32, #tpu.memory_space<hbm>>
      %dma_wait3A_77 = arith.constant 0 : i32
      %dma_wait3A_78 = arith.constant 0 : i32
      %dma_wait3A_79 = tpu.memref_slice %arg3[%arg0, %arg1, %run_scoped3A, %dma_wait3A_77, %dma_wait3A_78] : memref<2x16x10x8x128xi32, #tpu.memory_space<hbm>> -> memref<1x1x1x8x128xi32, #tpu.memory_space<hbm>>
      %dma_wait3A_80 = tpu.memref_squeeze %dma_wait3A_79 : memref<1x1x1x8x128xi32, #tpu.memory_space<hbm>> -> memref<8x128xi32, #tpu.memory_space<hbm>>
      tpu.wait_dma2 semaphore(%run_scoped3A_64 : memref<!tpu.dma_semaphore, #tpu.memory_space<semaphore_mem>>) src(%dma_wait3A_80 : memref<8x128xi32, #tpu.memory_space<hbm>>) dst(%arg6 : memref<8x128xi32, #tpu.memory_space<vmem>>)
      tpu.yield
    }) : () -> ()
    %run_scoped3A_0 = arith.constant 0 : i32
    "tpu.region"() ({
      %run_scoped3A_64 = tpu.sem_alloc : memref<!tpu.dma_semaphore, #tpu.memory_space<semaphore_mem>>
      %dma_start3A_65 = arith.constant 0 : i32
      %dma_start3A_66 = arith.constant 0 : i32
      %dma_start3A_67 = tpu.memref_slice %arg4[%arg1, %run_scoped3A_0, %dma_start3A_65, %dma_start3A_66] : memref<16x10x8x128xi32, #tpu.memory_space<hbm>> -> memref<1x1x8x128xi32, #tpu.memory_space<hbm>>
      %dma_start3A_68 = tpu.memref_squeeze %dma_start3A_67 : memref<1x1x8x128xi32, #tpu.memory_space<hbm>> -> memref<8x128xi32, #tpu.memory_space<hbm>>
      %dma_start3A_69 = arith.constant 0 : i32
      %dma_start3A_70 = arith.constant 0 : i32
      %dma_start3A_71 = tpu.memref_slice %arg4[%arg1, %run_scoped3A_0, %dma_start3A_69, %dma_start3A_70] : memref<16x10x8x128xi32, #tpu.memory_space<hbm>> -> memref<1x1x8x128xi32, #tpu.memory_space<hbm>>
      %dma_start3A_72 = tpu.memref_squeeze %dma_start3A_71 : memref<1x1x8x128xi32, #tpu.memory_space<hbm>> -> memref<8x128xi32, #tpu.memory_space<hbm>>
      tpu.enqueue_dma source(%dma_start3A_72 : memref<8x128xi32, #tpu.memory_space<hbm>>) target(%arg7 : memref<8x128xi32, #tpu.memory_space<vmem>>) target_semaphore(%run_scoped3A_64 : memref<!tpu.dma_semaphore, #tpu.memory_space<semaphore_mem>>)
      %dma_wait3A_73 = arith.constant 0 : i32
      %dma_wait3A_74 = arith.constant 0 : i32
      %dma_wait3A_75 = tpu.memref_slice %arg4[%arg1, %run_scoped3A_0, %dma_wait3A_73, %dma_wait3A_74] : memref<16x10x8x128xi32, #tpu.memory_space<hbm>> -> memref<1x1x8x128xi32, #tpu.memory_space<hbm>>
      %dma_wait3A_76 = tpu.memref_squeeze %dma_wait3A_75 : memref<1x1x8x128xi32, #tpu.memory_space<hbm>> -> memref<8x128xi32, #tpu.memory_space<hbm>>
      %dma_wait3A_77 = arith.constant 0 : i32
      %dma_wait3A_78 = arith.constant 0 : i32
      %dma_wait3A_79 = tpu.memref_slice %arg4[%arg1, %run_scoped3A_0, %dma_wait3A_77, %dma_wait3A_78] : memref<16x10x8x128xi32, #tpu.memory_space<hbm>> -> memref<1x1x8x128xi32, #tpu.memory_space<hbm>>
      %dma_wait3A_80 = tpu.memref_squeeze %dma_wait3A_79 : memref<1x1x8x128xi32, #tpu.memory_space<hbm>> -> memref<8x128xi32, #tpu.memory_space<hbm>>
      tpu.wait_dma2 semaphore(%run_scoped3A_64 : memref<!tpu.dma_semaphore, #tpu.memory_space<semaphore_mem>>) src(%dma_wait3A_80 : memref<8x128xi32, #tpu.memory_space<hbm>>) dst(%arg7 : memref<8x128xi32, #tpu.memory_space<vmem>>)
      tpu.yield
    }) : () -> ()
    %mul3A = arith.constant 10240 : i32
    %mul3A_1 = arith.muli %arg0, %mul3A : i32
    %mul3A_2 = arith.constant 640 : i32
    %mul3A_3 = arith.muli %arg1, %mul3A_2 : i32
    %add3A = arith.addi %mul3A_1, %mul3A_3 : i32
    %mul3A_4 = arith.constant 640 : i32
    %mul3A_5 = arith.muli %arg1, %mul3A_4 : i32
    "tpu.region"() ({
      %run_scoped3A_64 = tpu.sem_alloc : memref<!tpu.dma_semaphore, #tpu.memory_space<semaphore_mem>>
      %dma_start3A_65 = arith.constant 0 : i32
      %dma_start3A_66 = tpu.memref_slice %arg16[%mul3A_5, %dma_start3A_65] : memref<10240x128xf32, #tpu.memory_space<vmem_shared>> -> memref<640x128xf32, #tpu.memory_space<vmem_shared>>
      %dma_start3A_67 = arith.constant 0 : i32
      %dma_start3A_68 = tpu.memref_slice %arg2[%add3A, %dma_start3A_67] : memref<20480x128xf32, #tpu.memory_space<hbm>> -> memref<640x128xf32, #tpu.memory_space<hbm>>
      tpu.enqueue_dma source(%dma_start3A_68 : memref<640x128xf32, #tpu.memory_space<hbm>>) target(%dma_start3A_66 : memref<640x128xf32, #tpu.memory_space<vmem_shared>>) target_semaphore(%run_scoped3A_64 : memref<!tpu.dma_semaphore, #tpu.memory_space<semaphore_mem>>)
      %dma_wait3A_69 = arith.constant 0 : i32
      %dma_wait3A_70 = tpu.memref_slice %arg16[%mul3A_5, %dma_wait3A_69] : memref<10240x128xf32, #tpu.memory_space<vmem_shared>> -> memref<640x128xf32, #tpu.memory_space<vmem_shared>>
      %dma_wait3A_71 = arith.constant 0 : i32
      %dma_wait3A_72 = tpu.memref_slice %arg2[%add3A, %dma_wait3A_71] : memref<20480x128xf32, #tpu.memory_space<hbm>> -> memref<640x128xf32, #tpu.memory_space<hbm>>
      tpu.wait_dma2 semaphore(%run_scoped3A_64 : memref<!tpu.dma_semaphore, #tpu.memory_space<semaphore_mem>>) src(%dma_wait3A_72 : memref<640x128xf32, #tpu.memory_space<hbm>>) dst(%dma_wait3A_70 : memref<640x128xf32, #tpu.memory_space<vmem_shared>>)
      tpu.yield
    }) : () -> ()
    %barrier3A = arith.constant 0 : index
    tpu.barrier barrier_id(%barrier3A)
    %dma_start3A = arith.constant 1 : i32
    %dma_start3A_6 = arith.constant 0 : i32
    %dma_start3A_7 = arith.constant 0 : i32
    %dma_start3A_8 = tpu.memref_slice %arg3[%arg0, %arg1, %dma_start3A, %dma_start3A_6, %dma_start3A_7] : memref<2x16x10x8x128xi32, #tpu.memory_space<hbm>> -> memref<1x1x1x8x128xi32, #tpu.memory_space<hbm>>
    %dma_start3A_9 = tpu.memref_squeeze %dma_start3A_8 : memref<1x1x1x8x128xi32, #tpu.memory_space<hbm>> -> memref<8x128xi32, #tpu.memory_space<hbm>>
    %dma_start3A_10 = arith.constant 0 : i32
    %dma_start3A_11 = arith.constant 0 : i32
    %dma_start3A_12 = tpu.memref_slice %arg3[%arg0, %arg1, %dma_start3A, %dma_start3A_10, %dma_start3A_11] : memref<2x16x10x8x128xi32, #tpu.memory_space<hbm>> -> memref<1x1x1x8x128xi32, #tpu.memory_space<hbm>>
    %dma_start3A_13 = tpu.memref_squeeze %dma_start3A_12 : memref<1x1x1x8x128xi32, #tpu.memory_space<hbm>> -> memref<8x128xi32, #tpu.memory_space<hbm>>
    tpu.enqueue_dma source(%dma_start3A_13 : memref<8x128xi32, #tpu.memory_space<hbm>>) target(%arg8 : memref<8x128xi32, #tpu.memory_space<vmem>>) target_semaphore(%arg15 : memref<!tpu.dma_semaphore, #tpu.memory_space<semaphore_mem>>)
    %dma_start3A_14 = arith.constant 1 : i32
    %dma_start3A_15 = arith.constant 0 : i32
    %dma_start3A_16 = arith.constant 0 : i32
    %dma_start3A_17 = tpu.memref_slice %arg4[%arg1, %dma_start3A_14, %dma_start3A_15, %dma_start3A_16] : memref<16x10x8x128xi32, #tpu.memory_space<hbm>> -> memref<1x1x8x128xi32, #tpu.memory_space<hbm>>
    %dma_start3A_18 = tpu.memref_squeeze %dma_start3A_17 : memref<1x1x8x128xi32, #tpu.memory_space<hbm>> -> memref<8x128xi32, #tpu.memory_space<hbm>>
    %dma_start3A_19 = arith.constant 0 : i32
    %dma_start3A_20 = arith.constant 0 : i32
    %dma_start3A_21 = tpu.memref_slice %arg4[%arg1, %dma_start3A_14, %dma_start3A_19, %dma_start3A_20] : memref<16x10x8x128xi32, #tpu.memory_space<hbm>> -> memref<1x1x8x128xi32, #tpu.memory_space<hbm>>
    %dma_start3A_22 = tpu.memref_squeeze %dma_start3A_21 : memref<1x1x8x128xi32, #tpu.memory_space<hbm>> -> memref<8x128xi32, #tpu.memory_space<hbm>>
    tpu.enqueue_dma source(%dma_start3A_22 : memref<8x128xi32, #tpu.memory_space<hbm>>) target(%arg9 : memref<8x128xi32, #tpu.memory_space<vmem>>) target_semaphore(%arg15 : memref<!tpu.dma_semaphore, #tpu.memory_space<semaphore_mem>>)
    %dma_start3A_23 = arith.constant 0 : i32
    %dma_start3A_24 = arith.constant 0 : i32
    %dma_start3A_25 = tpu.memref_slice %arg6[%dma_start3A_23, %dma_start3A_24] : memref<8x128xi32, #tpu.memory_space<vmem>> -> memref<1x128xi32, #tpu.memory_space<vmem>>
    %dma_start3A_26 = tpu.memref_squeeze %dma_start3A_25 : memref<1x128xi32, #tpu.memory_space<vmem>> -> memref<128xi32, #tpu.memory_space<vmem>>
    %dma_start3A_27 = arith.constant 0 : i32
    %dma_start3A_28 = arith.constant 0 : i32
    %dma_start3A_29 = tpu.memref_slice %arg2[%dma_start3A_27, %dma_start3A_28] : memref<20480x128xf32, #tpu.memory_space<hbm>> -> memref<20480x128xf32, #tpu.memory_space<hbm>>
    tpu.enqueue_indirect_dma source(%dma_start3A_29 : memref<20480x128xf32, #tpu.memory_space<hbm>>) target(%arg10 : memref<128x128xf32, #tpu.memory_space<vmem>>) offsets(%dma_start3A_26 : memref<128xi32, #tpu.memory_space<vmem>>) semaphore(%arg12 : memref<!tpu.dma_semaphore, #tpu.memory_space<semaphore_mem>>)
    %scan3A = arith.constant 0 : i32
    %scan3A_30 = arith.constant 0 : i32
    %scan3A_31 = arith.constant 5 : i32
    %scan3A_32 = arith.addi %scan3A_30, %scan3A_31 : i32
    %scan3A_33 = arith.constant 1 : i32
    scf.for %scan3A_64 = %scan3A_30 to %scan3A_32 step %scan3A_33  : i32 {
      %mul3A_65 = arith.constant 2 : i32
      %mul3A_66 = arith.muli %mul3A_65, %scan3A_64 : i32
      %dma_wait3A_67 = arith.constant 0 : i32
      %dma_wait3A_68 = arith.constant 0 : i32
      %dma_wait3A_69 = arith.constant 0 : i32
      %dma_wait3A_70 = tpu.memref_slice %arg3[%arg0, %arg1, %dma_wait3A_67, %dma_wait3A_68, %dma_wait3A_69] : memref<2x16x10x8x128xi32, #tpu.memory_space<hbm>> -> memref<1x1x1x8x128xi32, #tpu.memory_space<hbm>>
      %dma_wait3A_71 = tpu.memref_squeeze %dma_wait3A_70 : memref<1x1x1x8x128xi32, #tpu.memory_space<hbm>> -> memref<8x128xi32, #tpu.memory_space<hbm>>
      %dma_wait3A_72 = arith.constant 0 : i32
      %dma_wait3A_73 = arith.constant 0 : i32
      %dma_wait3A_74 = tpu.memref_slice %arg3[%arg0, %arg1, %dma_wait3A_67, %dma_wait3A_72, %dma_wait3A_73] : memref<2x16x10x8x128xi32, #tpu.memory_space<hbm>> -> memref<1x1x1x8x128xi32, #tpu.memory_space<hbm>>
      %dma_wait3A_75 = tpu.memref_squeeze %dma_wait3A_74 : memref<1x1x1x8x128xi32, #tpu.memory_space<hbm>> -> memref<8x128xi32, #tpu.memory_space<hbm>>
      tpu.wait_dma2 semaphore(%arg15 : memref<!tpu.dma_semaphore, #tpu.memory_space<semaphore_mem>>) src(%dma_wait3A_75 : memref<8x128xi32, #tpu.memory_space<hbm>>) dst(%arg8 : memref<8x128xi32, #tpu.memory_space<vmem>>)
      %dma_wait3A_76 = arith.constant 0 : i32
      %dma_wait3A_77 = arith.constant 0 : i32
      %dma_wait3A_78 = arith.constant 0 : i32
      %dma_wait3A_79 = tpu.memref_slice %arg4[%arg1, %dma_wait3A_76, %dma_wait3A_77, %dma_wait3A_78] : memref<16x10x8x128xi32, #tpu.memory_space<hbm>> -> memref<1x1x8x128xi32, #tpu.memory_space<hbm>>
      %dma_wait3A_80 = tpu.memref_squeeze %dma_wait3A_79 : memref<1x1x8x128xi32, #tpu.memory_space<hbm>> -> memref<8x128xi32, #tpu.memory_space<hbm>>
      %dma_wait3A_81 = arith.constant 0 : i32
      %dma_wait3A_82 = arith.constant 0 : i32
      %dma_wait3A_83 = tpu.memref_slice %arg4[%arg1, %dma_wait3A_76, %dma_wait3A_81, %dma_wait3A_82] : memref<16x10x8x128xi32, #tpu.memory_space<hbm>> -> memref<1x1x8x128xi32, #tpu.memory_space<hbm>>
      %dma_wait3A_84 = tpu.memref_squeeze %dma_wait3A_83 : memref<1x1x8x128xi32, #tpu.memory_space<hbm>> -> memref<8x128xi32, #tpu.memory_space<hbm>>
      tpu.wait_dma2 semaphore(%arg15 : memref<!tpu.dma_semaphore, #tpu.memory_space<semaphore_mem>>) src(%dma_wait3A_84 : memref<8x128xi32, #tpu.memory_space<hbm>>) dst(%arg9 : memref<8x128xi32, #tpu.memory_space<vmem>>)
      %dma_start3A_85 = arith.constant 1 : i32
      %dma_start3A_86 = arith.constant 0 : i32
      %dma_start3A_87 = tpu.memref_slice %arg6[%dma_start3A_85, %dma_start3A_86] : memref<8x128xi32, #tpu.memory_space<vmem>> -> memref<1x128xi32, #tpu.memory_space<vmem>>
      %dma_start3A_88 = tpu.memref_squeeze %dma_start3A_87 : memref<1x128xi32, #tpu.memory_space<vmem>> -> memref<128xi32, #tpu.memory_space<vmem>>
      %dma_start3A_89 = arith.constant 0 : i32
      %dma_start3A_90 = arith.constant 0 : i32
      %dma_start3A_91 = tpu.memref_slice %arg2[%dma_start3A_89, %dma_start3A_90] : memref<20480x128xf32, #tpu.memory_space<hbm>> -> memref<20480x128xf32, #tpu.memory_space<hbm>>
      tpu.enqueue_indirect_dma source(%dma_start3A_91 : memref<20480x128xf32, #tpu.memory_space<hbm>>) target(%arg11 : memref<128x128xf32, #tpu.memory_space<vmem>>) offsets(%dma_start3A_88 : memref<128xi32, #tpu.memory_space<vmem>>) semaphore(%arg13 : memref<!tpu.dma_semaphore, #tpu.memory_space<semaphore_mem>>)
      %dma_wait3A_92 = arith.constant 0 : i32
      %dma_wait3A_93 = arith.constant 0 : i32
      %dma_wait3A_94 = tpu.memref_slice %arg6[%dma_wait3A_92, %dma_wait3A_93] : memref<8x128xi32, #tpu.memory_space<vmem>> -> memref<1x128xi32, #tpu.memory_space<vmem>>
      %dma_wait3A_95 = tpu.memref_squeeze %dma_wait3A_94 : memref<1x128xi32, #tpu.memory_space<vmem>> -> memref<128xi32, #tpu.memory_space<vmem>>
      %dma_wait3A_96 = arith.constant 0 : i32
      %dma_wait3A_97 = arith.constant 0 : i32
      %dma_wait3A_98 = tpu.memref_slice %arg2[%dma_wait3A_96, %dma_wait3A_97] : memref<20480x128xf32, #tpu.memory_space<hbm>> -> memref<20480x128xf32, #tpu.memory_space<hbm>>
      tpu.wait_indirect_dma semaphore(%arg12 : memref<!tpu.dma_semaphore, #tpu.memory_space<semaphore_mem>>) src(%dma_wait3A_98 : memref<20480x128xf32, #tpu.memory_space<hbm>>) dst(%arg10 : memref<128x128xf32, #tpu.memory_space<vmem>>)
      %run_scoped3A_99 = arith.constant 0 : i32
      "tpu.region"() ({
        %run_scoped3A_384 = tpu.sem_alloc : memref<!tpu.dma_semaphore, #tpu.memory_space<semaphore_mem>>
        %dma_start3A_385 = arith.constant 0 : i32
        %dma_start3A_386 = tpu.memref_slice %arg7[%run_scoped3A_99, %dma_start3A_385] : memref<8x128xi32, #tpu.memory_space<vmem>> -> memref<1x128xi32, #tpu.memory_space<vmem>>
        %dma_start3A_387 = tpu.memref_squeeze %dma_start3A_386 : memref<1x128xi32, #tpu.memory_space<vmem>> -> memref<128xi32, #tpu.memory_space<vmem>>
        %dma_start3A_388 = arith.constant 0 : i32
        %dma_start3A_389 = arith.constant 0 : i32
        %dma_start3A_390 = tpu.memref_slice %arg16[%dma_start3A_388, %dma_start3A_389] : memref<10240x128xf32, #tpu.memory_space<vmem_shared>> -> memref<10240x128xf32, #tpu.memory_space<vmem_shared>>
        tpu.enqueue_indirect_dma source(%arg10 : memref<128x128xf32, #tpu.memory_space<vmem>>) target(%dma_start3A_390 : memref<10240x128xf32, #tpu.memory_space<vmem_shared>>) offsets(%dma_start3A_387 : memref<128xi32, #tpu.memory_space<vmem>>) semaphore(%run_scoped3A_384 : memref<!tpu.dma_semaphore, #tpu.memory_space<semaphore_mem>>) {add = true}
        %dma_wait3A_391 = arith.constant 0 : i32
        %dma_wait3A_392 = tpu.memref_slice %arg7[%run_scoped3A_99, %dma_wait3A_391] : memref<8x128xi32, #tpu.memory_space<vmem>> -> memref<1x128xi32, #tpu.memory_space<vmem>>
        %dma_wait3A_393 = tpu.memref_squeeze %dma_wait3A_392 : memref<1x128xi32, #tpu.memory_space<vmem>> -> memref<128xi32, #tpu.memory_space<vmem>>
        %dma_wait3A_394 = arith.constant 0 : i32
        %dma_wait3A_395 = arith.constant 0 : i32
        %dma_wait3A_396 = tpu.memref_slice %arg16[%dma_wait3A_394, %dma_wait3A_395] : memref<10240x128xf32, #tpu.memory_space<vmem_shared>> -> memref<10240x128xf32, #tpu.memory_space<vmem_shared>>
        tpu.wait_indirect_dma semaphore(%run_scoped3A_384 : memref<!tpu.dma_semaphore, #tpu.memory_space<semaphore_mem>>) src(%arg10 : memref<128x128xf32, #tpu.memory_space<vmem>>) dst(%dma_wait3A_396 : memref<10240x128xf32, #tpu.memory_space<vmem_shared>>)
        tpu.yield
      }) : () -> ()
      %dma_start3A_100 = arith.constant 2 : i32
      %dma_start3A_101 = arith.constant 0 : i32
      %dma_start3A_102 = tpu.memref_slice %arg6[%dma_start3A_100, %dma_start3A_101] : memref<8x128xi32, #tpu.memory_space<vmem>> -> memref<1x128xi32, #tpu.memory_space<vmem>>
      %dma_start3A_103 = tpu.memref_squeeze %dma_start3A_102 : memref<1x128xi32, #tpu.memory_space<vmem>> -> memref<128xi32, #tpu.memory_space<vmem>>
      %dma_start3A_104 = arith.constant 0 : i32
      %dma_start3A_105 = arith.constant 0 : i32
      %dma_start3A_106 = tpu.memref_slice %arg2[%dma_start3A_104, %dma_start3A_105] : memref<20480x128xf32, #tpu.memory_space<hbm>> -> memref<20480x128xf32, #tpu.memory_space<hbm>>
      tpu.enqueue_indirect_dma source(%dma_start3A_106 : memref<20480x128xf32, #tpu.memory_space<hbm>>) target(%arg10 : memref<128x128xf32, #tpu.memory_space<vmem>>) offsets(%dma_start3A_103 : memref<128xi32, #tpu.memory_space<vmem>>) semaphore(%arg12 : memref<!tpu.dma_semaphore, #tpu.memory_space<semaphore_mem>>)
      %dma_wait3A_107 = arith.constant 0 : i32
      %dma_wait3A_108 = arith.constant 0 : i32
      %dma_wait3A_109 = tpu.memref_slice %arg6[%dma_wait3A_107, %dma_wait3A_108] : memref<8x128xi32, #tpu.memory_space<vmem>> -> memref<1x128xi32, #tpu.memory_space<vmem>>
      %dma_wait3A_110 = tpu.memref_squeeze %dma_wait3A_109 : memref<1x128xi32, #tpu.memory_space<vmem>> -> memref<128xi32, #tpu.memory_space<vmem>>
      %dma_wait3A_111 = arith.constant 0 : i32
      %dma_wait3A_112 = arith.constant 0 : i32
      %dma_wait3A_113 = tpu.memref_slice %arg2[%dma_wait3A_111, %dma_wait3A_112] : memref<20480x128xf32, #tpu.memory_space<hbm>> -> memref<20480x128xf32, #tpu.memory_space<hbm>>
      tpu.wait_indirect_dma semaphore(%arg13 : memref<!tpu.dma_semaphore, #tpu.memory_space<semaphore_mem>>) src(%dma_wait3A_113 : memref<20480x128xf32, #tpu.memory_space<hbm>>) dst(%arg11 : memref<128x128xf32, #tpu.memory_space<vmem>>)
      %run_scoped3A_114 = arith.constant 1 : i32
      "tpu.region"() ({
        %run_scoped3A_384 = tpu.sem_alloc : memref<!tpu.dma_semaphore, #tpu.memory_space<semaphore_mem>>
        %dma_start3A_385 = arith.constant 0 : i32
        %dma_start3A_386 = tpu.memref_slice %arg7[%run_scoped3A_114, %dma_start3A_385] : memref<8x128xi32, #tpu.memory_space<vmem>> -> memref<1x128xi32, #tpu.memory_space<vmem>>
        %dma_start3A_387 = tpu.memref_squeeze %dma_start3A_386 : memref<1x128xi32, #tpu.memory_space<vmem>> -> memref<128xi32, #tpu.memory_space<vmem>>
        %dma_start3A_388 = arith.constant 0 : i32
        %dma_start3A_389 = arith.constant 0 : i32
        %dma_start3A_390 = tpu.memref_slice %arg16[%dma_start3A_388, %dma_start3A_389] : memref<10240x128xf32, #tpu.memory_space<vmem_shared>> -> memref<10240x128xf32, #tpu.memory_space<vmem_shared>>
        tpu.enqueue_indirect_dma source(%arg11 : memref<128x128xf32, #tpu.memory_space<vmem>>) target(%dma_start3A_390 : memref<10240x128xf32, #tpu.memory_space<vmem_shared>>) offsets(%dma_start3A_387 : memref<128xi32, #tpu.memory_space<vmem>>) semaphore(%run_scoped3A_384 : memref<!tpu.dma_semaphore, #tpu.memory_space<semaphore_mem>>) {add = true}
        %dma_wait3A_391 = arith.constant 0 : i32
        %dma_wait3A_392 = tpu.memref_slice %arg7[%run_scoped3A_114, %dma_wait3A_391] : memref<8x128xi32, #tpu.memory_space<vmem>> -> memref<1x128xi32, #tpu.memory_space<vmem>>
        %dma_wait3A_393 = tpu.memref_squeeze %dma_wait3A_392 : memref<1x128xi32, #tpu.memory_space<vmem>> -> memref<128xi32, #tpu.memory_space<vmem>>
        %dma_wait3A_394 = arith.constant 0 : i32
        %dma_wait3A_395 = arith.constant 0 : i32
        %dma_wait3A_396 = tpu.memref_slice %arg16[%dma_wait3A_394, %dma_wait3A_395] : memref<10240x128xf32, #tpu.memory_space<vmem_shared>> -> memref<10240x128xf32, #tpu.memory_space<vmem_shared>>
        tpu.wait_indirect_dma semaphore(%run_scoped3A_384 : memref<!tpu.dma_semaphore, #tpu.memory_space<semaphore_mem>>) src(%arg11 : memref<128x128xf32, #tpu.memory_space<vmem>>) dst(%dma_wait3A_396 : memref<10240x128xf32, #tpu.memory_space<vmem_shared>>)
        tpu.yield
      }) : () -> ()
      %dma_start3A_115 = arith.constant 3 : i32
      %dma_start3A_116 = arith.constant 0 : i32
      %dma_start3A_117 = tpu.memref_slice %arg6[%dma_start3A_115, %dma_start3A_116] : memref<8x128xi32, #tpu.memory_space<vmem>> -> memref<1x128xi32, #tpu.memory_space<vmem>>
      %dma_start3A_118 = tpu.memref_squeeze %dma_start3A_117 : memref<1x128xi32, #tpu.memory_space<vmem>> -> memref<128xi32, #tpu.memory_space<vmem>>
      %dma_start3A_119 = arith.constant 0 : i32
      %dma_start3A_120 = arith.constant 0 : i32
      %dma_start3A_121 = tpu.memref_slice %arg2[%dma_start3A_119, %dma_start3A_120] : memref<20480x128xf32, #tpu.memory_space<hbm>> -> memref<20480x128xf32, #tpu.memory_space<hbm>>
      tpu.enqueue_indirect_dma source(%dma_start3A_121 : memref<20480x128xf32, #tpu.memory_space<hbm>>) target(%arg11 : memref<128x128xf32, #tpu.memory_space<vmem>>) offsets(%dma_start3A_118 : memref<128xi32, #tpu.memory_space<vmem>>) semaphore(%arg13 : memref<!tpu.dma_semaphore, #tpu.memory_space<semaphore_mem>>)
      %dma_wait3A_122 = arith.constant 0 : i32
      %dma_wait3A_123 = arith.constant 0 : i32
      %dma_wait3A_124 = tpu.memref_slice %arg6[%dma_wait3A_122, %dma_wait3A_123] : memref<8x128xi32, #tpu.memory_space<vmem>> -> memref<1x128xi32, #tpu.memory_space<vmem>>
      %dma_wait3A_125 = tpu.memref_squeeze %dma_wait3A_124 : memref<1x128xi32, #tpu.memory_space<vmem>> -> memref<128xi32, #tpu.memory_space<vmem>>
      %dma_wait3A_126 = arith.constant 0 : i32
      %dma_wait3A_127 = arith.constant 0 : i32
      %dma_wait3A_128 = tpu.memref_slice %arg2[%dma_wait3A_126, %dma_wait3A_127] : memref<20480x128xf32, #tpu.memory_space<hbm>> -> memref<20480x128xf32, #tpu.memory_space<hbm>>
      tpu.wait_indirect_dma semaphore(%arg12 : memref<!tpu.dma_semaphore, #tpu.memory_space<semaphore_mem>>) src(%dma_wait3A_128 : memref<20480x128xf32, #tpu.memory_space<hbm>>) dst(%arg10 : memref<128x128xf32, #tpu.memory_space<vmem>>)
      %run_scoped3A_129 = arith.constant 2 : i32
      "tpu.region"() ({
        %run_scoped3A_384 = tpu.sem_alloc : memref<!tpu.dma_semaphore, #tpu.memory_space<semaphore_mem>>
        %dma_start3A_385 = arith.constant 0 : i32
        %dma_start3A_386 = tpu.memref_slice %arg7[%run_scoped3A_129, %dma_start3A_385] : memref<8x128xi32, #tpu.memory_space<vmem>> -> memref<1x128xi32, #tpu.memory_space<vmem>>
        %dma_start3A_387 = tpu.memref_squeeze %dma_start3A_386 : memref<1x128xi32, #tpu.memory_space<vmem>> -> memref<128xi32, #tpu.memory_space<vmem>>
        %dma_start3A_388 = arith.constant 0 : i32
        %dma_start3A_389 = arith.constant 0 : i32
        %dma_start3A_390 = tpu.memref_slice %arg16[%dma_start3A_388, %dma_start3A_389] : memref<10240x128xf32, #tpu.memory_space<vmem_shared>> -> memref<10240x128xf32, #tpu.memory_space<vmem_shared>>
        tpu.enqueue_indirect_dma source(%arg10 : memref<128x128xf32, #tpu.memory_space<vmem>>) target(%dma_start3A_390 : memref<10240x128xf32, #tpu.memory_space<vmem_shared>>) offsets(%dma_start3A_387 : memref<128xi32, #tpu.memory_space<vmem>>) semaphore(%run_scoped3A_384 : memref<!tpu.dma_semaphore, #tpu.memory_space<semaphore_mem>>) {add = true}
        %dma_wait3A_391 = arith.constant 0 : i32
        %dma_wait3A_392 = tpu.memref_slice %arg7[%run_scoped3A_129, %dma_wait3A_391] : memref<8x128xi32, #tpu.memory_space<vmem>> -> memref<1x128xi32, #tpu.memory_space<vmem>>
        %dma_wait3A_393 = tpu.memref_squeeze %dma_wait3A_392 : memref<1x128xi32, #tpu.memory_space<vmem>> -> memref<128xi32, #tpu.memory_space<vmem>>
        %dma_wait3A_394 = arith.constant 0 : i32
        %dma_wait3A_395 = arith.constant 0 : i32
        %dma_wait3A_396 = tpu.memref_slice %arg16[%dma_wait3A_394, %dma_wait3A_395] : memref<10240x128xf32, #tpu.memory_space<vmem_shared>> -> memref<10240x128xf32, #tpu.memory_space<vmem_shared>>
        tpu.wait_indirect_dma semaphore(%run_scoped3A_384 : memref<!tpu.dma_semaphore, #tpu.memory_space<semaphore_mem>>) src(%arg10 : memref<128x128xf32, #tpu.memory_space<vmem>>) dst(%dma_wait3A_396 : memref<10240x128xf32, #tpu.memory_space<vmem_shared>>)
        tpu.yield
      }) : () -> ()
      %dma_start3A_130 = arith.constant 4 : i32
      %dma_start3A_131 = arith.constant 0 : i32
      %dma_start3A_132 = tpu.memref_slice %arg6[%dma_start3A_130, %dma_start3A_131] : memref<8x128xi32, #tpu.memory_space<vmem>> -> memref<1x128xi32, #tpu.memory_space<vmem>>
      %dma_start3A_133 = tpu.memref_squeeze %dma_start3A_132 : memref<1x128xi32, #tpu.memory_space<vmem>> -> memref<128xi32, #tpu.memory_space<vmem>>
      %dma_start3A_134 = arith.constant 0 : i32
      %dma_start3A_135 = arith.constant 0 : i32
      %dma_start3A_136 = tpu.memref_slice %arg2[%dma_start3A_134, %dma_start3A_135] : memref<20480x128xf32, #tpu.memory_space<hbm>> -> memref<20480x128xf32, #tpu.memory_space<hbm>>
      tpu.enqueue_indirect_dma source(%dma_start3A_136 : memref<20480x128xf32, #tpu.memory_space<hbm>>) target(%arg10 : memref<128x128xf32, #tpu.memory_space<vmem>>) offsets(%dma_start3A_133 : memref<128xi32, #tpu.memory_space<vmem>>) semaphore(%arg12 : memref<!tpu.dma_semaphore, #tpu.memory_space<semaphore_mem>>)
      %dma_wait3A_137 = arith.constant 0 : i32
      %dma_wait3A_138 = arith.constant 0 : i32
      %dma_wait3A_139 = tpu.memref_slice %arg6[%dma_wait3A_137, %dma_wait3A_138] : memref<8x128xi32, #tpu.memory_space<vmem>> -> memref<1x128xi32, #tpu.memory_space<vmem>>
      %dma_wait3A_140 = tpu.memref_squeeze %dma_wait3A_139 : memref<1x128xi32, #tpu.memory_space<vmem>> -> memref<128xi32, #tpu.memory_space<vmem>>
      %dma_wait3A_141 = arith.constant 0 : i32
      %dma_wait3A_142 = arith.constant 0 : i32
      %dma_wait3A_143 = tpu.memref_slice %arg2[%dma_wait3A_141, %dma_wait3A_142] : memref<20480x128xf32, #tpu.memory_space<hbm>> -> memref<20480x128xf32, #tpu.memory_space<hbm>>
      tpu.wait_indirect_dma semaphore(%arg13 : memref<!tpu.dma_semaphore, #tpu.memory_space<semaphore_mem>>) src(%dma_wait3A_143 : memref<20480x128xf32, #tpu.memory_space<hbm>>) dst(%arg11 : memref<128x128xf32, #tpu.memory_space<vmem>>)
      %run_scoped3A_144 = arith.constant 3 : i32
      "tpu.region"() ({
        %run_scoped3A_384 = tpu.sem_alloc : memref<!tpu.dma_semaphore, #tpu.memory_space<semaphore_mem>>
        %dma_start3A_385 = arith.constant 0 : i32
        %dma_start3A_386 = tpu.memref_slice %arg7[%run_scoped3A_144, %dma_start3A_385] : memref<8x128xi32, #tpu.memory_space<vmem>> -> memref<1x128xi32, #tpu.memory_space<vmem>>
        %dma_start3A_387 = tpu.memref_squeeze %dma_start3A_386 : memref<1x128xi32, #tpu.memory_space<vmem>> -> memref<128xi32, #tpu.memory_space<vmem>>
        %dma_start3A_388 = arith.constant 0 : i32
        %dma_start3A_389 = arith.constant 0 : i32
        %dma_start3A_390 = tpu.memref_slice %arg16[%dma_start3A_388, %dma_start3A_389] : memref<10240x128xf32, #tpu.memory_space<vmem_shared>> -> memref<10240x128xf32, #tpu.memory_space<vmem_shared>>
        tpu.enqueue_indirect_dma source(%arg11 : memref<128x128xf32, #tpu.memory_space<vmem>>) target(%dma_start3A_390 : memref<10240x128xf32, #tpu.memory_space<vmem_shared>>) offsets(%dma_start3A_387 : memref<128xi32, #tpu.memory_space<vmem>>) semaphore(%run_scoped3A_384 : memref<!tpu.dma_semaphore, #tpu.memory_space<semaphore_mem>>) {add = true}
        %dma_wait3A_391 = arith.constant 0 : i32
        %dma_wait3A_392 = tpu.memref_slice %arg7[%run_scoped3A_144, %dma_wait3A_391] : memref<8x128xi32, #tpu.memory_space<vmem>> -> memref<1x128xi32, #tpu.memory_space<vmem>>
        %dma_wait3A_393 = tpu.memref_squeeze %dma_wait3A_392 : memref<1x128xi32, #tpu.memory_space<vmem>> -> memref<128xi32, #tpu.memory_space<vmem>>
        %dma_wait3A_394 = arith.constant 0 : i32
        %dma_wait3A_395 = arith.constant 0 : i32
        %dma_wait3A_396 = tpu.memref_slice %arg16[%dma_wait3A_394, %dma_wait3A_395] : memref<10240x128xf32, #tpu.memory_space<vmem_shared>> -> memref<10240x128xf32, #tpu.memory_space<vmem_shared>>
        tpu.wait_indirect_dma semaphore(%run_scoped3A_384 : memref<!tpu.dma_semaphore, #tpu.memory_space<semaphore_mem>>) src(%arg11 : memref<128x128xf32, #tpu.memory_space<vmem>>) dst(%dma_wait3A_396 : memref<10240x128xf32, #tpu.memory_space<vmem_shared>>)
        tpu.yield
      }) : () -> ()
      %dma_start3A_145 = arith.constant 5 : i32
      %dma_start3A_146 = arith.constant 0 : i32
      %dma_start3A_147 = tpu.memref_slice %arg6[%dma_start3A_145, %dma_start3A_146] : memref<8x128xi32, #tpu.memory_space<vmem>> -> memref<1x128xi32, #tpu.memory_space<vmem>>
      %dma_start3A_148 = tpu.memref_squeeze %dma_start3A_147 : memref<1x128xi32, #tpu.memory_space<vmem>> -> memref<128xi32, #tpu.memory_space<vmem>>
      %dma_start3A_149 = arith.constant 0 : i32
      %dma_start3A_150 = arith.constant 0 : i32
      %dma_start3A_151 = tpu.memref_slice %arg2[%dma_start3A_149, %dma_start3A_150] : memref<20480x128xf32, #tpu.memory_space<hbm>> -> memref<20480x128xf32, #tpu.memory_space<hbm>>
      tpu.enqueue_indirect_dma source(%dma_start3A_151 : memref<20480x128xf32, #tpu.memory_space<hbm>>) target(%arg11 : memref<128x128xf32, #tpu.memory_space<vmem>>) offsets(%dma_start3A_148 : memref<128xi32, #tpu.memory_space<vmem>>) semaphore(%arg13 : memref<!tpu.dma_semaphore, #tpu.memory_space<semaphore_mem>>)
      %dma_wait3A_152 = arith.constant 0 : i32
      %dma_wait3A_153 = arith.constant 0 : i32
      %dma_wait3A_154 = tpu.memref_slice %arg6[%dma_wait3A_152, %dma_wait3A_153] : memref<8x128xi32, #tpu.memory_space<vmem>> -> memref<1x128xi32, #tpu.memory_space<vmem>>
      %dma_wait3A_155 = tpu.memref_squeeze %dma_wait3A_154 : memref<1x128xi32, #tpu.memory_space<vmem>> -> memref<128xi32, #tpu.memory_space<vmem>>
      %dma_wait3A_156 = arith.constant 0 : i32
      %dma_wait3A_157 = arith.constant 0 : i32
      %dma_wait3A_158 = tpu.memref_slice %arg2[%dma_wait3A_156, %dma_wait3A_157] : memref<20480x128xf32, #tpu.memory_space<hbm>> -> memref<20480x128xf32, #tpu.memory_space<hbm>>
      tpu.wait_indirect_dma semaphore(%arg12 : memref<!tpu.dma_semaphore, #tpu.memory_space<semaphore_mem>>) src(%dma_wait3A_158 : memref<20480x128xf32, #tpu.memory_space<hbm>>) dst(%arg10 : memref<128x128xf32, #tpu.memory_space<vmem>>)
      %run_scoped3A_159 = arith.constant 4 : i32
      "tpu.region"() ({
        %run_scoped3A_384 = tpu.sem_alloc : memref<!tpu.dma_semaphore, #tpu.memory_space<semaphore_mem>>
        %dma_start3A_385 = arith.constant 0 : i32
        %dma_start3A_386 = tpu.memref_slice %arg7[%run_scoped3A_159, %dma_start3A_385] : memref<8x128xi32, #tpu.memory_space<vmem>> -> memref<1x128xi32, #tpu.memory_space<vmem>>
        %dma_start3A_387 = tpu.memref_squeeze %dma_start3A_386 : memref<1x128xi32, #tpu.memory_space<vmem>> -> memref<128xi32, #tpu.memory_space<vmem>>
        %dma_start3A_388 = arith.constant 0 : i32
        %dma_start3A_389 = arith.constant 0 : i32
        %dma_start3A_390 = tpu.memref_slice %arg16[%dma_start3A_388, %dma_start3A_389] : memref<10240x128xf32, #tpu.memory_space<vmem_shared>> -> memref<10240x128xf32, #tpu.memory_space<vmem_shared>>
        tpu.enqueue_indirect_dma source(%arg10 : memref<128x128xf32, #tpu.memory_space<vmem>>) target(%dma_start3A_390 : memref<10240x128xf32, #tpu.memory_space<vmem_shared>>) offsets(%dma_start3A_387 : memref<128xi32, #tpu.memory_space<vmem>>) semaphore(%run_scoped3A_384 : memref<!tpu.dma_semaphore, #tpu.memory_space<semaphore_mem>>) {add = true}
        %dma_wait3A_391 = arith.constant 0 : i32
        %dma_wait3A_392 = tpu.memref_slice %arg7[%run_scoped3A_159, %dma_wait3A_391] : memref<8x128xi32, #tpu.memory_space<vmem>> -> memref<1x128xi32, #tpu.memory_space<vmem>>
        %dma_wait3A_393 = tpu.memref_squeeze %dma_wait3A_392 : memref<1x128xi32, #tpu.memory_space<vmem>> -> memref<128xi32, #tpu.memory_space<vmem>>
        %dma_wait3A_394 = arith.constant 0 : i32
        %dma_wait3A_395 = arith.constant 0 : i32
        %dma_wait3A_396 = tpu.memref_slice %arg16[%dma_wait3A_394, %dma_wait3A_395] : memref<10240x128xf32, #tpu.memory_space<vmem_shared>> -> memref<10240x128xf32, #tpu.memory_space<vmem_shared>>
        tpu.wait_indirect_dma semaphore(%run_scoped3A_384 : memref<!tpu.dma_semaphore, #tpu.memory_space<semaphore_mem>>) src(%arg10 : memref<128x128xf32, #tpu.memory_space<vmem>>) dst(%dma_wait3A_396 : memref<10240x128xf32, #tpu.memory_space<vmem_shared>>)
        tpu.yield
      }) : () -> ()
      %dma_start3A_160 = arith.constant 6 : i32
      %dma_start3A_161 = arith.constant 0 : i32
      %dma_start3A_162 = tpu.memref_slice %arg6[%dma_start3A_160, %dma_start3A_161] : memref<8x128xi32, #tpu.memory_space<vmem>> -> memref<1x128xi32, #tpu.memory_space<vmem>>
      %dma_start3A_163 = tpu.memref_squeeze %dma_start3A_162 : memref<1x128xi32, #tpu.memory_space<vmem>> -> memref<128xi32, #tpu.memory_space<vmem>>
      %dma_start3A_164 = arith.constant 0 : i32
      %dma_start3A_165 = arith.constant 0 : i32
      %dma_start3A_166 = tpu.memref_slice %arg2[%dma_start3A_164, %dma_start3A_165] : memref<20480x128xf32, #tpu.memory_space<hbm>> -> memref<20480x128xf32, #tpu.memory_space<hbm>>
      tpu.enqueue_indirect_dma source(%dma_start3A_166 : memref<20480x128xf32, #tpu.memory_space<hbm>>) target(%arg10 : memref<128x128xf32, #tpu.memory_space<vmem>>) offsets(%dma_start3A_163 : memref<128xi32, #tpu.memory_space<vmem>>) semaphore(%arg12 : memref<!tpu.dma_semaphore, #tpu.memory_space<semaphore_mem>>)
      %dma_wait3A_167 = arith.constant 0 : i32
      %dma_wait3A_168 = arith.constant 0 : i32
      %dma_wait3A_169 = tpu.memref_slice %arg6[%dma_wait3A_167, %dma_wait3A_168] : memref<8x128xi32, #tpu.memory_space<vmem>> -> memref<1x128xi32, #tpu.memory_space<vmem>>
      %dma_wait3A_170 = tpu.memref_squeeze %dma_wait3A_169 : memref<1x128xi32, #tpu.memory_space<vmem>> -> memref<128xi32, #tpu.memory_space<vmem>>
      %dma_wait3A_171 = arith.constant 0 : i32
      %dma_wait3A_172 = arith.constant 0 : i32
      %dma_wait3A_173 = tpu.memref_slice %arg2[%dma_wait3A_171, %dma_wait3A_172] : memref<20480x128xf32, #tpu.memory_space<hbm>> -> memref<20480x128xf32, #tpu.memory_space<hbm>>
      tpu.wait_indirect_dma semaphore(%arg13 : memref<!tpu.dma_semaphore, #tpu.memory_space<semaphore_mem>>) src(%dma_wait3A_173 : memref<20480x128xf32, #tpu.memory_space<hbm>>) dst(%arg11 : memref<128x128xf32, #tpu.memory_space<vmem>>)
      %run_scoped3A_174 = arith.constant 5 : i32
      "tpu.region"() ({
        %run_scoped3A_384 = tpu.sem_alloc : memref<!tpu.dma_semaphore, #tpu.memory_space<semaphore_mem>>
        %dma_start3A_385 = arith.constant 0 : i32
        %dma_start3A_386 = tpu.memref_slice %arg7[%run_scoped3A_174, %dma_start3A_385] : memref<8x128xi32, #tpu.memory_space<vmem>> -> memref<1x128xi32, #tpu.memory_space<vmem>>
        %dma_start3A_387 = tpu.memref_squeeze %dma_start3A_386 : memref<1x128xi32, #tpu.memory_space<vmem>> -> memref<128xi32, #tpu.memory_space<vmem>>
        %dma_start3A_388 = arith.constant 0 : i32
        %dma_start3A_389 = arith.constant 0 : i32
        %dma_start3A_390 = tpu.memref_slice %arg16[%dma_start3A_388, %dma_start3A_389] : memref<10240x128xf32, #tpu.memory_space<vmem_shared>> -> memref<10240x128xf32, #tpu.memory_space<vmem_shared>>
        tpu.enqueue_indirect_dma source(%arg11 : memref<128x128xf32, #tpu.memory_space<vmem>>) target(%dma_start3A_390 : memref<10240x128xf32, #tpu.memory_space<vmem_shared>>) offsets(%dma_start3A_387 : memref<128xi32, #tpu.memory_space<vmem>>) semaphore(%run_scoped3A_384 : memref<!tpu.dma_semaphore, #tpu.memory_space<semaphore_mem>>) {add = true}
        %dma_wait3A_391 = arith.constant 0 : i32
        %dma_wait3A_392 = tpu.memref_slice %arg7[%run_scoped3A_174, %dma_wait3A_391] : memref<8x128xi32, #tpu.memory_space<vmem>> -> memref<1x128xi32, #tpu.memory_space<vmem>>
        %dma_wait3A_393 = tpu.memref_squeeze %dma_wait3A_392 : memref<1x128xi32, #tpu.memory_space<vmem>> -> memref<128xi32, #tpu.memory_space<vmem>>
        %dma_wait3A_394 = arith.constant 0 : i32
        %dma_wait3A_395 = arith.constant 0 : i32
        %dma_wait3A_396 = tpu.memref_slice %arg16[%dma_wait3A_394, %dma_wait3A_395] : memref<10240x128xf32, #tpu.memory_space<vmem_shared>> -> memref<10240x128xf32, #tpu.memory_space<vmem_shared>>
        tpu.wait_indirect_dma semaphore(%run_scoped3A_384 : memref<!tpu.dma_semaphore, #tpu.memory_space<semaphore_mem>>) src(%arg11 : memref<128x128xf32, #tpu.memory_space<vmem>>) dst(%dma_wait3A_396 : memref<10240x128xf32, #tpu.memory_space<vmem_shared>>)
        tpu.yield
      }) : () -> ()
      %dma_start3A_175 = arith.constant 7 : i32
      %dma_start3A_176 = arith.constant 0 : i32
      %dma_start3A_177 = tpu.memref_slice %arg6[%dma_start3A_175, %dma_start3A_176] : memref<8x128xi32, #tpu.memory_space<vmem>> -> memref<1x128xi32, #tpu.memory_space<vmem>>
      %dma_start3A_178 = tpu.memref_squeeze %dma_start3A_177 : memref<1x128xi32, #tpu.memory_space<vmem>> -> memref<128xi32, #tpu.memory_space<vmem>>
      %dma_start3A_179 = arith.constant 0 : i32
      %dma_start3A_180 = arith.constant 0 : i32
      %dma_start3A_181 = tpu.memref_slice %arg2[%dma_start3A_179, %dma_start3A_180] : memref<20480x128xf32, #tpu.memory_space<hbm>> -> memref<20480x128xf32, #tpu.memory_space<hbm>>
      tpu.enqueue_indirect_dma source(%dma_start3A_181 : memref<20480x128xf32, #tpu.memory_space<hbm>>) target(%arg11 : memref<128x128xf32, #tpu.memory_space<vmem>>) offsets(%dma_start3A_178 : memref<128xi32, #tpu.memory_space<vmem>>) semaphore(%arg13 : memref<!tpu.dma_semaphore, #tpu.memory_space<semaphore_mem>>)
      %dma_wait3A_182 = arith.constant 0 : i32
      %dma_wait3A_183 = arith.constant 0 : i32
      %dma_wait3A_184 = tpu.memref_slice %arg6[%dma_wait3A_182, %dma_wait3A_183] : memref<8x128xi32, #tpu.memory_space<vmem>> -> memref<1x128xi32, #tpu.memory_space<vmem>>
      %dma_wait3A_185 = tpu.memref_squeeze %dma_wait3A_184 : memref<1x128xi32, #tpu.memory_space<vmem>> -> memref<128xi32, #tpu.memory_space<vmem>>
      %dma_wait3A_186 = arith.constant 0 : i32
      %dma_wait3A_187 = arith.constant 0 : i32
      %dma_wait3A_188 = tpu.memref_slice %arg2[%dma_wait3A_186, %dma_wait3A_187] : memref<20480x128xf32, #tpu.memory_space<hbm>> -> memref<20480x128xf32, #tpu.memory_space<hbm>>
      tpu.wait_indirect_dma semaphore(%arg12 : memref<!tpu.dma_semaphore, #tpu.memory_space<semaphore_mem>>) src(%dma_wait3A_188 : memref<20480x128xf32, #tpu.memory_space<hbm>>) dst(%arg10 : memref<128x128xf32, #tpu.memory_space<vmem>>)
      %run_scoped3A_189 = arith.constant 6 : i32
      "tpu.region"() ({
        %run_scoped3A_384 = tpu.sem_alloc : memref<!tpu.dma_semaphore, #tpu.memory_space<semaphore_mem>>
        %dma_start3A_385 = arith.constant 0 : i32
        %dma_start3A_386 = tpu.memref_slice %arg7[%run_scoped3A_189, %dma_start3A_385] : memref<8x128xi32, #tpu.memory_space<vmem>> -> memref<1x128xi32, #tpu.memory_space<vmem>>
        %dma_start3A_387 = tpu.memref_squeeze %dma_start3A_386 : memref<1x128xi32, #tpu.memory_space<vmem>> -> memref<128xi32, #tpu.memory_space<vmem>>
        %dma_start3A_388 = arith.constant 0 : i32
        %dma_start3A_389 = arith.constant 0 : i32
        %dma_start3A_390 = tpu.memref_slice %arg16[%dma_start3A_388, %dma_start3A_389] : memref<10240x128xf32, #tpu.memory_space<vmem_shared>> -> memref<10240x128xf32, #tpu.memory_space<vmem_shared>>
        tpu.enqueue_indirect_dma source(%arg10 : memref<128x128xf32, #tpu.memory_space<vmem>>) target(%dma_start3A_390 : memref<10240x128xf32, #tpu.memory_space<vmem_shared>>) offsets(%dma_start3A_387 : memref<128xi32, #tpu.memory_space<vmem>>) semaphore(%run_scoped3A_384 : memref<!tpu.dma_semaphore, #tpu.memory_space<semaphore_mem>>) {add = true}
        %dma_wait3A_391 = arith.constant 0 : i32
        %dma_wait3A_392 = tpu.memref_slice %arg7[%run_scoped3A_189, %dma_wait3A_391] : memref<8x128xi32, #tpu.memory_space<vmem>> -> memref<1x128xi32, #tpu.memory_space<vmem>>
        %dma_wait3A_393 = tpu.memref_squeeze %dma_wait3A_392 : memref<1x128xi32, #tpu.memory_space<vmem>> -> memref<128xi32, #tpu.memory_space<vmem>>
        %dma_wait3A_394 = arith.constant 0 : i32
        %dma_wait3A_395 = arith.constant 0 : i32
        %dma_wait3A_396 = tpu.memref_slice %arg16[%dma_wait3A_394, %dma_wait3A_395] : memref<10240x128xf32, #tpu.memory_space<vmem_shared>> -> memref<10240x128xf32, #tpu.memory_space<vmem_shared>>
        tpu.wait_indirect_dma semaphore(%run_scoped3A_384 : memref<!tpu.dma_semaphore, #tpu.memory_space<semaphore_mem>>) src(%arg10 : memref<128x128xf32, #tpu.memory_space<vmem>>) dst(%dma_wait3A_396 : memref<10240x128xf32, #tpu.memory_space<vmem_shared>>)
        tpu.yield
      }) : () -> ()
      %dma_start3A_190 = arith.constant 0 : i32
      %dma_start3A_191 = arith.constant 0 : i32
      %dma_start3A_192 = tpu.memref_slice %arg8[%dma_start3A_190, %dma_start3A_191] : memref<8x128xi32, #tpu.memory_space<vmem>> -> memref<1x128xi32, #tpu.memory_space<vmem>>
      %dma_start3A_193 = tpu.memref_squeeze %dma_start3A_192 : memref<1x128xi32, #tpu.memory_space<vmem>> -> memref<128xi32, #tpu.memory_space<vmem>>
      %dma_start3A_194 = arith.constant 0 : i32
      %dma_start3A_195 = arith.constant 0 : i32
      %dma_start3A_196 = tpu.memref_slice %arg2[%dma_start3A_194, %dma_start3A_195] : memref<20480x128xf32, #tpu.memory_space<hbm>> -> memref<20480x128xf32, #tpu.memory_space<hbm>>
      tpu.enqueue_indirect_dma source(%dma_start3A_196 : memref<20480x128xf32, #tpu.memory_space<hbm>>) target(%arg10 : memref<128x128xf32, #tpu.memory_space<vmem>>) offsets(%dma_start3A_193 : memref<128xi32, #tpu.memory_space<vmem>>) semaphore(%arg12 : memref<!tpu.dma_semaphore, #tpu.memory_space<semaphore_mem>>)
      %dma_wait3A_197 = arith.constant 0 : i32
      %dma_wait3A_198 = arith.constant 0 : i32
      %dma_wait3A_199 = tpu.memref_slice %arg6[%dma_wait3A_197, %dma_wait3A_198] : memref<8x128xi32, #tpu.memory_space<vmem>> -> memref<1x128xi32, #tpu.memory_space<vmem>>
      %dma_wait3A_200 = tpu.memref_squeeze %dma_wait3A_199 : memref<1x128xi32, #tpu.memory_space<vmem>> -> memref<128xi32, #tpu.memory_space<vmem>>
      %dma_wait3A_201 = arith.constant 0 : i32
      %dma_wait3A_202 = arith.constant 0 : i32
      %dma_wait3A_203 = tpu.memref_slice %arg2[%dma_wait3A_201, %dma_wait3A_202] : memref<20480x128xf32, #tpu.memory_space<hbm>> -> memref<20480x128xf32, #tpu.memory_space<hbm>>
      tpu.wait_indirect_dma semaphore(%arg13 : memref<!tpu.dma_semaphore, #tpu.memory_space<semaphore_mem>>) src(%dma_wait3A_203 : memref<20480x128xf32, #tpu.memory_space<hbm>>) dst(%arg11 : memref<128x128xf32, #tpu.memory_space<vmem>>)
      %run_scoped3A_204 = arith.constant 7 : i32
      "tpu.region"() ({
        %run_scoped3A_384 = tpu.sem_alloc : memref<!tpu.dma_semaphore, #tpu.memory_space<semaphore_mem>>
        %dma_start3A_385 = arith.constant 0 : i32
        %dma_start3A_386 = tpu.memref_slice %arg7[%run_scoped3A_204, %dma_start3A_385] : memref<8x128xi32, #tpu.memory_space<vmem>> -> memref<1x128xi32, #tpu.memory_space<vmem>>
        %dma_start3A_387 = tpu.memref_squeeze %dma_start3A_386 : memref<1x128xi32, #tpu.memory_space<vmem>> -> memref<128xi32, #tpu.memory_space<vmem>>
        %dma_start3A_388 = arith.constant 0 : i32
        %dma_start3A_389 = arith.constant 0 : i32
        %dma_start3A_390 = tpu.memref_slice %arg16[%dma_start3A_388, %dma_start3A_389] : memref<10240x128xf32, #tpu.memory_space<vmem_shared>> -> memref<10240x128xf32, #tpu.memory_space<vmem_shared>>
        tpu.enqueue_indirect_dma source(%arg11 : memref<128x128xf32, #tpu.memory_space<vmem>>) target(%dma_start3A_390 : memref<10240x128xf32, #tpu.memory_space<vmem_shared>>) offsets(%dma_start3A_387 : memref<128xi32, #tpu.memory_space<vmem>>) semaphore(%run_scoped3A_384 : memref<!tpu.dma_semaphore, #tpu.memory_space<semaphore_mem>>) {add = true}
        %dma_wait3A_391 = arith.constant 0 : i32
        %dma_wait3A_392 = tpu.memref_slice %arg7[%run_scoped3A_204, %dma_wait3A_391] : memref<8x128xi32, #tpu.memory_space<vmem>> -> memref<1x128xi32, #tpu.memory_space<vmem>>
        %dma_wait3A_393 = tpu.memref_squeeze %dma_wait3A_392 : memref<1x128xi32, #tpu.memory_space<vmem>> -> memref<128xi32, #tpu.memory_space<vmem>>
        %dma_wait3A_394 = arith.constant 0 : i32
        %dma_wait3A_395 = arith.constant 0 : i32
        %dma_wait3A_396 = tpu.memref_slice %arg16[%dma_wait3A_394, %dma_wait3A_395] : memref<10240x128xf32, #tpu.memory_space<vmem_shared>> -> memref<10240x128xf32, #tpu.memory_space<vmem_shared>>
        tpu.wait_indirect_dma semaphore(%run_scoped3A_384 : memref<!tpu.dma_semaphore, #tpu.memory_space<semaphore_mem>>) src(%arg11 : memref<128x128xf32, #tpu.memory_space<vmem>>) dst(%dma_wait3A_396 : memref<10240x128xf32, #tpu.memory_space<vmem_shared>>)
        tpu.yield
      }) : () -> ()
      %add3A_205 = arith.constant 2 : i32
      %add3A_206 = arith.addi %mul3A_66, %add3A_205 : i32
      %min3A = arith.constant 9 : i32
      %min3A_207 = arith.minsi %add3A_206, %min3A : i32
      %dma_start3A_208 = arith.constant 0 : i32
      %dma_start3A_209 = arith.constant 0 : i32
      %dma_start3A_210 = tpu.memref_slice %arg3[%arg0, %arg1, %min3A_207, %dma_start3A_208, %dma_start3A_209] : memref<2x16x10x8x128xi32, #tpu.memory_space<hbm>> -> memref<1x1x1x8x128xi32, #tpu.memory_space<hbm>>
      %dma_start3A_211 = tpu.memref_squeeze %dma_start3A_210 : memref<1x1x1x8x128xi32, #tpu.memory_space<hbm>> -> memref<8x128xi32, #tpu.memory_space<hbm>>
      %dma_start3A_212 = arith.constant 0 : i32
      %dma_start3A_213 = arith.constant 0 : i32
      %dma_start3A_214 = tpu.memref_slice %arg3[%arg0, %arg1, %min3A_207, %dma_start3A_212, %dma_start3A_213] : memref<2x16x10x8x128xi32, #tpu.memory_space<hbm>> -> memref<1x1x1x8x128xi32, #tpu.memory_space<hbm>>
      %dma_start3A_215 = tpu.memref_squeeze %dma_start3A_214 : memref<1x1x1x8x128xi32, #tpu.memory_space<hbm>> -> memref<8x128xi32, #tpu.memory_space<hbm>>
      tpu.enqueue_dma source(%dma_start3A_215 : memref<8x128xi32, #tpu.memory_space<hbm>>) target(%arg6 : memref<8x128xi32, #tpu.memory_space<vmem>>) target_semaphore(%arg14 : memref<!tpu.dma_semaphore, #tpu.memory_space<semaphore_mem>>)
      %dma_start3A_216 = arith.constant 0 : i32
      %dma_start3A_217 = arith.constant 0 : i32
      %dma_start3A_218 = tpu.memref_slice %arg4[%arg1, %min3A_207, %dma_start3A_216, %dma_start3A_217] : memref<16x10x8x128xi32, #tpu.memory_space<hbm>> -> memref<1x1x8x128xi32, #tpu.memory_space<hbm>>
      %dma_start3A_219 = tpu.memref_squeeze %dma_start3A_218 : memref<1x1x8x128xi32, #tpu.memory_space<hbm>> -> memref<8x128xi32, #tpu.memory_space<hbm>>
      %dma_start3A_220 = arith.constant 0 : i32
      %dma_start3A_221 = arith.constant 0 : i32
      %dma_start3A_222 = tpu.memref_slice %arg4[%arg1, %min3A_207, %dma_start3A_220, %dma_start3A_221] : memref<16x10x8x128xi32, #tpu.memory_space<hbm>> -> memref<1x1x8x128xi32, #tpu.memory_space<hbm>>
      %dma_start3A_223 = tpu.memref_squeeze %dma_start3A_222 : memref<1x1x8x128xi32, #tpu.memory_space<hbm>> -> memref<8x128xi32, #tpu.memory_space<hbm>>
      tpu.enqueue_dma source(%dma_start3A_223 : memref<8x128xi32, #tpu.memory_space<hbm>>) target(%arg7 : memref<8x128xi32, #tpu.memory_space<vmem>>) target_semaphore(%arg14 : memref<!tpu.dma_semaphore, #tpu.memory_space<semaphore_mem>>)
      %add3A_224 = arith.constant 1 : i32
      %add3A_225 = arith.addi %mul3A_66, %add3A_224 : i32
      %dma_wait3A_226 = arith.constant 0 : i32
      %dma_wait3A_227 = arith.constant 0 : i32
      %dma_wait3A_228 = arith.constant 0 : i32
      %dma_wait3A_229 = tpu.memref_slice %arg3[%arg0, %arg1, %dma_wait3A_226, %dma_wait3A_227, %dma_wait3A_228] : memref<2x16x10x8x128xi32, #tpu.memory_space<hbm>> -> memref<1x1x1x8x128xi32, #tpu.memory_space<hbm>>
      %dma_wait3A_230 = tpu.memref_squeeze %dma_wait3A_229 : memref<1x1x1x8x128xi32, #tpu.memory_space<hbm>> -> memref<8x128xi32, #tpu.memory_space<hbm>>
      %dma_wait3A_231 = arith.constant 0 : i32
      %dma_wait3A_232 = arith.constant 0 : i32
      %dma_wait3A_233 = tpu.memref_slice %arg3[%arg0, %arg1, %dma_wait3A_226, %dma_wait3A_231, %dma_wait3A_232] : memref<2x16x10x8x128xi32, #tpu.memory_space<hbm>> -> memref<1x1x1x8x128xi32, #tpu.memory_space<hbm>>
      %dma_wait3A_234 = tpu.memref_squeeze %dma_wait3A_233 : memref<1x1x1x8x128xi32, #tpu.memory_space<hbm>> -> memref<8x128xi32, #tpu.memory_space<hbm>>
      tpu.wait_dma2 semaphore(%arg14 : memref<!tpu.dma_semaphore, #tpu.memory_space<semaphore_mem>>) src(%dma_wait3A_234 : memref<8x128xi32, #tpu.memory_space<hbm>>) dst(%arg6 : memref<8x128xi32, #tpu.memory_space<vmem>>)
      %dma_wait3A_235 = arith.constant 0 : i32
      %dma_wait3A_236 = arith.constant 0 : i32
      %dma_wait3A_237 = arith.constant 0 : i32
      %dma_wait3A_238 = tpu.memref_slice %arg4[%arg1, %dma_wait3A_235, %dma_wait3A_236, %dma_wait3A_237] : memref<16x10x8x128xi32, #tpu.memory_space<hbm>> -> memref<1x1x8x128xi32, #tpu.memory_space<hbm>>
      %dma_wait3A_239 = tpu.memref_squeeze %dma_wait3A_238 : memref<1x1x8x128xi32, #tpu.memory_space<hbm>> -> memref<8x128xi32, #tpu.memory_space<hbm>>
      %dma_wait3A_240 = arith.constant 0 : i32
      %dma_wait3A_241 = arith.constant 0 : i32
      %dma_wait3A_242 = tpu.memref_slice %arg4[%arg1, %dma_wait3A_235, %dma_wait3A_240, %dma_wait3A_241] : memref<16x10x8x128xi32, #tpu.memory_space<hbm>> -> memref<1x1x8x128xi32, #tpu.memory_space<hbm>>
      %dma_wait3A_243 = tpu.memref_squeeze %dma_wait3A_242 : memref<1x1x8x128xi32, #tpu.memory_space<hbm>> -> memref<8x128xi32, #tpu.memory_space<hbm>>
      tpu.wait_dma2 semaphore(%arg14 : memref<!tpu.dma_semaphore, #tpu.memory_space<semaphore_mem>>) src(%dma_wait3A_243 : memref<8x128xi32, #tpu.memory_space<hbm>>) dst(%arg7 : memref<8x128xi32, #tpu.memory_space<vmem>>)
      %dma_start3A_244 = arith.constant 1 : i32
      %dma_start3A_245 = arith.constant 0 : i32
      %dma_start3A_246 = tpu.memref_slice %arg8[%dma_start3A_244, %dma_start3A_245] : memref<8x128xi32, #tpu.memory_space<vmem>> -> memref<1x128xi32, #tpu.memory_space<vmem>>
      %dma_start3A_247 = tpu.memref_squeeze %dma_start3A_246 : memref<1x128xi32, #tpu.memory_space<vmem>> -> memref<128xi32, #tpu.memory_space<vmem>>
      %dma_start3A_248 = arith.constant 0 : i32
      %dma_start3A_249 = arith.constant 0 : i32
      %dma_start3A_250 = tpu.memref_slice %arg2[%dma_start3A_248, %dma_start3A_249] : memref<20480x128xf32, #tpu.memory_space<hbm>> -> memref<20480x128xf32, #tpu.memory_space<hbm>>
      tpu.enqueue_indirect_dma source(%dma_start3A_250 : memref<20480x128xf32, #tpu.memory_space<hbm>>) target(%arg11 : memref<128x128xf32, #tpu.memory_space<vmem>>) offsets(%dma_start3A_247 : memref<128xi32, #tpu.memory_space<vmem>>) semaphore(%arg13 : memref<!tpu.dma_semaphore, #tpu.memory_space<semaphore_mem>>)
      %dma_wait3A_251 = arith.constant 0 : i32
      %dma_wait3A_252 = arith.constant 0 : i32
      %dma_wait3A_253 = tpu.memref_slice %arg6[%dma_wait3A_251, %dma_wait3A_252] : memref<8x128xi32, #tpu.memory_space<vmem>> -> memref<1x128xi32, #tpu.memory_space<vmem>>
      %dma_wait3A_254 = tpu.memref_squeeze %dma_wait3A_253 : memref<1x128xi32, #tpu.memory_space<vmem>> -> memref<128xi32, #tpu.memory_space<vmem>>
      %dma_wait3A_255 = arith.constant 0 : i32
      %dma_wait3A_256 = arith.constant 0 : i32
      %dma_wait3A_257 = tpu.memref_slice %arg2[%dma_wait3A_255, %dma_wait3A_256] : memref<20480x128xf32, #tpu.memory_space<hbm>> -> memref<20480x128xf32, #tpu.memory_space<hbm>>
      tpu.wait_indirect_dma semaphore(%arg12 : memref<!tpu.dma_semaphore, #tpu.memory_space<semaphore_mem>>) src(%dma_wait3A_257 : memref<20480x128xf32, #tpu.memory_space<hbm>>) dst(%arg10 : memref<128x128xf32, #tpu.memory_space<vmem>>)
      %run_scoped3A_258 = arith.constant 0 : i32
      "tpu.region"() ({
        %run_scoped3A_384 = tpu.sem_alloc : memref<!tpu.dma_semaphore, #tpu.memory_space<semaphore_mem>>
        %dma_start3A_385 = arith.constant 0 : i32
        %dma_start3A_386 = tpu.memref_slice %arg9[%run_scoped3A_258, %dma_start3A_385] : memref<8x128xi32, #tpu.memory_space<vmem>> -> memref<1x128xi32, #tpu.memory_space<vmem>>
        %dma_start3A_387 = tpu.memref_squeeze %dma_start3A_386 : memref<1x128xi32, #tpu.memory_space<vmem>> -> memref<128xi32, #tpu.memory_space<vmem>>
        %dma_start3A_388 = arith.constant 0 : i32
        %dma_start3A_389 = arith.constant 0 : i32
        %dma_start3A_390 = tpu.memref_slice %arg16[%dma_start3A_388, %dma_start3A_389] : memref<10240x128xf32, #tpu.memory_space<vmem_shared>> -> memref<10240x128xf32, #tpu.memory_space<vmem_shared>>
        tpu.enqueue_indirect_dma source(%arg10 : memref<128x128xf32, #tpu.memory_space<vmem>>) target(%dma_start3A_390 : memref<10240x128xf32, #tpu.memory_space<vmem_shared>>) offsets(%dma_start3A_387 : memref<128xi32, #tpu.memory_space<vmem>>) semaphore(%run_scoped3A_384 : memref<!tpu.dma_semaphore, #tpu.memory_space<semaphore_mem>>) {add = true}
        %dma_wait3A_391 = arith.constant 0 : i32
        %dma_wait3A_392 = tpu.memref_slice %arg9[%run_scoped3A_258, %dma_wait3A_391] : memref<8x128xi32, #tpu.memory_space<vmem>> -> memref<1x128xi32, #tpu.memory_space<vmem>>
        %dma_wait3A_393 = tpu.memref_squeeze %dma_wait3A_392 : memref<1x128xi32, #tpu.memory_space<vmem>> -> memref<128xi32, #tpu.memory_space<vmem>>
        %dma_wait3A_394 = arith.constant 0 : i32
        %dma_wait3A_395 = arith.constant 0 : i32
        %dma_wait3A_396 = tpu.memref_slice %arg16[%dma_wait3A_394, %dma_wait3A_395] : memref<10240x128xf32, #tpu.memory_space<vmem_shared>> -> memref<10240x128xf32, #tpu.memory_space<vmem_shared>>
        tpu.wait_indirect_dma semaphore(%run_scoped3A_384 : memref<!tpu.dma_semaphore, #tpu.memory_space<semaphore_mem>>) src(%arg10 : memref<128x128xf32, #tpu.memory_space<vmem>>) dst(%dma_wait3A_396 : memref<10240x128xf32, #tpu.memory_space<vmem_shared>>)
        tpu.yield
      }) : () -> ()
      %dma_start3A_259 = arith.constant 2 : i32
      %dma_start3A_260 = arith.constant 0 : i32
      %dma_start3A_261 = tpu.memref_slice %arg8[%dma_start3A_259, %dma_start3A_260] : memref<8x128xi32, #tpu.memory_space<vmem>> -> memref<1x128xi32, #tpu.memory_space<vmem>>
      %dma_start3A_262 = tpu.memref_squeeze %dma_start3A_261 : memref<1x128xi32, #tpu.memory_space<vmem>> -> memref<128xi32, #tpu.memory_space<vmem>>
      %dma_start3A_263 = arith.constant 0 : i32
      %dma_start3A_264 = arith.constant 0 : i32
      %dma_start3A_265 = tpu.memref_slice %arg2[%dma_start3A_263, %dma_start3A_264] : memref<20480x128xf32, #tpu.memory_space<hbm>> -> memref<20480x128xf32, #tpu.memory_space<hbm>>
      tpu.enqueue_indirect_dma source(%dma_start3A_265 : memref<20480x128xf32, #tpu.memory_space<hbm>>) target(%arg10 : memref<128x128xf32, #tpu.memory_space<vmem>>) offsets(%dma_start3A_262 : memref<128xi32, #tpu.memory_space<vmem>>) semaphore(%arg12 : memref<!tpu.dma_semaphore, #tpu.memory_space<semaphore_mem>>)
      %dma_wait3A_266 = arith.constant 0 : i32
      %dma_wait3A_267 = arith.constant 0 : i32
      %dma_wait3A_268 = tpu.memref_slice %arg6[%dma_wait3A_266, %dma_wait3A_267] : memref<8x128xi32, #tpu.memory_space<vmem>> -> memref<1x128xi32, #tpu.memory_space<vmem>>
      %dma_wait3A_269 = tpu.memref_squeeze %dma_wait3A_268 : memref<1x128xi32, #tpu.memory_space<vmem>> -> memref<128xi32, #tpu.memory_space<vmem>>
      %dma_wait3A_270 = arith.constant 0 : i32
      %dma_wait3A_271 = arith.constant 0 : i32
      %dma_wait3A_272 = tpu.memref_slice %arg2[%dma_wait3A_270, %dma_wait3A_271] : memref<20480x128xf32, #tpu.memory_space<hbm>> -> memref<20480x128xf32, #tpu.memory_space<hbm>>
      tpu.wait_indirect_dma semaphore(%arg13 : memref<!tpu.dma_semaphore, #tpu.memory_space<semaphore_mem>>) src(%dma_wait3A_272 : memref<20480x128xf32, #tpu.memory_space<hbm>>) dst(%arg11 : memref<128x128xf32, #tpu.memory_space<vmem>>)
      %run_scoped3A_273 = arith.constant 1 : i32
      "tpu.region"() ({
        %run_scoped3A_384 = tpu.sem_alloc : memref<!tpu.dma_semaphore, #tpu.memory_space<semaphore_mem>>
        %dma_start3A_385 = arith.constant 0 : i32
        %dma_start3A_386 = tpu.memref_slice %arg9[%run_scoped3A_273, %dma_start3A_385] : memref<8x128xi32, #tpu.memory_space<vmem>> -> memref<1x128xi32, #tpu.memory_space<vmem>>
        %dma_start3A_387 = tpu.memref_squeeze %dma_start3A_386 : memref<1x128xi32, #tpu.memory_space<vmem>> -> memref<128xi32, #tpu.memory_space<vmem>>
        %dma_start3A_388 = arith.constant 0 : i32
        %dma_start3A_389 = arith.constant 0 : i32
        %dma_start3A_390 = tpu.memref_slice %arg16[%dma_start3A_388, %dma_start3A_389] : memref<10240x128xf32, #tpu.memory_space<vmem_shared>> -> memref<10240x128xf32, #tpu.memory_space<vmem_shared>>
        tpu.enqueue_indirect_dma source(%arg11 : memref<128x128xf32, #tpu.memory_space<vmem>>) target(%dma_start3A_390 : memref<10240x128xf32, #tpu.memory_space<vmem_shared>>) offsets(%dma_start3A_387 : memref<128xi32, #tpu.memory_space<vmem>>) semaphore(%run_scoped3A_384 : memref<!tpu.dma_semaphore, #tpu.memory_space<semaphore_mem>>) {add = true}
        %dma_wait3A_391 = arith.constant 0 : i32
        %dma_wait3A_392 = tpu.memref_slice %arg9[%run_scoped3A_273, %dma_wait3A_391] : memref<8x128xi32, #tpu.memory_space<vmem>> -> memref<1x128xi32, #tpu.memory_space<vmem>>
        %dma_wait3A_393 = tpu.memref_squeeze %dma_wait3A_392 : memref<1x128xi32, #tpu.memory_space<vmem>> -> memref<128xi32, #tpu.memory_space<vmem>>
        %dma_wait3A_394 = arith.constant 0 : i32
        %dma_wait3A_395 = arith.constant 0 : i32
        %dma_wait3A_396 = tpu.memref_slice %arg16[%dma_wait3A_394, %dma_wait3A_395] : memref<10240x128xf32, #tpu.memory_space<vmem_shared>> -> memref<10240x128xf32, #tpu.memory_space<vmem_shared>>
        tpu.wait_indirect_dma semaphore(%run_scoped3A_384 : memref<!tpu.dma_semaphore, #tpu.memory_space<semaphore_mem>>) src(%arg11 : memref<128x128xf32, #tpu.memory_space<vmem>>) dst(%dma_wait3A_396 : memref<10240x128xf32, #tpu.memory_space<vmem_shared>>)
        tpu.yield
      }) : () -> ()
      %dma_start3A_274 = arith.constant 3 : i32
      %dma_start3A_275 = arith.constant 0 : i32
      %dma_start3A_276 = tpu.memref_slice %arg8[%dma_start3A_274, %dma_start3A_275] : memref<8x128xi32, #tpu.memory_space<vmem>> -> memref<1x128xi32, #tpu.memory_space<vmem>>
      %dma_start3A_277 = tpu.memref_squeeze %dma_start3A_276 : memref<1x128xi32, #tpu.memory_space<vmem>> -> memref<128xi32, #tpu.memory_space<vmem>>
      %dma_start3A_278 = arith.constant 0 : i32
      %dma_start3A_279 = arith.constant 0 : i32
      %dma_start3A_280 = tpu.memref_slice %arg2[%dma_start3A_278, %dma_start3A_279] : memref<20480x128xf32, #tpu.memory_space<hbm>> -> memref<20480x128xf32, #tpu.memory_space<hbm>>
      tpu.enqueue_indirect_dma source(%dma_start3A_280 : memref<20480x128xf32, #tpu.memory_space<hbm>>) target(%arg11 : memref<128x128xf32, #tpu.memory_space<vmem>>) offsets(%dma_start3A_277 : memref<128xi32, #tpu.memory_space<vmem>>) semaphore(%arg13 : memref<!tpu.dma_semaphore, #tpu.memory_space<semaphore_mem>>)
      %dma_wait3A_281 = arith.constant 0 : i32
      %dma_wait3A_282 = arith.constant 0 : i32
      %dma_wait3A_283 = tpu.memref_slice %arg6[%dma_wait3A_281, %dma_wait3A_282] : memref<8x128xi32, #tpu.memory_space<vmem>> -> memref<1x128xi32, #tpu.memory_space<vmem>>
      %dma_wait3A_284 = tpu.memref_squeeze %dma_wait3A_283 : memref<1x128xi32, #tpu.memory_space<vmem>> -> memref<128xi32, #tpu.memory_space<vmem>>
      %dma_wait3A_285 = arith.constant 0 : i32
      %dma_wait3A_286 = arith.constant 0 : i32
      %dma_wait3A_287 = tpu.memref_slice %arg2[%dma_wait3A_285, %dma_wait3A_286] : memref<20480x128xf32, #tpu.memory_space<hbm>> -> memref<20480x128xf32, #tpu.memory_space<hbm>>
      tpu.wait_indirect_dma semaphore(%arg12 : memref<!tpu.dma_semaphore, #tpu.memory_space<semaphore_mem>>) src(%dma_wait3A_287 : memref<20480x128xf32, #tpu.memory_space<hbm>>) dst(%arg10 : memref<128x128xf32, #tpu.memory_space<vmem>>)
      %run_scoped3A_288 = arith.constant 2 : i32
      "tpu.region"() ({
        %run_scoped3A_384 = tpu.sem_alloc : memref<!tpu.dma_semaphore, #tpu.memory_space<semaphore_mem>>
        %dma_start3A_385 = arith.constant 0 : i32
        %dma_start3A_386 = tpu.memref_slice %arg9[%run_scoped3A_288, %dma_start3A_385] : memref<8x128xi32, #tpu.memory_space<vmem>> -> memref<1x128xi32, #tpu.memory_space<vmem>>
        %dma_start3A_387 = tpu.memref_squeeze %dma_start3A_386 : memref<1x128xi32, #tpu.memory_space<vmem>> -> memref<128xi32, #tpu.memory_space<vmem>>
        %dma_start3A_388 = arith.constant 0 : i32
        %dma_start3A_389 = arith.constant 0 : i32
        %dma_start3A_390 = tpu.memref_slice %arg16[%dma_start3A_388, %dma_start3A_389] : memref<10240x128xf32, #tpu.memory_space<vmem_shared>> -> memref<10240x128xf32, #tpu.memory_space<vmem_shared>>
        tpu.enqueue_indirect_dma source(%arg10 : memref<128x128xf32, #tpu.memory_space<vmem>>) target(%dma_start3A_390 : memref<10240x128xf32, #tpu.memory_space<vmem_shared>>) offsets(%dma_start3A_387 : memref<128xi32, #tpu.memory_space<vmem>>) semaphore(%run_scoped3A_384 : memref<!tpu.dma_semaphore, #tpu.memory_space<semaphore_mem>>) {add = true}
        %dma_wait3A_391 = arith.constant 0 : i32
        %dma_wait3A_392 = tpu.memref_slice %arg9[%run_scoped3A_288, %dma_wait3A_391] : memref<8x128xi32, #tpu.memory_space<vmem>> -> memref<1x128xi32, #tpu.memory_space<vmem>>
        %dma_wait3A_393 = tpu.memref_squeeze %dma_wait3A_392 : memref<1x128xi32, #tpu.memory_space<vmem>> -> memref<128xi32, #tpu.memory_space<vmem>>
        %dma_wait3A_394 = arith.constant 0 : i32
        %dma_wait3A_395 = arith.constant 0 : i32
        %dma_wait3A_396 = tpu.memref_slice %arg16[%dma_wait3A_394, %dma_wait3A_395] : memref<10240x128xf32, #tpu.memory_space<vmem_shared>> -> memref<10240x128xf32, #tpu.memory_space<vmem_shared>>
        tpu.wait_indirect_dma semaphore(%run_scoped3A_384 : memref<!tpu.dma_semaphore, #tpu.memory_space<semaphore_mem>>) src(%arg10 : memref<128x128xf32, #tpu.memory_space<vmem>>) dst(%dma_wait3A_396 : memref<10240x128xf32, #tpu.memory_space<vmem_shared>>)
        tpu.yield
      }) : () -> ()
      %dma_start3A_289 = arith.constant 4 : i32
      %dma_start3A_290 = arith.constant 0 : i32
      %dma_start3A_291 = tpu.memref_slice %arg8[%dma_start3A_289, %dma_start3A_290] : memref<8x128xi32, #tpu.memory_space<vmem>> -> memref<1x128xi32, #tpu.memory_space<vmem>>
      %dma_start3A_292 = tpu.memref_squeeze %dma_start3A_291 : memref<1x128xi32, #tpu.memory_space<vmem>> -> memref<128xi32, #tpu.memory_space<vmem>>
      %dma_start3A_293 = arith.constant 0 : i32
      %dma_start3A_294 = arith.constant 0 : i32
      %dma_start3A_295 = tpu.memref_slice %arg2[%dma_start3A_293, %dma_start3A_294] : memref<20480x128xf32, #tpu.memory_space<hbm>> -> memref<20480x128xf32, #tpu.memory_space<hbm>>
      tpu.enqueue_indirect_dma source(%dma_start3A_295 : memref<20480x128xf32, #tpu.memory_space<hbm>>) target(%arg10 : memref<128x128xf32, #tpu.memory_space<vmem>>) offsets(%dma_start3A_292 : memref<128xi32, #tpu.memory_space<vmem>>) semaphore(%arg12 : memref<!tpu.dma_semaphore, #tpu.memory_space<semaphore_mem>>)
      %dma_wait3A_296 = arith.constant 0 : i32
      %dma_wait3A_297 = arith.constant 0 : i32
      %dma_wait3A_298 = tpu.memref_slice %arg6[%dma_wait3A_296, %dma_wait3A_297] : memref<8x128xi32, #tpu.memory_space<vmem>> -> memref<1x128xi32, #tpu.memory_space<vmem>>
      %dma_wait3A_299 = tpu.memref_squeeze %dma_wait3A_298 : memref<1x128xi32, #tpu.memory_space<vmem>> -> memref<128xi32, #tpu.memory_space<vmem>>
      %dma_wait3A_300 = arith.constant 0 : i32
      %dma_wait3A_301 = arith.constant 0 : i32
      %dma_wait3A_302 = tpu.memref_slice %arg2[%dma_wait3A_300, %dma_wait3A_301] : memref<20480x128xf32, #tpu.memory_space<hbm>> -> memref<20480x128xf32, #tpu.memory_space<hbm>>
      tpu.wait_indirect_dma semaphore(%arg13 : memref<!tpu.dma_semaphore, #tpu.memory_space<semaphore_mem>>) src(%dma_wait3A_302 : memref<20480x128xf32, #tpu.memory_space<hbm>>) dst(%arg11 : memref<128x128xf32, #tpu.memory_space<vmem>>)
      %run_scoped3A_303 = arith.constant 3 : i32
      "tpu.region"() ({
        %run_scoped3A_384 = tpu.sem_alloc : memref<!tpu.dma_semaphore, #tpu.memory_space<semaphore_mem>>
        %dma_start3A_385 = arith.constant 0 : i32
        %dma_start3A_386 = tpu.memref_slice %arg9[%run_scoped3A_303, %dma_start3A_385] : memref<8x128xi32, #tpu.memory_space<vmem>> -> memref<1x128xi32, #tpu.memory_space<vmem>>
        %dma_start3A_387 = tpu.memref_squeeze %dma_start3A_386 : memref<1x128xi32, #tpu.memory_space<vmem>> -> memref<128xi32, #tpu.memory_space<vmem>>
        %dma_start3A_388 = arith.constant 0 : i32
        %dma_start3A_389 = arith.constant 0 : i32
        %dma_start3A_390 = tpu.memref_slice %arg16[%dma_start3A_388, %dma_start3A_389] : memref<10240x128xf32, #tpu.memory_space<vmem_shared>> -> memref<10240x128xf32, #tpu.memory_space<vmem_shared>>
        tpu.enqueue_indirect_dma source(%arg11 : memref<128x128xf32, #tpu.memory_space<vmem>>) target(%dma_start3A_390 : memref<10240x128xf32, #tpu.memory_space<vmem_shared>>) offsets(%dma_start3A_387 : memref<128xi32, #tpu.memory_space<vmem>>) semaphore(%run_scoped3A_384 : memref<!tpu.dma_semaphore, #tpu.memory_space<semaphore_mem>>) {add = true}
        %dma_wait3A_391 = arith.constant 0 : i32
        %dma_wait3A_392 = tpu.memref_slice %arg9[%run_scoped3A_303, %dma_wait3A_391] : memref<8x128xi32, #tpu.memory_space<vmem>> -> memref<1x128xi32, #tpu.memory_space<vmem>>
        %dma_wait3A_393 = tpu.memref_squeeze %dma_wait3A_392 : memref<1x128xi32, #tpu.memory_space<vmem>> -> memref<128xi32, #tpu.memory_space<vmem>>
        %dma_wait3A_394 = arith.constant 0 : i32
        %dma_wait3A_395 = arith.constant 0 : i32
        %dma_wait3A_396 = tpu.memref_slice %arg16[%dma_wait3A_394, %dma_wait3A_395] : memref<10240x128xf32, #tpu.memory_space<vmem_shared>> -> memref<10240x128xf32, #tpu.memory_space<vmem_shared>>
        tpu.wait_indirect_dma semaphore(%run_scoped3A_384 : memref<!tpu.dma_semaphore, #tpu.memory_space<semaphore_mem>>) src(%arg11 : memref<128x128xf32, #tpu.memory_space<vmem>>) dst(%dma_wait3A_396 : memref<10240x128xf32, #tpu.memory_space<vmem_shared>>)
        tpu.yield
      }) : () -> ()
      %dma_start3A_304 = arith.constant 5 : i32
      %dma_start3A_305 = arith.constant 0 : i32
      %dma_start3A_306 = tpu.memref_slice %arg8[%dma_start3A_304, %dma_start3A_305] : memref<8x128xi32, #tpu.memory_space<vmem>> -> memref<1x128xi32, #tpu.memory_space<vmem>>
      %dma_start3A_307 = tpu.memref_squeeze %dma_start3A_306 : memref<1x128xi32, #tpu.memory_space<vmem>> -> memref<128xi32, #tpu.memory_space<vmem>>
      %dma_start3A_308 = arith.constant 0 : i32
      %dma_start3A_309 = arith.constant 0 : i32
      %dma_start3A_310 = tpu.memref_slice %arg2[%dma_start3A_308, %dma_start3A_309] : memref<20480x128xf32, #tpu.memory_space<hbm>> -> memref<20480x128xf32, #tpu.memory_space<hbm>>
      tpu.enqueue_indirect_dma source(%dma_start3A_310 : memref<20480x128xf32, #tpu.memory_space<hbm>>) target(%arg11 : memref<128x128xf32, #tpu.memory_space<vmem>>) offsets(%dma_start3A_307 : memref<128xi32, #tpu.memory_space<vmem>>) semaphore(%arg13 : memref<!tpu.dma_semaphore, #tpu.memory_space<semaphore_mem>>)
      %dma_wait3A_311 = arith.constant 0 : i32
      %dma_wait3A_312 = arith.constant 0 : i32
      %dma_wait3A_313 = tpu.memref_slice %arg6[%dma_wait3A_311, %dma_wait3A_312] : memref<8x128xi32, #tpu.memory_space<vmem>> -> memref<1x128xi32, #tpu.memory_space<vmem>>
      %dma_wait3A_314 = tpu.memref_squeeze %dma_wait3A_313 : memref<1x128xi32, #tpu.memory_space<vmem>> -> memref<128xi32, #tpu.memory_space<vmem>>
      %dma_wait3A_315 = arith.constant 0 : i32
      %dma_wait3A_316 = arith.constant 0 : i32
      %dma_wait3A_317 = tpu.memref_slice %arg2[%dma_wait3A_315, %dma_wait3A_316] : memref<20480x128xf32, #tpu.memory_space<hbm>> -> memref<20480x128xf32, #tpu.memory_space<hbm>>
      tpu.wait_indirect_dma semaphore(%arg12 : memref<!tpu.dma_semaphore, #tpu.memory_space<semaphore_mem>>) src(%dma_wait3A_317 : memref<20480x128xf32, #tpu.memory_space<hbm>>) dst(%arg10 : memref<128x128xf32, #tpu.memory_space<vmem>>)
      %run_scoped3A_318 = arith.constant 4 : i32
      "tpu.region"() ({
        %run_scoped3A_384 = tpu.sem_alloc : memref<!tpu.dma_semaphore, #tpu.memory_space<semaphore_mem>>
        %dma_start3A_385 = arith.constant 0 : i32
        %dma_start3A_386 = tpu.memref_slice %arg9[%run_scoped3A_318, %dma_start3A_385] : memref<8x128xi32, #tpu.memory_space<vmem>> -> memref<1x128xi32, #tpu.memory_space<vmem>>
        %dma_start3A_387 = tpu.memref_squeeze %dma_start3A_386 : memref<1x128xi32, #tpu.memory_space<vmem>> -> memref<128xi32, #tpu.memory_space<vmem>>
        %dma_start3A_388 = arith.constant 0 : i32
        %dma_start3A_389 = arith.constant 0 : i32
        %dma_start3A_390 = tpu.memref_slice %arg16[%dma_start3A_388, %dma_start3A_389] : memref<10240x128xf32, #tpu.memory_space<vmem_shared>> -> memref<10240x128xf32, #tpu.memory_space<vmem_shared>>
        tpu.enqueue_indirect_dma source(%arg10 : memref<128x128xf32, #tpu.memory_space<vmem>>) target(%dma_start3A_390 : memref<10240x128xf32, #tpu.memory_space<vmem_shared>>) offsets(%dma_start3A_387 : memref<128xi32, #tpu.memory_space<vmem>>) semaphore(%run_scoped3A_384 : memref<!tpu.dma_semaphore, #tpu.memory_space<semaphore_mem>>) {add = true}
        %dma_wait3A_391 = arith.constant 0 : i32
        %dma_wait3A_392 = tpu.memref_slice %arg9[%run_scoped3A_318, %dma_wait3A_391] : memref<8x128xi32, #tpu.memory_space<vmem>> -> memref<1x128xi32, #tpu.memory_space<vmem>>
        %dma_wait3A_393 = tpu.memref_squeeze %dma_wait3A_392 : memref<1x128xi32, #tpu.memory_space<vmem>> -> memref<128xi32, #tpu.memory_space<vmem>>
        %dma_wait3A_394 = arith.constant 0 : i32
        %dma_wait3A_395 = arith.constant 0 : i32
        %dma_wait3A_396 = tpu.memref_slice %arg16[%dma_wait3A_394, %dma_wait3A_395] : memref<10240x128xf32, #tpu.memory_space<vmem_shared>> -> memref<10240x128xf32, #tpu.memory_space<vmem_shared>>
        tpu.wait_indirect_dma semaphore(%run_scoped3A_384 : memref<!tpu.dma_semaphore, #tpu.memory_space<semaphore_mem>>) src(%arg10 : memref<128x128xf32, #tpu.memory_space<vmem>>) dst(%dma_wait3A_396 : memref<10240x128xf32, #tpu.memory_space<vmem_shared>>)
        tpu.yield
      }) : () -> ()
      %dma_start3A_319 = arith.constant 6 : i32
      %dma_start3A_320 = arith.constant 0 : i32
      %dma_start3A_321 = tpu.memref_slice %arg8[%dma_start3A_319, %dma_start3A_320] : memref<8x128xi32, #tpu.memory_space<vmem>> -> memref<1x128xi32, #tpu.memory_space<vmem>>
      %dma_start3A_322 = tpu.memref_squeeze %dma_start3A_321 : memref<1x128xi32, #tpu.memory_space<vmem>> -> memref<128xi32, #tpu.memory_space<vmem>>
      %dma_start3A_323 = arith.constant 0 : i32
      %dma_start3A_324 = arith.constant 0 : i32
      %dma_start3A_325 = tpu.memref_slice %arg2[%dma_start3A_323, %dma_start3A_324] : memref<20480x128xf32, #tpu.memory_space<hbm>> -> memref<20480x128xf32, #tpu.memory_space<hbm>>
      tpu.enqueue_indirect_dma source(%dma_start3A_325 : memref<20480x128xf32, #tpu.memory_space<hbm>>) target(%arg10 : memref<128x128xf32, #tpu.memory_space<vmem>>) offsets(%dma_start3A_322 : memref<128xi32, #tpu.memory_space<vmem>>) semaphore(%arg12 : memref<!tpu.dma_semaphore, #tpu.memory_space<semaphore_mem>>)
      %dma_wait3A_326 = arith.constant 0 : i32
      %dma_wait3A_327 = arith.constant 0 : i32
      %dma_wait3A_328 = tpu.memref_slice %arg6[%dma_wait3A_326, %dma_wait3A_327] : memref<8x128xi32, #tpu.memory_space<vmem>> -> memref<1x128xi32, #tpu.memory_space<vmem>>
      %dma_wait3A_329 = tpu.memref_squeeze %dma_wait3A_328 : memref<1x128xi32, #tpu.memory_space<vmem>> -> memref<128xi32, #tpu.memory_space<vmem>>
      %dma_wait3A_330 = arith.constant 0 : i32
      %dma_wait3A_331 = arith.constant 0 : i32
      %dma_wait3A_332 = tpu.memref_slice %arg2[%dma_wait3A_330, %dma_wait3A_331] : memref<20480x128xf32, #tpu.memory_space<hbm>> -> memref<20480x128xf32, #tpu.memory_space<hbm>>
      tpu.wait_indirect_dma semaphore(%arg13 : memref<!tpu.dma_semaphore, #tpu.memory_space<semaphore_mem>>) src(%dma_wait3A_332 : memref<20480x128xf32, #tpu.memory_space<hbm>>) dst(%arg11 : memref<128x128xf32, #tpu.memory_space<vmem>>)
      %run_scoped3A_333 = arith.constant 5 : i32
      "tpu.region"() ({
        %run_scoped3A_384 = tpu.sem_alloc : memref<!tpu.dma_semaphore, #tpu.memory_space<semaphore_mem>>
        %dma_start3A_385 = arith.constant 0 : i32
        %dma_start3A_386 = tpu.memref_slice %arg9[%run_scoped3A_333, %dma_start3A_385] : memref<8x128xi32, #tpu.memory_space<vmem>> -> memref<1x128xi32, #tpu.memory_space<vmem>>
        %dma_start3A_387 = tpu.memref_squeeze %dma_start3A_386 : memref<1x128xi32, #tpu.memory_space<vmem>> -> memref<128xi32, #tpu.memory_space<vmem>>
        %dma_start3A_388 = arith.constant 0 : i32
        %dma_start3A_389 = arith.constant 0 : i32
        %dma_start3A_390 = tpu.memref_slice %arg16[%dma_start3A_388, %dma_start3A_389] : memref<10240x128xf32, #tpu.memory_space<vmem_shared>> -> memref<10240x128xf32, #tpu.memory_space<vmem_shared>>
        tpu.enqueue_indirect_dma source(%arg11 : memref<128x128xf32, #tpu.memory_space<vmem>>) target(%dma_start3A_390 : memref<10240x128xf32, #tpu.memory_space<vmem_shared>>) offsets(%dma_start3A_387 : memref<128xi32, #tpu.memory_space<vmem>>) semaphore(%run_scoped3A_384 : memref<!tpu.dma_semaphore, #tpu.memory_space<semaphore_mem>>) {add = true}
        %dma_wait3A_391 = arith.constant 0 : i32
        %dma_wait3A_392 = tpu.memref_slice %arg9[%run_scoped3A_333, %dma_wait3A_391] : memref<8x128xi32, #tpu.memory_space<vmem>> -> memref<1x128xi32, #tpu.memory_space<vmem>>
        %dma_wait3A_393 = tpu.memref_squeeze %dma_wait3A_392 : memref<1x128xi32, #tpu.memory_space<vmem>> -> memref<128xi32, #tpu.memory_space<vmem>>
        %dma_wait3A_394 = arith.constant 0 : i32
        %dma_wait3A_395 = arith.constant 0 : i32
        %dma_wait3A_396 = tpu.memref_slice %arg16[%dma_wait3A_394, %dma_wait3A_395] : memref<10240x128xf32, #tpu.memory_space<vmem_shared>> -> memref<10240x128xf32, #tpu.memory_space<vmem_shared>>
        tpu.wait_indirect_dma semaphore(%run_scoped3A_384 : memref<!tpu.dma_semaphore, #tpu.memory_space<semaphore_mem>>) src(%arg11 : memref<128x128xf32, #tpu.memory_space<vmem>>) dst(%dma_wait3A_396 : memref<10240x128xf32, #tpu.memory_space<vmem_shared>>)
        tpu.yield
      }) : () -> ()
      %dma_start3A_334 = arith.constant 7 : i32
      %dma_start3A_335 = arith.constant 0 : i32
      %dma_start3A_336 = tpu.memref_slice %arg8[%dma_start3A_334, %dma_start3A_335] : memref<8x128xi32, #tpu.memory_space<vmem>> -> memref<1x128xi32, #tpu.memory_space<vmem>>
      %dma_start3A_337 = tpu.memref_squeeze %dma_start3A_336 : memref<1x128xi32, #tpu.memory_space<vmem>> -> memref<128xi32, #tpu.memory_space<vmem>>
      %dma_start3A_338 = arith.constant 0 : i32
      %dma_start3A_339 = arith.constant 0 : i32
      %dma_start3A_340 = tpu.memref_slice %arg2[%dma_start3A_338, %dma_start3A_339] : memref<20480x128xf32, #tpu.memory_space<hbm>> -> memref<20480x128xf32, #tpu.memory_space<hbm>>
      tpu.enqueue_indirect_dma source(%dma_start3A_340 : memref<20480x128xf32, #tpu.memory_space<hbm>>) target(%arg11 : memref<128x128xf32, #tpu.memory_space<vmem>>) offsets(%dma_start3A_337 : memref<128xi32, #tpu.memory_space<vmem>>) semaphore(%arg13 : memref<!tpu.dma_semaphore, #tpu.memory_space<semaphore_mem>>)
      %dma_wait3A_341 = arith.constant 0 : i32
      %dma_wait3A_342 = arith.constant 0 : i32
      %dma_wait3A_343 = tpu.memref_slice %arg6[%dma_wait3A_341, %dma_wait3A_342] : memref<8x128xi32, #tpu.memory_space<vmem>> -> memref<1x128xi32, #tpu.memory_space<vmem>>
      %dma_wait3A_344 = tpu.memref_squeeze %dma_wait3A_343 : memref<1x128xi32, #tpu.memory_space<vmem>> -> memref<128xi32, #tpu.memory_space<vmem>>
      %dma_wait3A_345 = arith.constant 0 : i32
      %dma_wait3A_346 = arith.constant 0 : i32
      %dma_wait3A_347 = tpu.memref_slice %arg2[%dma_wait3A_345, %dma_wait3A_346] : memref<20480x128xf32, #tpu.memory_space<hbm>> -> memref<20480x128xf32, #tpu.memory_space<hbm>>
      tpu.wait_indirect_dma semaphore(%arg12 : memref<!tpu.dma_semaphore, #tpu.memory_space<semaphore_mem>>) src(%dma_wait3A_347 : memref<20480x128xf32, #tpu.memory_space<hbm>>) dst(%arg10 : memref<128x128xf32, #tpu.memory_space<vmem>>)
      %run_scoped3A_348 = arith.constant 6 : i32
      "tpu.region"() ({
        %run_scoped3A_384 = tpu.sem_alloc : memref<!tpu.dma_semaphore, #tpu.memory_space<semaphore_mem>>
        %dma_start3A_385 = arith.constant 0 : i32
        %dma_start3A_386 = tpu.memref_slice %arg9[%run_scoped3A_348, %dma_start3A_385] : memref<8x128xi32, #tpu.memory_space<vmem>> -> memref<1x128xi32, #tpu.memory_space<vmem>>
        %dma_start3A_387 = tpu.memref_squeeze %dma_start3A_386 : memref<1x128xi32, #tpu.memory_space<vmem>> -> memref<128xi32, #tpu.memory_space<vmem>>
        %dma_start3A_388 = arith.constant 0 : i32
        %dma_start3A_389 = arith.constant 0 : i32
        %dma_start3A_390 = tpu.memref_slice %arg16[%dma_start3A_388, %dma_start3A_389] : memref<10240x128xf32, #tpu.memory_space<vmem_shared>> -> memref<10240x128xf32, #tpu.memory_space<vmem_shared>>
        tpu.enqueue_indirect_dma source(%arg10 : memref<128x128xf32, #tpu.memory_space<vmem>>) target(%dma_start3A_390 : memref<10240x128xf32, #tpu.memory_space<vmem_shared>>) offsets(%dma_start3A_387 : memref<128xi32, #tpu.memory_space<vmem>>) semaphore(%run_scoped3A_384 : memref<!tpu.dma_semaphore, #tpu.memory_space<semaphore_mem>>) {add = true}
        %dma_wait3A_391 = arith.constant 0 : i32
        %dma_wait3A_392 = tpu.memref_slice %arg9[%run_scoped3A_348, %dma_wait3A_391] : memref<8x128xi32, #tpu.memory_space<vmem>> -> memref<1x128xi32, #tpu.memory_space<vmem>>
        %dma_wait3A_393 = tpu.memref_squeeze %dma_wait3A_392 : memref<1x128xi32, #tpu.memory_space<vmem>> -> memref<128xi32, #tpu.memory_space<vmem>>
        %dma_wait3A_394 = arith.constant 0 : i32
        %dma_wait3A_395 = arith.constant 0 : i32
        %dma_wait3A_396 = tpu.memref_slice %arg16[%dma_wait3A_394, %dma_wait3A_395] : memref<10240x128xf32, #tpu.memory_space<vmem_shared>> -> memref<10240x128xf32, #tpu.memory_space<vmem_shared>>
        tpu.wait_indirect_dma semaphore(%run_scoped3A_384 : memref<!tpu.dma_semaphore, #tpu.memory_space<semaphore_mem>>) src(%arg10 : memref<128x128xf32, #tpu.memory_space<vmem>>) dst(%dma_wait3A_396 : memref<10240x128xf32, #tpu.memory_space<vmem_shared>>)
        tpu.yield
      }) : () -> ()
      %dma_start3A_349 = arith.constant 0 : i32
      %dma_start3A_350 = arith.constant 0 : i32
      %dma_start3A_351 = tpu.memref_slice %arg6[%dma_start3A_349, %dma_start3A_350] : memref<8x128xi32, #tpu.memory_space<vmem>> -> memref<1x128xi32, #tpu.memory_space<vmem>>
      %dma_start3A_352 = tpu.memref_squeeze %dma_start3A_351 : memref<1x128xi32, #tpu.memory_space<vmem>> -> memref<128xi32, #tpu.memory_space<vmem>>
      %dma_start3A_353 = arith.constant 0 : i32
      %dma_start3A_354 = arith.constant 0 : i32
      %dma_start3A_355 = tpu.memref_slice %arg2[%dma_start3A_353, %dma_start3A_354] : memref<20480x128xf32, #tpu.memory_space<hbm>> -> memref<20480x128xf32, #tpu.memory_space<hbm>>
      tpu.enqueue_indirect_dma source(%dma_start3A_355 : memref<20480x128xf32, #tpu.memory_space<hbm>>) target(%arg10 : memref<128x128xf32, #tpu.memory_space<vmem>>) offsets(%dma_start3A_352 : memref<128xi32, #tpu.memory_space<vmem>>) semaphore(%arg12 : memref<!tpu.dma_semaphore, #tpu.memory_space<semaphore_mem>>)
      %dma_wait3A_356 = arith.constant 0 : i32
      %dma_wait3A_357 = arith.constant 0 : i32
      %dma_wait3A_358 = tpu.memref_slice %arg6[%dma_wait3A_356, %dma_wait3A_357] : memref<8x128xi32, #tpu.memory_space<vmem>> -> memref<1x128xi32, #tpu.memory_space<vmem>>
      %dma_wait3A_359 = tpu.memref_squeeze %dma_wait3A_358 : memref<1x128xi32, #tpu.memory_space<vmem>> -> memref<128xi32, #tpu.memory_space<vmem>>
      %dma_wait3A_360 = arith.constant 0 : i32
      %dma_wait3A_361 = arith.constant 0 : i32
      %dma_wait3A_362 = tpu.memref_slice %arg2[%dma_wait3A_360, %dma_wait3A_361] : memref<20480x128xf32, #tpu.memory_space<hbm>> -> memref<20480x128xf32, #tpu.memory_space<hbm>>
      tpu.wait_indirect_dma semaphore(%arg13 : memref<!tpu.dma_semaphore, #tpu.memory_space<semaphore_mem>>) src(%dma_wait3A_362 : memref<20480x128xf32, #tpu.memory_space<hbm>>) dst(%arg11 : memref<128x128xf32, #tpu.memory_space<vmem>>)
      %run_scoped3A_363 = arith.constant 7 : i32
      "tpu.region"() ({
        %run_scoped3A_384 = tpu.sem_alloc : memref<!tpu.dma_semaphore, #tpu.memory_space<semaphore_mem>>
        %dma_start3A_385 = arith.constant 0 : i32
        %dma_start3A_386 = tpu.memref_slice %arg9[%run_scoped3A_363, %dma_start3A_385] : memref<8x128xi32, #tpu.memory_space<vmem>> -> memref<1x128xi32, #tpu.memory_space<vmem>>
        %dma_start3A_387 = tpu.memref_squeeze %dma_start3A_386 : memref<1x128xi32, #tpu.memory_space<vmem>> -> memref<128xi32, #tpu.memory_space<vmem>>
        %dma_start3A_388 = arith.constant 0 : i32
        %dma_start3A_389 = arith.constant 0 : i32
        %dma_start3A_390 = tpu.memref_slice %arg16[%dma_start3A_388, %dma_start3A_389] : memref<10240x128xf32, #tpu.memory_space<vmem_shared>> -> memref<10240x128xf32, #tpu.memory_space<vmem_shared>>
        tpu.enqueue_indirect_dma source(%arg11 : memref<128x128xf32, #tpu.memory_space<vmem>>) target(%dma_start3A_390 : memref<10240x128xf32, #tpu.memory_space<vmem_shared>>) offsets(%dma_start3A_387 : memref<128xi32, #tpu.memory_space<vmem>>) semaphore(%run_scoped3A_384 : memref<!tpu.dma_semaphore, #tpu.memory_space<semaphore_mem>>) {add = true}
        %dma_wait3A_391 = arith.constant 0 : i32
        %dma_wait3A_392 = tpu.memref_slice %arg9[%run_scoped3A_363, %dma_wait3A_391] : memref<8x128xi32, #tpu.memory_space<vmem>> -> memref<1x128xi32, #tpu.memory_space<vmem>>
        %dma_wait3A_393 = tpu.memref_squeeze %dma_wait3A_392 : memref<1x128xi32, #tpu.memory_space<vmem>> -> memref<128xi32, #tpu.memory_space<vmem>>
        %dma_wait3A_394 = arith.constant 0 : i32
        %dma_wait3A_395 = arith.constant 0 : i32
        %dma_wait3A_396 = tpu.memref_slice %arg16[%dma_wait3A_394, %dma_wait3A_395] : memref<10240x128xf32, #tpu.memory_space<vmem_shared>> -> memref<10240x128xf32, #tpu.memory_space<vmem_shared>>
        tpu.wait_indirect_dma semaphore(%run_scoped3A_384 : memref<!tpu.dma_semaphore, #tpu.memory_space<semaphore_mem>>) src(%arg11 : memref<128x128xf32, #tpu.memory_space<vmem>>) dst(%dma_wait3A_396 : memref<10240x128xf32, #tpu.memory_space<vmem_shared>>)
        tpu.yield
      }) : () -> ()
      %add3A_364 = arith.constant 2 : i32
      %add3A_365 = arith.addi %add3A_225, %add3A_364 : i32
      %min3A_366 = arith.constant 9 : i32
      %min3A_367 = arith.minsi %add3A_365, %min3A_366 : i32
      %dma_start3A_368 = arith.constant 0 : i32
      %dma_start3A_369 = arith.constant 0 : i32
      %dma_start3A_370 = tpu.memref_slice %arg3[%arg0, %arg1, %min3A_367, %dma_start3A_368, %dma_start3A_369] : memref<2x16x10x8x128xi32, #tpu.memory_space<hbm>> -> memref<1x1x1x8x128xi32, #tpu.memory_space<hbm>>
      %dma_start3A_371 = tpu.memref_squeeze %dma_start3A_370 : memref<1x1x1x8x128xi32, #tpu.memory_space<hbm>> -> memref<8x128xi32, #tpu.memory_space<hbm>>
      %dma_start3A_372 = arith.constant 0 : i32
      %dma_start3A_373 = arith.constant 0 : i32
      %dma_start3A_374 = tpu.memref_slice %arg3[%arg0, %arg1, %min3A_367, %dma_start3A_372, %dma_start3A_373] : memref<2x16x10x8x128xi32, #tpu.memory_space<hbm>> -> memref<1x1x1x8x128xi32, #tpu.memory_space<hbm>>
      %dma_start3A_375 = tpu.memref_squeeze %dma_start3A_374 : memref<1x1x1x8x128xi32, #tpu.memory_space<hbm>> -> memref<8x128xi32, #tpu.memory_space<hbm>>
      tpu.enqueue_dma source(%dma_start3A_375 : memref<8x128xi32, #tpu.memory_space<hbm>>) target(%arg8 : memref<8x128xi32, #tpu.memory_space<vmem>>) target_semaphore(%arg15 : memref<!tpu.dma_semaphore, #tpu.memory_space<semaphore_mem>>)
      %dma_start3A_376 = arith.constant 0 : i32
      %dma_start3A_377 = arith.constant 0 : i32
      %dma_start3A_378 = tpu.memref_slice %arg4[%arg1, %min3A_367, %dma_start3A_376, %dma_start3A_377] : memref<16x10x8x128xi32, #tpu.memory_space<hbm>> -> memref<1x1x8x128xi32, #tpu.memory_space<hbm>>
      %dma_start3A_379 = tpu.memref_squeeze %dma_start3A_378 : memref<1x1x8x128xi32, #tpu.memory_space<hbm>> -> memref<8x128xi32, #tpu.memory_space<hbm>>
      %dma_start3A_380 = arith.constant 0 : i32
      %dma_start3A_381 = arith.constant 0 : i32
      %dma_start3A_382 = tpu.memref_slice %arg4[%arg1, %min3A_367, %dma_start3A_380, %dma_start3A_381] : memref<16x10x8x128xi32, #tpu.memory_space<hbm>> -> memref<1x1x8x128xi32, #tpu.memory_space<hbm>>
      %dma_start3A_383 = tpu.memref_squeeze %dma_start3A_382 : memref<1x1x8x128xi32, #tpu.memory_space<hbm>> -> memref<8x128xi32, #tpu.memory_space<hbm>>
      tpu.enqueue_dma source(%dma_start3A_383 : memref<8x128xi32, #tpu.memory_space<hbm>>) target(%arg9 : memref<8x128xi32, #tpu.memory_space<vmem>>) target_semaphore(%arg15 : memref<!tpu.dma_semaphore, #tpu.memory_space<semaphore_mem>>)
    }
    %scan3A_34 = arith.constant 5 : i32
    %dma_wait3A = arith.constant 0 : i32
    %dma_wait3A_35 = arith.constant 0 : i32
    %dma_wait3A_36 = tpu.memref_slice %arg6[%dma_wait3A, %dma_wait3A_35] : memref<8x128xi32, #tpu.memory_space<vmem>> -> memref<1x128xi32, #tpu.memory_space<vmem>>
    %dma_wait3A_37 = tpu.memref_squeeze %dma_wait3A_36 : memref<1x128xi32, #tpu.memory_space<vmem>> -> memref<128xi32, #tpu.memory_space<vmem>>
    %dma_wait3A_38 = arith.constant 0 : i32
    %dma_wait3A_39 = arith.constant 0 : i32
    %dma_wait3A_40 = tpu.memref_slice %arg2[%dma_wait3A_38, %dma_wait3A_39] : memref<20480x128xf32, #tpu.memory_space<hbm>> -> memref<20480x128xf32, #tpu.memory_space<hbm>>
    tpu.wait_indirect_dma semaphore(%arg12 : memref<!tpu.dma_semaphore, #tpu.memory_space<semaphore_mem>>) src(%dma_wait3A_40 : memref<20480x128xf32, #tpu.memory_space<hbm>>) dst(%arg10 : memref<128x128xf32, #tpu.memory_space<vmem>>)
    %dma_wait3A_41 = arith.constant 0 : i32
    %dma_wait3A_42 = arith.constant 0 : i32
    %dma_wait3A_43 = arith.constant 0 : i32
    %dma_wait3A_44 = tpu.memref_slice %arg3[%arg0, %arg1, %dma_wait3A_41, %dma_wait3A_42, %dma_wait3A_43] : memref<2x16x10x8x128xi32, #tpu.memory_space<hbm>> -> memref<1x1x1x8x128xi32, #tpu.memory_space<hbm>>
    %dma_wait3A_45 = tpu.memref_squeeze %dma_wait3A_44 : memref<1x1x1x8x128xi32, #tpu.memory_space<hbm>> -> memref<8x128xi32, #tpu.memory_space<hbm>>
    %dma_wait3A_46 = arith.constant 0 : i32
    %dma_wait3A_47 = arith.constant 0 : i32
    %dma_wait3A_48 = tpu.memref_slice %arg3[%arg0, %arg1, %dma_wait3A_41, %dma_wait3A_46, %dma_wait3A_47] : memref<2x16x10x8x128xi32, #tpu.memory_space<hbm>> -> memref<1x1x1x8x128xi32, #tpu.memory_space<hbm>>
    %dma_wait3A_49 = tpu.memref_squeeze %dma_wait3A_48 : memref<1x1x1x8x128xi32, #tpu.memory_space<hbm>> -> memref<8x128xi32, #tpu.memory_space<hbm>>
    tpu.wait_dma2 semaphore(%arg15 : memref<!tpu.dma_semaphore, #tpu.memory_space<semaphore_mem>>) src(%dma_wait3A_49 : memref<8x128xi32, #tpu.memory_space<hbm>>) dst(%arg8 : memref<8x128xi32, #tpu.memory_space<vmem>>)
    %dma_wait3A_50 = arith.constant 0 : i32
    %dma_wait3A_51 = arith.constant 0 : i32
    %dma_wait3A_52 = arith.constant 0 : i32
    %dma_wait3A_53 = tpu.memref_slice %arg4[%arg1, %dma_wait3A_50, %dma_wait3A_51, %dma_wait3A_52] : memref<16x10x8x128xi32, #tpu.memory_space<hbm>> -> memref<1x1x8x128xi32, #tpu.memory_space<hbm>>
    %dma_wait3A_54 = tpu.memref_squeeze %dma_wait3A_53 : memref<1x1x8x128xi32, #tpu.memory_space<hbm>> -> memref<8x128xi32, #tpu.memory_space<hbm>>
    %dma_wait3A_55 = arith.constant 0 : i32
    %dma_wait3A_56 = arith.constant 0 : i32
    %dma_wait3A_57 = tpu.memref_slice %arg4[%arg1, %dma_wait3A_50, %dma_wait3A_55, %dma_wait3A_56] : memref<16x10x8x128xi32, #tpu.memory_space<hbm>> -> memref<1x1x8x128xi32, #tpu.memory_space<hbm>>
    %dma_wait3A_58 = tpu.memref_squeeze %dma_wait3A_57 : memref<1x1x8x128xi32, #tpu.memory_space<hbm>> -> memref<8x128xi32, #tpu.memory_space<hbm>>
    tpu.wait_dma2 semaphore(%arg15 : memref<!tpu.dma_semaphore, #tpu.memory_space<semaphore_mem>>) src(%dma_wait3A_58 : memref<8x128xi32, #tpu.memory_space<hbm>>) dst(%arg9 : memref<8x128xi32, #tpu.memory_space<vmem>>)
    %barrier3A_59 = arith.constant 0 : index
    tpu.barrier barrier_id(%barrier3A_59)
    %mul3A_60 = arith.constant 640 : i32
    %mul3A_61 = arith.muli %arg1, %mul3A_60 : i32
    %mul3A_62 = arith.constant 640 : i32
    %mul3A_63 = arith.muli %arg1, %mul3A_62 : i32
    "tpu.region"() ({
      %run_scoped3A_64 = tpu.sem_alloc : memref<!tpu.dma_semaphore, #tpu.memory_space<semaphore_mem>>
      %dma_start3A_65 = arith.constant 0 : i32
      %dma_start3A_66 = tpu.memref_slice %arg5[%arg0, %mul3A_63, %dma_start3A_65] : memref<2x10240x128xf32, #tpu.memory_space<hbm>> -> memref<1x640x128xf32, #tpu.memory_space<hbm>>
      %dma_start3A_67 = tpu.memref_squeeze %dma_start3A_66 : memref<1x640x128xf32, #tpu.memory_space<hbm>> -> memref<640x128xf32, #tpu.memory_space<hbm>>
      %dma_start3A_68 = arith.constant 0 : i32
      %dma_start3A_69 = tpu.memref_slice %arg16[%mul3A_61, %dma_start3A_68] : memref<10240x128xf32, #tpu.memory_space<vmem_shared>> -> memref<640x128xf32, #tpu.memory_space<vmem_shared>>
      tpu.enqueue_dma source(%dma_start3A_69 : memref<640x128xf32, #tpu.memory_space<vmem_shared>>) target(%dma_start3A_67 : memref<640x128xf32, #tpu.memory_space<hbm>>) target_semaphore(%run_scoped3A_64 : memref<!tpu.dma_semaphore, #tpu.memory_space<semaphore_mem>>)
      %dma_wait3A_70 = arith.constant 0 : i32
      %dma_wait3A_71 = tpu.memref_slice %arg5[%arg0, %mul3A_63, %dma_wait3A_70] : memref<2x10240x128xf32, #tpu.memory_space<hbm>> -> memref<1x640x128xf32, #tpu.memory_space<hbm>>
      %dma_wait3A_72 = tpu.memref_squeeze %dma_wait3A_71 : memref<1x640x128xf32, #tpu.memory_space<hbm>> -> memref<640x128xf32, #tpu.memory_space<hbm>>
      %dma_wait3A_73 = arith.constant 0 : i32
      %dma_wait3A_74 = tpu.memref_slice %arg16[%mul3A_61, %dma_wait3A_73] : memref<10240x128xf32, #tpu.memory_space<vmem_shared>> -> memref<640x128xf32, #tpu.memory_space<vmem_shared>>
      tpu.wait_dma2 semaphore(%run_scoped3A_64 : memref<!tpu.dma_semaphore, #tpu.memory_space<semaphore_mem>>) src(%dma_wait3A_74 : memref<640x128xf32, #tpu.memory_space<vmem_shared>>) dst(%dma_wait3A_72 : memref<640x128xf32, #tpu.memory_space<hbm>>)
      tpu.yield
    }) : () -> ()
    return
  }
}

#map = affine_map<(d0, d1) -> (0, 0, 0, 0)>
#map1 = affine_map<(d0, d1) -> (0, 0)>
#map2 = affine_map<(d0, d1) -> (0, 0, 0)>
module attributes {stable_mosaic.version = 14 : i64} {
  func.func @_deg_body(%arg0: i32, %arg1: i32, %arg2: memref<16x10x8x128xi32, #tpu.memory_space<hbm>>, %arg3: memref<640x128xf32, #tpu.memory_space<hbm>>, %arg4: memref<2x10240x128xf32, #tpu.memory_space<hbm>>, %arg5: memref<10x8x128xi32, #tpu.memory_space<vmem>>, %arg6: memref<128x128xf32, #tpu.memory_space<vmem>>, %arg7: memref<10240x128xf32, #tpu.memory_space<vmem_shared>>) attributes {dimension_semantics = [#tpu.dimension_semantics<core_parallel>, #tpu.dimension_semantics<subcore_parallel>], iteration_bounds = array<i64: 2, 16>, scalar_prefetch = 0 : i64, scratch_operands = 3 : i64, tpu.core_type = #tpu.core_type<sc_vector_subcore>, window_params = [{transform_indices = #map}, {transform_indices = #map1}, {transform_indices = #map2}]} {
    "tpu.region"() ({
      %run_scoped3A = tpu.sem_alloc : memref<!tpu.dma_semaphore, #tpu.memory_space<semaphore_mem>>
      %dma_start3A = arith.constant 0 : i32
      %dma_start3A_11 = arith.constant 0 : i32
      %dma_start3A_12 = arith.constant 0 : i32
      %dma_start3A_13 = tpu.memref_slice %arg2[%arg1, %dma_start3A, %dma_start3A_11, %dma_start3A_12] : memref<16x10x8x128xi32, #tpu.memory_space<hbm>> -> memref<1x10x8x128xi32, #tpu.memory_space<hbm>>
      %dma_start3A_14 = tpu.memref_squeeze %dma_start3A_13 : memref<1x10x8x128xi32, #tpu.memory_space<hbm>> -> memref<10x8x128xi32, #tpu.memory_space<hbm>>
      %dma_start3A_15 = arith.constant 0 : i32
      %dma_start3A_16 = arith.constant 0 : i32
      %dma_start3A_17 = arith.constant 0 : i32
      %dma_start3A_18 = tpu.memref_slice %arg2[%arg1, %dma_start3A_15, %dma_start3A_16, %dma_start3A_17] : memref<16x10x8x128xi32, #tpu.memory_space<hbm>> -> memref<1x10x8x128xi32, #tpu.memory_space<hbm>>
      %dma_start3A_19 = tpu.memref_squeeze %dma_start3A_18 : memref<1x10x8x128xi32, #tpu.memory_space<hbm>> -> memref<10x8x128xi32, #tpu.memory_space<hbm>>
      tpu.enqueue_dma source(%dma_start3A_19 : memref<10x8x128xi32, #tpu.memory_space<hbm>>) target(%arg5 : memref<10x8x128xi32, #tpu.memory_space<vmem>>) target_semaphore(%run_scoped3A : memref<!tpu.dma_semaphore, #tpu.memory_space<semaphore_mem>>)
      %dma_wait3A = arith.constant 0 : i32
      %dma_wait3A_20 = arith.constant 0 : i32
      %dma_wait3A_21 = arith.constant 0 : i32
      %dma_wait3A_22 = tpu.memref_slice %arg2[%arg1, %dma_wait3A, %dma_wait3A_20, %dma_wait3A_21] : memref<16x10x8x128xi32, #tpu.memory_space<hbm>> -> memref<1x10x8x128xi32, #tpu.memory_space<hbm>>
      %dma_wait3A_23 = tpu.memref_squeeze %dma_wait3A_22 : memref<1x10x8x128xi32, #tpu.memory_space<hbm>> -> memref<10x8x128xi32, #tpu.memory_space<hbm>>
      %dma_wait3A_24 = arith.constant 0 : i32
      %dma_wait3A_25 = arith.constant 0 : i32
      %dma_wait3A_26 = arith.constant 0 : i32
      %dma_wait3A_27 = tpu.memref_slice %arg2[%arg1, %dma_wait3A_24, %dma_wait3A_25, %dma_wait3A_26] : memref<16x10x8x128xi32, #tpu.memory_space<hbm>> -> memref<1x10x8x128xi32, #tpu.memory_space<hbm>>
      %dma_wait3A_28 = tpu.memref_squeeze %dma_wait3A_27 : memref<1x10x8x128xi32, #tpu.memory_space<hbm>> -> memref<10x8x128xi32, #tpu.memory_space<hbm>>
      tpu.wait_dma2 semaphore(%run_scoped3A : memref<!tpu.dma_semaphore, #tpu.memory_space<semaphore_mem>>) src(%dma_wait3A_28 : memref<10x8x128xi32, #tpu.memory_space<hbm>>) dst(%arg5 : memref<10x8x128xi32, #tpu.memory_space<vmem>>)
      tpu.yield
    }) : () -> ()
    "tpu.region"() ({
      %run_scoped3A = tpu.sem_alloc : memref<!tpu.dma_semaphore, #tpu.memory_space<semaphore_mem>>
      %dma_start3A = arith.constant 0 : i32
      %dma_start3A_11 = arith.constant 0 : i32
      %dma_start3A_12 = tpu.memref_slice %arg3[%dma_start3A, %dma_start3A_11] : memref<640x128xf32, #tpu.memory_space<hbm>> -> memref<128x128xf32, #tpu.memory_space<hbm>>
      %dma_start3A_13 = arith.constant 0 : i32
      %dma_start3A_14 = arith.constant 0 : i32
      %dma_start3A_15 = tpu.memref_slice %arg3[%dma_start3A_13, %dma_start3A_14] : memref<640x128xf32, #tpu.memory_space<hbm>> -> memref<128x128xf32, #tpu.memory_space<hbm>>
      tpu.enqueue_dma source(%dma_start3A_15 : memref<128x128xf32, #tpu.memory_space<hbm>>) target(%arg6 : memref<128x128xf32, #tpu.memory_space<vmem>>) target_semaphore(%run_scoped3A : memref<!tpu.dma_semaphore, #tpu.memory_space<semaphore_mem>>)
      %dma_wait3A = arith.constant 0 : i32
      %dma_wait3A_16 = arith.constant 0 : i32
      %dma_wait3A_17 = tpu.memref_slice %arg3[%dma_wait3A, %dma_wait3A_16] : memref<640x128xf32, #tpu.memory_space<hbm>> -> memref<128x128xf32, #tpu.memory_space<hbm>>
      %dma_wait3A_18 = arith.constant 0 : i32
      %dma_wait3A_19 = arith.constant 0 : i32
      %dma_wait3A_20 = tpu.memref_slice %arg3[%dma_wait3A_18, %dma_wait3A_19] : memref<640x128xf32, #tpu.memory_space<hbm>> -> memref<128x128xf32, #tpu.memory_space<hbm>>
      tpu.wait_dma2 semaphore(%run_scoped3A : memref<!tpu.dma_semaphore, #tpu.memory_space<semaphore_mem>>) src(%dma_wait3A_20 : memref<128x128xf32, #tpu.memory_space<hbm>>) dst(%arg6 : memref<128x128xf32, #tpu.memory_space<vmem>>)
      tpu.yield
    }) : () -> ()
    %mul3A = arith.constant 640 : i32
    %mul3A_0 = arith.muli %arg1, %mul3A : i32
    "tpu.region"() ({
      %run_scoped3A = tpu.sem_alloc : memref<!tpu.dma_semaphore, #tpu.memory_space<semaphore_mem>>
      %dma_start3A = arith.constant 0 : i32
      %dma_start3A_11 = tpu.memref_slice %arg7[%mul3A_0, %dma_start3A] : memref<10240x128xf32, #tpu.memory_space<vmem_shared>> -> memref<640x128xf32, #tpu.memory_space<vmem_shared>>
      tpu.enqueue_dma source(%arg3 : memref<640x128xf32, #tpu.memory_space<hbm>>) target(%dma_start3A_11 : memref<640x128xf32, #tpu.memory_space<vmem_shared>>) target_semaphore(%run_scoped3A : memref<!tpu.dma_semaphore, #tpu.memory_space<semaphore_mem>>)
      %dma_wait3A = arith.constant 0 : i32
      %dma_wait3A_12 = tpu.memref_slice %arg7[%mul3A_0, %dma_wait3A] : memref<10240x128xf32, #tpu.memory_space<vmem_shared>> -> memref<640x128xf32, #tpu.memory_space<vmem_shared>>
      tpu.wait_dma2 semaphore(%run_scoped3A : memref<!tpu.dma_semaphore, #tpu.memory_space<semaphore_mem>>) src(%arg3 : memref<640x128xf32, #tpu.memory_space<hbm>>) dst(%dma_wait3A_12 : memref<640x128xf32, #tpu.memory_space<vmem_shared>>)
      tpu.yield
    }) : () -> ()
    %barrier3A = arith.constant 0 : index
    tpu.barrier barrier_id(%barrier3A)
    %scan3A = arith.constant 0 : i32
    %scan3A_1 = arith.constant 0 : i32
    %scan3A_2 = arith.constant 40 : i32
    %scan3A_3 = arith.addi %scan3A_1, %scan3A_2 : i32
    %scan3A_4 = arith.constant 1 : i32
    scf.for %scan3A_11 = %scan3A_1 to %scan3A_3 step %scan3A_4  : i32 {
      %mul3A_12 = arith.constant 40 : i32
      %mul3A_13 = arith.muli %arg0, %mul3A_12 : i32
      %add3A = arith.addi %mul3A_13, %scan3A_11 : i32
      %jit3A = arith.constant 8 : i32
      %div3A = arith.divsi %add3A, %jit3A : i32
      %sign3A = arith.constant 0 : i32
      %sign3A_14 = arith.cmpi sgt, %add3A, %sign3A : i32
      %sign3A_15 = arith.extui %sign3A_14 : i1 to i32
      %sign3A_16 = arith.constant 0 : i32
      %sign3A_17 = arith.cmpi slt, %add3A, %sign3A_16 : i32
      %sign3A_18 = arith.extui %sign3A_17 : i1 to i32
      %sign3A_19 = arith.subi %sign3A_15, %sign3A_18 : i32
      %sign3A_20 = arith.constant 0 : i32
      %sign3A_21 = arith.cmpi sgt, %jit3A, %sign3A_20 : i32
      %sign3A_22 = arith.extui %sign3A_21 : i1 to i32
      %sign3A_23 = arith.constant 0 : i32
      %sign3A_24 = arith.cmpi slt, %jit3A, %sign3A_23 : i32
      %sign3A_25 = arith.extui %sign3A_24 : i1 to i32
      %sign3A_26 = arith.subi %sign3A_22, %sign3A_25 : i32
      %ne3A = arith.cmpi ne, %sign3A_19, %sign3A_26 : i32
      %rem3A = arith.remsi %add3A, %jit3A : i32
      %ne3A_27 = arith.constant 0 : i32
      %ne3A_28 = arith.cmpi ne, %rem3A, %ne3A_27 : i32
      %and3A = arith.andi %ne3A, %ne3A_28 : i1
      %sub3A = arith.constant 1 : i32
      %sub3A_29 = arith.subi %div3A, %sub3A : i32
      %select_n3A = arith.select %and3A, %sub3A_29, %div3A : i32
      %jit3A_30 = arith.constant 8 : i32
      %eq3A = arith.constant 0 : i32
      %eq3A_31 = arith.cmpi eq, %jit3A_30, %eq3A : i32
      %jit3A_32 = arith.constant 1 : i32
      %select_n3A_33 = arith.select %eq3A_31, %jit3A_32, %jit3A_30 : i32
      %rem3A_34 = arith.remsi %add3A, %select_n3A_33 : i32
      %ne3A_35 = arith.constant 0 : i32
      %ne3A_36 = arith.cmpi ne, %rem3A_34, %ne3A_35 : i32
      %lt3A = arith.constant 0 : i32
      %lt3A_37 = arith.cmpi slt, %rem3A_34, %lt3A : i32
      %lt3A_38 = arith.constant 0 : i32
      %lt3A_39 = arith.cmpi slt, %select_n3A_33, %lt3A_38 : i32
      %ne3A_40 = arith.xori %lt3A_37, %lt3A_39 : i1
      %and3A_41 = arith.andi %ne3A_40, %ne3A_36 : i1
      %add3A_42 = arith.addi %rem3A_34, %select_n3A_33 : i32
      %select_n3A_43 = arith.select %and3A_41, %add3A_42, %rem3A_34 : i32
      "tpu.region"() ({
        %run_scoped3A = tpu.sem_alloc : memref<!tpu.dma_semaphore, #tpu.memory_space<semaphore_mem>>
        %dma_start3A = arith.constant 0 : i32
        %dma_start3A_44 = tpu.memref_slice %arg5[%select_n3A, %select_n3A_43, %dma_start3A] : memref<10x8x128xi32, #tpu.memory_space<vmem>> -> memref<1x1x128xi32, #tpu.memory_space<vmem>>
        %dma_start3A_45 = tpu.memref_squeeze %dma_start3A_44 : memref<1x1x128xi32, #tpu.memory_space<vmem>> -> memref<128xi32, #tpu.memory_space<vmem>>
        %dma_start3A_46 = arith.constant 0 : i32
        %dma_start3A_47 = arith.constant 0 : i32
        %dma_start3A_48 = tpu.memref_slice %arg7[%dma_start3A_46, %dma_start3A_47] : memref<10240x128xf32, #tpu.memory_space<vmem_shared>> -> memref<10240x128xf32, #tpu.memory_space<vmem_shared>>
        tpu.enqueue_indirect_dma source(%arg6 : memref<128x128xf32, #tpu.memory_space<vmem>>) target(%dma_start3A_48 : memref<10240x128xf32, #tpu.memory_space<vmem_shared>>) offsets(%dma_start3A_45 : memref<128xi32, #tpu.memory_space<vmem>>) semaphore(%run_scoped3A : memref<!tpu.dma_semaphore, #tpu.memory_space<semaphore_mem>>) {add = true}
        %dma_wait3A = arith.constant 0 : i32
        %dma_wait3A_49 = tpu.memref_slice %arg5[%select_n3A, %select_n3A_43, %dma_wait3A] : memref<10x8x128xi32, #tpu.memory_space<vmem>> -> memref<1x1x128xi32, #tpu.memory_space<vmem>>
        %dma_wait3A_50 = tpu.memref_squeeze %dma_wait3A_49 : memref<1x1x128xi32, #tpu.memory_space<vmem>> -> memref<128xi32, #tpu.memory_space<vmem>>
        %dma_wait3A_51 = arith.constant 0 : i32
        %dma_wait3A_52 = arith.constant 0 : i32
        %dma_wait3A_53 = tpu.memref_slice %arg7[%dma_wait3A_51, %dma_wait3A_52] : memref<10240x128xf32, #tpu.memory_space<vmem_shared>> -> memref<10240x128xf32, #tpu.memory_space<vmem_shared>>
        tpu.wait_indirect_dma semaphore(%run_scoped3A : memref<!tpu.dma_semaphore, #tpu.memory_space<semaphore_mem>>) src(%arg6 : memref<128x128xf32, #tpu.memory_space<vmem>>) dst(%dma_wait3A_53 : memref<10240x128xf32, #tpu.memory_space<vmem_shared>>)
        tpu.yield
      }) : () -> ()
    }
    %scan3A_5 = arith.constant 40 : i32
    %barrier3A_6 = arith.constant 0 : index
    tpu.barrier barrier_id(%barrier3A_6)
    %mul3A_7 = arith.constant 640 : i32
    %mul3A_8 = arith.muli %arg1, %mul3A_7 : i32
    %mul3A_9 = arith.constant 640 : i32
    %mul3A_10 = arith.muli %arg1, %mul3A_9 : i32
    "tpu.region"() ({
      %run_scoped3A = tpu.sem_alloc : memref<!tpu.dma_semaphore, #tpu.memory_space<semaphore_mem>>
      %dma_start3A = arith.constant 0 : i32
      %dma_start3A_11 = tpu.memref_slice %arg4[%arg0, %mul3A_10, %dma_start3A] : memref<2x10240x128xf32, #tpu.memory_space<hbm>> -> memref<1x640x128xf32, #tpu.memory_space<hbm>>
      %dma_start3A_12 = tpu.memref_squeeze %dma_start3A_11 : memref<1x640x128xf32, #tpu.memory_space<hbm>> -> memref<640x128xf32, #tpu.memory_space<hbm>>
      %dma_start3A_13 = arith.constant 0 : i32
      %dma_start3A_14 = tpu.memref_slice %arg7[%mul3A_8, %dma_start3A_13] : memref<10240x128xf32, #tpu.memory_space<vmem_shared>> -> memref<640x128xf32, #tpu.memory_space<vmem_shared>>
      tpu.enqueue_dma source(%dma_start3A_14 : memref<640x128xf32, #tpu.memory_space<vmem_shared>>) target(%dma_start3A_12 : memref<640x128xf32, #tpu.memory_space<hbm>>) target_semaphore(%run_scoped3A : memref<!tpu.dma_semaphore, #tpu.memory_space<semaphore_mem>>)
      %dma_wait3A = arith.constant 0 : i32
      %dma_wait3A_15 = tpu.memref_slice %arg4[%arg0, %mul3A_10, %dma_wait3A] : memref<2x10240x128xf32, #tpu.memory_space<hbm>> -> memref<1x640x128xf32, #tpu.memory_space<hbm>>
      %dma_wait3A_16 = tpu.memref_squeeze %dma_wait3A_15 : memref<1x640x128xf32, #tpu.memory_space<hbm>> -> memref<640x128xf32, #tpu.memory_space<hbm>>
      %dma_wait3A_17 = arith.constant 0 : i32
      %dma_wait3A_18 = tpu.memref_slice %arg7[%mul3A_8, %dma_wait3A_17] : memref<10240x128xf32, #tpu.memory_space<vmem_shared>> -> memref<640x128xf32, #tpu.memory_space<vmem_shared>>
      tpu.wait_dma2 semaphore(%run_scoped3A : memref<!tpu.dma_semaphore, #tpu.memory_space<semaphore_mem>>) src(%dma_wait3A_18 : memref<640x128xf32, #tpu.memory_space<vmem_shared>>) dst(%dma_wait3A_16 : memref<640x128xf32, #tpu.memory_space<hbm>>)
      tpu.yield
    }) : () -> ()
    return
  }
}

#map = affine_map<(d0, d1) -> (0, 0)>
#map1 = affine_map<(d0, d1) -> (0, 0, 0, 0, 0)>
#map2 = affine_map<(d0, d1) -> (0, 0, 0, 0)>
#map3 = affine_map<(d0, d1) -> (0, 0, 0)>
module attributes {stable_mosaic.version = 14 : i64} {
  func.func @_agg_body(%arg0: i32, %arg1: i32, %arg2: memref<20480x128xf32, #tpu.memory_space<hbm>>, %arg3: memref<2x16x10x8x128xi32, #tpu.memory_space<hbm>>, %arg4: memref<16x10x8x128xi32, #tpu.memory_space<hbm>>, %arg5: memref<2x10240x128xf32, #tpu.memory_space<hbm>>, %arg6: memref<8x128xi32, #tpu.memory_space<vmem>>, %arg7: memref<8x128xi32, #tpu.memory_space<vmem>>, %arg8: memref<8x128xi32, #tpu.memory_space<vmem>>, %arg9: memref<8x128xi32, #tpu.memory_space<vmem>>, %arg10: memref<128x128xf32, #tpu.memory_space<vmem>>, %arg11: memref<128x128xf32, #tpu.memory_space<vmem>>, %arg12: memref<!tpu.dma_semaphore, #tpu.memory_space<semaphore_mem>>, %arg13: memref<!tpu.dma_semaphore, #tpu.memory_space<semaphore_mem>>, %arg14: memref<!tpu.dma_semaphore, #tpu.memory_space<semaphore_mem>>, %arg15: memref<!tpu.dma_semaphore, #tpu.memory_space<semaphore_mem>>, %arg16: memref<10240x128xf32, #tpu.memory_space<vmem_shared>>) attributes {dimension_semantics = [#tpu.dimension_semantics<core_parallel>, #tpu.dimension_semantics<subcore_parallel>], iteration_bounds = array<i64: 2, 16>, scalar_prefetch = 0 : i64, scratch_operands = 11 : i64, tpu.core_type = #tpu.core_type<sc_vector_subcore>, window_params = [{transform_indices = #map}, {transform_indices = #map1}, {transform_indices = #map2}, {transform_indices = #map3}]} {
    %run_scoped3A = arith.constant 0 : i32
    "tpu.region"() ({
      %run_scoped3A_64 = tpu.sem_alloc : memref<!tpu.dma_semaphore, #tpu.memory_space<semaphore_mem>>
      %dma_start3A_65 = arith.constant 0 : i32
      %dma_start3A_66 = arith.constant 0 : i32
      %dma_start3A_67 = tpu.memref_slice %arg3[%arg0, %arg1, %run_scoped3A, %dma_start3A_65, %dma_start3A_66] : memref<2x16x10x8x128xi32, #tpu.memory_space<hbm>> -> memref<1x1x1x8x128xi32, #tpu.memory_space<hbm>>
      %dma_start3A_68 = tpu.memref_squeeze %dma_start3A_67 : memref<1x1x1x8x128xi32, #tpu.memory_space<hbm>> -> memref<8x128xi32, #tpu.memory_space<hbm>>
      %dma_start3A_69 = arith.constant 0 : i32
      %dma_start3A_70 = arith.constant 0 : i32
      %dma_start3A_71 = tpu.memref_slice %arg3[%arg0, %arg1, %run_scoped3A, %dma_start3A_69, %dma_start3A_70] : memref<2x16x10x8x128xi32, #tpu.memory_space<hbm>> -> memref<1x1x1x8x128xi32, #tpu.memory_space<hbm>>
      %dma_start3A_72 = tpu.memref_squeeze %dma_start3A_71 : memref<1x1x1x8x128xi32, #tpu.memory_space<hbm>> -> memref<8x128xi32, #tpu.memory_space<hbm>>
      tpu.enqueue_dma source(%dma_start3A_72 : memref<8x128xi32, #tpu.memory_space<hbm>>) target(%arg6 : memref<8x128xi32, #tpu.memory_space<vmem>>) target_semaphore(%run_scoped3A_64 : memref<!tpu.dma_semaphore, #tpu.memory_space<semaphore_mem>>)
      %dma_wait3A_73 = arith.constant 0 : i32
      %dma_wait3A_74 = arith.constant 0 : i32
      %dma_wait3A_75 = tpu.memref_slice %arg3[%arg0, %arg1, %run_scoped3A, %dma_wait3A_73, %dma_wait3A_74] : memref<2x16x10x8x128xi32, #tpu.memory_space<hbm>> -> memref<1x1x1x8x128xi32, #tpu.memory_space<hbm>>
      %dma_wait3A_76 = tpu.memref_squeeze %dma_wait3A_75 : memref<1x1x1x8x128xi32, #tpu.memory_space<hbm>> -> memref<8x128xi32, #tpu.memory_space<hbm>>
      %dma_wait3A_77 = arith.constant 0 : i32
      %dma_wait3A_78 = arith.constant 0 : i32
      %dma_wait3A_79 = tpu.memref_slice %arg3[%arg0, %arg1, %run_scoped3A, %dma_wait3A_77, %dma_wait3A_78] : memref<2x16x10x8x128xi32, #tpu.memory_space<hbm>> -> memref<1x1x1x8x128xi32, #tpu.memory_space<hbm>>
      %dma_wait3A_80 = tpu.memref_squeeze %dma_wait3A_79 : memref<1x1x1x8x128xi32, #tpu.memory_space<hbm>> -> memref<8x128xi32, #tpu.memory_space<hbm>>
      tpu.wait_dma2 semaphore(%run_scoped3A_64 : memref<!tpu.dma_semaphore, #tpu.memory_space<semaphore_mem>>) src(%dma_wait3A_80 : memref<8x128xi32, #tpu.memory_space<hbm>>) dst(%arg6 : memref<8x128xi32, #tpu.memory_space<vmem>>)
      tpu.yield
    }) : () -> ()
    %run_scoped3A_0 = arith.constant 0 : i32
    "tpu.region"() ({
      %run_scoped3A_64 = tpu.sem_alloc : memref<!tpu.dma_semaphore, #tpu.memory_space<semaphore_mem>>
      %dma_start3A_65 = arith.constant 0 : i32
      %dma_start3A_66 = arith.constant 0 : i32
      %dma_start3A_67 = tpu.memref_slice %arg4[%arg1, %run_scoped3A_0, %dma_start3A_65, %dma_start3A_66] : memref<16x10x8x128xi32, #tpu.memory_space<hbm>> -> memref<1x1x8x128xi32, #tpu.memory_space<hbm>>
      %dma_start3A_68 = tpu.memref_squeeze %dma_start3A_67 : memref<1x1x8x128xi32, #tpu.memory_space<hbm>> -> memref<8x128xi32, #tpu.memory_space<hbm>>
      %dma_start3A_69 = arith.constant 0 : i32
      %dma_start3A_70 = arith.constant 0 : i32
      %dma_start3A_71 = tpu.memref_slice %arg4[%arg1, %run_scoped3A_0, %dma_start3A_69, %dma_start3A_70] : memref<16x10x8x128xi32, #tpu.memory_space<hbm>> -> memref<1x1x8x128xi32, #tpu.memory_space<hbm>>
      %dma_start3A_72 = tpu.memref_squeeze %dma_start3A_71 : memref<1x1x8x128xi32, #tpu.memory_space<hbm>> -> memref<8x128xi32, #tpu.memory_space<hbm>>
      tpu.enqueue_dma source(%dma_start3A_72 : memref<8x128xi32, #tpu.memory_space<hbm>>) target(%arg7 : memref<8x128xi32, #tpu.memory_space<vmem>>) target_semaphore(%run_scoped3A_64 : memref<!tpu.dma_semaphore, #tpu.memory_space<semaphore_mem>>)
      %dma_wait3A_73 = arith.constant 0 : i32
      %dma_wait3A_74 = arith.constant 0 : i32
      %dma_wait3A_75 = tpu.memref_slice %arg4[%arg1, %run_scoped3A_0, %dma_wait3A_73, %dma_wait3A_74] : memref<16x10x8x128xi32, #tpu.memory_space<hbm>> -> memref<1x1x8x128xi32, #tpu.memory_space<hbm>>
      %dma_wait3A_76 = tpu.memref_squeeze %dma_wait3A_75 : memref<1x1x8x128xi32, #tpu.memory_space<hbm>> -> memref<8x128xi32, #tpu.memory_space<hbm>>
      %dma_wait3A_77 = arith.constant 0 : i32
      %dma_wait3A_78 = arith.constant 0 : i32
      %dma_wait3A_79 = tpu.memref_slice %arg4[%arg1, %run_scoped3A_0, %dma_wait3A_77, %dma_wait3A_78] : memref<16x10x8x128xi32, #tpu.memory_space<hbm>> -> memref<1x1x8x128xi32, #tpu.memory_space<hbm>>
      %dma_wait3A_80 = tpu.memref_squeeze %dma_wait3A_79 : memref<1x1x8x128xi32, #tpu.memory_space<hbm>> -> memref<8x128xi32, #tpu.memory_space<hbm>>
      tpu.wait_dma2 semaphore(%run_scoped3A_64 : memref<!tpu.dma_semaphore, #tpu.memory_space<semaphore_mem>>) src(%dma_wait3A_80 : memref<8x128xi32, #tpu.memory_space<hbm>>) dst(%arg7 : memref<8x128xi32, #tpu.memory_space<vmem>>)
      tpu.yield
    }) : () -> ()
    %mul3A = arith.constant 10240 : i32
    %mul3A_1 = arith.muli %arg0, %mul3A : i32
    %mul3A_2 = arith.constant 640 : i32
    %mul3A_3 = arith.muli %arg1, %mul3A_2 : i32
    %add3A = arith.addi %mul3A_1, %mul3A_3 : i32
    %mul3A_4 = arith.constant 640 : i32
    %mul3A_5 = arith.muli %arg1, %mul3A_4 : i32
    "tpu.region"() ({
      %run_scoped3A_64 = tpu.sem_alloc : memref<!tpu.dma_semaphore, #tpu.memory_space<semaphore_mem>>
      %dma_start3A_65 = arith.constant 0 : i32
      %dma_start3A_66 = tpu.memref_slice %arg16[%mul3A_5, %dma_start3A_65] : memref<10240x128xf32, #tpu.memory_space<vmem_shared>> -> memref<640x128xf32, #tpu.memory_space<vmem_shared>>
      %dma_start3A_67 = arith.constant 0 : i32
      %dma_start3A_68 = tpu.memref_slice %arg2[%add3A, %dma_start3A_67] : memref<20480x128xf32, #tpu.memory_space<hbm>> -> memref<640x128xf32, #tpu.memory_space<hbm>>
      tpu.enqueue_dma source(%dma_start3A_68 : memref<640x128xf32, #tpu.memory_space<hbm>>) target(%dma_start3A_66 : memref<640x128xf32, #tpu.memory_space<vmem_shared>>) target_semaphore(%run_scoped3A_64 : memref<!tpu.dma_semaphore, #tpu.memory_space<semaphore_mem>>)
      %dma_wait3A_69 = arith.constant 0 : i32
      %dma_wait3A_70 = tpu.memref_slice %arg16[%mul3A_5, %dma_wait3A_69] : memref<10240x128xf32, #tpu.memory_space<vmem_shared>> -> memref<640x128xf32, #tpu.memory_space<vmem_shared>>
      %dma_wait3A_71 = arith.constant 0 : i32
      %dma_wait3A_72 = tpu.memref_slice %arg2[%add3A, %dma_wait3A_71] : memref<20480x128xf32, #tpu.memory_space<hbm>> -> memref<640x128xf32, #tpu.memory_space<hbm>>
      tpu.wait_dma2 semaphore(%run_scoped3A_64 : memref<!tpu.dma_semaphore, #tpu.memory_space<semaphore_mem>>) src(%dma_wait3A_72 : memref<640x128xf32, #tpu.memory_space<hbm>>) dst(%dma_wait3A_70 : memref<640x128xf32, #tpu.memory_space<vmem_shared>>)
      tpu.yield
    }) : () -> ()
    %barrier3A = arith.constant 0 : index
    tpu.barrier barrier_id(%barrier3A)
    %dma_start3A = arith.constant 1 : i32
    %dma_start3A_6 = arith.constant 0 : i32
    %dma_start3A_7 = arith.constant 0 : i32
    %dma_start3A_8 = tpu.memref_slice %arg3[%arg0, %arg1, %dma_start3A, %dma_start3A_6, %dma_start3A_7] : memref<2x16x10x8x128xi32, #tpu.memory_space<hbm>> -> memref<1x1x1x8x128xi32, #tpu.memory_space<hbm>>
    %dma_start3A_9 = tpu.memref_squeeze %dma_start3A_8 : memref<1x1x1x8x128xi32, #tpu.memory_space<hbm>> -> memref<8x128xi32, #tpu.memory_space<hbm>>
    %dma_start3A_10 = arith.constant 0 : i32
    %dma_start3A_11 = arith.constant 0 : i32
    %dma_start3A_12 = tpu.memref_slice %arg3[%arg0, %arg1, %dma_start3A, %dma_start3A_10, %dma_start3A_11] : memref<2x16x10x8x128xi32, #tpu.memory_space<hbm>> -> memref<1x1x1x8x128xi32, #tpu.memory_space<hbm>>
    %dma_start3A_13 = tpu.memref_squeeze %dma_start3A_12 : memref<1x1x1x8x128xi32, #tpu.memory_space<hbm>> -> memref<8x128xi32, #tpu.memory_space<hbm>>
    tpu.enqueue_dma source(%dma_start3A_13 : memref<8x128xi32, #tpu.memory_space<hbm>>) target(%arg8 : memref<8x128xi32, #tpu.memory_space<vmem>>) target_semaphore(%arg15 : memref<!tpu.dma_semaphore, #tpu.memory_space<semaphore_mem>>)
    %dma_start3A_14 = arith.constant 1 : i32
    %dma_start3A_15 = arith.constant 0 : i32
    %dma_start3A_16 = arith.constant 0 : i32
    %dma_start3A_17 = tpu.memref_slice %arg4[%arg1, %dma_start3A_14, %dma_start3A_15, %dma_start3A_16] : memref<16x10x8x128xi32, #tpu.memory_space<hbm>> -> memref<1x1x8x128xi32, #tpu.memory_space<hbm>>
    %dma_start3A_18 = tpu.memref_squeeze %dma_start3A_17 : memref<1x1x8x128xi32, #tpu.memory_space<hbm>> -> memref<8x128xi32, #tpu.memory_space<hbm>>
    %dma_start3A_19 = arith.constant 0 : i32
    %dma_start3A_20 = arith.constant 0 : i32
    %dma_start3A_21 = tpu.memref_slice %arg4[%arg1, %dma_start3A_14, %dma_start3A_19, %dma_start3A_20] : memref<16x10x8x128xi32, #tpu.memory_space<hbm>> -> memref<1x1x8x128xi32, #tpu.memory_space<hbm>>
    %dma_start3A_22 = tpu.memref_squeeze %dma_start3A_21 : memref<1x1x8x128xi32, #tpu.memory_space<hbm>> -> memref<8x128xi32, #tpu.memory_space<hbm>>
    tpu.enqueue_dma source(%dma_start3A_22 : memref<8x128xi32, #tpu.memory_space<hbm>>) target(%arg9 : memref<8x128xi32, #tpu.memory_space<vmem>>) target_semaphore(%arg15 : memref<!tpu.dma_semaphore, #tpu.memory_space<semaphore_mem>>)
    %dma_start3A_23 = arith.constant 0 : i32
    %dma_start3A_24 = arith.constant 0 : i32
    %dma_start3A_25 = tpu.memref_slice %arg6[%dma_start3A_23, %dma_start3A_24] : memref<8x128xi32, #tpu.memory_space<vmem>> -> memref<1x128xi32, #tpu.memory_space<vmem>>
    %dma_start3A_26 = tpu.memref_squeeze %dma_start3A_25 : memref<1x128xi32, #tpu.memory_space<vmem>> -> memref<128xi32, #tpu.memory_space<vmem>>
    %dma_start3A_27 = arith.constant 0 : i32
    %dma_start3A_28 = arith.constant 0 : i32
    %dma_start3A_29 = tpu.memref_slice %arg2[%dma_start3A_27, %dma_start3A_28] : memref<20480x128xf32, #tpu.memory_space<hbm>> -> memref<20480x128xf32, #tpu.memory_space<hbm>>
    tpu.enqueue_indirect_dma source(%dma_start3A_29 : memref<20480x128xf32, #tpu.memory_space<hbm>>) target(%arg10 : memref<128x128xf32, #tpu.memory_space<vmem>>) offsets(%dma_start3A_26 : memref<128xi32, #tpu.memory_space<vmem>>) semaphore(%arg12 : memref<!tpu.dma_semaphore, #tpu.memory_space<semaphore_mem>>)
    %scan3A = arith.constant 0 : i32
    %scan3A_30 = arith.constant 0 : i32
    %scan3A_31 = arith.constant 5 : i32
    %scan3A_32 = arith.addi %scan3A_30, %scan3A_31 : i32
    %scan3A_33 = arith.constant 1 : i32
    scf.for %scan3A_64 = %scan3A_30 to %scan3A_32 step %scan3A_33  : i32 {
      %mul3A_65 = arith.constant 2 : i32
      %mul3A_66 = arith.muli %mul3A_65, %scan3A_64 : i32
      %dma_wait3A_67 = arith.constant 0 : i32
      %dma_wait3A_68 = arith.constant 0 : i32
      %dma_wait3A_69 = arith.constant 0 : i32
      %dma_wait3A_70 = tpu.memref_slice %arg3[%arg0, %arg1, %dma_wait3A_67, %dma_wait3A_68, %dma_wait3A_69] : memref<2x16x10x8x128xi32, #tpu.memory_space<hbm>> -> memref<1x1x1x8x128xi32, #tpu.memory_space<hbm>>
      %dma_wait3A_71 = tpu.memref_squeeze %dma_wait3A_70 : memref<1x1x1x8x128xi32, #tpu.memory_space<hbm>> -> memref<8x128xi32, #tpu.memory_space<hbm>>
      %dma_wait3A_72 = arith.constant 0 : i32
      %dma_wait3A_73 = arith.constant 0 : i32
      %dma_wait3A_74 = tpu.memref_slice %arg3[%arg0, %arg1, %dma_wait3A_67, %dma_wait3A_72, %dma_wait3A_73] : memref<2x16x10x8x128xi32, #tpu.memory_space<hbm>> -> memref<1x1x1x8x128xi32, #tpu.memory_space<hbm>>
      %dma_wait3A_75 = tpu.memref_squeeze %dma_wait3A_74 : memref<1x1x1x8x128xi32, #tpu.memory_space<hbm>> -> memref<8x128xi32, #tpu.memory_space<hbm>>
      tpu.wait_dma2 semaphore(%arg15 : memref<!tpu.dma_semaphore, #tpu.memory_space<semaphore_mem>>) src(%dma_wait3A_75 : memref<8x128xi32, #tpu.memory_space<hbm>>) dst(%arg8 : memref<8x128xi32, #tpu.memory_space<vmem>>)
      %dma_wait3A_76 = arith.constant 0 : i32
      %dma_wait3A_77 = arith.constant 0 : i32
      %dma_wait3A_78 = arith.constant 0 : i32
      %dma_wait3A_79 = tpu.memref_slice %arg4[%arg1, %dma_wait3A_76, %dma_wait3A_77, %dma_wait3A_78] : memref<16x10x8x128xi32, #tpu.memory_space<hbm>> -> memref<1x1x8x128xi32, #tpu.memory_space<hbm>>
      %dma_wait3A_80 = tpu.memref_squeeze %dma_wait3A_79 : memref<1x1x8x128xi32, #tpu.memory_space<hbm>> -> memref<8x128xi32, #tpu.memory_space<hbm>>
      %dma_wait3A_81 = arith.constant 0 : i32
      %dma_wait3A_82 = arith.constant 0 : i32
      %dma_wait3A_83 = tpu.memref_slice %arg4[%arg1, %dma_wait3A_76, %dma_wait3A_81, %dma_wait3A_82] : memref<16x10x8x128xi32, #tpu.memory_space<hbm>> -> memref<1x1x8x128xi32, #tpu.memory_space<hbm>>
      %dma_wait3A_84 = tpu.memref_squeeze %dma_wait3A_83 : memref<1x1x8x128xi32, #tpu.memory_space<hbm>> -> memref<8x128xi32, #tpu.memory_space<hbm>>
      tpu.wait_dma2 semaphore(%arg15 : memref<!tpu.dma_semaphore, #tpu.memory_space<semaphore_mem>>) src(%dma_wait3A_84 : memref<8x128xi32, #tpu.memory_space<hbm>>) dst(%arg9 : memref<8x128xi32, #tpu.memory_space<vmem>>)
      %dma_start3A_85 = arith.constant 1 : i32
      %dma_start3A_86 = arith.constant 0 : i32
      %dma_start3A_87 = tpu.memref_slice %arg6[%dma_start3A_85, %dma_start3A_86] : memref<8x128xi32, #tpu.memory_space<vmem>> -> memref<1x128xi32, #tpu.memory_space<vmem>>
      %dma_start3A_88 = tpu.memref_squeeze %dma_start3A_87 : memref<1x128xi32, #tpu.memory_space<vmem>> -> memref<128xi32, #tpu.memory_space<vmem>>
      %dma_start3A_89 = arith.constant 0 : i32
      %dma_start3A_90 = arith.constant 0 : i32
      %dma_start3A_91 = tpu.memref_slice %arg2[%dma_start3A_89, %dma_start3A_90] : memref<20480x128xf32, #tpu.memory_space<hbm>> -> memref<20480x128xf32, #tpu.memory_space<hbm>>
      tpu.enqueue_indirect_dma source(%dma_start3A_91 : memref<20480x128xf32, #tpu.memory_space<hbm>>) target(%arg11 : memref<128x128xf32, #tpu.memory_space<vmem>>) offsets(%dma_start3A_88 : memref<128xi32, #tpu.memory_space<vmem>>) semaphore(%arg13 : memref<!tpu.dma_semaphore, #tpu.memory_space<semaphore_mem>>)
      %dma_wait3A_92 = arith.constant 0 : i32
      %dma_wait3A_93 = arith.constant 0 : i32
      %dma_wait3A_94 = tpu.memref_slice %arg6[%dma_wait3A_92, %dma_wait3A_93] : memref<8x128xi32, #tpu.memory_space<vmem>> -> memref<1x128xi32, #tpu.memory_space<vmem>>
      %dma_wait3A_95 = tpu.memref_squeeze %dma_wait3A_94 : memref<1x128xi32, #tpu.memory_space<vmem>> -> memref<128xi32, #tpu.memory_space<vmem>>
      %dma_wait3A_96 = arith.constant 0 : i32
      %dma_wait3A_97 = arith.constant 0 : i32
      %dma_wait3A_98 = tpu.memref_slice %arg2[%dma_wait3A_96, %dma_wait3A_97] : memref<20480x128xf32, #tpu.memory_space<hbm>> -> memref<20480x128xf32, #tpu.memory_space<hbm>>
      tpu.wait_indirect_dma semaphore(%arg12 : memref<!tpu.dma_semaphore, #tpu.memory_space<semaphore_mem>>) src(%dma_wait3A_98 : memref<20480x128xf32, #tpu.memory_space<hbm>>) dst(%arg10 : memref<128x128xf32, #tpu.memory_space<vmem>>)
      %run_scoped3A_99 = arith.constant 0 : i32
      "tpu.region"() ({
        %run_scoped3A_384 = tpu.sem_alloc : memref<!tpu.dma_semaphore, #tpu.memory_space<semaphore_mem>>
        %dma_start3A_385 = arith.constant 0 : i32
        %dma_start3A_386 = tpu.memref_slice %arg7[%run_scoped3A_99, %dma_start3A_385] : memref<8x128xi32, #tpu.memory_space<vmem>> -> memref<1x128xi32, #tpu.memory_space<vmem>>
        %dma_start3A_387 = tpu.memref_squeeze %dma_start3A_386 : memref<1x128xi32, #tpu.memory_space<vmem>> -> memref<128xi32, #tpu.memory_space<vmem>>
        %dma_start3A_388 = arith.constant 0 : i32
        %dma_start3A_389 = arith.constant 0 : i32
        %dma_start3A_390 = tpu.memref_slice %arg16[%dma_start3A_388, %dma_start3A_389] : memref<10240x128xf32, #tpu.memory_space<vmem_shared>> -> memref<10240x128xf32, #tpu.memory_space<vmem_shared>>
        tpu.enqueue_indirect_dma source(%arg10 : memref<128x128xf32, #tpu.memory_space<vmem>>) target(%dma_start3A_390 : memref<10240x128xf32, #tpu.memory_space<vmem_shared>>) offsets(%dma_start3A_387 : memref<128xi32, #tpu.memory_space<vmem>>) semaphore(%run_scoped3A_384 : memref<!tpu.dma_semaphore, #tpu.memory_space<semaphore_mem>>) {add = true}
        %dma_wait3A_391 = arith.constant 0 : i32
        %dma_wait3A_392 = tpu.memref_slice %arg7[%run_scoped3A_99, %dma_wait3A_391] : memref<8x128xi32, #tpu.memory_space<vmem>> -> memref<1x128xi32, #tpu.memory_space<vmem>>
        %dma_wait3A_393 = tpu.memref_squeeze %dma_wait3A_392 : memref<1x128xi32, #tpu.memory_space<vmem>> -> memref<128xi32, #tpu.memory_space<vmem>>
        %dma_wait3A_394 = arith.constant 0 : i32
        %dma_wait3A_395 = arith.constant 0 : i32
        %dma_wait3A_396 = tpu.memref_slice %arg16[%dma_wait3A_394, %dma_wait3A_395] : memref<10240x128xf32, #tpu.memory_space<vmem_shared>> -> memref<10240x128xf32, #tpu.memory_space<vmem_shared>>
        tpu.wait_indirect_dma semaphore(%run_scoped3A_384 : memref<!tpu.dma_semaphore, #tpu.memory_space<semaphore_mem>>) src(%arg10 : memref<128x128xf32, #tpu.memory_space<vmem>>) dst(%dma_wait3A_396 : memref<10240x128xf32, #tpu.memory_space<vmem_shared>>)
        tpu.yield
      }) : () -> ()
      %dma_start3A_100 = arith.constant 2 : i32
      %dma_start3A_101 = arith.constant 0 : i32
      %dma_start3A_102 = tpu.memref_slice %arg6[%dma_start3A_100, %dma_start3A_101] : memref<8x128xi32, #tpu.memory_space<vmem>> -> memref<1x128xi32, #tpu.memory_space<vmem>>
      %dma_start3A_103 = tpu.memref_squeeze %dma_start3A_102 : memref<1x128xi32, #tpu.memory_space<vmem>> -> memref<128xi32, #tpu.memory_space<vmem>>
      %dma_start3A_104 = arith.constant 0 : i32
      %dma_start3A_105 = arith.constant 0 : i32
      %dma_start3A_106 = tpu.memref_slice %arg2[%dma_start3A_104, %dma_start3A_105] : memref<20480x128xf32, #tpu.memory_space<hbm>> -> memref<20480x128xf32, #tpu.memory_space<hbm>>
      tpu.enqueue_indirect_dma source(%dma_start3A_106 : memref<20480x128xf32, #tpu.memory_space<hbm>>) target(%arg10 : memref<128x128xf32, #tpu.memory_space<vmem>>) offsets(%dma_start3A_103 : memref<128xi32, #tpu.memory_space<vmem>>) semaphore(%arg12 : memref<!tpu.dma_semaphore, #tpu.memory_space<semaphore_mem>>)
      %dma_wait3A_107 = arith.constant 0 : i32
      %dma_wait3A_108 = arith.constant 0 : i32
      %dma_wait3A_109 = tpu.memref_slice %arg6[%dma_wait3A_107, %dma_wait3A_108] : memref<8x128xi32, #tpu.memory_space<vmem>> -> memref<1x128xi32, #tpu.memory_space<vmem>>
      %dma_wait3A_110 = tpu.memref_squeeze %dma_wait3A_109 : memref<1x128xi32, #tpu.memory_space<vmem>> -> memref<128xi32, #tpu.memory_space<vmem>>
      %dma_wait3A_111 = arith.constant 0 : i32
      %dma_wait3A_112 = arith.constant 0 : i32
      %dma_wait3A_113 = tpu.memref_slice %arg2[%dma_wait3A_111, %dma_wait3A_112] : memref<20480x128xf32, #tpu.memory_space<hbm>> -> memref<20480x128xf32, #tpu.memory_space<hbm>>
      tpu.wait_indirect_dma semaphore(%arg13 : memref<!tpu.dma_semaphore, #tpu.memory_space<semaphore_mem>>) src(%dma_wait3A_113 : memref<20480x128xf32, #tpu.memory_space<hbm>>) dst(%arg11 : memref<128x128xf32, #tpu.memory_space<vmem>>)
      %run_scoped3A_114 = arith.constant 1 : i32
      "tpu.region"() ({
        %run_scoped3A_384 = tpu.sem_alloc : memref<!tpu.dma_semaphore, #tpu.memory_space<semaphore_mem>>
        %dma_start3A_385 = arith.constant 0 : i32
        %dma_start3A_386 = tpu.memref_slice %arg7[%run_scoped3A_114, %dma_start3A_385] : memref<8x128xi32, #tpu.memory_space<vmem>> -> memref<1x128xi32, #tpu.memory_space<vmem>>
        %dma_start3A_387 = tpu.memref_squeeze %dma_start3A_386 : memref<1x128xi32, #tpu.memory_space<vmem>> -> memref<128xi32, #tpu.memory_space<vmem>>
        %dma_start3A_388 = arith.constant 0 : i32
        %dma_start3A_389 = arith.constant 0 : i32
        %dma_start3A_390 = tpu.memref_slice %arg16[%dma_start3A_388, %dma_start3A_389] : memref<10240x128xf32, #tpu.memory_space<vmem_shared>> -> memref<10240x128xf32, #tpu.memory_space<vmem_shared>>
        tpu.enqueue_indirect_dma source(%arg11 : memref<128x128xf32, #tpu.memory_space<vmem>>) target(%dma_start3A_390 : memref<10240x128xf32, #tpu.memory_space<vmem_shared>>) offsets(%dma_start3A_387 : memref<128xi32, #tpu.memory_space<vmem>>) semaphore(%run_scoped3A_384 : memref<!tpu.dma_semaphore, #tpu.memory_space<semaphore_mem>>) {add = true}
        %dma_wait3A_391 = arith.constant 0 : i32
        %dma_wait3A_392 = tpu.memref_slice %arg7[%run_scoped3A_114, %dma_wait3A_391] : memref<8x128xi32, #tpu.memory_space<vmem>> -> memref<1x128xi32, #tpu.memory_space<vmem>>
        %dma_wait3A_393 = tpu.memref_squeeze %dma_wait3A_392 : memref<1x128xi32, #tpu.memory_space<vmem>> -> memref<128xi32, #tpu.memory_space<vmem>>
        %dma_wait3A_394 = arith.constant 0 : i32
        %dma_wait3A_395 = arith.constant 0 : i32
        %dma_wait3A_396 = tpu.memref_slice %arg16[%dma_wait3A_394, %dma_wait3A_395] : memref<10240x128xf32, #tpu.memory_space<vmem_shared>> -> memref<10240x128xf32, #tpu.memory_space<vmem_shared>>
        tpu.wait_indirect_dma semaphore(%run_scoped3A_384 : memref<!tpu.dma_semaphore, #tpu.memory_space<semaphore_mem>>) src(%arg11 : memref<128x128xf32, #tpu.memory_space<vmem>>) dst(%dma_wait3A_396 : memref<10240x128xf32, #tpu.memory_space<vmem_shared>>)
        tpu.yield
      }) : () -> ()
      %dma_start3A_115 = arith.constant 3 : i32
      %dma_start3A_116 = arith.constant 0 : i32
      %dma_start3A_117 = tpu.memref_slice %arg6[%dma_start3A_115, %dma_start3A_116] : memref<8x128xi32, #tpu.memory_space<vmem>> -> memref<1x128xi32, #tpu.memory_space<vmem>>
      %dma_start3A_118 = tpu.memref_squeeze %dma_start3A_117 : memref<1x128xi32, #tpu.memory_space<vmem>> -> memref<128xi32, #tpu.memory_space<vmem>>
      %dma_start3A_119 = arith.constant 0 : i32
      %dma_start3A_120 = arith.constant 0 : i32
      %dma_start3A_121 = tpu.memref_slice %arg2[%dma_start3A_119, %dma_start3A_120] : memref<20480x128xf32, #tpu.memory_space<hbm>> -> memref<20480x128xf32, #tpu.memory_space<hbm>>
      tpu.enqueue_indirect_dma source(%dma_start3A_121 : memref<20480x128xf32, #tpu.memory_space<hbm>>) target(%arg11 : memref<128x128xf32, #tpu.memory_space<vmem>>) offsets(%dma_start3A_118 : memref<128xi32, #tpu.memory_space<vmem>>) semaphore(%arg13 : memref<!tpu.dma_semaphore, #tpu.memory_space<semaphore_mem>>)
      %dma_wait3A_122 = arith.constant 0 : i32
      %dma_wait3A_123 = arith.constant 0 : i32
      %dma_wait3A_124 = tpu.memref_slice %arg6[%dma_wait3A_122, %dma_wait3A_123] : memref<8x128xi32, #tpu.memory_space<vmem>> -> memref<1x128xi32, #tpu.memory_space<vmem>>
      %dma_wait3A_125 = tpu.memref_squeeze %dma_wait3A_124 : memref<1x128xi32, #tpu.memory_space<vmem>> -> memref<128xi32, #tpu.memory_space<vmem>>
      %dma_wait3A_126 = arith.constant 0 : i32
      %dma_wait3A_127 = arith.constant 0 : i32
      %dma_wait3A_128 = tpu.memref_slice %arg2[%dma_wait3A_126, %dma_wait3A_127] : memref<20480x128xf32, #tpu.memory_space<hbm>> -> memref<20480x128xf32, #tpu.memory_space<hbm>>
      tpu.wait_indirect_dma semaphore(%arg12 : memref<!tpu.dma_semaphore, #tpu.memory_space<semaphore_mem>>) src(%dma_wait3A_128 : memref<20480x128xf32, #tpu.memory_space<hbm>>) dst(%arg10 : memref<128x128xf32, #tpu.memory_space<vmem>>)
      %run_scoped3A_129 = arith.constant 2 : i32
      "tpu.region"() ({
        %run_scoped3A_384 = tpu.sem_alloc : memref<!tpu.dma_semaphore, #tpu.memory_space<semaphore_mem>>
        %dma_start3A_385 = arith.constant 0 : i32
        %dma_start3A_386 = tpu.memref_slice %arg7[%run_scoped3A_129, %dma_start3A_385] : memref<8x128xi32, #tpu.memory_space<vmem>> -> memref<1x128xi32, #tpu.memory_space<vmem>>
        %dma_start3A_387 = tpu.memref_squeeze %dma_start3A_386 : memref<1x128xi32, #tpu.memory_space<vmem>> -> memref<128xi32, #tpu.memory_space<vmem>>
        %dma_start3A_388 = arith.constant 0 : i32
        %dma_start3A_389 = arith.constant 0 : i32
        %dma_start3A_390 = tpu.memref_slice %arg16[%dma_start3A_388, %dma_start3A_389] : memref<10240x128xf32, #tpu.memory_space<vmem_shared>> -> memref<10240x128xf32, #tpu.memory_space<vmem_shared>>
        tpu.enqueue_indirect_dma source(%arg10 : memref<128x128xf32, #tpu.memory_space<vmem>>) target(%dma_start3A_390 : memref<10240x128xf32, #tpu.memory_space<vmem_shared>>) offsets(%dma_start3A_387 : memref<128xi32, #tpu.memory_space<vmem>>) semaphore(%run_scoped3A_384 : memref<!tpu.dma_semaphore, #tpu.memory_space<semaphore_mem>>) {add = true}
        %dma_wait3A_391 = arith.constant 0 : i32
        %dma_wait3A_392 = tpu.memref_slice %arg7[%run_scoped3A_129, %dma_wait3A_391] : memref<8x128xi32, #tpu.memory_space<vmem>> -> memref<1x128xi32, #tpu.memory_space<vmem>>
        %dma_wait3A_393 = tpu.memref_squeeze %dma_wait3A_392 : memref<1x128xi32, #tpu.memory_space<vmem>> -> memref<128xi32, #tpu.memory_space<vmem>>
        %dma_wait3A_394 = arith.constant 0 : i32
        %dma_wait3A_395 = arith.constant 0 : i32
        %dma_wait3A_396 = tpu.memref_slice %arg16[%dma_wait3A_394, %dma_wait3A_395] : memref<10240x128xf32, #tpu.memory_space<vmem_shared>> -> memref<10240x128xf32, #tpu.memory_space<vmem_shared>>
        tpu.wait_indirect_dma semaphore(%run_scoped3A_384 : memref<!tpu.dma_semaphore, #tpu.memory_space<semaphore_mem>>) src(%arg10 : memref<128x128xf32, #tpu.memory_space<vmem>>) dst(%dma_wait3A_396 : memref<10240x128xf32, #tpu.memory_space<vmem_shared>>)
        tpu.yield
      }) : () -> ()
      %dma_start3A_130 = arith.constant 4 : i32
      %dma_start3A_131 = arith.constant 0 : i32
      %dma_start3A_132 = tpu.memref_slice %arg6[%dma_start3A_130, %dma_start3A_131] : memref<8x128xi32, #tpu.memory_space<vmem>> -> memref<1x128xi32, #tpu.memory_space<vmem>>
      %dma_start3A_133 = tpu.memref_squeeze %dma_start3A_132 : memref<1x128xi32, #tpu.memory_space<vmem>> -> memref<128xi32, #tpu.memory_space<vmem>>
      %dma_start3A_134 = arith.constant 0 : i32
      %dma_start3A_135 = arith.constant 0 : i32
      %dma_start3A_136 = tpu.memref_slice %arg2[%dma_start3A_134, %dma_start3A_135] : memref<20480x128xf32, #tpu.memory_space<hbm>> -> memref<20480x128xf32, #tpu.memory_space<hbm>>
      tpu.enqueue_indirect_dma source(%dma_start3A_136 : memref<20480x128xf32, #tpu.memory_space<hbm>>) target(%arg10 : memref<128x128xf32, #tpu.memory_space<vmem>>) offsets(%dma_start3A_133 : memref<128xi32, #tpu.memory_space<vmem>>) semaphore(%arg12 : memref<!tpu.dma_semaphore, #tpu.memory_space<semaphore_mem>>)
      %dma_wait3A_137 = arith.constant 0 : i32
      %dma_wait3A_138 = arith.constant 0 : i32
      %dma_wait3A_139 = tpu.memref_slice %arg6[%dma_wait3A_137, %dma_wait3A_138] : memref<8x128xi32, #tpu.memory_space<vmem>> -> memref<1x128xi32, #tpu.memory_space<vmem>>
      %dma_wait3A_140 = tpu.memref_squeeze %dma_wait3A_139 : memref<1x128xi32, #tpu.memory_space<vmem>> -> memref<128xi32, #tpu.memory_space<vmem>>
      %dma_wait3A_141 = arith.constant 0 : i32
      %dma_wait3A_142 = arith.constant 0 : i32
      %dma_wait3A_143 = tpu.memref_slice %arg2[%dma_wait3A_141, %dma_wait3A_142] : memref<20480x128xf32, #tpu.memory_space<hbm>> -> memref<20480x128xf32, #tpu.memory_space<hbm>>
      tpu.wait_indirect_dma semaphore(%arg13 : memref<!tpu.dma_semaphore, #tpu.memory_space<semaphore_mem>>) src(%dma_wait3A_143 : memref<20480x128xf32, #tpu.memory_space<hbm>>) dst(%arg11 : memref<128x128xf32, #tpu.memory_space<vmem>>)
      %run_scoped3A_144 = arith.constant 3 : i32
      "tpu.region"() ({
        %run_scoped3A_384 = tpu.sem_alloc : memref<!tpu.dma_semaphore, #tpu.memory_space<semaphore_mem>>
        %dma_start3A_385 = arith.constant 0 : i32
        %dma_start3A_386 = tpu.memref_slice %arg7[%run_scoped3A_144, %dma_start3A_385] : memref<8x128xi32, #tpu.memory_space<vmem>> -> memref<1x128xi32, #tpu.memory_space<vmem>>
        %dma_start3A_387 = tpu.memref_squeeze %dma_start3A_386 : memref<1x128xi32, #tpu.memory_space<vmem>> -> memref<128xi32, #tpu.memory_space<vmem>>
        %dma_start3A_388 = arith.constant 0 : i32
        %dma_start3A_389 = arith.constant 0 : i32
        %dma_start3A_390 = tpu.memref_slice %arg16[%dma_start3A_388, %dma_start3A_389] : memref<10240x128xf32, #tpu.memory_space<vmem_shared>> -> memref<10240x128xf32, #tpu.memory_space<vmem_shared>>
        tpu.enqueue_indirect_dma source(%arg11 : memref<128x128xf32, #tpu.memory_space<vmem>>) target(%dma_start3A_390 : memref<10240x128xf32, #tpu.memory_space<vmem_shared>>) offsets(%dma_start3A_387 : memref<128xi32, #tpu.memory_space<vmem>>) semaphore(%run_scoped3A_384 : memref<!tpu.dma_semaphore, #tpu.memory_space<semaphore_mem>>) {add = true}
        %dma_wait3A_391 = arith.constant 0 : i32
        %dma_wait3A_392 = tpu.memref_slice %arg7[%run_scoped3A_144, %dma_wait3A_391] : memref<8x128xi32, #tpu.memory_space<vmem>> -> memref<1x128xi32, #tpu.memory_space<vmem>>
        %dma_wait3A_393 = tpu.memref_squeeze %dma_wait3A_392 : memref<1x128xi32, #tpu.memory_space<vmem>> -> memref<128xi32, #tpu.memory_space<vmem>>
        %dma_wait3A_394 = arith.constant 0 : i32
        %dma_wait3A_395 = arith.constant 0 : i32
        %dma_wait3A_396 = tpu.memref_slice %arg16[%dma_wait3A_394, %dma_wait3A_395] : memref<10240x128xf32, #tpu.memory_space<vmem_shared>> -> memref<10240x128xf32, #tpu.memory_space<vmem_shared>>
        tpu.wait_indirect_dma semaphore(%run_scoped3A_384 : memref<!tpu.dma_semaphore, #tpu.memory_space<semaphore_mem>>) src(%arg11 : memref<128x128xf32, #tpu.memory_space<vmem>>) dst(%dma_wait3A_396 : memref<10240x128xf32, #tpu.memory_space<vmem_shared>>)
        tpu.yield
      }) : () -> ()
      %dma_start3A_145 = arith.constant 5 : i32
      %dma_start3A_146 = arith.constant 0 : i32
      %dma_start3A_147 = tpu.memref_slice %arg6[%dma_start3A_145, %dma_start3A_146] : memref<8x128xi32, #tpu.memory_space<vmem>> -> memref<1x128xi32, #tpu.memory_space<vmem>>
      %dma_start3A_148 = tpu.memref_squeeze %dma_start3A_147 : memref<1x128xi32, #tpu.memory_space<vmem>> -> memref<128xi32, #tpu.memory_space<vmem>>
      %dma_start3A_149 = arith.constant 0 : i32
      %dma_start3A_150 = arith.constant 0 : i32
      %dma_start3A_151 = tpu.memref_slice %arg2[%dma_start3A_149, %dma_start3A_150] : memref<20480x128xf32, #tpu.memory_space<hbm>> -> memref<20480x128xf32, #tpu.memory_space<hbm>>
      tpu.enqueue_indirect_dma source(%dma_start3A_151 : memref<20480x128xf32, #tpu.memory_space<hbm>>) target(%arg11 : memref<128x128xf32, #tpu.memory_space<vmem>>) offsets(%dma_start3A_148 : memref<128xi32, #tpu.memory_space<vmem>>) semaphore(%arg13 : memref<!tpu.dma_semaphore, #tpu.memory_space<semaphore_mem>>)
      %dma_wait3A_152 = arith.constant 0 : i32
      %dma_wait3A_153 = arith.constant 0 : i32
      %dma_wait3A_154 = tpu.memref_slice %arg6[%dma_wait3A_152, %dma_wait3A_153] : memref<8x128xi32, #tpu.memory_space<vmem>> -> memref<1x128xi32, #tpu.memory_space<vmem>>
      %dma_wait3A_155 = tpu.memref_squeeze %dma_wait3A_154 : memref<1x128xi32, #tpu.memory_space<vmem>> -> memref<128xi32, #tpu.memory_space<vmem>>
      %dma_wait3A_156 = arith.constant 0 : i32
      %dma_wait3A_157 = arith.constant 0 : i32
      %dma_wait3A_158 = tpu.memref_slice %arg2[%dma_wait3A_156, %dma_wait3A_157] : memref<20480x128xf32, #tpu.memory_space<hbm>> -> memref<20480x128xf32, #tpu.memory_space<hbm>>
      tpu.wait_indirect_dma semaphore(%arg12 : memref<!tpu.dma_semaphore, #tpu.memory_space<semaphore_mem>>) src(%dma_wait3A_158 : memref<20480x128xf32, #tpu.memory_space<hbm>>) dst(%arg10 : memref<128x128xf32, #tpu.memory_space<vmem>>)
      %run_scoped3A_159 = arith.constant 4 : i32
      "tpu.region"() ({
        %run_scoped3A_384 = tpu.sem_alloc : memref<!tpu.dma_semaphore, #tpu.memory_space<semaphore_mem>>
        %dma_start3A_385 = arith.constant 0 : i32
        %dma_start3A_386 = tpu.memref_slice %arg7[%run_scoped3A_159, %dma_start3A_385] : memref<8x128xi32, #tpu.memory_space<vmem>> -> memref<1x128xi32, #tpu.memory_space<vmem>>
        %dma_start3A_387 = tpu.memref_squeeze %dma_start3A_386 : memref<1x128xi32, #tpu.memory_space<vmem>> -> memref<128xi32, #tpu.memory_space<vmem>>
        %dma_start3A_388 = arith.constant 0 : i32
        %dma_start3A_389 = arith.constant 0 : i32
        %dma_start3A_390 = tpu.memref_slice %arg16[%dma_start3A_388, %dma_start3A_389] : memref<10240x128xf32, #tpu.memory_space<vmem_shared>> -> memref<10240x128xf32, #tpu.memory_space<vmem_shared>>
        tpu.enqueue_indirect_dma source(%arg10 : memref<128x128xf32, #tpu.memory_space<vmem>>) target(%dma_start3A_390 : memref<10240x128xf32, #tpu.memory_space<vmem_shared>>) offsets(%dma_start3A_387 : memref<128xi32, #tpu.memory_space<vmem>>) semaphore(%run_scoped3A_384 : memref<!tpu.dma_semaphore, #tpu.memory_space<semaphore_mem>>) {add = true}
        %dma_wait3A_391 = arith.constant 0 : i32
        %dma_wait3A_392 = tpu.memref_slice %arg7[%run_scoped3A_159, %dma_wait3A_391] : memref<8x128xi32, #tpu.memory_space<vmem>> -> memref<1x128xi32, #tpu.memory_space<vmem>>
        %dma_wait3A_393 = tpu.memref_squeeze %dma_wait3A_392 : memref<1x128xi32, #tpu.memory_space<vmem>> -> memref<128xi32, #tpu.memory_space<vmem>>
        %dma_wait3A_394 = arith.constant 0 : i32
        %dma_wait3A_395 = arith.constant 0 : i32
        %dma_wait3A_396 = tpu.memref_slice %arg16[%dma_wait3A_394, %dma_wait3A_395] : memref<10240x128xf32, #tpu.memory_space<vmem_shared>> -> memref<10240x128xf32, #tpu.memory_space<vmem_shared>>
        tpu.wait_indirect_dma semaphore(%run_scoped3A_384 : memref<!tpu.dma_semaphore, #tpu.memory_space<semaphore_mem>>) src(%arg10 : memref<128x128xf32, #tpu.memory_space<vmem>>) dst(%dma_wait3A_396 : memref<10240x128xf32, #tpu.memory_space<vmem_shared>>)
        tpu.yield
      }) : () -> ()
      %dma_start3A_160 = arith.constant 6 : i32
      %dma_start3A_161 = arith.constant 0 : i32
      %dma_start3A_162 = tpu.memref_slice %arg6[%dma_start3A_160, %dma_start3A_161] : memref<8x128xi32, #tpu.memory_space<vmem>> -> memref<1x128xi32, #tpu.memory_space<vmem>>
      %dma_start3A_163 = tpu.memref_squeeze %dma_start3A_162 : memref<1x128xi32, #tpu.memory_space<vmem>> -> memref<128xi32, #tpu.memory_space<vmem>>
      %dma_start3A_164 = arith.constant 0 : i32
      %dma_start3A_165 = arith.constant 0 : i32
      %dma_start3A_166 = tpu.memref_slice %arg2[%dma_start3A_164, %dma_start3A_165] : memref<20480x128xf32, #tpu.memory_space<hbm>> -> memref<20480x128xf32, #tpu.memory_space<hbm>>
      tpu.enqueue_indirect_dma source(%dma_start3A_166 : memref<20480x128xf32, #tpu.memory_space<hbm>>) target(%arg10 : memref<128x128xf32, #tpu.memory_space<vmem>>) offsets(%dma_start3A_163 : memref<128xi32, #tpu.memory_space<vmem>>) semaphore(%arg12 : memref<!tpu.dma_semaphore, #tpu.memory_space<semaphore_mem>>)
      %dma_wait3A_167 = arith.constant 0 : i32
      %dma_wait3A_168 = arith.constant 0 : i32
      %dma_wait3A_169 = tpu.memref_slice %arg6[%dma_wait3A_167, %dma_wait3A_168] : memref<8x128xi32, #tpu.memory_space<vmem>> -> memref<1x128xi32, #tpu.memory_space<vmem>>
      %dma_wait3A_170 = tpu.memref_squeeze %dma_wait3A_169 : memref<1x128xi32, #tpu.memory_space<vmem>> -> memref<128xi32, #tpu.memory_space<vmem>>
      %dma_wait3A_171 = arith.constant 0 : i32
      %dma_wait3A_172 = arith.constant 0 : i32
      %dma_wait3A_173 = tpu.memref_slice %arg2[%dma_wait3A_171, %dma_wait3A_172] : memref<20480x128xf32, #tpu.memory_space<hbm>> -> memref<20480x128xf32, #tpu.memory_space<hbm>>
      tpu.wait_indirect_dma semaphore(%arg13 : memref<!tpu.dma_semaphore, #tpu.memory_space<semaphore_mem>>) src(%dma_wait3A_173 : memref<20480x128xf32, #tpu.memory_space<hbm>>) dst(%arg11 : memref<128x128xf32, #tpu.memory_space<vmem>>)
      %run_scoped3A_174 = arith.constant 5 : i32
      "tpu.region"() ({
        %run_scoped3A_384 = tpu.sem_alloc : memref<!tpu.dma_semaphore, #tpu.memory_space<semaphore_mem>>
        %dma_start3A_385 = arith.constant 0 : i32
        %dma_start3A_386 = tpu.memref_slice %arg7[%run_scoped3A_174, %dma_start3A_385] : memref<8x128xi32, #tpu.memory_space<vmem>> -> memref<1x128xi32, #tpu.memory_space<vmem>>
        %dma_start3A_387 = tpu.memref_squeeze %dma_start3A_386 : memref<1x128xi32, #tpu.memory_space<vmem>> -> memref<128xi32, #tpu.memory_space<vmem>>
        %dma_start3A_388 = arith.constant 0 : i32
        %dma_start3A_389 = arith.constant 0 : i32
        %dma_start3A_390 = tpu.memref_slice %arg16[%dma_start3A_388, %dma_start3A_389] : memref<10240x128xf32, #tpu.memory_space<vmem_shared>> -> memref<10240x128xf32, #tpu.memory_space<vmem_shared>>
        tpu.enqueue_indirect_dma source(%arg11 : memref<128x128xf32, #tpu.memory_space<vmem>>) target(%dma_start3A_390 : memref<10240x128xf32, #tpu.memory_space<vmem_shared>>) offsets(%dma_start3A_387 : memref<128xi32, #tpu.memory_space<vmem>>) semaphore(%run_scoped3A_384 : memref<!tpu.dma_semaphore, #tpu.memory_space<semaphore_mem>>) {add = true}
        %dma_wait3A_391 = arith.constant 0 : i32
        %dma_wait3A_392 = tpu.memref_slice %arg7[%run_scoped3A_174, %dma_wait3A_391] : memref<8x128xi32, #tpu.memory_space<vmem>> -> memref<1x128xi32, #tpu.memory_space<vmem>>
        %dma_wait3A_393 = tpu.memref_squeeze %dma_wait3A_392 : memref<1x128xi32, #tpu.memory_space<vmem>> -> memref<128xi32, #tpu.memory_space<vmem>>
        %dma_wait3A_394 = arith.constant 0 : i32
        %dma_wait3A_395 = arith.constant 0 : i32
        %dma_wait3A_396 = tpu.memref_slice %arg16[%dma_wait3A_394, %dma_wait3A_395] : memref<10240x128xf32, #tpu.memory_space<vmem_shared>> -> memref<10240x128xf32, #tpu.memory_space<vmem_shared>>
        tpu.wait_indirect_dma semaphore(%run_scoped3A_384 : memref<!tpu.dma_semaphore, #tpu.memory_space<semaphore_mem>>) src(%arg11 : memref<128x128xf32, #tpu.memory_space<vmem>>) dst(%dma_wait3A_396 : memref<10240x128xf32, #tpu.memory_space<vmem_shared>>)
        tpu.yield
      }) : () -> ()
      %dma_start3A_175 = arith.constant 7 : i32
      %dma_start3A_176 = arith.constant 0 : i32
      %dma_start3A_177 = tpu.memref_slice %arg6[%dma_start3A_175, %dma_start3A_176] : memref<8x128xi32, #tpu.memory_space<vmem>> -> memref<1x128xi32, #tpu.memory_space<vmem>>
      %dma_start3A_178 = tpu.memref_squeeze %dma_start3A_177 : memref<1x128xi32, #tpu.memory_space<vmem>> -> memref<128xi32, #tpu.memory_space<vmem>>
      %dma_start3A_179 = arith.constant 0 : i32
      %dma_start3A_180 = arith.constant 0 : i32
      %dma_start3A_181 = tpu.memref_slice %arg2[%dma_start3A_179, %dma_start3A_180] : memref<20480x128xf32, #tpu.memory_space<hbm>> -> memref<20480x128xf32, #tpu.memory_space<hbm>>
      tpu.enqueue_indirect_dma source(%dma_start3A_181 : memref<20480x128xf32, #tpu.memory_space<hbm>>) target(%arg11 : memref<128x128xf32, #tpu.memory_space<vmem>>) offsets(%dma_start3A_178 : memref<128xi32, #tpu.memory_space<vmem>>) semaphore(%arg13 : memref<!tpu.dma_semaphore, #tpu.memory_space<semaphore_mem>>)
      %dma_wait3A_182 = arith.constant 0 : i32
      %dma_wait3A_183 = arith.constant 0 : i32
      %dma_wait3A_184 = tpu.memref_slice %arg6[%dma_wait3A_182, %dma_wait3A_183] : memref<8x128xi32, #tpu.memory_space<vmem>> -> memref<1x128xi32, #tpu.memory_space<vmem>>
      %dma_wait3A_185 = tpu.memref_squeeze %dma_wait3A_184 : memref<1x128xi32, #tpu.memory_space<vmem>> -> memref<128xi32, #tpu.memory_space<vmem>>
      %dma_wait3A_186 = arith.constant 0 : i32
      %dma_wait3A_187 = arith.constant 0 : i32
      %dma_wait3A_188 = tpu.memref_slice %arg2[%dma_wait3A_186, %dma_wait3A_187] : memref<20480x128xf32, #tpu.memory_space<hbm>> -> memref<20480x128xf32, #tpu.memory_space<hbm>>
      tpu.wait_indirect_dma semaphore(%arg12 : memref<!tpu.dma_semaphore, #tpu.memory_space<semaphore_mem>>) src(%dma_wait3A_188 : memref<20480x128xf32, #tpu.memory_space<hbm>>) dst(%arg10 : memref<128x128xf32, #tpu.memory_space<vmem>>)
      %run_scoped3A_189 = arith.constant 6 : i32
      "tpu.region"() ({
        %run_scoped3A_384 = tpu.sem_alloc : memref<!tpu.dma_semaphore, #tpu.memory_space<semaphore_mem>>
        %dma_start3A_385 = arith.constant 0 : i32
        %dma_start3A_386 = tpu.memref_slice %arg7[%run_scoped3A_189, %dma_start3A_385] : memref<8x128xi32, #tpu.memory_space<vmem>> -> memref<1x128xi32, #tpu.memory_space<vmem>>
        %dma_start3A_387 = tpu.memref_squeeze %dma_start3A_386 : memref<1x128xi32, #tpu.memory_space<vmem>> -> memref<128xi32, #tpu.memory_space<vmem>>
        %dma_start3A_388 = arith.constant 0 : i32
        %dma_start3A_389 = arith.constant 0 : i32
        %dma_start3A_390 = tpu.memref_slice %arg16[%dma_start3A_388, %dma_start3A_389] : memref<10240x128xf32, #tpu.memory_space<vmem_shared>> -> memref<10240x128xf32, #tpu.memory_space<vmem_shared>>
        tpu.enqueue_indirect_dma source(%arg10 : memref<128x128xf32, #tpu.memory_space<vmem>>) target(%dma_start3A_390 : memref<10240x128xf32, #tpu.memory_space<vmem_shared>>) offsets(%dma_start3A_387 : memref<128xi32, #tpu.memory_space<vmem>>) semaphore(%run_scoped3A_384 : memref<!tpu.dma_semaphore, #tpu.memory_space<semaphore_mem>>) {add = true}
        %dma_wait3A_391 = arith.constant 0 : i32
        %dma_wait3A_392 = tpu.memref_slice %arg7[%run_scoped3A_189, %dma_wait3A_391] : memref<8x128xi32, #tpu.memory_space<vmem>> -> memref<1x128xi32, #tpu.memory_space<vmem>>
        %dma_wait3A_393 = tpu.memref_squeeze %dma_wait3A_392 : memref<1x128xi32, #tpu.memory_space<vmem>> -> memref<128xi32, #tpu.memory_space<vmem>>
        %dma_wait3A_394 = arith.constant 0 : i32
        %dma_wait3A_395 = arith.constant 0 : i32
        %dma_wait3A_396 = tpu.memref_slice %arg16[%dma_wait3A_394, %dma_wait3A_395] : memref<10240x128xf32, #tpu.memory_space<vmem_shared>> -> memref<10240x128xf32, #tpu.memory_space<vmem_shared>>
        tpu.wait_indirect_dma semaphore(%run_scoped3A_384 : memref<!tpu.dma_semaphore, #tpu.memory_space<semaphore_mem>>) src(%arg10 : memref<128x128xf32, #tpu.memory_space<vmem>>) dst(%dma_wait3A_396 : memref<10240x128xf32, #tpu.memory_space<vmem_shared>>)
        tpu.yield
      }) : () -> ()
      %dma_start3A_190 = arith.constant 0 : i32
      %dma_start3A_191 = arith.constant 0 : i32
      %dma_start3A_192 = tpu.memref_slice %arg8[%dma_start3A_190, %dma_start3A_191] : memref<8x128xi32, #tpu.memory_space<vmem>> -> memref<1x128xi32, #tpu.memory_space<vmem>>
      %dma_start3A_193 = tpu.memref_squeeze %dma_start3A_192 : memref<1x128xi32, #tpu.memory_space<vmem>> -> memref<128xi32, #tpu.memory_space<vmem>>
      %dma_start3A_194 = arith.constant 0 : i32
      %dma_start3A_195 = arith.constant 0 : i32
      %dma_start3A_196 = tpu.memref_slice %arg2[%dma_start3A_194, %dma_start3A_195] : memref<20480x128xf32, #tpu.memory_space<hbm>> -> memref<20480x128xf32, #tpu.memory_space<hbm>>
      tpu.enqueue_indirect_dma source(%dma_start3A_196 : memref<20480x128xf32, #tpu.memory_space<hbm>>) target(%arg10 : memref<128x128xf32, #tpu.memory_space<vmem>>) offsets(%dma_start3A_193 : memref<128xi32, #tpu.memory_space<vmem>>) semaphore(%arg12 : memref<!tpu.dma_semaphore, #tpu.memory_space<semaphore_mem>>)
      %dma_wait3A_197 = arith.constant 0 : i32
      %dma_wait3A_198 = arith.constant 0 : i32
      %dma_wait3A_199 = tpu.memref_slice %arg6[%dma_wait3A_197, %dma_wait3A_198] : memref<8x128xi32, #tpu.memory_space<vmem>> -> memref<1x128xi32, #tpu.memory_space<vmem>>
      %dma_wait3A_200 = tpu.memref_squeeze %dma_wait3A_199 : memref<1x128xi32, #tpu.memory_space<vmem>> -> memref<128xi32, #tpu.memory_space<vmem>>
      %dma_wait3A_201 = arith.constant 0 : i32
      %dma_wait3A_202 = arith.constant 0 : i32
      %dma_wait3A_203 = tpu.memref_slice %arg2[%dma_wait3A_201, %dma_wait3A_202] : memref<20480x128xf32, #tpu.memory_space<hbm>> -> memref<20480x128xf32, #tpu.memory_space<hbm>>
      tpu.wait_indirect_dma semaphore(%arg13 : memref<!tpu.dma_semaphore, #tpu.memory_space<semaphore_mem>>) src(%dma_wait3A_203 : memref<20480x128xf32, #tpu.memory_space<hbm>>) dst(%arg11 : memref<128x128xf32, #tpu.memory_space<vmem>>)
      %run_scoped3A_204 = arith.constant 7 : i32
      "tpu.region"() ({
        %run_scoped3A_384 = tpu.sem_alloc : memref<!tpu.dma_semaphore, #tpu.memory_space<semaphore_mem>>
        %dma_start3A_385 = arith.constant 0 : i32
        %dma_start3A_386 = tpu.memref_slice %arg7[%run_scoped3A_204, %dma_start3A_385] : memref<8x128xi32, #tpu.memory_space<vmem>> -> memref<1x128xi32, #tpu.memory_space<vmem>>
        %dma_start3A_387 = tpu.memref_squeeze %dma_start3A_386 : memref<1x128xi32, #tpu.memory_space<vmem>> -> memref<128xi32, #tpu.memory_space<vmem>>
        %dma_start3A_388 = arith.constant 0 : i32
        %dma_start3A_389 = arith.constant 0 : i32
        %dma_start3A_390 = tpu.memref_slice %arg16[%dma_start3A_388, %dma_start3A_389] : memref<10240x128xf32, #tpu.memory_space<vmem_shared>> -> memref<10240x128xf32, #tpu.memory_space<vmem_shared>>
        tpu.enqueue_indirect_dma source(%arg11 : memref<128x128xf32, #tpu.memory_space<vmem>>) target(%dma_start3A_390 : memref<10240x128xf32, #tpu.memory_space<vmem_shared>>) offsets(%dma_start3A_387 : memref<128xi32, #tpu.memory_space<vmem>>) semaphore(%run_scoped3A_384 : memref<!tpu.dma_semaphore, #tpu.memory_space<semaphore_mem>>) {add = true}
        %dma_wait3A_391 = arith.constant 0 : i32
        %dma_wait3A_392 = tpu.memref_slice %arg7[%run_scoped3A_204, %dma_wait3A_391] : memref<8x128xi32, #tpu.memory_space<vmem>> -> memref<1x128xi32, #tpu.memory_space<vmem>>
        %dma_wait3A_393 = tpu.memref_squeeze %dma_wait3A_392 : memref<1x128xi32, #tpu.memory_space<vmem>> -> memref<128xi32, #tpu.memory_space<vmem>>
        %dma_wait3A_394 = arith.constant 0 : i32
        %dma_wait3A_395 = arith.constant 0 : i32
        %dma_wait3A_396 = tpu.memref_slice %arg16[%dma_wait3A_394, %dma_wait3A_395] : memref<10240x128xf32, #tpu.memory_space<vmem_shared>> -> memref<10240x128xf32, #tpu.memory_space<vmem_shared>>
        tpu.wait_indirect_dma semaphore(%run_scoped3A_384 : memref<!tpu.dma_semaphore, #tpu.memory_space<semaphore_mem>>) src(%arg11 : memref<128x128xf32, #tpu.memory_space<vmem>>) dst(%dma_wait3A_396 : memref<10240x128xf32, #tpu.memory_space<vmem_shared>>)
        tpu.yield
      }) : () -> ()
      %add3A_205 = arith.constant 2 : i32
      %add3A_206 = arith.addi %mul3A_66, %add3A_205 : i32
      %min3A = arith.constant 9 : i32
      %min3A_207 = arith.minsi %add3A_206, %min3A : i32
      %dma_start3A_208 = arith.constant 0 : i32
      %dma_start3A_209 = arith.constant 0 : i32
      %dma_start3A_210 = tpu.memref_slice %arg3[%arg0, %arg1, %min3A_207, %dma_start3A_208, %dma_start3A_209] : memref<2x16x10x8x128xi32, #tpu.memory_space<hbm>> -> memref<1x1x1x8x128xi32, #tpu.memory_space<hbm>>
      %dma_start3A_211 = tpu.memref_squeeze %dma_start3A_210 : memref<1x1x1x8x128xi32, #tpu.memory_space<hbm>> -> memref<8x128xi32, #tpu.memory_space<hbm>>
      %dma_start3A_212 = arith.constant 0 : i32
      %dma_start3A_213 = arith.constant 0 : i32
      %dma_start3A_214 = tpu.memref_slice %arg3[%arg0, %arg1, %min3A_207, %dma_start3A_212, %dma_start3A_213] : memref<2x16x10x8x128xi32, #tpu.memory_space<hbm>> -> memref<1x1x1x8x128xi32, #tpu.memory_space<hbm>>
      %dma_start3A_215 = tpu.memref_squeeze %dma_start3A_214 : memref<1x1x1x8x128xi32, #tpu.memory_space<hbm>> -> memref<8x128xi32, #tpu.memory_space<hbm>>
      tpu.enqueue_dma source(%dma_start3A_215 : memref<8x128xi32, #tpu.memory_space<hbm>>) target(%arg6 : memref<8x128xi32, #tpu.memory_space<vmem>>) target_semaphore(%arg14 : memref<!tpu.dma_semaphore, #tpu.memory_space<semaphore_mem>>)
      %dma_start3A_216 = arith.constant 0 : i32
      %dma_start3A_217 = arith.constant 0 : i32
      %dma_start3A_218 = tpu.memref_slice %arg4[%arg1, %min3A_207, %dma_start3A_216, %dma_start3A_217] : memref<16x10x8x128xi32, #tpu.memory_space<hbm>> -> memref<1x1x8x128xi32, #tpu.memory_space<hbm>>
      %dma_start3A_219 = tpu.memref_squeeze %dma_start3A_218 : memref<1x1x8x128xi32, #tpu.memory_space<hbm>> -> memref<8x128xi32, #tpu.memory_space<hbm>>
      %dma_start3A_220 = arith.constant 0 : i32
      %dma_start3A_221 = arith.constant 0 : i32
      %dma_start3A_222 = tpu.memref_slice %arg4[%arg1, %min3A_207, %dma_start3A_220, %dma_start3A_221] : memref<16x10x8x128xi32, #tpu.memory_space<hbm>> -> memref<1x1x8x128xi32, #tpu.memory_space<hbm>>
      %dma_start3A_223 = tpu.memref_squeeze %dma_start3A_222 : memref<1x1x8x128xi32, #tpu.memory_space<hbm>> -> memref<8x128xi32, #tpu.memory_space<hbm>>
      tpu.enqueue_dma source(%dma_start3A_223 : memref<8x128xi32, #tpu.memory_space<hbm>>) target(%arg7 : memref<8x128xi32, #tpu.memory_space<vmem>>) target_semaphore(%arg14 : memref<!tpu.dma_semaphore, #tpu.memory_space<semaphore_mem>>)
      %add3A_224 = arith.constant 1 : i32
      %add3A_225 = arith.addi %mul3A_66, %add3A_224 : i32
      %dma_wait3A_226 = arith.constant 0 : i32
      %dma_wait3A_227 = arith.constant 0 : i32
      %dma_wait3A_228 = arith.constant 0 : i32
      %dma_wait3A_229 = tpu.memref_slice %arg3[%arg0, %arg1, %dma_wait3A_226, %dma_wait3A_227, %dma_wait3A_228] : memref<2x16x10x8x128xi32, #tpu.memory_space<hbm>> -> memref<1x1x1x8x128xi32, #tpu.memory_space<hbm>>
      %dma_wait3A_230 = tpu.memref_squeeze %dma_wait3A_229 : memref<1x1x1x8x128xi32, #tpu.memory_space<hbm>> -> memref<8x128xi32, #tpu.memory_space<hbm>>
      %dma_wait3A_231 = arith.constant 0 : i32
      %dma_wait3A_232 = arith.constant 0 : i32
      %dma_wait3A_233 = tpu.memref_slice %arg3[%arg0, %arg1, %dma_wait3A_226, %dma_wait3A_231, %dma_wait3A_232] : memref<2x16x10x8x128xi32, #tpu.memory_space<hbm>> -> memref<1x1x1x8x128xi32, #tpu.memory_space<hbm>>
      %dma_wait3A_234 = tpu.memref_squeeze %dma_wait3A_233 : memref<1x1x1x8x128xi32, #tpu.memory_space<hbm>> -> memref<8x128xi32, #tpu.memory_space<hbm>>
      tpu.wait_dma2 semaphore(%arg14 : memref<!tpu.dma_semaphore, #tpu.memory_space<semaphore_mem>>) src(%dma_wait3A_234 : memref<8x128xi32, #tpu.memory_space<hbm>>) dst(%arg6 : memref<8x128xi32, #tpu.memory_space<vmem>>)
      %dma_wait3A_235 = arith.constant 0 : i32
      %dma_wait3A_236 = arith.constant 0 : i32
      %dma_wait3A_237 = arith.constant 0 : i32
      %dma_wait3A_238 = tpu.memref_slice %arg4[%arg1, %dma_wait3A_235, %dma_wait3A_236, %dma_wait3A_237] : memref<16x10x8x128xi32, #tpu.memory_space<hbm>> -> memref<1x1x8x128xi32, #tpu.memory_space<hbm>>
      %dma_wait3A_239 = tpu.memref_squeeze %dma_wait3A_238 : memref<1x1x8x128xi32, #tpu.memory_space<hbm>> -> memref<8x128xi32, #tpu.memory_space<hbm>>
      %dma_wait3A_240 = arith.constant 0 : i32
      %dma_wait3A_241 = arith.constant 0 : i32
      %dma_wait3A_242 = tpu.memref_slice %arg4[%arg1, %dma_wait3A_235, %dma_wait3A_240, %dma_wait3A_241] : memref<16x10x8x128xi32, #tpu.memory_space<hbm>> -> memref<1x1x8x128xi32, #tpu.memory_space<hbm>>
      %dma_wait3A_243 = tpu.memref_squeeze %dma_wait3A_242 : memref<1x1x8x128xi32, #tpu.memory_space<hbm>> -> memref<8x128xi32, #tpu.memory_space<hbm>>
      tpu.wait_dma2 semaphore(%arg14 : memref<!tpu.dma_semaphore, #tpu.memory_space<semaphore_mem>>) src(%dma_wait3A_243 : memref<8x128xi32, #tpu.memory_space<hbm>>) dst(%arg7 : memref<8x128xi32, #tpu.memory_space<vmem>>)
      %dma_start3A_244 = arith.constant 1 : i32
      %dma_start3A_245 = arith.constant 0 : i32
      %dma_start3A_246 = tpu.memref_slice %arg8[%dma_start3A_244, %dma_start3A_245] : memref<8x128xi32, #tpu.memory_space<vmem>> -> memref<1x128xi32, #tpu.memory_space<vmem>>
      %dma_start3A_247 = tpu.memref_squeeze %dma_start3A_246 : memref<1x128xi32, #tpu.memory_space<vmem>> -> memref<128xi32, #tpu.memory_space<vmem>>
      %dma_start3A_248 = arith.constant 0 : i32
      %dma_start3A_249 = arith.constant 0 : i32
      %dma_start3A_250 = tpu.memref_slice %arg2[%dma_start3A_248, %dma_start3A_249] : memref<20480x128xf32, #tpu.memory_space<hbm>> -> memref<20480x128xf32, #tpu.memory_space<hbm>>
      tpu.enqueue_indirect_dma source(%dma_start3A_250 : memref<20480x128xf32, #tpu.memory_space<hbm>>) target(%arg11 : memref<128x128xf32, #tpu.memory_space<vmem>>) offsets(%dma_start3A_247 : memref<128xi32, #tpu.memory_space<vmem>>) semaphore(%arg13 : memref<!tpu.dma_semaphore, #tpu.memory_space<semaphore_mem>>)
      %dma_wait3A_251 = arith.constant 0 : i32
      %dma_wait3A_252 = arith.constant 0 : i32
      %dma_wait3A_253 = tpu.memref_slice %arg6[%dma_wait3A_251, %dma_wait3A_252] : memref<8x128xi32, #tpu.memory_space<vmem>> -> memref<1x128xi32, #tpu.memory_space<vmem>>
      %dma_wait3A_254 = tpu.memref_squeeze %dma_wait3A_253 : memref<1x128xi32, #tpu.memory_space<vmem>> -> memref<128xi32, #tpu.memory_space<vmem>>
      %dma_wait3A_255 = arith.constant 0 : i32
      %dma_wait3A_256 = arith.constant 0 : i32
      %dma_wait3A_257 = tpu.memref_slice %arg2[%dma_wait3A_255, %dma_wait3A_256] : memref<20480x128xf32, #tpu.memory_space<hbm>> -> memref<20480x128xf32, #tpu.memory_space<hbm>>
      tpu.wait_indirect_dma semaphore(%arg12 : memref<!tpu.dma_semaphore, #tpu.memory_space<semaphore_mem>>) src(%dma_wait3A_257 : memref<20480x128xf32, #tpu.memory_space<hbm>>) dst(%arg10 : memref<128x128xf32, #tpu.memory_space<vmem>>)
      %run_scoped3A_258 = arith.constant 0 : i32
      "tpu.region"() ({
        %run_scoped3A_384 = tpu.sem_alloc : memref<!tpu.dma_semaphore, #tpu.memory_space<semaphore_mem>>
        %dma_start3A_385 = arith.constant 0 : i32
        %dma_start3A_386 = tpu.memref_slice %arg9[%run_scoped3A_258, %dma_start3A_385] : memref<8x128xi32, #tpu.memory_space<vmem>> -> memref<1x128xi32, #tpu.memory_space<vmem>>
        %dma_start3A_387 = tpu.memref_squeeze %dma_start3A_386 : memref<1x128xi32, #tpu.memory_space<vmem>> -> memref<128xi32, #tpu.memory_space<vmem>>
        %dma_start3A_388 = arith.constant 0 : i32
        %dma_start3A_389 = arith.constant 0 : i32
        %dma_start3A_390 = tpu.memref_slice %arg16[%dma_start3A_388, %dma_start3A_389] : memref<10240x128xf32, #tpu.memory_space<vmem_shared>> -> memref<10240x128xf32, #tpu.memory_space<vmem_shared>>
        tpu.enqueue_indirect_dma source(%arg10 : memref<128x128xf32, #tpu.memory_space<vmem>>) target(%dma_start3A_390 : memref<10240x128xf32, #tpu.memory_space<vmem_shared>>) offsets(%dma_start3A_387 : memref<128xi32, #tpu.memory_space<vmem>>) semaphore(%run_scoped3A_384 : memref<!tpu.dma_semaphore, #tpu.memory_space<semaphore_mem>>) {add = true}
        %dma_wait3A_391 = arith.constant 0 : i32
        %dma_wait3A_392 = tpu.memref_slice %arg9[%run_scoped3A_258, %dma_wait3A_391] : memref<8x128xi32, #tpu.memory_space<vmem>> -> memref<1x128xi32, #tpu.memory_space<vmem>>
        %dma_wait3A_393 = tpu.memref_squeeze %dma_wait3A_392 : memref<1x128xi32, #tpu.memory_space<vmem>> -> memref<128xi32, #tpu.memory_space<vmem>>
        %dma_wait3A_394 = arith.constant 0 : i32
        %dma_wait3A_395 = arith.constant 0 : i32
        %dma_wait3A_396 = tpu.memref_slice %arg16[%dma_wait3A_394, %dma_wait3A_395] : memref<10240x128xf32, #tpu.memory_space<vmem_shared>> -> memref<10240x128xf32, #tpu.memory_space<vmem_shared>>
        tpu.wait_indirect_dma semaphore(%run_scoped3A_384 : memref<!tpu.dma_semaphore, #tpu.memory_space<semaphore_mem>>) src(%arg10 : memref<128x128xf32, #tpu.memory_space<vmem>>) dst(%dma_wait3A_396 : memref<10240x128xf32, #tpu.memory_space<vmem_shared>>)
        tpu.yield
      }) : () -> ()
      %dma_start3A_259 = arith.constant 2 : i32
      %dma_start3A_260 = arith.constant 0 : i32
      %dma_start3A_261 = tpu.memref_slice %arg8[%dma_start3A_259, %dma_start3A_260] : memref<8x128xi32, #tpu.memory_space<vmem>> -> memref<1x128xi32, #tpu.memory_space<vmem>>
      %dma_start3A_262 = tpu.memref_squeeze %dma_start3A_261 : memref<1x128xi32, #tpu.memory_space<vmem>> -> memref<128xi32, #tpu.memory_space<vmem>>
      %dma_start3A_263 = arith.constant 0 : i32
      %dma_start3A_264 = arith.constant 0 : i32
      %dma_start3A_265 = tpu.memref_slice %arg2[%dma_start3A_263, %dma_start3A_264] : memref<20480x128xf32, #tpu.memory_space<hbm>> -> memref<20480x128xf32, #tpu.memory_space<hbm>>
      tpu.enqueue_indirect_dma source(%dma_start3A_265 : memref<20480x128xf32, #tpu.memory_space<hbm>>) target(%arg10 : memref<128x128xf32, #tpu.memory_space<vmem>>) offsets(%dma_start3A_262 : memref<128xi32, #tpu.memory_space<vmem>>) semaphore(%arg12 : memref<!tpu.dma_semaphore, #tpu.memory_space<semaphore_mem>>)
      %dma_wait3A_266 = arith.constant 0 : i32
      %dma_wait3A_267 = arith.constant 0 : i32
      %dma_wait3A_268 = tpu.memref_slice %arg6[%dma_wait3A_266, %dma_wait3A_267] : memref<8x128xi32, #tpu.memory_space<vmem>> -> memref<1x128xi32, #tpu.memory_space<vmem>>
      %dma_wait3A_269 = tpu.memref_squeeze %dma_wait3A_268 : memref<1x128xi32, #tpu.memory_space<vmem>> -> memref<128xi32, #tpu.memory_space<vmem>>
      %dma_wait3A_270 = arith.constant 0 : i32
      %dma_wait3A_271 = arith.constant 0 : i32
      %dma_wait3A_272 = tpu.memref_slice %arg2[%dma_wait3A_270, %dma_wait3A_271] : memref<20480x128xf32, #tpu.memory_space<hbm>> -> memref<20480x128xf32, #tpu.memory_space<hbm>>
      tpu.wait_indirect_dma semaphore(%arg13 : memref<!tpu.dma_semaphore, #tpu.memory_space<semaphore_mem>>) src(%dma_wait3A_272 : memref<20480x128xf32, #tpu.memory_space<hbm>>) dst(%arg11 : memref<128x128xf32, #tpu.memory_space<vmem>>)
      %run_scoped3A_273 = arith.constant 1 : i32
      "tpu.region"() ({
        %run_scoped3A_384 = tpu.sem_alloc : memref<!tpu.dma_semaphore, #tpu.memory_space<semaphore_mem>>
        %dma_start3A_385 = arith.constant 0 : i32
        %dma_start3A_386 = tpu.memref_slice %arg9[%run_scoped3A_273, %dma_start3A_385] : memref<8x128xi32, #tpu.memory_space<vmem>> -> memref<1x128xi32, #tpu.memory_space<vmem>>
        %dma_start3A_387 = tpu.memref_squeeze %dma_start3A_386 : memref<1x128xi32, #tpu.memory_space<vmem>> -> memref<128xi32, #tpu.memory_space<vmem>>
        %dma_start3A_388 = arith.constant 0 : i32
        %dma_start3A_389 = arith.constant 0 : i32
        %dma_start3A_390 = tpu.memref_slice %arg16[%dma_start3A_388, %dma_start3A_389] : memref<10240x128xf32, #tpu.memory_space<vmem_shared>> -> memref<10240x128xf32, #tpu.memory_space<vmem_shared>>
        tpu.enqueue_indirect_dma source(%arg11 : memref<128x128xf32, #tpu.memory_space<vmem>>) target(%dma_start3A_390 : memref<10240x128xf32, #tpu.memory_space<vmem_shared>>) offsets(%dma_start3A_387 : memref<128xi32, #tpu.memory_space<vmem>>) semaphore(%run_scoped3A_384 : memref<!tpu.dma_semaphore, #tpu.memory_space<semaphore_mem>>) {add = true}
        %dma_wait3A_391 = arith.constant 0 : i32
        %dma_wait3A_392 = tpu.memref_slice %arg9[%run_scoped3A_273, %dma_wait3A_391] : memref<8x128xi32, #tpu.memory_space<vmem>> -> memref<1x128xi32, #tpu.memory_space<vmem>>
        %dma_wait3A_393 = tpu.memref_squeeze %dma_wait3A_392 : memref<1x128xi32, #tpu.memory_space<vmem>> -> memref<128xi32, #tpu.memory_space<vmem>>
        %dma_wait3A_394 = arith.constant 0 : i32
        %dma_wait3A_395 = arith.constant 0 : i32
        %dma_wait3A_396 = tpu.memref_slice %arg16[%dma_wait3A_394, %dma_wait3A_395] : memref<10240x128xf32, #tpu.memory_space<vmem_shared>> -> memref<10240x128xf32, #tpu.memory_space<vmem_shared>>
        tpu.wait_indirect_dma semaphore(%run_scoped3A_384 : memref<!tpu.dma_semaphore, #tpu.memory_space<semaphore_mem>>) src(%arg11 : memref<128x128xf32, #tpu.memory_space<vmem>>) dst(%dma_wait3A_396 : memref<10240x128xf32, #tpu.memory_space<vmem_shared>>)
        tpu.yield
      }) : () -> ()
      %dma_start3A_274 = arith.constant 3 : i32
      %dma_start3A_275 = arith.constant 0 : i32
      %dma_start3A_276 = tpu.memref_slice %arg8[%dma_start3A_274, %dma_start3A_275] : memref<8x128xi32, #tpu.memory_space<vmem>> -> memref<1x128xi32, #tpu.memory_space<vmem>>
      %dma_start3A_277 = tpu.memref_squeeze %dma_start3A_276 : memref<1x128xi32, #tpu.memory_space<vmem>> -> memref<128xi32, #tpu.memory_space<vmem>>
      %dma_start3A_278 = arith.constant 0 : i32
      %dma_start3A_279 = arith.constant 0 : i32
      %dma_start3A_280 = tpu.memref_slice %arg2[%dma_start3A_278, %dma_start3A_279] : memref<20480x128xf32, #tpu.memory_space<hbm>> -> memref<20480x128xf32, #tpu.memory_space<hbm>>
      tpu.enqueue_indirect_dma source(%dma_start3A_280 : memref<20480x128xf32, #tpu.memory_space<hbm>>) target(%arg11 : memref<128x128xf32, #tpu.memory_space<vmem>>) offsets(%dma_start3A_277 : memref<128xi32, #tpu.memory_space<vmem>>) semaphore(%arg13 : memref<!tpu.dma_semaphore, #tpu.memory_space<semaphore_mem>>)
      %dma_wait3A_281 = arith.constant 0 : i32
      %dma_wait3A_282 = arith.constant 0 : i32
      %dma_wait3A_283 = tpu.memref_slice %arg6[%dma_wait3A_281, %dma_wait3A_282] : memref<8x128xi32, #tpu.memory_space<vmem>> -> memref<1x128xi32, #tpu.memory_space<vmem>>
      %dma_wait3A_284 = tpu.memref_squeeze %dma_wait3A_283 : memref<1x128xi32, #tpu.memory_space<vmem>> -> memref<128xi32, #tpu.memory_space<vmem>>
      %dma_wait3A_285 = arith.constant 0 : i32
      %dma_wait3A_286 = arith.constant 0 : i32
      %dma_wait3A_287 = tpu.memref_slice %arg2[%dma_wait3A_285, %dma_wait3A_286] : memref<20480x128xf32, #tpu.memory_space<hbm>> -> memref<20480x128xf32, #tpu.memory_space<hbm>>
      tpu.wait_indirect_dma semaphore(%arg12 : memref<!tpu.dma_semaphore, #tpu.memory_space<semaphore_mem>>) src(%dma_wait3A_287 : memref<20480x128xf32, #tpu.memory_space<hbm>>) dst(%arg10 : memref<128x128xf32, #tpu.memory_space<vmem>>)
      %run_scoped3A_288 = arith.constant 2 : i32
      "tpu.region"() ({
        %run_scoped3A_384 = tpu.sem_alloc : memref<!tpu.dma_semaphore, #tpu.memory_space<semaphore_mem>>
        %dma_start3A_385 = arith.constant 0 : i32
        %dma_start3A_386 = tpu.memref_slice %arg9[%run_scoped3A_288, %dma_start3A_385] : memref<8x128xi32, #tpu.memory_space<vmem>> -> memref<1x128xi32, #tpu.memory_space<vmem>>
        %dma_start3A_387 = tpu.memref_squeeze %dma_start3A_386 : memref<1x128xi32, #tpu.memory_space<vmem>> -> memref<128xi32, #tpu.memory_space<vmem>>
        %dma_start3A_388 = arith.constant 0 : i32
        %dma_start3A_389 = arith.constant 0 : i32
        %dma_start3A_390 = tpu.memref_slice %arg16[%dma_start3A_388, %dma_start3A_389] : memref<10240x128xf32, #tpu.memory_space<vmem_shared>> -> memref<10240x128xf32, #tpu.memory_space<vmem_shared>>
        tpu.enqueue_indirect_dma source(%arg10 : memref<128x128xf32, #tpu.memory_space<vmem>>) target(%dma_start3A_390 : memref<10240x128xf32, #tpu.memory_space<vmem_shared>>) offsets(%dma_start3A_387 : memref<128xi32, #tpu.memory_space<vmem>>) semaphore(%run_scoped3A_384 : memref<!tpu.dma_semaphore, #tpu.memory_space<semaphore_mem>>) {add = true}
        %dma_wait3A_391 = arith.constant 0 : i32
        %dma_wait3A_392 = tpu.memref_slice %arg9[%run_scoped3A_288, %dma_wait3A_391] : memref<8x128xi32, #tpu.memory_space<vmem>> -> memref<1x128xi32, #tpu.memory_space<vmem>>
        %dma_wait3A_393 = tpu.memref_squeeze %dma_wait3A_392 : memref<1x128xi32, #tpu.memory_space<vmem>> -> memref<128xi32, #tpu.memory_space<vmem>>
        %dma_wait3A_394 = arith.constant 0 : i32
        %dma_wait3A_395 = arith.constant 0 : i32
        %dma_wait3A_396 = tpu.memref_slice %arg16[%dma_wait3A_394, %dma_wait3A_395] : memref<10240x128xf32, #tpu.memory_space<vmem_shared>> -> memref<10240x128xf32, #tpu.memory_space<vmem_shared>>
        tpu.wait_indirect_dma semaphore(%run_scoped3A_384 : memref<!tpu.dma_semaphore, #tpu.memory_space<semaphore_mem>>) src(%arg10 : memref<128x128xf32, #tpu.memory_space<vmem>>) dst(%dma_wait3A_396 : memref<10240x128xf32, #tpu.memory_space<vmem_shared>>)
        tpu.yield
      }) : () -> ()
      %dma_start3A_289 = arith.constant 4 : i32
      %dma_start3A_290 = arith.constant 0 : i32
      %dma_start3A_291 = tpu.memref_slice %arg8[%dma_start3A_289, %dma_start3A_290] : memref<8x128xi32, #tpu.memory_space<vmem>> -> memref<1x128xi32, #tpu.memory_space<vmem>>
      %dma_start3A_292 = tpu.memref_squeeze %dma_start3A_291 : memref<1x128xi32, #tpu.memory_space<vmem>> -> memref<128xi32, #tpu.memory_space<vmem>>
      %dma_start3A_293 = arith.constant 0 : i32
      %dma_start3A_294 = arith.constant 0 : i32
      %dma_start3A_295 = tpu.memref_slice %arg2[%dma_start3A_293, %dma_start3A_294] : memref<20480x128xf32, #tpu.memory_space<hbm>> -> memref<20480x128xf32, #tpu.memory_space<hbm>>
      tpu.enqueue_indirect_dma source(%dma_start3A_295 : memref<20480x128xf32, #tpu.memory_space<hbm>>) target(%arg10 : memref<128x128xf32, #tpu.memory_space<vmem>>) offsets(%dma_start3A_292 : memref<128xi32, #tpu.memory_space<vmem>>) semaphore(%arg12 : memref<!tpu.dma_semaphore, #tpu.memory_space<semaphore_mem>>)
      %dma_wait3A_296 = arith.constant 0 : i32
      %dma_wait3A_297 = arith.constant 0 : i32
      %dma_wait3A_298 = tpu.memref_slice %arg6[%dma_wait3A_296, %dma_wait3A_297] : memref<8x128xi32, #tpu.memory_space<vmem>> -> memref<1x128xi32, #tpu.memory_space<vmem>>
      %dma_wait3A_299 = tpu.memref_squeeze %dma_wait3A_298 : memref<1x128xi32, #tpu.memory_space<vmem>> -> memref<128xi32, #tpu.memory_space<vmem>>
      %dma_wait3A_300 = arith.constant 0 : i32
      %dma_wait3A_301 = arith.constant 0 : i32
      %dma_wait3A_302 = tpu.memref_slice %arg2[%dma_wait3A_300, %dma_wait3A_301] : memref<20480x128xf32, #tpu.memory_space<hbm>> -> memref<20480x128xf32, #tpu.memory_space<hbm>>
      tpu.wait_indirect_dma semaphore(%arg13 : memref<!tpu.dma_semaphore, #tpu.memory_space<semaphore_mem>>) src(%dma_wait3A_302 : memref<20480x128xf32, #tpu.memory_space<hbm>>) dst(%arg11 : memref<128x128xf32, #tpu.memory_space<vmem>>)
      %run_scoped3A_303 = arith.constant 3 : i32
      "tpu.region"() ({
        %run_scoped3A_384 = tpu.sem_alloc : memref<!tpu.dma_semaphore, #tpu.memory_space<semaphore_mem>>
        %dma_start3A_385 = arith.constant 0 : i32
        %dma_start3A_386 = tpu.memref_slice %arg9[%run_scoped3A_303, %dma_start3A_385] : memref<8x128xi32, #tpu.memory_space<vmem>> -> memref<1x128xi32, #tpu.memory_space<vmem>>
        %dma_start3A_387 = tpu.memref_squeeze %dma_start3A_386 : memref<1x128xi32, #tpu.memory_space<vmem>> -> memref<128xi32, #tpu.memory_space<vmem>>
        %dma_start3A_388 = arith.constant 0 : i32
        %dma_start3A_389 = arith.constant 0 : i32
        %dma_start3A_390 = tpu.memref_slice %arg16[%dma_start3A_388, %dma_start3A_389] : memref<10240x128xf32, #tpu.memory_space<vmem_shared>> -> memref<10240x128xf32, #tpu.memory_space<vmem_shared>>
        tpu.enqueue_indirect_dma source(%arg11 : memref<128x128xf32, #tpu.memory_space<vmem>>) target(%dma_start3A_390 : memref<10240x128xf32, #tpu.memory_space<vmem_shared>>) offsets(%dma_start3A_387 : memref<128xi32, #tpu.memory_space<vmem>>) semaphore(%run_scoped3A_384 : memref<!tpu.dma_semaphore, #tpu.memory_space<semaphore_mem>>) {add = true}
        %dma_wait3A_391 = arith.constant 0 : i32
        %dma_wait3A_392 = tpu.memref_slice %arg9[%run_scoped3A_303, %dma_wait3A_391] : memref<8x128xi32, #tpu.memory_space<vmem>> -> memref<1x128xi32, #tpu.memory_space<vmem>>
        %dma_wait3A_393 = tpu.memref_squeeze %dma_wait3A_392 : memref<1x128xi32, #tpu.memory_space<vmem>> -> memref<128xi32, #tpu.memory_space<vmem>>
        %dma_wait3A_394 = arith.constant 0 : i32
        %dma_wait3A_395 = arith.constant 0 : i32
        %dma_wait3A_396 = tpu.memref_slice %arg16[%dma_wait3A_394, %dma_wait3A_395] : memref<10240x128xf32, #tpu.memory_space<vmem_shared>> -> memref<10240x128xf32, #tpu.memory_space<vmem_shared>>
        tpu.wait_indirect_dma semaphore(%run_scoped3A_384 : memref<!tpu.dma_semaphore, #tpu.memory_space<semaphore_mem>>) src(%arg11 : memref<128x128xf32, #tpu.memory_space<vmem>>) dst(%dma_wait3A_396 : memref<10240x128xf32, #tpu.memory_space<vmem_shared>>)
        tpu.yield
      }) : () -> ()
      %dma_start3A_304 = arith.constant 5 : i32
      %dma_start3A_305 = arith.constant 0 : i32
      %dma_start3A_306 = tpu.memref_slice %arg8[%dma_start3A_304, %dma_start3A_305] : memref<8x128xi32, #tpu.memory_space<vmem>> -> memref<1x128xi32, #tpu.memory_space<vmem>>
      %dma_start3A_307 = tpu.memref_squeeze %dma_start3A_306 : memref<1x128xi32, #tpu.memory_space<vmem>> -> memref<128xi32, #tpu.memory_space<vmem>>
      %dma_start3A_308 = arith.constant 0 : i32
      %dma_start3A_309 = arith.constant 0 : i32
      %dma_start3A_310 = tpu.memref_slice %arg2[%dma_start3A_308, %dma_start3A_309] : memref<20480x128xf32, #tpu.memory_space<hbm>> -> memref<20480x128xf32, #tpu.memory_space<hbm>>
      tpu.enqueue_indirect_dma source(%dma_start3A_310 : memref<20480x128xf32, #tpu.memory_space<hbm>>) target(%arg11 : memref<128x128xf32, #tpu.memory_space<vmem>>) offsets(%dma_start3A_307 : memref<128xi32, #tpu.memory_space<vmem>>) semaphore(%arg13 : memref<!tpu.dma_semaphore, #tpu.memory_space<semaphore_mem>>)
      %dma_wait3A_311 = arith.constant 0 : i32
      %dma_wait3A_312 = arith.constant 0 : i32
      %dma_wait3A_313 = tpu.memref_slice %arg6[%dma_wait3A_311, %dma_wait3A_312] : memref<8x128xi32, #tpu.memory_space<vmem>> -> memref<1x128xi32, #tpu.memory_space<vmem>>
      %dma_wait3A_314 = tpu.memref_squeeze %dma_wait3A_313 : memref<1x128xi32, #tpu.memory_space<vmem>> -> memref<128xi32, #tpu.memory_space<vmem>>
      %dma_wait3A_315 = arith.constant 0 : i32
      %dma_wait3A_316 = arith.constant 0 : i32
      %dma_wait3A_317 = tpu.memref_slice %arg2[%dma_wait3A_315, %dma_wait3A_316] : memref<20480x128xf32, #tpu.memory_space<hbm>> -> memref<20480x128xf32, #tpu.memory_space<hbm>>
      tpu.wait_indirect_dma semaphore(%arg12 : memref<!tpu.dma_semaphore, #tpu.memory_space<semaphore_mem>>) src(%dma_wait3A_317 : memref<20480x128xf32, #tpu.memory_space<hbm>>) dst(%arg10 : memref<128x128xf32, #tpu.memory_space<vmem>>)
      %run_scoped3A_318 = arith.constant 4 : i32
      "tpu.region"() ({
        %run_scoped3A_384 = tpu.sem_alloc : memref<!tpu.dma_semaphore, #tpu.memory_space<semaphore_mem>>
        %dma_start3A_385 = arith.constant 0 : i32
        %dma_start3A_386 = tpu.memref_slice %arg9[%run_scoped3A_318, %dma_start3A_385] : memref<8x128xi32, #tpu.memory_space<vmem>> -> memref<1x128xi32, #tpu.memory_space<vmem>>
        %dma_start3A_387 = tpu.memref_squeeze %dma_start3A_386 : memref<1x128xi32, #tpu.memory_space<vmem>> -> memref<128xi32, #tpu.memory_space<vmem>>
        %dma_start3A_388 = arith.constant 0 : i32
        %dma_start3A_389 = arith.constant 0 : i32
        %dma_start3A_390 = tpu.memref_slice %arg16[%dma_start3A_388, %dma_start3A_389] : memref<10240x128xf32, #tpu.memory_space<vmem_shared>> -> memref<10240x128xf32, #tpu.memory_space<vmem_shared>>
        tpu.enqueue_indirect_dma source(%arg10 : memref<128x128xf32, #tpu.memory_space<vmem>>) target(%dma_start3A_390 : memref<10240x128xf32, #tpu.memory_space<vmem_shared>>) offsets(%dma_start3A_387 : memref<128xi32, #tpu.memory_space<vmem>>) semaphore(%run_scoped3A_384 : memref<!tpu.dma_semaphore, #tpu.memory_space<semaphore_mem>>) {add = true}
        %dma_wait3A_391 = arith.constant 0 : i32
        %dma_wait3A_392 = tpu.memref_slice %arg9[%run_scoped3A_318, %dma_wait3A_391] : memref<8x128xi32, #tpu.memory_space<vmem>> -> memref<1x128xi32, #tpu.memory_space<vmem>>
        %dma_wait3A_393 = tpu.memref_squeeze %dma_wait3A_392 : memref<1x128xi32, #tpu.memory_space<vmem>> -> memref<128xi32, #tpu.memory_space<vmem>>
        %dma_wait3A_394 = arith.constant 0 : i32
        %dma_wait3A_395 = arith.constant 0 : i32
        %dma_wait3A_396 = tpu.memref_slice %arg16[%dma_wait3A_394, %dma_wait3A_395] : memref<10240x128xf32, #tpu.memory_space<vmem_shared>> -> memref<10240x128xf32, #tpu.memory_space<vmem_shared>>
        tpu.wait_indirect_dma semaphore(%run_scoped3A_384 : memref<!tpu.dma_semaphore, #tpu.memory_space<semaphore_mem>>) src(%arg10 : memref<128x128xf32, #tpu.memory_space<vmem>>) dst(%dma_wait3A_396 : memref<10240x128xf32, #tpu.memory_space<vmem_shared>>)
        tpu.yield
      }) : () -> ()
      %dma_start3A_319 = arith.constant 6 : i32
      %dma_start3A_320 = arith.constant 0 : i32
      %dma_start3A_321 = tpu.memref_slice %arg8[%dma_start3A_319, %dma_start3A_320] : memref<8x128xi32, #tpu.memory_space<vmem>> -> memref<1x128xi32, #tpu.memory_space<vmem>>
      %dma_start3A_322 = tpu.memref_squeeze %dma_start3A_321 : memref<1x128xi32, #tpu.memory_space<vmem>> -> memref<128xi32, #tpu.memory_space<vmem>>
      %dma_start3A_323 = arith.constant 0 : i32
      %dma_start3A_324 = arith.constant 0 : i32
      %dma_start3A_325 = tpu.memref_slice %arg2[%dma_start3A_323, %dma_start3A_324] : memref<20480x128xf32, #tpu.memory_space<hbm>> -> memref<20480x128xf32, #tpu.memory_space<hbm>>
      tpu.enqueue_indirect_dma source(%dma_start3A_325 : memref<20480x128xf32, #tpu.memory_space<hbm>>) target(%arg10 : memref<128x128xf32, #tpu.memory_space<vmem>>) offsets(%dma_start3A_322 : memref<128xi32, #tpu.memory_space<vmem>>) semaphore(%arg12 : memref<!tpu.dma_semaphore, #tpu.memory_space<semaphore_mem>>)
      %dma_wait3A_326 = arith.constant 0 : i32
      %dma_wait3A_327 = arith.constant 0 : i32
      %dma_wait3A_328 = tpu.memref_slice %arg6[%dma_wait3A_326, %dma_wait3A_327] : memref<8x128xi32, #tpu.memory_space<vmem>> -> memref<1x128xi32, #tpu.memory_space<vmem>>
      %dma_wait3A_329 = tpu.memref_squeeze %dma_wait3A_328 : memref<1x128xi32, #tpu.memory_space<vmem>> -> memref<128xi32, #tpu.memory_space<vmem>>
      %dma_wait3A_330 = arith.constant 0 : i32
      %dma_wait3A_331 = arith.constant 0 : i32
      %dma_wait3A_332 = tpu.memref_slice %arg2[%dma_wait3A_330, %dma_wait3A_331] : memref<20480x128xf32, #tpu.memory_space<hbm>> -> memref<20480x128xf32, #tpu.memory_space<hbm>>
      tpu.wait_indirect_dma semaphore(%arg13 : memref<!tpu.dma_semaphore, #tpu.memory_space<semaphore_mem>>) src(%dma_wait3A_332 : memref<20480x128xf32, #tpu.memory_space<hbm>>) dst(%arg11 : memref<128x128xf32, #tpu.memory_space<vmem>>)
      %run_scoped3A_333 = arith.constant 5 : i32
      "tpu.region"() ({
        %run_scoped3A_384 = tpu.sem_alloc : memref<!tpu.dma_semaphore, #tpu.memory_space<semaphore_mem>>
        %dma_start3A_385 = arith.constant 0 : i32
        %dma_start3A_386 = tpu.memref_slice %arg9[%run_scoped3A_333, %dma_start3A_385] : memref<8x128xi32, #tpu.memory_space<vmem>> -> memref<1x128xi32, #tpu.memory_space<vmem>>
        %dma_start3A_387 = tpu.memref_squeeze %dma_start3A_386 : memref<1x128xi32, #tpu.memory_space<vmem>> -> memref<128xi32, #tpu.memory_space<vmem>>
        %dma_start3A_388 = arith.constant 0 : i32
        %dma_start3A_389 = arith.constant 0 : i32
        %dma_start3A_390 = tpu.memref_slice %arg16[%dma_start3A_388, %dma_start3A_389] : memref<10240x128xf32, #tpu.memory_space<vmem_shared>> -> memref<10240x128xf32, #tpu.memory_space<vmem_shared>>
        tpu.enqueue_indirect_dma source(%arg11 : memref<128x128xf32, #tpu.memory_space<vmem>>) target(%dma_start3A_390 : memref<10240x128xf32, #tpu.memory_space<vmem_shared>>) offsets(%dma_start3A_387 : memref<128xi32, #tpu.memory_space<vmem>>) semaphore(%run_scoped3A_384 : memref<!tpu.dma_semaphore, #tpu.memory_space<semaphore_mem>>) {add = true}
        %dma_wait3A_391 = arith.constant 0 : i32
        %dma_wait3A_392 = tpu.memref_slice %arg9[%run_scoped3A_333, %dma_wait3A_391] : memref<8x128xi32, #tpu.memory_space<vmem>> -> memref<1x128xi32, #tpu.memory_space<vmem>>
        %dma_wait3A_393 = tpu.memref_squeeze %dma_wait3A_392 : memref<1x128xi32, #tpu.memory_space<vmem>> -> memref<128xi32, #tpu.memory_space<vmem>>
        %dma_wait3A_394 = arith.constant 0 : i32
        %dma_wait3A_395 = arith.constant 0 : i32
        %dma_wait3A_396 = tpu.memref_slice %arg16[%dma_wait3A_394, %dma_wait3A_395] : memref<10240x128xf32, #tpu.memory_space<vmem_shared>> -> memref<10240x128xf32, #tpu.memory_space<vmem_shared>>
        tpu.wait_indirect_dma semaphore(%run_scoped3A_384 : memref<!tpu.dma_semaphore, #tpu.memory_space<semaphore_mem>>) src(%arg11 : memref<128x128xf32, #tpu.memory_space<vmem>>) dst(%dma_wait3A_396 : memref<10240x128xf32, #tpu.memory_space<vmem_shared>>)
        tpu.yield
      }) : () -> ()
      %dma_start3A_334 = arith.constant 7 : i32
      %dma_start3A_335 = arith.constant 0 : i32
      %dma_start3A_336 = tpu.memref_slice %arg8[%dma_start3A_334, %dma_start3A_335] : memref<8x128xi32, #tpu.memory_space<vmem>> -> memref<1x128xi32, #tpu.memory_space<vmem>>
      %dma_start3A_337 = tpu.memref_squeeze %dma_start3A_336 : memref<1x128xi32, #tpu.memory_space<vmem>> -> memref<128xi32, #tpu.memory_space<vmem>>
      %dma_start3A_338 = arith.constant 0 : i32
      %dma_start3A_339 = arith.constant 0 : i32
      %dma_start3A_340 = tpu.memref_slice %arg2[%dma_start3A_338, %dma_start3A_339] : memref<20480x128xf32, #tpu.memory_space<hbm>> -> memref<20480x128xf32, #tpu.memory_space<hbm>>
      tpu.enqueue_indirect_dma source(%dma_start3A_340 : memref<20480x128xf32, #tpu.memory_space<hbm>>) target(%arg11 : memref<128x128xf32, #tpu.memory_space<vmem>>) offsets(%dma_start3A_337 : memref<128xi32, #tpu.memory_space<vmem>>) semaphore(%arg13 : memref<!tpu.dma_semaphore, #tpu.memory_space<semaphore_mem>>)
      %dma_wait3A_341 = arith.constant 0 : i32
      %dma_wait3A_342 = arith.constant 0 : i32
      %dma_wait3A_343 = tpu.memref_slice %arg6[%dma_wait3A_341, %dma_wait3A_342] : memref<8x128xi32, #tpu.memory_space<vmem>> -> memref<1x128xi32, #tpu.memory_space<vmem>>
      %dma_wait3A_344 = tpu.memref_squeeze %dma_wait3A_343 : memref<1x128xi32, #tpu.memory_space<vmem>> -> memref<128xi32, #tpu.memory_space<vmem>>
      %dma_wait3A_345 = arith.constant 0 : i32
      %dma_wait3A_346 = arith.constant 0 : i32
      %dma_wait3A_347 = tpu.memref_slice %arg2[%dma_wait3A_345, %dma_wait3A_346] : memref<20480x128xf32, #tpu.memory_space<hbm>> -> memref<20480x128xf32, #tpu.memory_space<hbm>>
      tpu.wait_indirect_dma semaphore(%arg12 : memref<!tpu.dma_semaphore, #tpu.memory_space<semaphore_mem>>) src(%dma_wait3A_347 : memref<20480x128xf32, #tpu.memory_space<hbm>>) dst(%arg10 : memref<128x128xf32, #tpu.memory_space<vmem>>)
      %run_scoped3A_348 = arith.constant 6 : i32
      "tpu.region"() ({
        %run_scoped3A_384 = tpu.sem_alloc : memref<!tpu.dma_semaphore, #tpu.memory_space<semaphore_mem>>
        %dma_start3A_385 = arith.constant 0 : i32
        %dma_start3A_386 = tpu.memref_slice %arg9[%run_scoped3A_348, %dma_start3A_385] : memref<8x128xi32, #tpu.memory_space<vmem>> -> memref<1x128xi32, #tpu.memory_space<vmem>>
        %dma_start3A_387 = tpu.memref_squeeze %dma_start3A_386 : memref<1x128xi32, #tpu.memory_space<vmem>> -> memref<128xi32, #tpu.memory_space<vmem>>
        %dma_start3A_388 = arith.constant 0 : i32
        %dma_start3A_389 = arith.constant 0 : i32
        %dma_start3A_390 = tpu.memref_slice %arg16[%dma_start3A_388, %dma_start3A_389] : memref<10240x128xf32, #tpu.memory_space<vmem_shared>> -> memref<10240x128xf32, #tpu.memory_space<vmem_shared>>
        tpu.enqueue_indirect_dma source(%arg10 : memref<128x128xf32, #tpu.memory_space<vmem>>) target(%dma_start3A_390 : memref<10240x128xf32, #tpu.memory_space<vmem_shared>>) offsets(%dma_start3A_387 : memref<128xi32, #tpu.memory_space<vmem>>) semaphore(%run_scoped3A_384 : memref<!tpu.dma_semaphore, #tpu.memory_space<semaphore_mem>>) {add = true}
        %dma_wait3A_391 = arith.constant 0 : i32
        %dma_wait3A_392 = tpu.memref_slice %arg9[%run_scoped3A_348, %dma_wait3A_391] : memref<8x128xi32, #tpu.memory_space<vmem>> -> memref<1x128xi32, #tpu.memory_space<vmem>>
        %dma_wait3A_393 = tpu.memref_squeeze %dma_wait3A_392 : memref<1x128xi32, #tpu.memory_space<vmem>> -> memref<128xi32, #tpu.memory_space<vmem>>
        %dma_wait3A_394 = arith.constant 0 : i32
        %dma_wait3A_395 = arith.constant 0 : i32
        %dma_wait3A_396 = tpu.memref_slice %arg16[%dma_wait3A_394, %dma_wait3A_395] : memref<10240x128xf32, #tpu.memory_space<vmem_shared>> -> memref<10240x128xf32, #tpu.memory_space<vmem_shared>>
        tpu.wait_indirect_dma semaphore(%run_scoped3A_384 : memref<!tpu.dma_semaphore, #tpu.memory_space<semaphore_mem>>) src(%arg10 : memref<128x128xf32, #tpu.memory_space<vmem>>) dst(%dma_wait3A_396 : memref<10240x128xf32, #tpu.memory_space<vmem_shared>>)
        tpu.yield
      }) : () -> ()
      %dma_start3A_349 = arith.constant 0 : i32
      %dma_start3A_350 = arith.constant 0 : i32
      %dma_start3A_351 = tpu.memref_slice %arg6[%dma_start3A_349, %dma_start3A_350] : memref<8x128xi32, #tpu.memory_space<vmem>> -> memref<1x128xi32, #tpu.memory_space<vmem>>
      %dma_start3A_352 = tpu.memref_squeeze %dma_start3A_351 : memref<1x128xi32, #tpu.memory_space<vmem>> -> memref<128xi32, #tpu.memory_space<vmem>>
      %dma_start3A_353 = arith.constant 0 : i32
      %dma_start3A_354 = arith.constant 0 : i32
      %dma_start3A_355 = tpu.memref_slice %arg2[%dma_start3A_353, %dma_start3A_354] : memref<20480x128xf32, #tpu.memory_space<hbm>> -> memref<20480x128xf32, #tpu.memory_space<hbm>>
      tpu.enqueue_indirect_dma source(%dma_start3A_355 : memref<20480x128xf32, #tpu.memory_space<hbm>>) target(%arg10 : memref<128x128xf32, #tpu.memory_space<vmem>>) offsets(%dma_start3A_352 : memref<128xi32, #tpu.memory_space<vmem>>) semaphore(%arg12 : memref<!tpu.dma_semaphore, #tpu.memory_space<semaphore_mem>>)
      %dma_wait3A_356 = arith.constant 0 : i32
      %dma_wait3A_357 = arith.constant 0 : i32
      %dma_wait3A_358 = tpu.memref_slice %arg6[%dma_wait3A_356, %dma_wait3A_357] : memref<8x128xi32, #tpu.memory_space<vmem>> -> memref<1x128xi32, #tpu.memory_space<vmem>>
      %dma_wait3A_359 = tpu.memref_squeeze %dma_wait3A_358 : memref<1x128xi32, #tpu.memory_space<vmem>> -> memref<128xi32, #tpu.memory_space<vmem>>
      %dma_wait3A_360 = arith.constant 0 : i32
      %dma_wait3A_361 = arith.constant 0 : i32
      %dma_wait3A_362 = tpu.memref_slice %arg2[%dma_wait3A_360, %dma_wait3A_361] : memref<20480x128xf32, #tpu.memory_space<hbm>> -> memref<20480x128xf32, #tpu.memory_space<hbm>>
      tpu.wait_indirect_dma semaphore(%arg13 : memref<!tpu.dma_semaphore, #tpu.memory_space<semaphore_mem>>) src(%dma_wait3A_362 : memref<20480x128xf32, #tpu.memory_space<hbm>>) dst(%arg11 : memref<128x128xf32, #tpu.memory_space<vmem>>)
      %run_scoped3A_363 = arith.constant 7 : i32
      "tpu.region"() ({
        %run_scoped3A_384 = tpu.sem_alloc : memref<!tpu.dma_semaphore, #tpu.memory_space<semaphore_mem>>
        %dma_start3A_385 = arith.constant 0 : i32
        %dma_start3A_386 = tpu.memref_slice %arg9[%run_scoped3A_363, %dma_start3A_385] : memref<8x128xi32, #tpu.memory_space<vmem>> -> memref<1x128xi32, #tpu.memory_space<vmem>>
        %dma_start3A_387 = tpu.memref_squeeze %dma_start3A_386 : memref<1x128xi32, #tpu.memory_space<vmem>> -> memref<128xi32, #tpu.memory_space<vmem>>
        %dma_start3A_388 = arith.constant 0 : i32
        %dma_start3A_389 = arith.constant 0 : i32
        %dma_start3A_390 = tpu.memref_slice %arg16[%dma_start3A_388, %dma_start3A_389] : memref<10240x128xf32, #tpu.memory_space<vmem_shared>> -> memref<10240x128xf32, #tpu.memory_space<vmem_shared>>
        tpu.enqueue_indirect_dma source(%arg11 : memref<128x128xf32, #tpu.memory_space<vmem>>) target(%dma_start3A_390 : memref<10240x128xf32, #tpu.memory_space<vmem_shared>>) offsets(%dma_start3A_387 : memref<128xi32, #tpu.memory_space<vmem>>) semaphore(%run_scoped3A_384 : memref<!tpu.dma_semaphore, #tpu.memory_space<semaphore_mem>>) {add = true}
        %dma_wait3A_391 = arith.constant 0 : i32
        %dma_wait3A_392 = tpu.memref_slice %arg9[%run_scoped3A_363, %dma_wait3A_391] : memref<8x128xi32, #tpu.memory_space<vmem>> -> memref<1x128xi32, #tpu.memory_space<vmem>>
        %dma_wait3A_393 = tpu.memref_squeeze %dma_wait3A_392 : memref<1x128xi32, #tpu.memory_space<vmem>> -> memref<128xi32, #tpu.memory_space<vmem>>
        %dma_wait3A_394 = arith.constant 0 : i32
        %dma_wait3A_395 = arith.constant 0 : i32
        %dma_wait3A_396 = tpu.memref_slice %arg16[%dma_wait3A_394, %dma_wait3A_395] : memref<10240x128xf32, #tpu.memory_space<vmem_shared>> -> memref<10240x128xf32, #tpu.memory_space<vmem_shared>>
        tpu.wait_indirect_dma semaphore(%run_scoped3A_384 : memref<!tpu.dma_semaphore, #tpu.memory_space<semaphore_mem>>) src(%arg11 : memref<128x128xf32, #tpu.memory_space<vmem>>) dst(%dma_wait3A_396 : memref<10240x128xf32, #tpu.memory_space<vmem_shared>>)
        tpu.yield
      }) : () -> ()
      %add3A_364 = arith.constant 2 : i32
      %add3A_365 = arith.addi %add3A_225, %add3A_364 : i32
      %min3A_366 = arith.constant 9 : i32
      %min3A_367 = arith.minsi %add3A_365, %min3A_366 : i32
      %dma_start3A_368 = arith.constant 0 : i32
      %dma_start3A_369 = arith.constant 0 : i32
      %dma_start3A_370 = tpu.memref_slice %arg3[%arg0, %arg1, %min3A_367, %dma_start3A_368, %dma_start3A_369] : memref<2x16x10x8x128xi32, #tpu.memory_space<hbm>> -> memref<1x1x1x8x128xi32, #tpu.memory_space<hbm>>
      %dma_start3A_371 = tpu.memref_squeeze %dma_start3A_370 : memref<1x1x1x8x128xi32, #tpu.memory_space<hbm>> -> memref<8x128xi32, #tpu.memory_space<hbm>>
      %dma_start3A_372 = arith.constant 0 : i32
      %dma_start3A_373 = arith.constant 0 : i32
      %dma_start3A_374 = tpu.memref_slice %arg3[%arg0, %arg1, %min3A_367, %dma_start3A_372, %dma_start3A_373] : memref<2x16x10x8x128xi32, #tpu.memory_space<hbm>> -> memref<1x1x1x8x128xi32, #tpu.memory_space<hbm>>
      %dma_start3A_375 = tpu.memref_squeeze %dma_start3A_374 : memref<1x1x1x8x128xi32, #tpu.memory_space<hbm>> -> memref<8x128xi32, #tpu.memory_space<hbm>>
      tpu.enqueue_dma source(%dma_start3A_375 : memref<8x128xi32, #tpu.memory_space<hbm>>) target(%arg8 : memref<8x128xi32, #tpu.memory_space<vmem>>) target_semaphore(%arg15 : memref<!tpu.dma_semaphore, #tpu.memory_space<semaphore_mem>>)
      %dma_start3A_376 = arith.constant 0 : i32
      %dma_start3A_377 = arith.constant 0 : i32
      %dma_start3A_378 = tpu.memref_slice %arg4[%arg1, %min3A_367, %dma_start3A_376, %dma_start3A_377] : memref<16x10x8x128xi32, #tpu.memory_space<hbm>> -> memref<1x1x8x128xi32, #tpu.memory_space<hbm>>
      %dma_start3A_379 = tpu.memref_squeeze %dma_start3A_378 : memref<1x1x8x128xi32, #tpu.memory_space<hbm>> -> memref<8x128xi32, #tpu.memory_space<hbm>>
      %dma_start3A_380 = arith.constant 0 : i32
      %dma_start3A_381 = arith.constant 0 : i32
      %dma_start3A_382 = tpu.memref_slice %arg4[%arg1, %min3A_367, %dma_start3A_380, %dma_start3A_381] : memref<16x10x8x128xi32, #tpu.memory_space<hbm>> -> memref<1x1x8x128xi32, #tpu.memory_space<hbm>>
      %dma_start3A_383 = tpu.memref_squeeze %dma_start3A_382 : memref<1x1x8x128xi32, #tpu.memory_space<hbm>> -> memref<8x128xi32, #tpu.memory_space<hbm>>
      tpu.enqueue_dma source(%dma_start3A_383 : memref<8x128xi32, #tpu.memory_space<hbm>>) target(%arg9 : memref<8x128xi32, #tpu.memory_space<vmem>>) target_semaphore(%arg15 : memref<!tpu.dma_semaphore, #tpu.memory_space<semaphore_mem>>)
    }
    %scan3A_34 = arith.constant 5 : i32
    %dma_wait3A = arith.constant 0 : i32
    %dma_wait3A_35 = arith.constant 0 : i32
    %dma_wait3A_36 = tpu.memref_slice %arg6[%dma_wait3A, %dma_wait3A_35] : memref<8x128xi32, #tpu.memory_space<vmem>> -> memref<1x128xi32, #tpu.memory_space<vmem>>
    %dma_wait3A_37 = tpu.memref_squeeze %dma_wait3A_36 : memref<1x128xi32, #tpu.memory_space<vmem>> -> memref<128xi32, #tpu.memory_space<vmem>>
    %dma_wait3A_38 = arith.constant 0 : i32
    %dma_wait3A_39 = arith.constant 0 : i32
    %dma_wait3A_40 = tpu.memref_slice %arg2[%dma_wait3A_38, %dma_wait3A_39] : memref<20480x128xf32, #tpu.memory_space<hbm>> -> memref<20480x128xf32, #tpu.memory_space<hbm>>
    tpu.wait_indirect_dma semaphore(%arg12 : memref<!tpu.dma_semaphore, #tpu.memory_space<semaphore_mem>>) src(%dma_wait3A_40 : memref<20480x128xf32, #tpu.memory_space<hbm>>) dst(%arg10 : memref<128x128xf32, #tpu.memory_space<vmem>>)
    %dma_wait3A_41 = arith.constant 0 : i32
    %dma_wait3A_42 = arith.constant 0 : i32
    %dma_wait3A_43 = arith.constant 0 : i32
    %dma_wait3A_44 = tpu.memref_slice %arg3[%arg0, %arg1, %dma_wait3A_41, %dma_wait3A_42, %dma_wait3A_43] : memref<2x16x10x8x128xi32, #tpu.memory_space<hbm>> -> memref<1x1x1x8x128xi32, #tpu.memory_space<hbm>>
    %dma_wait3A_45 = tpu.memref_squeeze %dma_wait3A_44 : memref<1x1x1x8x128xi32, #tpu.memory_space<hbm>> -> memref<8x128xi32, #tpu.memory_space<hbm>>
    %dma_wait3A_46 = arith.constant 0 : i32
    %dma_wait3A_47 = arith.constant 0 : i32
    %dma_wait3A_48 = tpu.memref_slice %arg3[%arg0, %arg1, %dma_wait3A_41, %dma_wait3A_46, %dma_wait3A_47] : memref<2x16x10x8x128xi32, #tpu.memory_space<hbm>> -> memref<1x1x1x8x128xi32, #tpu.memory_space<hbm>>
    %dma_wait3A_49 = tpu.memref_squeeze %dma_wait3A_48 : memref<1x1x1x8x128xi32, #tpu.memory_space<hbm>> -> memref<8x128xi32, #tpu.memory_space<hbm>>
    tpu.wait_dma2 semaphore(%arg15 : memref<!tpu.dma_semaphore, #tpu.memory_space<semaphore_mem>>) src(%dma_wait3A_49 : memref<8x128xi32, #tpu.memory_space<hbm>>) dst(%arg8 : memref<8x128xi32, #tpu.memory_space<vmem>>)
    %dma_wait3A_50 = arith.constant 0 : i32
    %dma_wait3A_51 = arith.constant 0 : i32
    %dma_wait3A_52 = arith.constant 0 : i32
    %dma_wait3A_53 = tpu.memref_slice %arg4[%arg1, %dma_wait3A_50, %dma_wait3A_51, %dma_wait3A_52] : memref<16x10x8x128xi32, #tpu.memory_space<hbm>> -> memref<1x1x8x128xi32, #tpu.memory_space<hbm>>
    %dma_wait3A_54 = tpu.memref_squeeze %dma_wait3A_53 : memref<1x1x8x128xi32, #tpu.memory_space<hbm>> -> memref<8x128xi32, #tpu.memory_space<hbm>>
    %dma_wait3A_55 = arith.constant 0 : i32
    %dma_wait3A_56 = arith.constant 0 : i32
    %dma_wait3A_57 = tpu.memref_slice %arg4[%arg1, %dma_wait3A_50, %dma_wait3A_55, %dma_wait3A_56] : memref<16x10x8x128xi32, #tpu.memory_space<hbm>> -> memref<1x1x8x128xi32, #tpu.memory_space<hbm>>
    %dma_wait3A_58 = tpu.memref_squeeze %dma_wait3A_57 : memref<1x1x8x128xi32, #tpu.memory_space<hbm>> -> memref<8x128xi32, #tpu.memory_space<hbm>>
    tpu.wait_dma2 semaphore(%arg15 : memref<!tpu.dma_semaphore, #tpu.memory_space<semaphore_mem>>) src(%dma_wait3A_58 : memref<8x128xi32, #tpu.memory_space<hbm>>) dst(%arg9 : memref<8x128xi32, #tpu.memory_space<vmem>>)
    %barrier3A_59 = arith.constant 0 : index
    tpu.barrier barrier_id(%barrier3A_59)
    %mul3A_60 = arith.constant 640 : i32
    %mul3A_61 = arith.muli %arg1, %mul3A_60 : i32
    %mul3A_62 = arith.constant 640 : i32
    %mul3A_63 = arith.muli %arg1, %mul3A_62 : i32
    "tpu.region"() ({
      %run_scoped3A_64 = tpu.sem_alloc : memref<!tpu.dma_semaphore, #tpu.memory_space<semaphore_mem>>
      %dma_start3A_65 = arith.constant 0 : i32
      %dma_start3A_66 = tpu.memref_slice %arg5[%arg0, %mul3A_63, %dma_start3A_65] : memref<2x10240x128xf32, #tpu.memory_space<hbm>> -> memref<1x640x128xf32, #tpu.memory_space<hbm>>
      %dma_start3A_67 = tpu.memref_squeeze %dma_start3A_66 : memref<1x640x128xf32, #tpu.memory_space<hbm>> -> memref<640x128xf32, #tpu.memory_space<hbm>>
      %dma_start3A_68 = arith.constant 0 : i32
      %dma_start3A_69 = tpu.memref_slice %arg16[%mul3A_61, %dma_start3A_68] : memref<10240x128xf32, #tpu.memory_space<vmem_shared>> -> memref<640x128xf32, #tpu.memory_space<vmem_shared>>
      tpu.enqueue_dma source(%dma_start3A_69 : memref<640x128xf32, #tpu.memory_space<vmem_shared>>) target(%dma_start3A_67 : memref<640x128xf32, #tpu.memory_space<hbm>>) target_semaphore(%run_scoped3A_64 : memref<!tpu.dma_semaphore, #tpu.memory_space<semaphore_mem>>)
      %dma_wait3A_70 = arith.constant 0 : i32
      %dma_wait3A_71 = tpu.memref_slice %arg5[%arg0, %mul3A_63, %dma_wait3A_70] : memref<2x10240x128xf32, #tpu.memory_space<hbm>> -> memref<1x640x128xf32, #tpu.memory_space<hbm>>
      %dma_wait3A_72 = tpu.memref_squeeze %dma_wait3A_71 : memref<1x640x128xf32, #tpu.memory_space<hbm>> -> memref<640x128xf32, #tpu.memory_space<hbm>>
      %dma_wait3A_73 = arith.constant 0 : i32
      %dma_wait3A_74 = tpu.memref_slice %arg16[%mul3A_61, %dma_wait3A_73] : memref<10240x128xf32, #tpu.memory_space<vmem_shared>> -> memref<640x128xf32, #tpu.memory_space<vmem_shared>>
      tpu.wait_dma2 semaphore(%run_scoped3A_64 : memref<!tpu.dma_semaphore, #tpu.memory_space<semaphore_mem>>) src(%dma_wait3A_74 : memref<640x128xf32, #tpu.memory_space<vmem_shared>>) dst(%dma_wait3A_72 : memref<640x128xf32, #tpu.memory_space<hbm>>)
      tpu.yield
    }) : () -> ()
    return
  }
}

module attributes {stable_mosaic.version = 14 : i64} {
  func.func @_mm0_body(%arg0: i32, %arg1: memref<640x256xf32, #tpu.memory_space<vmem>>, %arg2: memref<256x256xf32, #tpu.memory_space<vmem>>, %arg3: memref<640x256xf32, #tpu.memory_space<vmem>>) attributes {dimension_semantics = [#tpu.dimension_semantics<arbitrary>], iteration_bounds = array<i64: 16>, scalar_prefetch = 0 : i64, scratch_operands = 0 : i64, tpu.core_type = #tpu.core_type<tc>, window_params = [{transform_indices = @transform_0, window_bounds = array<i64: 640, 256>}, {pipeline_mode = #tpu.pipeline_mode<synchronous>, transform_indices = @transform_1, window_bounds = array<i64: 256, 256>}, {transform_indices = @transform_2, window_bounds = array<i64: 640, 256>}]} {
    %get3A = arith.constant 0 : index
    %get3A_0 = arith.constant 0 : index
    %get3A_1 = vector.load %arg1[%get3A, %get3A_0] : memref<640x256xf32, #tpu.memory_space<vmem>>, vector<640x256xf32>
    %get3A_2 = arith.constant 0 : index
    %get3A_3 = arith.constant 0 : index
    %get3A_4 = vector.load %arg2[%get3A_2, %get3A_3] : memref<256x256xf32, #tpu.memory_space<vmem>>, vector<256x256xf32>
    %dot_general3A = arith.constant dense<0.000000e+00> : vector<640x256xf32>
    %dot_general3A_5 = tpu.matmul %get3A_1, %get3A_4, %dot_general3A {dimension_numbers = #tpu.dot_dimension_numbers<[1], [0], [0], [1], [0, 0, 1, 1], [], []>, transpose_lhs_hint = false} : vector<640x256xf32>, vector<256x256xf32>, vector<640x256xf32> -> vector<640x256xf32>
    %swap3A = arith.constant 0 : index
    %swap3A_6 = arith.constant 0 : index
    %swap3A_7 = vector.load %arg3[%swap3A, %swap3A_6] : memref<640x256xf32, #tpu.memory_space<vmem>>, vector<640x256xf32>
    tpu.vector_store %arg3[%swap3A, %swap3A_6], %dot_general3A_5 {strides = array<i32>} : memref<640x256xf32, #tpu.memory_space<vmem>>, vector<640x256xf32>,
    return
  }
  func.func @transform_0(%arg0: i32) -> (i32, i32) {
    %c0_i32 = arith.constant 0 : i32
    %c0_i32_0 = arith.constant 0 : i32
    return %arg0, %c0_i32 : i32, i32
  }
  func.func @transform_1(%arg0: i32) -> (i32, i32) {
    %c0_i32 = arith.constant 0 : i32
    %c0_i32_0 = arith.constant 0 : i32
    %c0_i32_1 = arith.constant 0 : i32
    return %c0_i32, %c0_i32_0 : i32, i32
  }
  func.func @transform_2(%arg0: i32) -> (i32, i32) {
    %c0_i32 = arith.constant 0 : i32
    %c0_i32_0 = arith.constant 0 : i32
    return %arg0, %c0_i32 : i32, i32
  }
}

module attributes {stable_mosaic.version = 14 : i64} {
  func.func @_scale1_body(%arg0: i32, %arg1: memref<640x256xf32, #tpu.memory_space<vmem>>, %arg2: memref<2x640x16xf32, #tpu.memory_space<vmem>>, %arg3: memref<2x640x128xf32, #tpu.memory_space<vmem>>) attributes {dimension_semantics = [#tpu.dimension_semantics<arbitrary>], iteration_bounds = array<i64: 16>, scalar_prefetch = 0 : i64, scratch_operands = 0 : i64, tpu.core_type = #tpu.core_type<tc>, window_params = [{transform_indices = @transform_0, window_bounds = array<i64: 640, 256>}, {transform_indices = @transform_1, window_bounds = array<i64: 2, 640, 16>}, {transform_indices = @transform_2, window_bounds = array<i64: 2, 640, 128>}]} {
    %get3A = arith.constant 0 : index
    %get3A_0 = arith.constant 0 : index
    %get3A_1 = arith.constant 0 : index
    %get3A_2 = vector.load %arg2[%get3A, %get3A_0, %get3A_1] : memref<2x640x16xf32, #tpu.memory_space<vmem>>, vector<2x640x16xf32>
    %slice3A = vector.extract_strided_slice %get3A_2 {offsets = [0, 0, 0], sizes = [1, 640, 1], strides = [1, 1, 1]} : vector<2x640x16xf32> to vector<1x640x1xf32>
    %squeeze3A = vector.shape_cast %slice3A : vector<1x640x1xf32> to vector<640x1xf32>
    %slice3A_3 = vector.extract_strided_slice %get3A_2 {offsets = [1, 0, 0], sizes = [1, 640, 1], strides = [1, 1, 1]} : vector<2x640x16xf32> to vector<1x640x1xf32>
    %squeeze3A_4 = vector.shape_cast %slice3A_3 : vector<1x640x1xf32> to vector<640x1xf32>
    %add3A = arith.addf %squeeze3A, %squeeze3A_4 : vector<640x1xf32>
    %sub3A = arith.constant 1.000000e+00 : f32
    %sub3A_5 = vector.broadcast %sub3A : f32 to vector<640x1xf32>
    %sub3A_6 = arith.subf %add3A, %sub3A_5 : vector<640x1xf32>
    %rsqrt3A = math.rsqrt %sub3A_6 : vector<640x1xf32>
    %get3A_7 = arith.constant 0 : index
    %get3A_8 = arith.constant 0 : index
    %get3A_9 = vector.load %arg1[%get3A_7, %get3A_8] : memref<640x256xf32, #tpu.memory_space<vmem>>, vector<640x256xf32>
    %mul3A = vector.broadcast %rsqrt3A : vector<640x1xf32> to vector<640x256xf32>
    %mul3A_10 = arith.mulf %get3A_9, %mul3A : vector<640x256xf32>
    %slice3A_11 = vector.extract_strided_slice %mul3A_10 {offsets = [0, 0], sizes = [640, 128], strides = [1, 1]} : vector<640x256xf32> to vector<640x128xf32>
    %swap3A = arith.constant 0 : index
    %swap3A_12 = arith.constant 0 : index
    %swap3A_13 = arith.constant 0 : index
    %swap3A_14 = vector.load %arg3[%swap3A, %swap3A_12, %swap3A_13] : memref<2x640x128xf32, #tpu.memory_space<vmem>>, vector<1x640x128xf32>
    %swap3A_15 = vector.shape_cast %swap3A_14 : vector<1x640x128xf32> to vector<640x128xf32>
    %swap3A_16 = vector.shape_cast %slice3A_11 : vector<640x128xf32> to vector<1x640x128xf32>
    tpu.vector_store %arg3[%swap3A, %swap3A_12, %swap3A_13], %swap3A_16 {strides = array<i32>} : memref<2x640x128xf32, #tpu.memory_space<vmem>>, vector<1x640x128xf32>,
    %slice3A_17 = vector.extract_strided_slice %mul3A_10 {offsets = [0, 128], sizes = [640, 128], strides = [1, 1]} : vector<640x256xf32> to vector<640x128xf32>
    %swap3A_18 = arith.constant 1 : index
    %swap3A_19 = arith.constant 0 : index
    %swap3A_20 = arith.constant 0 : index
    %swap3A_21 = vector.load %arg3[%swap3A_18, %swap3A_19, %swap3A_20] : memref<2x640x128xf32, #tpu.memory_space<vmem>>, vector<1x640x128xf32>
    %swap3A_22 = vector.shape_cast %swap3A_21 : vector<1x640x128xf32> to vector<640x128xf32>
    %swap3A_23 = vector.shape_cast %slice3A_17 : vector<640x128xf32> to vector<1x640x128xf32>
    tpu.vector_store %arg3[%swap3A_18, %swap3A_19, %swap3A_20], %swap3A_23 {strides = array<i32>} : memref<2x640x128xf32, #tpu.memory_space<vmem>>, vector<1x640x128xf32>,
    return
  }
  func.func @transform_0(%arg0: i32) -> (i32, i32) {
    %c0_i32 = arith.constant 0 : i32
    %c0_i32_0 = arith.constant 0 : i32
    return %arg0, %c0_i32 : i32, i32
  }
  func.func @transform_1(%arg0: i32) -> (i32, i32, i32) {
    %c0_i32 = arith.constant 0 : i32
    %c0_i32_0 = arith.constant 0 : i32
    %c0_i32_1 = arith.constant 0 : i32
    return %c0_i32, %arg0, %c0_i32_0 : i32, i32, i32
  }
  func.func @transform_2(%arg0: i32) -> (i32, i32, i32) {
    %c0_i32 = arith.constant 0 : i32
    %c0_i32_0 = arith.constant 0 : i32
    %c0_i32_1 = arith.constant 0 : i32
    return %c0_i32, %arg0, %c0_i32_0 : i32, i32, i32
  }
}

module attributes {stable_mosaic.version = 14 : i64} {
  func.func @_mm2_body(%arg0: i32, %arg1: memref<2x640x128xf32, #tpu.memory_space<vmem>>, %arg2: memref<2x640x16xf32, #tpu.memory_space<vmem>>, %arg3: memref<2x128xf32, #tpu.memory_space<vmem>>, %arg4: memref<256x256xf32, #tpu.memory_space<vmem>>, %arg5: memref<2x640x128xf32, #tpu.memory_space<vmem>>) attributes {dimension_semantics = [#tpu.dimension_semantics<arbitrary>], iteration_bounds = array<i64: 16>, scalar_prefetch = 0 : i64, scratch_operands = 0 : i64, tpu.core_type = #tpu.core_type<tc>, window_params = [{transform_indices = @transform_0, window_bounds = array<i64: 2, 640, 128>}, {transform_indices = @transform_1, window_bounds = array<i64: 2, 640, 16>}, {pipeline_mode = #tpu.pipeline_mode<synchronous>, transform_indices = @transform_2, window_bounds = array<i64: 2, 128>}, {pipeline_mode = #tpu.pipeline_mode<synchronous>, transform_indices = @transform_3, window_bounds = array<i64: 256, 256>}, {transform_indices = @transform_4, window_bounds = array<i64: 2, 640, 128>}]} {
    %get3A = arith.constant 0 : index
    %get3A_0 = arith.constant 0 : index
    %get3A_1 = arith.constant 0 : index
    %get3A_2 = vector.load %arg2[%get3A, %get3A_0, %get3A_1] : memref<2x640x16xf32, #tpu.memory_space<vmem>>, vector<2x640x16xf32>
    %slice3A = vector.extract_strided_slice %get3A_2 {offsets = [0, 0, 0], sizes = [1, 640, 1], strides = [1, 1, 1]} : vector<2x640x16xf32> to vector<1x640x1xf32>
    %squeeze3A = vector.shape_cast %slice3A : vector<1x640x1xf32> to vector<640x1xf32>
    %slice3A_3 = vector.extract_strided_slice %get3A_2 {offsets = [1, 0, 0], sizes = [1, 640, 1], strides = [1, 1, 1]} : vector<2x640x16xf32> to vector<1x640x1xf32>
    %squeeze3A_4 = vector.shape_cast %slice3A_3 : vector<1x640x1xf32> to vector<640x1xf32>
    %add3A = arith.addf %squeeze3A, %squeeze3A_4 : vector<640x1xf32>
    %sub3A = arith.constant 1.000000e+00 : f32
    %sub3A_5 = vector.broadcast %sub3A : f32 to vector<640x1xf32>
    %sub3A_6 = arith.subf %add3A, %sub3A_5 : vector<640x1xf32>
    %rsqrt3A = math.rsqrt %sub3A_6 : vector<640x1xf32>
    %get3A_7 = arith.constant 0 : index
    %get3A_8 = arith.constant 0 : index
    %get3A_9 = arith.constant 0 : index
    %get3A_10 = vector.load %arg1[%get3A_7, %get3A_8, %get3A_9] : memref<2x640x128xf32, #tpu.memory_space<vmem>>, vector<2x640x128xf32>
    %broadcast_in_dim3A = vector.shape_cast %rsqrt3A : vector<640x1xf32> to vector<1x640x1xf32>
    %mul3A = vector.broadcast %broadcast_in_dim3A : vector<1x640x1xf32> to vector<2x640x128xf32>
    %mul3A_11 = arith.mulf %get3A_10, %mul3A : vector<2x640x128xf32>
    %get3A_12 = arith.constant 0 : index
    %get3A_13 = arith.constant 0 : index
    %get3A_14 = vector.load %arg3[%get3A_12, %get3A_13] : memref<2x128xf32, #tpu.memory_space<vmem>>, vector<2x128xf32>
    %broadcast_in_dim3A_15 = vector.shape_cast %get3A_14 : vector<2x128xf32> to vector<2x1x128xf32>
    %add3A_16 = vector.broadcast %broadcast_in_dim3A_15 : vector<2x1x128xf32> to vector<2x640x128xf32>
    %add3A_17 = arith.addf %mul3A_11, %add3A_16 : vector<2x640x128xf32>
    %max3A = arith.constant 0.000000e+00 : f32
    %max3A_18 = vector.broadcast %max3A : f32 to vector<2x640x128xf32>
    %max3A_19 = arith.maximumf %add3A_17, %max3A_18 : vector<2x640x128xf32>
    %slice3A_20 = vector.extract_strided_slice %max3A_19 {offsets = [0, 0, 0], sizes = [1, 640, 128], strides = [1, 1, 1]} : vector<2x640x128xf32> to vector<1x640x128xf32>
    %squeeze3A_21 = vector.shape_cast %slice3A_20 : vector<1x640x128xf32> to vector<640x128xf32>
    %slice3A_22 = vector.extract_strided_slice %max3A_19 {offsets = [1, 0, 0], sizes = [1, 640, 128], strides = [1, 1, 1]} : vector<2x640x128xf32> to vector<1x640x128xf32>
    %squeeze3A_23 = vector.shape_cast %slice3A_22 : vector<1x640x128xf32> to vector<640x128xf32>
    %concatenate3A = tpu.concatenate %squeeze3A_21, %squeeze3A_23 in 1 : vector<640x128xf32>, vector<640x128xf32> -> vector<640x256xf32>
    %get3A_24 = arith.constant 0 : index
    %get3A_25 = arith.constant 0 : index
    %get3A_26 = vector.load %arg4[%get3A_24, %get3A_25] : memref<256x256xf32, #tpu.memory_space<vmem>>, vector<256x256xf32>
    %dot_general3A = arith.constant dense<0.000000e+00> : vector<640x256xf32>
    %dot_general3A_27 = tpu.matmul %concatenate3A, %get3A_26, %dot_general3A {dimension_numbers = #tpu.dot_dimension_numbers<[1], [0], [0], [1], [0, 0, 1, 1], [], []>, transpose_lhs_hint = false} : vector<640x256xf32>, vector<256x256xf32>, vector<640x256xf32> -> vector<640x256xf32>
    %mul3A_28 = vector.broadcast %rsqrt3A : vector<640x1xf32> to vector<640x256xf32>
    %mul3A_29 = arith.mulf %dot_general3A_27, %mul3A_28 : vector<640x256xf32>
    %slice3A_30 = vector.extract_strided_slice %mul3A_29 {offsets = [0, 0], sizes = [640, 128], strides = [1, 1]} : vector<640x256xf32> to vector<640x128xf32>
    %swap3A = arith.constant 0 : index
    %swap3A_31 = arith.constant 0 : index
    %swap3A_32 = arith.constant 0 : index
    %swap3A_33 = vector.load %arg5[%swap3A, %swap3A_31, %swap3A_32] : memref<2x640x128xf32, #tpu.memory_space<vmem>>, vector<1x640x128xf32>
    %swap3A_34 = vector.shape_cast %swap3A_33 : vector<1x640x128xf32> to vector<640x128xf32>
    %swap3A_35 = vector.shape_cast %slice3A_30 : vector<640x128xf32> to vector<1x640x128xf32>
    tpu.vector_store %arg5[%swap3A, %swap3A_31, %swap3A_32], %swap3A_35 {strides = array<i32>} : memref<2x640x128xf32, #tpu.memory_space<vmem>>, vector<1x640x128xf32>,
    %slice3A_36 = vector.extract_strided_slice %mul3A_29 {offsets = [0, 128], sizes = [640, 128], strides = [1, 1]} : vector<640x256xf32> to vector<640x128xf32>
    %swap3A_37 = arith.constant 1 : index
    %swap3A_38 = arith.constant 0 : index
    %swap3A_39 = arith.constant 0 : index
    %swap3A_40 = vector.load %arg5[%swap3A_37, %swap3A_38, %swap3A_39] : memref<2x640x128xf32, #tpu.memory_space<vmem>>, vector<1x640x128xf32>
    %swap3A_41 = vector.shape_cast %swap3A_40 : vector<1x640x128xf32> to vector<640x128xf32>
    %swap3A_42 = vector.shape_cast %slice3A_36 : vector<640x128xf32> to vector<1x640x128xf32>
    tpu.vector_store %arg5[%swap3A_37, %swap3A_38, %swap3A_39], %swap3A_42 {strides = array<i32>} : memref<2x640x128xf32, #tpu.memory_space<vmem>>, vector<1x640x128xf32>,
    return
  }
  func.func @transform_0(%arg0: i32) -> (i32, i32, i32) {
    %c0_i32 = arith.constant 0 : i32
    %c0_i32_0 = arith.constant 0 : i32
    %c0_i32_1 = arith.constant 0 : i32
    return %c0_i32, %arg0, %c0_i32_0 : i32, i32, i32
  }
  func.func @transform_1(%arg0: i32) -> (i32, i32, i32) {
    %c0_i32 = arith.constant 0 : i32
    %c0_i32_0 = arith.constant 0 : i32
    %c0_i32_1 = arith.constant 0 : i32
    return %c0_i32, %arg0, %c0_i32_0 : i32, i32, i32
  }
  func.func @transform_2(%arg0: i32) -> (i32, i32) {
    %c0_i32 = arith.constant 0 : i32
    %c0_i32_0 = arith.constant 0 : i32
    %c0_i32_1 = arith.constant 0 : i32
    return %c0_i32, %c0_i32_0 : i32, i32
  }
  func.func @transform_3(%arg0: i32) -> (i32, i32) {
    %c0_i32 = arith.constant 0 : i32
    %c0_i32_0 = arith.constant 0 : i32
    %c0_i32_1 = arith.constant 0 : i32
    return %c0_i32, %c0_i32_0 : i32, i32
  }
  func.func @transform_4(%arg0: i32) -> (i32, i32, i32) {
    %c0_i32 = arith.constant 0 : i32
    %c0_i32_0 = arith.constant 0 : i32
    %c0_i32_1 = arith.constant 0 : i32
    return %c0_i32, %arg0, %c0_i32_0 : i32, i32, i32
  }
}

module attributes {stable_mosaic.version = 14 : i64} {
  func.func @_head_body(%arg0: i32, %arg1: memref<2x640x128xf32, #tpu.memory_space<vmem>>, %arg2: memref<2x640x16xf32, #tpu.memory_space<vmem>>, %arg3: memref<2x128xf32, #tpu.memory_space<vmem>>, %arg4: memref<256x1xf32, #tpu.memory_space<vmem>>, %arg5: memref<1x1xf32, #tpu.memory_space<vmem>>, %arg6: memref<640x1xf32, #tpu.memory_space<vmem>>) attributes {dimension_semantics = [#tpu.dimension_semantics<arbitrary>], iteration_bounds = array<i64: 16>, scalar_prefetch = 0 : i64, scratch_operands = 0 : i64, tpu.core_type = #tpu.core_type<tc>, window_params = [{transform_indices = @transform_0, window_bounds = array<i64: 2, 640, 128>}, {transform_indices = @transform_1, window_bounds = array<i64: 2, 640, 16>}, {pipeline_mode = #tpu.pipeline_mode<synchronous>, transform_indices = @transform_2, window_bounds = array<i64: 2, 128>}, {pipeline_mode = #tpu.pipeline_mode<synchronous>, transform_indices = @transform_3, window_bounds = array<i64: 256, 1>}, {pipeline_mode = #tpu.pipeline_mode<synchronous>, transform_indices = @transform_4, window_bounds = array<i64: 1, 1>}, {transform_indices = @transform_5, window_bounds = array<i64: 640, 1>}]} {
    %get3A = arith.constant 0 : index
    %get3A_0 = arith.constant 0 : index
    %get3A_1 = arith.constant 0 : index
    %get3A_2 = vector.load %arg2[%get3A, %get3A_0, %get3A_1] : memref<2x640x16xf32, #tpu.memory_space<vmem>>, vector<2x640x16xf32>
    %slice3A = vector.extract_strided_slice %get3A_2 {offsets = [0, 0, 0], sizes = [1, 640, 1], strides = [1, 1, 1]} : vector<2x640x16xf32> to vector<1x640x1xf32>
    %squeeze3A = vector.shape_cast %slice3A : vector<1x640x1xf32> to vector<640x1xf32>
    %slice3A_3 = vector.extract_strided_slice %get3A_2 {offsets = [1, 0, 0], sizes = [1, 640, 1], strides = [1, 1, 1]} : vector<2x640x16xf32> to vector<1x640x1xf32>
    %squeeze3A_4 = vector.shape_cast %slice3A_3 : vector<1x640x1xf32> to vector<640x1xf32>
    %add3A = arith.addf %squeeze3A, %squeeze3A_4 : vector<640x1xf32>
    %sub3A = arith.constant 1.000000e+00 : f32
    %sub3A_5 = vector.broadcast %sub3A : f32 to vector<640x1xf32>
    %sub3A_6 = arith.subf %add3A, %sub3A_5 : vector<640x1xf32>
    %rsqrt3A = math.rsqrt %sub3A_6 : vector<640x1xf32>
    %get3A_7 = arith.constant 0 : index
    %get3A_8 = arith.constant 0 : index
    %get3A_9 = arith.constant 0 : index
    %get3A_10 = vector.load %arg1[%get3A_7, %get3A_8, %get3A_9] : memref<2x640x128xf32, #tpu.memory_space<vmem>>, vector<2x640x128xf32>
    %broadcast_in_dim3A = vector.shape_cast %rsqrt3A : vector<640x1xf32> to vector<1x640x1xf32>
    %mul3A = vector.broadcast %broadcast_in_dim3A : vector<1x640x1xf32> to vector<2x640x128xf32>
    %mul3A_11 = arith.mulf %get3A_10, %mul3A : vector<2x640x128xf32>
    %get3A_12 = arith.constant 0 : index
    %get3A_13 = arith.constant 0 : index
    %get3A_14 = vector.load %arg3[%get3A_12, %get3A_13] : memref<2x128xf32, #tpu.memory_space<vmem>>, vector<2x128xf32>
    %broadcast_in_dim3A_15 = vector.shape_cast %get3A_14 : vector<2x128xf32> to vector<2x1x128xf32>
    %add3A_16 = vector.broadcast %broadcast_in_dim3A_15 : vector<2x1x128xf32> to vector<2x640x128xf32>
    %add3A_17 = arith.addf %mul3A_11, %add3A_16 : vector<2x640x128xf32>
    %max3A = arith.constant 0.000000e+00 : f32
    %max3A_18 = vector.broadcast %max3A : f32 to vector<2x640x128xf32>
    %max3A_19 = arith.maximumf %add3A_17, %max3A_18 : vector<2x640x128xf32>
    %slice3A_20 = vector.extract_strided_slice %max3A_19 {offsets = [0, 0, 0], sizes = [1, 640, 128], strides = [1, 1, 1]} : vector<2x640x128xf32> to vector<1x640x128xf32>
    %squeeze3A_21 = vector.shape_cast %slice3A_20 : vector<1x640x128xf32> to vector<640x128xf32>
    %slice3A_22 = vector.extract_strided_slice %max3A_19 {offsets = [1, 0, 0], sizes = [1, 640, 128], strides = [1, 1, 1]} : vector<2x640x128xf32> to vector<1x640x128xf32>
    %squeeze3A_23 = vector.shape_cast %slice3A_22 : vector<1x640x128xf32> to vector<640x128xf32>
    %concatenate3A = tpu.concatenate %squeeze3A_21, %squeeze3A_23 in 1 : vector<640x128xf32>, vector<640x128xf32> -> vector<640x256xf32>
    %get3A_24 = arith.constant 0 : index
    %get3A_25 = arith.constant 0 : index
    %get3A_26 = vector.load %arg4[%get3A_24, %get3A_25] : memref<256x1xf32, #tpu.memory_space<vmem>>, vector<256x1xf32>
    %dot_general3A = arith.constant dense<0.000000e+00> : vector<640x1xf32>
    %dot_general3A_27 = tpu.matmul %concatenate3A, %get3A_26, %dot_general3A {dimension_numbers = #tpu.dot_dimension_numbers<[1], [0], [0], [1], [0, 0, 1, 1], [], []>, transpose_lhs_hint = false} : vector<640x256xf32>, vector<256x1xf32>, vector<640x1xf32> -> vector<640x1xf32>
    %get3A_28 = arith.constant 0 : index
    %get3A_29 = arith.constant 0 : index
    %get3A_30 = vector.load %arg5[%get3A_28, %get3A_29] : memref<1x1xf32, #tpu.memory_space<vmem>>, vector<1x1xf32>
    %get3A_31 = vector.extract %get3A_30[0, 0] : f32 from vector<1x1xf32>
    %add3A_32 = vector.broadcast %get3A_31 : f32 to vector<640x1xf32>
    %add3A_33 = arith.addf %dot_general3A_27, %add3A_32 : vector<640x1xf32>
    %logistic3A = arith.negf %add3A_33 : vector<640x1xf32>
    %logistic3A_34 = math.exp %logistic3A : vector<640x1xf32>
    %logistic3A_35 = arith.constant 1.000000e+00 : f32
    %logistic3A_36 = vector.broadcast %logistic3A_35 : f32 to vector<640x1xf32>
    %logistic3A_37 = arith.addf %logistic3A_36, %logistic3A_34 : vector<640x1xf32>
    %logistic3A_38 = arith.divf %logistic3A_36, %logistic3A_37 : vector<640x1xf32>
    %swap3A = arith.constant 0 : index
    %swap3A_39 = arith.constant 0 : index
    %swap3A_40 = vector.load %arg6[%swap3A, %swap3A_39] : memref<640x1xf32, #tpu.memory_space<vmem>>, vector<640x1xf32>
    tpu.vector_store %arg6[%swap3A, %swap3A_39], %logistic3A_38 {strides = array<i32>} : memref<640x1xf32, #tpu.memory_space<vmem>>, vector<640x1xf32>,
    return
  }
  func.func @transform_0(%arg0: i32) -> (i32, i32, i32) {
    %c0_i32 = arith.constant 0 : i32
    %c0_i32_0 = arith.constant 0 : i32
    %c0_i32_1 = arith.constant 0 : i32
    return %c0_i32, %arg0, %c0_i32_0 : i32, i32, i32
  }
  func.func @transform_1(%arg0: i32) -> (i32, i32, i32) {
    %c0_i32 = arith.constant 0 : i32
    %c0_i32_0 = arith.constant 0 : i32
    %c0_i32_1 = arith.constant 0 : i32
    return %c0_i32, %arg0, %c0_i32_0 : i32, i32, i32
  }
  func.func @transform_2(%arg0: i32) -> (i32, i32) {
    %c0_i32 = arith.constant 0 : i32
    %c0_i32_0 = arith.constant 0 : i32
    %c0_i32_1 = arith.constant 0 : i32
    return %c0_i32, %c0_i32_0 : i32, i32
  }
  func.func @transform_3(%arg0: i32) -> (i32, i32) {
    %c0_i32 = arith.constant 0 : i32
    %c0_i32_0 = arith.constant 0 : i32
    %c0_i32_1 = arith.constant 0 : i32
    return %c0_i32, %c0_i32_0 : i32, i32
  }
  func.func @transform_4(%arg0: i32) -> (i32, i32) {
    %c0_i32 = arith.constant 0 : i32
    %c0_i32_0 = arith.constant 0 : i32
    %c0_i32_1 = arith.constant 0 : i32
    return %c0_i32, %c0_i32_0 : i32, i32
  }
  func.func @transform_5(%arg0: i32) -> (i32, i32) {
    %c0_i32 = arith.constant 0 : i32
    %c0_i32_0 = arith.constant 0 : i32
    return %arg0, %c0_i32 : i32, i32
  }
}

</mosaic_0001>

<sc_bundles>
// kernel: kernel.12.cloned.1.call-start
scs
__scs_entry_jumppad:
0x0: {  	(pc) =	sbr.rel $0x88, $3  }
0x1: {  	(tag) =	ssettag $0x0;
	lr =	simm.s32 $0x1  }
0x2: {  	[smem:$0x3F99] =	sst lr;
	_ =	strace $0xD0000000  }
0x3: {  	_ = 	snop  }
0x4: {  	_ = 	snop  }
0x5: {  	_ = 	snop  }
0x6: {  	_ = 	snop  }
0x7: {  	_ = 	snop  }
__scs_overlays_trampoline_lowered:
0x8: {  	[smem:$0x3FA8] =	sst s0  }
0x9: {  	[smem:$0x3FA9] =	sst s1  }
0xa: {  	[smem:$0x3FAA] =	sst s2  }
0xb: {  	[smem:$0x3FAB] =	sst s3  }
0xc: {  	[smem:$0x3FAC] =	sst s4  }
0xd: {  	[smem:$0x3FAD] =	sst s5  }
0xe: {  	[smem:$0x3FAE] =	sst s6  }
0xf: {  	[smem:$0x3FAF] =	sst s7  }
0x10: {  	[smem:$0x3FB0] =	sst s8  }
0x11: {  	[smem:$0x3FB1] =	sst s9;
	s0 =	simm.s32 @!p0 $0x0  }
0x12: {  	s1 =	sld [smem:$0x3F97];
	s0 =	simm.s32 @p0 $0x1  }
0x13: {  	[smem:$0x3FB2] =	sst s0;
	s0 =	simm.s32 @!p1 $0x0  }
0x14: {  	s2 =	sld [smem:$0x3F96];
	s0 =	simm.s32 @p1 $0x1  }
0x15: {  	[smem:$0x3FB3] =	sst s0;
	s0 =	simm.s32 @!p2 $0x0  }
0x16: {  	s3 =	sld [smem:$0x3FDB];
	s0 =	simm.s32 @p2 $0x1  }
0x17: {  	s4 =	simm.s32 $0x1BF5;
	[smem:$0x3FB5] =	sst s0  }
0x18: {  	s0 =	sld [smem:$0x3F98];
	_ =	swait.ge [sflag:s4], $0x0  }
0x19: {  	s7 =	sld [smem:$0x3F99]  }
0x1a: {  	s8 =	sadd.s32 $0xFFFFE003, lr  }
0x1b: {  	s9 =	sadd.s32 $0xFFFFFEF7, lr;
	s5 =	simm.s32 $0xFFFFFFFF;
	p2 =	slt.u32 s8, $0xFFFFF086  }
0x1c: {  	p1 =	slt.u32 s9, $0xF7A;
	s5 =	simm.s32 @!p2 $0x0  }
0x1d: {  	s5 =	simm.s32 @p1 $0x1;
	p0 =	seq.s32 s7, s2  }
0x1e: {  	s7 =	smul.u32 @!p0 $0xF7A, s2;
	p2 =	seq.s32 @!p0 s5, $0x0  }
0x1f: {  	s9 =	smul.u32 $0xF7A, s1;
	s8 =	simm.s32 @!p0 $0x1BF5;
	p2 =	por !p2, p0  }
0x20: {  	[sflag:s8] =	ssyncset.s32 @!p0 $0xFFFFF086;
	s6 =	sadd.s32 @!p0 s3, s7;
	s7 =	simm.s32 @!p0 $0x108  }
0x21: {  	s3 =	sadd.s32 s3, s9;
	s6 =	sadd.s32 @!p0 $0x88, s6;
	s7 =	simm.s32 @p2 $0x1082  }
0x22: {  	[simem:s7], [sflag:s8] =	dma.local @!p0 [hbm:s6], $0xF7A  }
0x23: {  	s9 =	sor.u32 $0xD0000000, s2;
	s6 =	simm.s32 $0x108;
	_ =	swait.ge @!p0 [sflag:s8], $0x0  }
0x24: {  	s3 =	sadd.s32 $0x88, s3;
	s6 =	simm.s32 @!p1 $0x1082;
	[sflag:s4] =	ssyncset.s32 $0xFFFFF086  }
0x25: {  	[simem:s6], [sflag:s4] =	dma.local [hbm:s3], $0xF7A  }
0x26: {  	[smem:$0x3F99] =	sst s1;
	(tag) =	ssettag s2;
	_ =	strace s9  }
0x27: {  	s1 =	sld [smem:$0x3FA9]  }
0x28: {  	s2 =	sld [smem:$0x3FAA]  }
0x29: {  	s4 =	sld [smem:$0x3FAC]  }
0x2a: {  	p0 =	seq.s32 s5, $0x0;
	s5 =	sld [smem:$0x3FAD]  }
0x2b: {  	s6 =	sld [smem:$0x3FAE]  }
0x2c: {  	s7 =	sld [smem:$0x3FAF]  }
0x2d: {  	s3 =	simm.s32 $0x108;
	s8 =	sld [smem:$0x3FB0]  }
0x2e: {  	s3 =	simm.s32 @!p0 $0x1082;
	s9 =	sld [smem:$0x3FB1]  }
0x2f: {  	lr =	sadd.s32 s0, s3;
	s0 =	sld [smem:$0x3FA8]  }
0x30: {  	s3 =	sld [smem:$0x3FAB]  }
0x31: {  	[smem:$0x3FB4] =	sst s10  }
0x32: {  	s10 =	sld [smem:$0x3FB2];
	_ =	sdelay $0x3  }
0x33: {  	p0 =	seq.s32 s10, $0x1;
	s10 =	sld [smem:$0x3FB4];
	_ =	sdelay $0x3  }
0x34: {  	[smem:$0x3FB4] =	sst s10  }
0x35: {  	s10 =	sld [smem:$0x3FB3];
	_ =	sdelay $0x3  }
0x36: {  	p1 =	seq.s32 s10, $0x1;
	s10 =	sld [smem:$0x3FB4];
	_ =	sdelay $0x3  }
0x37: {  	[smem:$0x3FB4] =	sst s10  }
0x38: {  	s10 =	sld [smem:$0x3FB5]  }
0x39: {  	_ = 	snop;
	(pc) =	sbr.ind lr, $3  }
0x3a: {  	_ = 	snop  }
0x3b: {  	_ = 	snop  }
0x3c: {  	p2 =	seq.s32 s10, $0x1;
	s10 =	sld [smem:$0x3FB4]  }
0x3d: {  	_ =	shalt  }
0x3e: {  	_ =	shalt  }
0x3f: {  	_ =	shalt  }
0x40: {  	_ =	shalt  }
0x41: {  	_ =	shalt  }
0x42: {  	_ =	shalt  }
0x43: {  	_ =	shalt  }
0x44: {  	_ =	shalt  }
0x45: {  	_ =	shalt  }
0x46: {  	_ =	shalt  }
0x47: {  	_ =	shalt  }
0x48: {  	_ =	shalt  }
0x49: {  	_ =	shalt  }
0x4a: {  	_ =	shalt  }
0x4b: {  	_ =	shalt  }
0x4c: {  	_ =	shalt  }
0x4d: {  	_ =	shalt  }
0x4e: {  	_ =	shalt  }
0x4f: {  	_ =	shalt  }
0x50: {  	_ =	shalt  }
0x51: {  	_ =	shalt  }
0x52: {  	_ =	shalt  }
0x53: {  	_ =	shalt  }
0x54: {  	_ =	shalt  }
0x55: {  	_ =	shalt  }
0x56: {  	_ =	shalt  }
0x57: {  	_ =	shalt  }
0x58: {  	_ =	shalt  }
0x59: {  	_ =	shalt  }
0x5a: {  	_ =	shalt  }
0x5b: {  	_ =	shalt  }
0x5c: {  	_ =	shalt  }
0x5d: {  	_ =	shalt  }
0x5e: {  	_ =	shalt  }
0x5f: {  	_ =	shalt  }
0x60: {  	_ =	shalt  }
0x61: {  	_ =	shalt  }
0x62: {  	_ =	shalt  }
0x63: {  	_ =	shalt  }
0x64: {  	_ =	shalt  }
0x65: {  	_ =	shalt  }
0x66: {  	_ =	shalt  }
0x67: {  	_ =	shalt  }
0x68: {  	_ =	shalt  }
0x69: {  	_ =	shalt  }
0x6a: {  	_ =	shalt  }
0x6b: {  	_ =	shalt  }
0x6c: {  	_ =	shalt  }
0x6d: {  	_ =	shalt  }
0x6e: {  	_ =	shalt  }
0x6f: {  	_ =	shalt  }
0x70: {  	_ =	shalt  }
0x71: {  	_ =	shalt  }
0x72: {  	_ =	shalt  }
0x73: {  	_ =	shalt  }
0x74: {  	_ =	shalt  }
0x75: {  	_ =	shalt  }
0x76: {  	_ =	shalt  }
0x77: {  	_ =	shalt  }
0x78: {  	_ =	shalt  }
0x79: {  	_ =	shalt  }
0x7a: {  	_ =	shalt  }
0x7b: {  	_ =	shalt  }
0x7c: {  	_ =	shalt  }
0x7d: {  	_ =	shalt  }
0x7e: {  	_ =	shalt  }
0x7f: {  	_ =	shalt  }
0x80: {  	_ =	shalt  }
0x81: {  	_ =	shalt  }
0x82: {  	_ =	shalt  }
0x83: {  	_ =	shalt  }
0x84: {  	_ =	shalt  }
0x85: {  	_ =	shalt  }
0x86: {  	_ =	shalt  }
0x87: {  	_ =	shalt  }
.Lfunc_end0:
.L_simem_size_0:
called_computation.1_lowered:
.L_overlay_start_0:
0x88: {  	s2 =	sld [smem:$0x3FD9]  }
0x89: {  	s3 =	sld [smem:$0x3FFE];
	_ =	sdelay $0x1  }
0x8a: {  	s1 =	srdreg.scid  }
0x8b: {  	s0 =	sand.u32 $0x1, s1  }
0x8c: {  	s16 =	sshll.u32 s0, $0xA;
	s2 =	sadd.s32 s3, s2  }
0x8d: {  	s2 =	sadd.s32 s2, s16  }
0x8e: {  	[smem:$0x3FC0] =	sst s2  }
0x8f: {  	_ = 	snop  }
0x90: {  	(tm) =	ssettm $0x1  }
0x91: {  	s17 =	sld [smem:$0x3FFB];
	_ =	sdelay $0x3  }
0x92: {  	_ =	strace s17  }
0x93: {  	s2 =	sld [smem:$0x3FFC];
	_ =	sdelay $0x3  }
0x94: {  	_ =	strace s2  }
0x95: {  	s2 =	sld [smem:$0x3FFD];
	_ =	sdelay $0x3  }
0x96: {  	_ =	strace s2  }
0x97: {  	_ =	strace $0x8FFFFFFF  }
0x98: {  	s18 =	sld [smem:$0x3FDB];
	_ =	sdelay $0x1  }
0x99: {  	s19 =	simm.s32 $_scs_section_size  }
0x9a: {  	s4 =	simm.s32 $_size__tile_overlayer_lowered;
	s5 =	simm.s32 $_tile_overlayer_lowered  }
0x9b: {  	s22 =	simm.s32 $0x1BFF;
	s21 =	sshll.u32 s5, $0x1;
	s2 =	sadd.s32 s19, s18  }
0x9c: {  	s6 =	simm.s32 $0x0;
	s20 =	sshll.u32 s4, $0x1;
	s4 =	sadd.s32 s21, s2  }
0x9d: {  	[timem:s6], [sflag:s22] =	dma.local [hbm:s4], s20  }
0x9e: {  	_ =	swait.ge [sflag:s22], s20  }
0x9f: {  	s3 =	ssub.s32 $0x0, s20;
	[sflag:s22] =	ssyncset.done $0x0  }
0xa0: {  	[sflag:s22] =	ssyncadd.s32 s3;
	_ =	sdelay $0x1  }
0xa1: {  	s23 =	simm.s32 $0x1B8B  }
0xa2: {  	_ =	swait.ge [sflag:s23], $0x1  }
0xa3: {  	[sflag:s23] =	ssyncset.done $0x0  }
0xa4: {  	s25 =	simm.s32 $0x1B8E;
	s24 =	sld [smem:$0x3FFE];
	[sflag:s23] =	ssyncadd.s32 $0xFFFFFFFF  }
0xa5: {  	s26 =	simm.s32 $execute0_lowered;
	[smem:$0x3FD2] =	sst s25  }
0xa6: {  	s4 =	sshll.u32 s26, $0x1;
	_ =	strace $0x80000049;
	[dreg:$0x1] =	wrdreg $0xFFFFFFFF  }
0xa7: {  	s28 =	simm.s32 $_size_execute0_lowered;
	s2 =	sadd.s32 s2, s4;
	[dreg:$0x0] =	wrdreg $0x0  }
0xa8: {  	s4 =	sshll.u32 s28, $0x1;
	[dreg:$0x2] =	wrdreg s2  }
0xa9: {  	[dreg:$0x3] =	wrdreg s4  }
0xaa: {  	[dreg:$0x4] =	wrdreg $0xC0  }
0xab: {  	_ =	task [dreg:s6], $0x5FFFF  }
0xac: {  	[dreg:$0x1] =	wrdreg $0xFFFFFFFF  }
0xad: {  	[dreg:$0x0] =	wrdreg $0x60  }
0xae: {  	[dreg:$0x2] =	wrdreg s24  }
0xaf: {  	[dreg:$0x3] =	wrdreg $0x90000  }
0xb0: {  	[dreg:$0x4] =	wrdreg $0x9  }
0xb1: {  	_ =	task.clear_ibuf [dreg:s6], $0x5FFFF;
	_ =	strace $0x90000049  }
0xb2: {  	s29 =	simm.s32 $0x9;
	_ =	strace $0x8000004B  }
0xb3: {  	_ =	swait.ge [sflag:s29], $0x1  }
0xb4: {  	[sflag:s29] =	ssyncadd.s32 $0xFFFFFFFF  }
0xb5: {  	_ =	strace $0x9000004B  }
0xb6: {  	_ =	sfence  }
0xb7: {  	s30 =	sld [smem:$0x0];
	_ =	sdelay $0x2  }
0xb8: {  	s31 =	sshll.u32 s1, $0xD;
	s1 =	sshrl.u32 s1, $0x2  }
0xb9: {  	s3 =	sand.u32 $0x4000, s31;
	s1 =	sadd.s32 s1, s30  }
0xba: {  	s0 =	sor.u32 s3, s0;
	s1 =	sshll.u32 s1, $0x11  }
0xbb: {  	s0 =	sor.u32 s1, s0  }
0xbc: {  	s0 =	sadd.s32 $0x8F2B, s0  }
0xbd: {  	[sflag:s0] =	ssyncadd.remote.s32 $0x1  }
0xbe: {  	_ =	sfence.sel $0xFFFF  }
0xbf: {  	[dreg:$0x0] =	wrdreg $0xFFFFFFFF;
	(pc) =	sbr.abs _section_cstart, $3  }
0xc0: {  	[dreg:$0x1] =	wrdreg $0xFFFFFFFF  }
0xc1: {  	_ =	task.clear_ibuf [dreg:s6], $0x2FFFF;
	_ =	strace $0x9FFFFFFF  }
0xc2: {  	(tm) =	ssettm $0x7FFFFFFF  }
0xc3: {  	_ =	shalt  }
tec
execute0_lowered:
.L_overlay_start_1:
0x0: {  	(tag) =	ssettag $0x1  }
0x1: {  	s0 =	rddreg [dreg:$0x0]  }
0x2: {  	s1 =	rddreg [dreg:$0x1];
	s3 =	simm.s32 $0x0  }
0x3: {  	s25 =	simm.s32 $0x100;
	[smem:$0x7FF] =	sst s3  }
0x4: {  	s10 =	simm.s32 $0x480;
	_ =	strace $0x8000004A;
	[dreg:$0x3] =	wrdreg s25  }
0x5: {  	s26 =	simm.s32 $0x180;
	[dreg:$0x4] =	wrdreg s10  }
0x6: {  	s31 =	simm.s32 $0x500;
	[dreg:$0x5] =	wrdreg s26  }
0x7: {  	s12 =	simm.s32 $0x580;
	[dreg:$0x6] =	wrdreg s31  }
0x8: {  	s2 =	srdreg.scid;
	s13 =	simm.s32 $0x280;
	[dreg:$0x8] =	wrdreg s12  }
0x9: {  	s18 =	stileid.u32;
	s16 =	simm.s32 $0x600;
	[dreg:$0x9] =	wrdreg s13  }
0xa: {  	s17 =	simm.s32 $0x300;
	s19 =	simm.s32 $0x680;
	[dreg:$0xa] =	wrdreg s16  }
0xb: {  	s20 =	simm.s32 $0x380;
	s21 =	simm.s32 $0x700;
	[dreg:$0xb] =	wrdreg s17  }
0xc: {  	s23 =	simm.s32 $0x780;
	s24 =	simm.s32 $0x880;
	[dreg:$0xc] =	wrdreg s19  }
0xd: {  	s28 =	simm.s32 $0x2;
	s29 =	simm.s32 $0x3;
	[dreg:$0xd] =	wrdreg s20  }
0xe: {  	s30 =	simm.s32 $0x0;
	s2 =	sand.u32 $0x1, s2;
	[dreg:$0xe] =	wrdreg s21  }
0xf: {  	s7 =	smul.u32 $0x14000, s18;
	s4 =	sadd.s32 $0x63400, s0;
	[dreg:$0xf] =	wrdreg s23  }
0x10: {  	s5 =	sadd.s32 $0x59400, s0;
	s10 =	simm.s32 $0x200;
	[dreg:$0x10] =	wrdreg s24  }
0x11: {  	s6 =	smul.u32 $0x140000, s2;
	s25 =	simm.s32 $0x900;
	[dreg:$0x7] =	wrdreg s10  }
0x12: {  	s8 =	ssub.s32 $0x2, s2;
	s26 =	simm.s32 $0xC80;
	[dreg:$0x11] =	wrdreg s25  }
0x13: {  	s2 =	smul.u32 $0x28000, s2;
	s31 =	simm.s32 $0x980;
	[dreg:$0x12] =	wrdreg s26  }
0x14: {  	s16 =	simm.s32 $0x5;
	s20 =	simm.s32 $0xD80;
	[dreg:$0x13] =	wrdreg s31  }
0x15: {  	s17 =	simm.s32 $0x400;
	s21 =	simm.s32 $0xA80;
	[dreg:$0x16] =	wrdreg s20  }
0x16: {  	s23 =	simm.s32 $0xB00;
	s24 =	simm.s32 $0xE80;
	[dreg:$0x17] =	wrdreg s21  }
0x17: {  	s9 =	sshrl.u32 s8, $0x1;
	s20 =	simm.s32 $0x800;
	[dreg:$0x19] =	wrdreg s23  }
0x18: {  	s21 =	simm.s32 $0xC00;
	[dreg:$0x1a] =	wrdreg s24;
	s25 =	simm.s32 $0xB80  }
0x19: {  	s23 =	simm.s32 $0x1000;
	s26 =	simm.s32 $0xF00;
	s24 =	simm.s32 $0x4  }
0x1a: {  	s31 =	simm.s32 $0xF80;
	s7 =	sadd.s32 s7, s6;
	s6 =	sadd.s32 $0x1C00, s0  }
0x1b: {  	s15 =	ssub.s32 s8, s9;
	[dreg:$0x1b] =	wrdreg s25;
	s7 =	sshrl.u32 s7, $0x3  }
0x1c: {  	[dreg:$0x1c] =	wrdreg s26;
	s0 =	sadd.s32 s7, s0;
	s7 =	smul.u32 $0x2800, s18  }
0x1d: {  	[dreg:$0x1d] =	wrdreg s31;
	s25 =	simm.s32 $0x5000;
	s26 =	simm.s32 $0x1  }
0x1e: {  	s15 =	smax.u32 s15, $0x1;
	s8 =	sadd.s32 s7, s2;
	s14 =	sshrl.u32 s7, $0x3  }
0x1f: {  	s2 =	simm.s32 $0xD00;
	s11 =	sshrl.u32 s8, $0x3;
	s10 =	sadd.s32 s6, s14  }
0x20: {  	s22 =	sadd.s32 s4, s8;
	s14 =	sadd.s32 $0xB3400, s0;
	[dreg:$0x14] =	wrdreg s2  }
0x21: {  	s9 =	sadd.s32 s5, s11;
	s11 =	smul.u32 $0x50000, s18;
	[dreg:$0x1e] =	wrdreg s22  }
0x22: {  	s13 =	sadd.s32 $0x80, s10;
	s18 =	sshll.u32 s18, $0x6;
	s22 =	simm.s32 $0xE00  }
0x23: {  	s12 =	sadd.s32 $0x80, s9;
	s18 =	sor.u32 $0x1C05, s18;
	s11 =	sshrl.u32 s11, $0x2  }
0x24: {  	[dreg:$0x18] =	wrdreg s22;
	s19 =	sadd.s32 s11, s1;
	s11 =	simm.s32 $0xA00  }
0x25: {  	s22 =	simm.s32 $0x80;
	[dreg:$0x15] =	wrdreg s11;
	s19 =	sshrl.u32 s19, $0x3  }
.LBB2_1:
0x26: {  	[tilespmem:s3], [sflag:$0x5] =	stream.linear.gather [hbm4b:s9+s3], $0x400, $0x38;
	[tilespmem:$0x1D000] =	vst v63  }
0x27: {  	_ =	swait.ge [sflag:s16], $0x400  }
0x28: {  	[sflag:s16] =	ssyncset.done $0x0  }
0x29: {  	[sflag:s16] =	ssyncadd.s32 $0xFFFFFC00  }
0x2a: {  	[tilespmem:s17], [sflag:$0x5] =	stream.linear.gather [hbm4b:s10+s3], $0x400, $0x38;
	[tilespmem:$0x1D000] =	vst v63  }
0x2b: {  	_ =	swait.ge [sflag:s16], $0x400  }
0x2c: {  	[sflag:s16] =	ssyncset.done $0x0  }
0x2d: {  	s0 =	rddreg [dreg:$0x1e];
	[sflag:s16] =	ssyncadd.s32 $0xFFFFFC00  }
0x2e: {  	[spmem:s19], [sflag:s18] =	dma.local [hbm:s0], $0x2800  }
0x2f: {  	_ =	swait.ge [sflag:s16], $0x2800  }
0x30: {  	[sflag:s16] =	ssyncset.done $0x0  }
0x31: {  	[sflag:s16] =	ssyncadd.s32 $0xFFFFD800  }
0x32: {  	[bflag:$0x0] =	sbarrier.arrive $0xFFFF  }
0x33: {  	[tilespmem:s20], [sflag:$0x4] =	stream.linear.gather [hbm4b:s12+s3], $0x400, $0x38;
	[tilespmem:$0x1D000] =	vst v63  }
0x34: {  	_ = 	snop  }
0x35: {  	[tilespmem:s21], [sflag:$0x4] =	stream.linear.gather [hbm4b:s13+s3], $0x400, $0x38;
	[tilespmem:$0x1D000] =	vst v63  }
0x36: {  	_ = 	snop  }
0x37: {  	[tilespmem:s23], [sflag:$0x1] =	stream.indirect.gather [hbm4b:s4+s22], $0x80, s3, s22, $0xb8;
	[tilespmem:$0x1D000] =	vst v63  }
0x38: {  	_ =	swait.ge [sflag:s24], $0x400  }
0x39: {  	[sflag:s24] =	ssyncset.done $0x0  }
0x3a: {  	[sflag:s24] =	ssyncadd.s32 $0xFFFFFC00  }
0x3b: {  	_ =	swait.ge [sflag:s24], $0x400  }
0x3c: {  	[sflag:s24] =	ssyncset.done $0x0  }
0x3d: {  	[sflag:s24] =	ssyncadd.s32 $0xFFFFFC00  }
0x3e: {  	[tilespmem:s25], [sflag:$0x2] =	stream.indirect.gather [hbm4b:s4+s22], $0x80, s22, s22, $0xb8;
	[tilespmem:$0x1D000] =	vst v63  }
0x3f: {  	_ =	swait.ge [sflag:s26], $0x4000  }
0x40: {  	[sflag:s26] =	ssyncset.done $0x0  }
0x41: {  	[sflag:s26] =	ssyncadd.s32 $0xFFFFC000  }
0x42: {  	[spmem:s1] =	stream.indirect.scatter.add.f32 [tilespmem:s23], [sflag:$0x5], $0x80, s17, s22, $0xb8;
	[tilespmem:$0x1D000] =	vst v63  }
0x43: {  	_ =	swait.ge [sflag:s16], $0x4000  }
0x44: {  	[sflag:s16] =	ssyncset.done $0x0  }
0x45: {  	s11 =	rddreg [dreg:$0x3];
	[sflag:s16] =	ssyncadd.s32 $0xFFFFC000  }
0x46: {  	[tilespmem:s23], [sflag:$0x1] =	stream.indirect.gather [hbm4b:s4+s22], $0x80, s11, s22, $0xb8;
	[tilespmem:$0x1D000] =	vst v63  }
0x47: {  	_ =	swait.ge [sflag:s28], $0x4000  }
0x48: {  	[sflag:s28] =	ssyncset.done $0x0  }
0x49: {  	s2 =	rddreg [dreg:$0x4];
	[sflag:s28] =	ssyncadd.s32 $0xFFFFC000  }
0x4a: {  	[spmem:s1] =	stream.indirect.scatter.add.f32 [tilespmem:s25], [sflag:$0x5], $0x80, s2, s22, $0xb8;
	[tilespmem:$0x1D000] =	vst v63  }
0x4b: {  	_ =	swait.ge [sflag:s16], $0x4000  }
0x4c: {  	[sflag:s16] =	ssyncset.done $0x0  }
0x4d: {  	s11 =	rddreg [dreg:$0x5];
	[sflag:s16] =	ssyncadd.s32 $0xFFFFC000  }
0x4e: {  	[tilespmem:s25], [sflag:$0x2] =	stream.indirect.gather [hbm4b:s4+s22], $0x80, s11, s22, $0xb8;
	[tilespmem:$0x1D000] =	vst v63  }
0x4f: {  	_ =	swait.ge [sflag:s26], $0x4000  }
0x50: {  	[sflag:s26] =	ssyncset.done $0x0  }
0x51: {  	s2 =	rddreg [dreg:$0x6];
	[sflag:s26] =	ssyncadd.s32 $0xFFFFC000  }
0x52: {  	[spmem:s1] =	stream.indirect.scatter.add.f32 [tilespmem:s23], [sflag:$0x5], $0x80, s2, s22, $0xb8;
	[tilespmem:$0x1D000] =	vst v63  }
0x53: {  	_ =	swait.ge [sflag:s16], $0x4000  }
0x54: {  	[sflag:s16] =	ssyncset.done $0x0  }
0x55: {  	s11 =	rddreg [dreg:$0x7];
	[sflag:s16] =	ssyncadd.s32 $0xFFFFC000  }
0x56: {  	[tilespmem:s23], [sflag:$0x1] =	stream.indirect.gather [hbm4b:s4+s22], $0x80, s11, s22, $0xb8;
	[tilespmem:$0x1D000] =	vst v63  }
0x57: {  	_ =	swait.ge [sflag:s28], $0x4000  }
0x58: {  	[sflag:s28] =	ssyncset.done $0x0  }
0x59: {  	s2 =	rddreg [dreg:$0x8];
	[sflag:s28] =	ssyncadd.s32 $0xFFFFC000  }
0x5a: {  	[spmem:s1] =	stream.indirect.scatter.add.f32 [tilespmem:s25], [sflag:$0x5], $0x80, s2, s22, $0xb8;
	[tilespmem:$0x1D000] =	vst v63  }
0x5b: {  	_ =	swait.ge [sflag:s16], $0x4000  }
0x5c: {  	[sflag:s16] =	ssyncset.done $0x0  }
0x5d: {  	s11 =	rddreg [dreg:$0x9];
	[sflag:s16] =	ssyncadd.s32 $0xFFFFC000  }
0x5e: {  	[tilespmem:s25], [sflag:$0x2] =	stream.indirect.gather [hbm4b:s4+s22], $0x80, s11, s22, $0xb8;
	[tilespmem:$0x1D000] =	vst v63  }
0x5f: {  	_ =	swait.ge [sflag:s26], $0x4000  }
0x60: {  	[sflag:s26] =	ssyncset.done $0x0  }
0x61: {  	s2 =	rddreg [dreg:$0xa];
	[sflag:s26] =	ssyncadd.s32 $0xFFFFC000  }
0x62: {  	[spmem:s1] =	stream.indirect.scatter.add.f32 [tilespmem:s23], [sflag:$0x5], $0x80, s2, s22, $0xb8;
	[tilespmem:$0x1D000] =	vst v63  }
0x63: {  	_ =	swait.ge [sflag:s16], $0x4000  }
0x64: {  	[sflag:s16] =	ssyncset.done $0x0  }
0x65: {  	s11 =	rddreg [dreg:$0xb];
	[sflag:s16] =	ssyncadd.s32 $0xFFFFC000  }
0x66: {  	[tilespmem:s23], [sflag:$0x1] =	stream.indirect.gather [hbm4b:s4+s22], $0x80, s11, s22, $0xb8;
	[tilespmem:$0x1D000] =	vst v63  }
0x67: {  	_ =	swait.ge [sflag:s28], $0x4000  }
0x68: {  	[sflag:s28] =	ssyncset.done $0x0  }
0x69: {  	s2 =	rddreg [dreg:$0xc];
	[sflag:s28] =	ssyncadd.s32 $0xFFFFC000  }
0x6a: {  	[spmem:s1] =	stream.indirect.scatter.add.f32 [tilespmem:s25], [sflag:$0x5], $0x80, s2, s22, $0xb8;
	[tilespmem:$0x1D000] =	vst v63  }
0x6b: {  	_ =	swait.ge [sflag:s16], $0x4000  }
0x6c: {  	[sflag:s16] =	ssyncset.done $0x0  }
0x6d: {  	s11 =	rddreg [dreg:$0xd];
	[sflag:s16] =	ssyncadd.s32 $0xFFFFC000  }
0x6e: {  	[tilespmem:s25], [sflag:$0x2] =	stream.indirect.gather [hbm4b:s4+s22], $0x80, s11, s22, $0xb8;
	[tilespmem:$0x1D000] =	vst v63  }
0x6f: {  	_ =	swait.ge [sflag:s26], $0x4000  }
0x70: {  	[sflag:s26] =	ssyncset.done $0x0  }
0x71: {  	s2 =	rddreg [dreg:$0xe];
	[sflag:s26] =	ssyncadd.s32 $0xFFFFC000  }
0x72: {  	[spmem:s1] =	stream.indirect.scatter.add.f32 [tilespmem:s23], [sflag:$0x5], $0x80, s2, s22, $0xb8;
	[tilespmem:$0x1D000] =	vst v63  }
0x73: {  	_ =	swait.ge [sflag:s16], $0x4000  }
0x74: {  	[sflag:s16] =	ssyncset.done $0x0  }
0x75: {  	[sflag:s16] =	ssyncadd.s32 $0xFFFFC000  }
0x76: {  	[tilespmem:s23], [sflag:$0x1] =	stream.indirect.gather [hbm4b:s4+s22], $0x80, s20, s22, $0xb8;
	[tilespmem:$0x1D000] =	vst v63  }
0x77: {  	_ =	swait.ge [sflag:s28], $0x4000  }
0x78: {  	s2 =	smin.u32 s3, $0x7;
	[sflag:s28] =	ssyncset.done $0x0  }
0x79: {  	s2 =	sshll.u32 s2, $0xA;
	s11 =	rddreg [dreg:$0xf];
	[sflag:s28] =	ssyncadd.s32 $0xFFFFC000  }
0x7a: {  	[spmem:s1] =	stream.indirect.scatter.add.f32 [tilespmem:s25], [sflag:$0x5], $0x80, s11, s22, $0xb8;
	[tilespmem:$0x1D000] =	vst v63  }
0x7b: {  	s11 =	sadd.s32 $0x800, s2  }
0x7c: {  	_ =	swait.ge [sflag:s16], $0x4000;
	s2 =	sadd.s32 s8, s11  }
0x7d: {  	s0 =	sadd.s32 s7, s11;
	[sflag:s16] =	ssyncset.done $0x0;
	s2 =	sshrl.u32 s2, $0x3  }
0x7e: {  	s0 =	sshrl.u32 s0, $0x3;
	[sflag:s16] =	ssyncadd.s32 $0xFFFFC000;
	s2 =	sadd.s32 s5, s2  }
0x7f: {  	[tilespmem:s3], [sflag:$0x3] =	stream.linear.gather [hbm4b:s2+s3], $0x400, $0x38;
	[tilespmem:$0x1D000] =	vst v63  }
0x80: {  	s0 =	sadd.s32 s6, s0  }
0x81: {  	[tilespmem:s17], [sflag:$0x3] =	stream.linear.gather [hbm4b:s0+s3], $0x400, $0x38;
	[tilespmem:$0x1D000] =	vst v63  }
0x82: {  	_ =	swait.ge [sflag:s29], $0x400  }
0x83: {  	[sflag:s29] =	ssyncset.done $0x0  }
0x84: {  	[sflag:s29] =	ssyncadd.s32 $0xFFFFFC00  }
0x85: {  	_ =	swait.ge [sflag:s29], $0x400  }
0x86: {  	[sflag:s29] =	ssyncset.done $0x0  }
0x87: {  	s2 =	rddreg [dreg:$0x10];
	[sflag:s29] =	ssyncadd.s32 $0xFFFFFC00  }
0x88: {  	[tilespmem:s25], [sflag:$0x2] =	stream.indirect.gather [hbm4b:s4+s22], $0x80, s2, s22, $0xb8;
	[tilespmem:$0x1D000] =	vst v63  }
0x89: {  	_ =	swait.ge [sflag:s26], $0x4000  }
0x8a: {  	[sflag:s26] =	ssyncset.done $0x0  }
0x8b: {  	[sflag:s26] =	ssyncadd.s32 $0xFFFFC000  }
0x8c: {  	[spmem:s1] =	stream.indirect.scatter.add.f32 [tilespmem:s23], [sflag:$0x5], $0x80, s21, s22, $0xb8;
	[tilespmem:$0x1D000] =	vst v63  }
0x8d: {  	_ =	swait.ge [sflag:s16], $0x4000  }
0x8e: {  	[sflag:s16] =	ssyncset.done $0x0  }
0x8f: {  	s11 =	rddreg [dreg:$0x11];
	[sflag:s16] =	ssyncadd.s32 $0xFFFFC000  }
0x90: {  	[tilespmem:s23], [sflag:$0x1] =	stream.indirect.gather [hbm4b:s4+s22], $0x80, s11, s22, $0xb8;
	[tilespmem:$0x1D000] =	vst v63  }
0x91: {  	_ =	swait.ge [sflag:s28], $0x4000  }
0x92: {  	[sflag:s28] =	ssyncset.done $0x0  }
0x93: {  	s2 =	rddreg [dreg:$0x12];
	[sflag:s28] =	ssyncadd.s32 $0xFFFFC000  }
0x94: {  	[spmem:s1] =	stream.indirect.scatter.add.f32 [tilespmem:s25], [sflag:$0x5], $0x80, s2, s22, $0xb8;
	[tilespmem:$0x1D000] =	vst v63  }
0x95: {  	_ =	swait.ge [sflag:s16], $0x4000  }
0x96: {  	[sflag:s16] =	ssyncset.done $0x0  }
0x97: {  	s11 =	rddreg [dreg:$0x13];
	[sflag:s16] =	ssyncadd.s32 $0xFFFFC000  }
0x98: {  	[tilespmem:s25], [sflag:$0x2] =	stream.indirect.gather [hbm4b:s4+s22], $0x80, s11, s22, $0xb8;
	[tilespmem:$0x1D000] =	vst v63  }
0x99: {  	_ =	swait.ge [sflag:s26], $0x4000  }
0x9a: {  	[sflag:s26] =	ssyncset.done $0x0  }
0x9b: {  	s2 =	rddreg [dreg:$0x14];
	[sflag:s26] =	ssyncadd.s32 $0xFFFFC000  }
0x9c: {  	[spmem:s1] =	stream.indirect.scatter.add.f32 [tilespmem:s23], [sflag:$0x5], $0x80, s2, s22, $0xb8;
	[tilespmem:$0x1D000] =	vst v63  }
0x9d: {  	_ =	swait.ge [sflag:s16], $0x4000  }
0x9e: {  	[sflag:s16] =	ssyncset.done $0x0  }
0x9f: {  	s11 =	rddreg [dreg:$0x15];
	[sflag:s16] =	ssyncadd.s32 $0xFFFFC000  }
0xa0: {  	[tilespmem:s23], [sflag:$0x1] =	stream.indirect.gather [hbm4b:s4+s22], $0x80, s11, s22, $0xb8;
	[tilespmem:$0x1D000] =	vst v63  }
0xa1: {  	_ =	swait.ge [sflag:s28], $0x4000  }
0xa2: {  	[sflag:s28] =	ssyncset.done $0x0  }
0xa3: {  	s2 =	rddreg [dreg:$0x16];
	[sflag:s28] =	ssyncadd.s32 $0xFFFFC000  }
0xa4: {  	[spmem:s1] =	stream.indirect.scatter.add.f32 [tilespmem:s25], [sflag:$0x5], $0x80, s2, s22, $0xb8;
	[tilespmem:$0x1D000] =	vst v63  }
0xa5: {  	_ =	swait.ge [sflag:s16], $0x4000  }
0xa6: {  	[sflag:s16] =	ssyncset.done $0x0  }
0xa7: {  	s11 =	rddreg [dreg:$0x17];
	[sflag:s16] =	ssyncadd.s32 $0xFFFFC000  }
0xa8: {  	[tilespmem:s25], [sflag:$0x2] =	stream.indirect.gather [hbm4b:s4+s22], $0x80, s11, s22, $0xb8;
	[tilespmem:$0x1D000] =	vst v63  }
0xa9: {  	_ =	swait.ge [sflag:s26], $0x4000  }
0xaa: {  	[sflag:s26] =	ssyncset.done $0x0  }
0xab: {  	s2 =	rddreg [dreg:$0x18];
	[sflag:s26] =	ssyncadd.s32 $0xFFFFC000  }
0xac: {  	[spmem:s1] =	stream.indirect.scatter.add.f32 [tilespmem:s23], [sflag:$0x5], $0x80, s2, s22, $0xb8;
	[tilespmem:$0x1D000] =	vst v63  }
0xad: {  	_ =	swait.ge [sflag:s16], $0x4000  }
0xae: {  	[sflag:s16] =	ssyncset.done $0x0  }
0xaf: {  	s11 =	rddreg [dreg:$0x19];
	[sflag:s16] =	ssyncadd.s32 $0xFFFFC000  }
0xb0: {  	[tilespmem:s23], [sflag:$0x1] =	stream.indirect.gather [hbm4b:s4+s22], $0x80, s11, s22, $0xb8;
	[tilespmem:$0x1D000] =	vst v63  }
0xb1: {  	_ =	swait.ge [sflag:s28], $0x4000  }
0xb2: {  	[sflag:s28] =	ssyncset.done $0x0  }
0xb3: {  	s2 =	rddreg [dreg:$0x1a];
	[sflag:s28] =	ssyncadd.s32 $0xFFFFC000  }
0xb4: {  	[spmem:s1] =	stream.indirect.scatter.add.f32 [tilespmem:s25], [sflag:$0x5], $0x80, s2, s22, $0xb8;
	[tilespmem:$0x1D000] =	vst v63  }
0xb5: {  	_ =	swait.ge [sflag:s16], $0x4000  }
0xb6: {  	[sflag:s16] =	ssyncset.done $0x0  }
0xb7: {  	s11 =	rddreg [dreg:$0x1b];
	[sflag:s16] =	ssyncadd.s32 $0xFFFFC000  }
0xb8: {  	[tilespmem:s25], [sflag:$0x2] =	stream.indirect.gather [hbm4b:s4+s22], $0x80, s11, s22, $0xb8;
	[tilespmem:$0x1D000] =	vst v63  }
0xb9: {  	_ =	swait.ge [sflag:s26], $0x4000  }
0xba: {  	[sflag:s26] =	ssyncset.done $0x0  }
0xbb: {  	s2 =	rddreg [dreg:$0x1c];
	[sflag:s26] =	ssyncadd.s32 $0xFFFFC000  }
0xbc: {  	[spmem:s1] =	stream.indirect.scatter.add.f32 [tilespmem:s23], [sflag:$0x5], $0x80, s2, s22, $0xb8;
	[tilespmem:$0x1D000] =	vst v63  }
0xbd: {  	_ =	swait.ge [sflag:s16], $0x4000  }
0xbe: {  	[sflag:s16] =	ssyncset.done $0x0  }
0xbf: {  	[sflag:s16] =	ssyncadd.s32 $0xFFFFC000  }
0xc0: {  	[tilespmem:s23], [sflag:$0x1] =	stream.indirect.gather [hbm4b:s4+s22], $0x80, s3, s22, $0xb8;
	[tilespmem:$0x1D000] =	vst v63  }
0xc1: {  	s11 =	smin.u32 s3, $0x6;
	_ =	swait.ge [sflag:s28], $0x4000  }
0xc2: {  	s31 =	simm.s32 $0x2;
	s2 =	sshll.u32 s11, $0xA;
	[sflag:s28] =	ssyncset.done $0x0  }
0xc3: {  	s2 =	sadd.s32 $0xC00, s2;
	s0 =	rddreg [dreg:$0x1d];
	[sflag:s28] =	ssyncadd.s32 $0xFFFFC000  }
0xc4: {  	[spmem:s1] =	stream.indirect.scatter.add.f32 [tilespmem:s25], [sflag:$0x5], $0x80, s0, s22, $0xb8;
	[tilespmem:$0x1D000] =	vst v63  }
0xc5: {  	s11 =	sadd.s32 s8, s2;
	s2 =	sadd.s32 s7, s2;
	_ =	swait.ge [sflag:s16], $0x4000  }
0xc6: {  	s0 =	sshrl.u32 s11, $0x3;
	s11 =	sshrl.u32 s2, $0x3;
	[sflag:s16] =	ssyncset.done $0x0  }
0xc7: {  	s0 =	sadd.s32 s5, s0;
	s2 =	sadd.s32 s6, s11;
	[sflag:s16] =	ssyncadd.s32 $0xFFFFC000  }
0xc8: {  	[tilespmem:s20], [sflag:$0x4] =	stream.linear.gather [hbm4b:s0+s3], $0x400, $0x38;
	[tilespmem:$0x1D000] =	vst v63  }
.LBB2_2:
0xc9: {  	[tilespmem:s21], [sflag:$0x4] =	stream.linear.gather [hbm4b:s2+s3], $0x400, $0x38;
	[tilespmem:$0x1D000] =	vst v63  }
0xca: {  	_ =	swait.ge [sflag:s24], $0x400  }
0xcb: {  	[sflag:s24] =	ssyncset.done $0x0  }
0xcc: {  	[sflag:s24] =	ssyncadd.s32 $0xFFFFFC00  }
0xcd: {  	_ =	swait.ge [sflag:s24], $0x400  }
0xce: {  	[sflag:s24] =	ssyncset.done $0x0  }
0xcf: {  	[sflag:s24] =	ssyncadd.s32 $0xFFFFFC00  }
0xd0: {  	[tilespmem:s25], [sflag:$0x2] =	stream.indirect.gather [hbm4b:s4+s22], $0x80, s22, s22, $0xb8;
	[tilespmem:$0x1D000] =	vst v63  }
0xd1: {  	_ =	swait.ge [sflag:s26], $0x4000  }
0xd2: {  	[sflag:s26] =	ssyncset.done $0x0  }
0xd3: {  	[sflag:s26] =	ssyncadd.s32 $0xFFFFC000  }
0xd4: {  	[spmem:s1] =	stream.indirect.scatter.add.f32 [tilespmem:s23], [sflag:$0x5], $0x80, s17, s22, $0xb8;
	[tilespmem:$0x1D000] =	vst v63  }
0xd5: {  	_ =	swait.ge [sflag:s16], $0x4000  }
0xd6: {  	[sflag:s16] =	ssyncset.done $0x0  }
0xd7: {  	s11 =	rddreg [dreg:$0x3];
	[sflag:s16] =	ssyncadd.s32 $0xFFFFC000  }
0xd8: {  	[tilespmem:s23], [sflag:$0x1] =	stream.indirect.gather [hbm4b:s4+s22], $0x80, s11, s22, $0xb8;
	[tilespmem:$0x1D000] =	vst v63  }
0xd9: {  	_ =	swait.ge [sflag:s28], $0x4000  }
0xda: {  	[sflag:s28] =	ssyncset.done $0x0  }
0xdb: {  	s11 =	rddreg [dreg:$0x4];
	[sflag:s28] =	ssyncadd.s32 $0xFFFFC000  }
0xdc: {  	[spmem:s1] =	stream.indirect.scatter.add.f32 [tilespmem:s25], [sflag:$0x5], $0x80, s11, s22, $0xb8;
	[tilespmem:$0x1D000] =	vst v63  }
0xdd: {  	_ =	swait.ge [sflag:s16], $0x4000  }
0xde: {  	[sflag:s16] =	ssyncset.done $0x0  }
0xdf: {  	s11 =	rddreg [dreg:$0x5];
	[sflag:s16] =	ssyncadd.s32 $0xFFFFC000  }
0xe0: {  	[tilespmem:s25], [sflag:$0x2] =	stream.indirect.gather [hbm4b:s4+s22], $0x80, s11, s22, $0xb8;
	[tilespmem:$0x1D000] =	vst v63  }
0xe1: {  	_ =	swait.ge [sflag:s26], $0x4000  }
0xe2: {  	[sflag:s26] =	ssyncset.done $0x0  }
0xe3: {  	s11 =	rddreg [dreg:$0x6];
	[sflag:s26] =	ssyncadd.s32 $0xFFFFC000  }
0xe4: {  	[spmem:s1] =	stream.indirect.scatter.add.f32 [tilespmem:s23], [sflag:$0x5], $0x80, s11, s22, $0xb8;
	[tilespmem:$0x1D000] =	vst v63  }
0xe5: {  	_ =	swait.ge [sflag:s16], $0x4000  }
0xe6: {  	[sflag:s16] =	ssyncset.done $0x0  }
0xe7: {  	s11 =	rddreg [dreg:$0x7];
	[sflag:s16] =	ssyncadd.s32 $0xFFFFC000  }
0xe8: {  	[tilespmem:s23], [sflag:$0x1] =	stream.indirect.gather [hbm4b:s4+s22], $0x80, s11, s22, $0xb8;
	[tilespmem:$0x1D000] =	vst v63  }
0xe9: {  	_ =	swait.ge [sflag:s28], $0x4000  }
0xea: {  	[sflag:s28] =	ssyncset.done $0x0  }
0xeb: {  	s11 =	rddreg [dreg:$0x8];
	[sflag:s28] =	ssyncadd.s32 $0xFFFFC000  }
0xec: {  	[spmem:s1] =	stream.indirect.scatter.add.f32 [tilespmem:s25], [sflag:$0x5], $0x80, s11, s22, $0xb8;
	[tilespmem:$0x1D000] =	vst v63  }
0xed: {  	_ =	swait.ge [sflag:s16], $0x4000  }
0xee: {  	[sflag:s16] =	ssyncset.done $0x0  }
0xef: {  	s11 =	rddreg [dreg:$0x9];
	[sflag:s16] =	ssyncadd.s32 $0xFFFFC000  }
0xf0: {  	[tilespmem:s25], [sflag:$0x2] =	stream.indirect.gather [hbm4b:s4+s22], $0x80, s11, s22, $0xb8;
	[tilespmem:$0x1D000] =	vst v63  }
0xf1: {  	_ =	swait.ge [sflag:s26], $0x4000  }
0xf2: {  	[sflag:s26] =	ssyncset.done $0x0  }
0xf3: {  	s11 =	rddreg [dreg:$0xa];
	[sflag:s26] =	ssyncadd.s32 $0xFFFFC000  }
0xf4: {  	[spmem:s1] =	stream.indirect.scatter.add.f32 [tilespmem:s23], [sflag:$0x5], $0x80, s11, s22, $0xb8;
	[tilespmem:$0x1D000] =	vst v63  }
0xf5: {  	_ =	swait.ge [sflag:s16], $0x4000  }
0xf6: {  	[sflag:s16] =	ssyncset.done $0x0  }
0xf7: {  	s11 =	rddreg [dreg:$0xb];
	[sflag:s16] =	ssyncadd.s32 $0xFFFFC000  }
0xf8: {  	[tilespmem:s23], [sflag:$0x1] =	stream.indirect.gather [hbm4b:s4+s22], $0x80, s11, s22, $0xb8;
	[tilespmem:$0x1D000] =	vst v63  }
0xf9: {  	_ =	swait.ge [sflag:s28], $0x4000  }
0xfa: {  	[sflag:s28] =	ssyncset.done $0x0  }
0xfb: {  	s11 =	rddreg [dreg:$0xc];
	[sflag:s28] =	ssyncadd.s32 $0xFFFFC000  }
0xfc: {  	[spmem:s1] =	stream.indirect.scatter.add.f32 [tilespmem:s25], [sflag:$0x5], $0x80, s11, s22, $0xb8;
	[tilespmem:$0x1D000] =	vst v63  }
0xfd: {  	_ =	swait.ge [sflag:s16], $0x4000  }
0xfe: {  	[sflag:s16] =	ssyncset.done $0x0  }
0xff: {  	s11 =	rddreg [dreg:$0xd];
	[sflag:s16] =	ssyncadd.s32 $0xFFFFC000  }
0x100: {  	[tilespmem:s25], [sflag:$0x2] =	stream.indirect.gather [hbm4b:s4+s22], $0x80, s11, s22, $0xb8;
	[tilespmem:$0x1D000] =	vst v63  }
0x101: {  	_ =	swait.ge [sflag:s26], $0x4000  }
0x102: {  	[sflag:s26] =	ssyncset.done $0x0  }
0x103: {  	s11 =	rddreg [dreg:$0xe];
	[sflag:s26] =	ssyncadd.s32 $0xFFFFC000  }
0x104: {  	[spmem:s1] =	stream.indirect.scatter.add.f32 [tilespmem:s23], [sflag:$0x5], $0x80, s11, s22, $0xb8;
	[tilespmem:$0x1D000] =	vst v63  }
0x105: {  	_ =	swait.ge [sflag:s16], $0x4000  }
0x106: {  	[sflag:s16] =	ssyncset.done $0x0  }
0x107: {  	[sflag:s16] =	ssyncadd.s32 $0xFFFFC000  }
0x108: {  	[tilespmem:s23], [sflag:$0x1] =	stream.indirect.gather [hbm4b:s4+s22], $0x80, s20, s22, $0xb8;
	[tilespmem:$0x1D000] =	vst v63  }
0x109: {  	s0 =	smov.u32 s31;
	_ =	swait.ge [sflag:s28], $0x4000  }
0x10a: {  	s11 =	smin.u32 s0, $0x7;
	[sflag:s28] =	ssyncset.done $0x0  }
0x10b: {  	s11 =	sshll.u32 s11, $0xA;
	s2 =	rddreg [dreg:$0xf];
	[sflag:s28] =	ssyncadd.s32 $0xFFFFC000  }
0x10c: {  	[spmem:s1] =	stream.indirect.scatter.add.f32 [tilespmem:s25], [sflag:$0x5], $0x80, s2, s22, $0xb8;
	[tilespmem:$0x1D000] =	vst v63  }
0x10d: {  	s2 =	sadd.s32 $0x800, s11  }
0x10e: {  	_ =	swait.ge [sflag:s16], $0x4000;
	s11 =	sadd.s32 s8, s2  }
0x10f: {  	s2 =	sadd.s32 s7, s2;
	[sflag:s16] =	ssyncset.done $0x0;
	s11 =	sshrl.u32 s11, $0x3  }
0x110: {  	s2 =	sshrl.u32 s2, $0x3;
	[sflag:s16] =	ssyncadd.s32 $0xFFFFC000;
	s11 =	sadd.s32 s5, s11  }
0x111: {  	[tilespmem:s3], [sflag:$0x3] =	stream.linear.gather [hbm4b:s11+s3], $0x400, $0x38;
	[tilespmem:$0x1D000] =	vst v63  }
0x112: {  	s2 =	sadd.s32 s6, s2  }
0x113: {  	[tilespmem:s17], [sflag:$0x3] =	stream.linear.gather [hbm4b:s2+s3], $0x400, $0x38;
	[tilespmem:$0x1D000] =	vst v63  }
0x114: {  	_ =	swait.ge [sflag:s29], $0x400  }
0x115: {  	[sflag:s29] =	ssyncset.done $0x0  }
0x116: {  	[sflag:s29] =	ssyncadd.s32 $0xFFFFFC00  }
0x117: {  	_ =	swait.ge [sflag:s29], $0x400  }
0x118: {  	[sflag:s29] =	ssyncset.done $0x0  }
0x119: {  	s11 =	rddreg [dreg:$0x10];
	[sflag:s29] =	ssyncadd.s32 $0xFFFFFC00  }
0x11a: {  	[tilespmem:s25], [sflag:$0x2] =	stream.indirect.gather [hbm4b:s4+s22], $0x80, s11, s22, $0xb8;
	[tilespmem:$0x1D000] =	vst v63  }
0x11b: {  	_ =	swait.ge [sflag:s26], $0x4000  }
0x11c: {  	[sflag:s26] =	ssyncset.done $0x0  }
0x11d: {  	[sflag:s26] =	ssyncadd.s32 $0xFFFFC000  }
0x11e: {  	[spmem:s1] =	stream.indirect.scatter.add.f32 [tilespmem:s23], [sflag:$0x5], $0x80, s21, s22, $0xb8;
	[tilespmem:$0x1D000] =	vst v63  }
0x11f: {  	_ =	swait.ge [sflag:s16], $0x4000  }
0x120: {  	[sflag:s16] =	ssyncset.done $0x0  }
0x121: {  	s11 =	rddreg [dreg:$0x11];
	[sflag:s16] =	ssyncadd.s32 $0xFFFFC000  }
0x122: {  	[tilespmem:s23], [sflag:$0x1] =	stream.indirect.gather [hbm4b:s4+s22], $0x80, s11, s22, $0xb8;
	[tilespmem:$0x1D000] =	vst v63  }
0x123: {  	_ =	swait.ge [sflag:s28], $0x4000  }
0x124: {  	[sflag:s28] =	ssyncset.done $0x0  }
0x125: {  	s11 =	rddreg [dreg:$0x12];
	[sflag:s28] =	ssyncadd.s32 $0xFFFFC000  }
0x126: {  	[spmem:s1] =	stream.indirect.scatter.add.f32 [tilespmem:s25], [sflag:$0x5], $0x80, s11, s22, $0xb8;
	[tilespmem:$0x1D000] =	vst v63  }
0x127: {  	_ =	swait.ge [sflag:s16], $0x4000  }
0x128: {  	[sflag:s16] =	ssyncset.done $0x0  }
0x129: {  	s11 =	rddreg [dreg:$0x13];
	[sflag:s16] =	ssyncadd.s32 $0xFFFFC000  }
0x12a: {  	[tilespmem:s25], [sflag:$0x2] =	stream.indirect.gather [hbm4b:s4+s22], $0x80, s11, s22, $0xb8;
	[tilespmem:$0x1D000] =	vst v63  }
0x12b: {  	_ =	swait.ge [sflag:s26], $0x4000  }
0x12c: {  	[sflag:s26] =	ssyncset.done $0x0  }
0x12d: {  	s11 =	rddreg [dreg:$0x14];
	[sflag:s26] =	ssyncadd.s32 $0xFFFFC000  }
0x12e: {  	[spmem:s1] =	stream.indirect.scatter.add.f32 [tilespmem:s23], [sflag:$0x5], $0x80, s11, s22, $0xb8;
	[tilespmem:$0x1D000] =	vst v63  }
0x12f: {  	_ =	swait.ge [sflag:s16], $0x4000  }
0x130: {  	[sflag:s16] =	ssyncset.done $0x0  }
0x131: {  	s11 =	rddreg [dreg:$0x15];
	[sflag:s16] =	ssyncadd.s32 $0xFFFFC000  }
0x132: {  	[tilespmem:s23], [sflag:$0x1] =	stream.indirect.gather [hbm4b:s4+s22], $0x80, s11, s22, $0xb8;
	[tilespmem:$0x1D000] =	vst v63  }
0x133: {  	_ =	swait.ge [sflag:s28], $0x4000  }
0x134: {  	[sflag:s28] =	ssyncset.done $0x0  }
0x135: {  	s11 =	rddreg [dreg:$0x16];
	[sflag:s28] =	ssyncadd.s32 $0xFFFFC000  }
0x136: {  	[spmem:s1] =	stream.indirect.scatter.add.f32 [tilespmem:s25], [sflag:$0x5], $0x80, s11, s22, $0xb8;
	[tilespmem:$0x1D000] =	vst v63  }
0x137: {  	_ =	swait.ge [sflag:s16], $0x4000  }
0x138: {  	[sflag:s16] =	ssyncset.done $0x0  }
0x139: {  	s11 =	rddreg [dreg:$0x17];
	[sflag:s16] =	ssyncadd.s32 $0xFFFFC000  }
0x13a: {  	[tilespmem:s25], [sflag:$0x2] =	stream.indirect.gather [hbm4b:s4+s22], $0x80, s11, s22, $0xb8;
	[tilespmem:$0x1D000] =	vst v63  }
0x13b: {  	_ =	swait.ge [sflag:s26], $0x4000  }
0x13c: {  	[sflag:s26] =	ssyncset.done $0x0  }
0x13d: {  	s11 =	rddreg [dreg:$0x18];
	[sflag:s26] =	ssyncadd.s32 $0xFFFFC000  }
0x13e: {  	[spmem:s1] =	stream.indirect.scatter.add.f32 [tilespmem:s23], [sflag:$0x5], $0x80, s11, s22, $0xb8;
	[tilespmem:$0x1D000] =	vst v63  }
0x13f: {  	_ =	swait.ge [sflag:s16], $0x4000  }
0x140: {  	[sflag:s16] =	ssyncset.done $0x0  }
0x141: {  	s11 =	rddreg [dreg:$0x19];
	[sflag:s16] =	ssyncadd.s32 $0xFFFFC000  }
0x142: {  	[tilespmem:s23], [sflag:$0x1] =	stream.indirect.gather [hbm4b:s4+s22], $0x80, s11, s22, $0xb8;
	[tilespmem:$0x1D000] =	vst v63  }
0x143: {  	_ =	swait.ge [sflag:s28], $0x4000  }
0x144: {  	[sflag:s28] =	ssyncset.done $0x0  }
0x145: {  	s11 =	rddreg [dreg:$0x1a];
	[sflag:s28] =	ssyncadd.s32 $0xFFFFC000  }
0x146: {  	[spmem:s1] =	stream.indirect.scatter.add.f32 [tilespmem:s25], [sflag:$0x5], $0x80, s11, s22, $0xb8;
	[tilespmem:$0x1D000] =	vst v63  }
0x147: {  	_ =	swait.ge [sflag:s16], $0x4000  }
0x148: {  	[sflag:s16] =	ssyncset.done $0x0  }
0x149: {  	s11 =	rddreg [dreg:$0x1b];
	[sflag:s16] =	ssyncadd.s32 $0xFFFFC000  }
0x14a: {  	[tilespmem:s25], [sflag:$0x2] =	stream.indirect.gather [hbm4b:s4+s22], $0x80, s11, s22, $0xb8;
	[tilespmem:$0x1D000] =	vst v63  }
0x14b: {  	_ =	swait.ge [sflag:s26], $0x4000  }
0x14c: {  	[sflag:s26] =	ssyncset.done $0x0  }
0x14d: {  	s11 =	rddreg [dreg:$0x1c];
	[sflag:s26] =	ssyncadd.s32 $0xFFFFC000  }
0x14e: {  	[spmem:s1] =	stream.indirect.scatter.add.f32 [tilespmem:s23], [sflag:$0x5], $0x80, s11, s22, $0xb8;
	[tilespmem:$0x1D000] =	vst v63  }
0x14f: {  	_ =	swait.ge [sflag:s16], $0x4000  }
0x150: {  	[sflag:s16] =	ssyncset.done $0x0  }
0x151: {  	[sflag:s16] =	ssyncadd.s32 $0xFFFFC000  }
0x152: {  	[tilespmem:s23], [sflag:$0x1] =	stream.indirect.gather [hbm4b:s4+s22], $0x80, s3, s22, $0xb8;
	[tilespmem:$0x1D000] =	vst v63  }
0x153: {  	_ =	swait.ge [sflag:s28], $0x4000  }
0x154: {  	p0 =	sne.s32 s31, $0x8;
	s0 =	smin.u32 s0, $0x6;
	[sflag:s28] =	ssyncset.done $0x0  }
0x155: {  	s0 =	sshll.u32 s0, $0xA;
	s11 =	rddreg [dreg:$0x1d];
	[sflag:s28] =	ssyncadd.s32 $0xFFFFC000  }
0x156: {  	[spmem:s1] =	stream.indirect.scatter.add.f32 [tilespmem:s25], [sflag:$0x5], $0x80, s11, s22, $0xb8;
	[tilespmem:$0x1D000] =	vst v63  }
.Ltmp0:
0x157: {  	s31 =	sadd.s32 $0x2, s31;
	s0 =	sadd.s32 $0xC00, s0;
	(pc) =	sbr.rel @p0 .LBB2_2-.Ltmp0, $4  }
0x158: {  	s11 =	sadd.s32 s8, s0;
	s0 =	sadd.s32 s7, s0;
	_ =	swait.ge [sflag:s16], $0x4000  }
0x159: {  	s2 =	sshrl.u32 s11, $0x3;
	s0 =	sshrl.u32 s0, $0x3;
	[sflag:s16] =	ssyncset.done $0x0  }
0x15a: {  	s11 =	sadd.s32 s5, s2;
	s2 =	sadd.s32 s6, s0;
	[sflag:s16] =	ssyncadd.s32 $0xFFFFC000  }
0x15b: {  	[tilespmem:s20], [sflag:$0x4] =	stream.linear.gather [hbm4b:s11+s3], $0x400, $0x38;
	[tilespmem:$0x1D000] =	vst v63  }
0x15c: {  	[tilespmem:s21], [sflag:$0x4] =	stream.linear.gather [hbm4b:s2+s3], $0x400, $0x38;
	[tilespmem:$0x1D000] =	vst v63  }
0x15d: {  	_ =	swait.ge [sflag:s26], $0x4000  }
0x15e: {  	[sflag:s26] =	ssyncset.done $0x0  }
0x15f: {  	[sflag:s26] =	ssyncadd.s32 $0xFFFFC000  }
0x160: {  	_ =	swait.ge [sflag:s24], $0x400  }
0x161: {  	[sflag:s24] =	ssyncset.done $0x0  }
0x162: {  	[sflag:s24] =	ssyncadd.s32 $0xFFFFFC00  }
0x163: {  	_ =	swait.ge [sflag:s24], $0x400  }
0x164: {  	s30 =	sadd.s32 $0x1, s30;
	[sflag:s24] =	ssyncset.done $0x0  }
0x165: {  	p0 =	sne.s32 s30, s15;
	[sflag:s24] =	ssyncadd.s32 $0xFFFFFC00  }
.Ltmp1:
0x166: {  	[bflag:$0x0] =	sbarrier.arrive $0xFFFF;
	(pc) =	sbr.rel @p0 .LBB2_1-.Ltmp1, $4  }
0x167: {  	[hbm:s14], [sflag:s18] =	dma.local [spmem:s19], $0x2800  }
0x168: {  	_ =	swait.ge [sflag:s16], $0x2800  }
0x169: {  	[sflag:s16] =	ssyncset.done $0x0  }
0x16a: {  	[sflag:s16] =	ssyncadd.s32 $0xFFFFD800  }
0x16b: {  	_ =	sfence.sel $0x180000  }
0x16c: {  	[bflag:$0x0] =	sbarrier.arrive $0xFFFF  }
0x16d: {  	_ =	strace $0x9000004A  }
0x16e: {  	s0 =	stileid.u32;
	[bflag:$0x2] =	sbarrier.arrive $0xFFFF  }
0x16f: {  	p0 =	sne.s32 s0, $0x0;
	s0 =	rddreg [dreg:$0x2]  }
0x170: {  	s0 =	sadd.s32 @!p0 $0x100000, s0  }
0x171: {  	[sflag:s0] =	ssyncadd.tile.s32 @!p0 $0x1;
	_ =	shalt  }
.Lfunc_end2:
_tile_overlayer_lowered:
.L_overlay_start_2:
0x172: {  	(tag) =	ssettag $0x2  }
0x173: {  	s0 =	rddreg [dreg:$0x0];
	s2 =	stileid.u32  }
0x174: {  	s1 =	rddreg [dreg:$0x1];
	p0 =	sne.s32 s2, $0x0  }
0x175: {  	s3 =	rddreg [dreg:$0x2];
	[bflag:$0x3] =	sbarrier.arrive $0xFFFF;
	s2 =	simm.s32 @!p0 $0x1C05  }
0x176: {  	[timem:s3], [sflag:s2] =	dma.local @!p0 [hbm:s0], s1  }
0x177: {  	s0 =	simm.s32 @!p0 $0x5  }
0x178: {  	_ =	swait.ge @!p0 [sflag:s0], s1  }
0x179: {  	s1 =	ssub.s32 @!p0 $0x0, s1;
	[sflag:s0] =	ssyncset.done @!p0 $0x0  }
0x17a: {  	[sflag:s0] =	ssyncadd.s32 @!p0 s1  }
0x17b: {  	[bflag:$0x3] =	sbarrier.arrive $0xFFFF  }
0x17c: {  	_ =	shalt  }

// kernel: kernel.15.cloned.1.call-start
scs
__scs_entry_jumppad:
0x0: {  	(pc) =	sbr.rel $0x88, $3  }
0x1: {  	(tag) =	ssettag $0x0;
	lr =	simm.s32 $0x1  }
0x2: {  	[smem:$0x3F99] =	sst lr;
	_ =	strace $0xD0000000  }
0x3: {  	_ = 	snop  }
0x4: {  	_ = 	snop  }
0x5: {  	_ = 	snop  }
0x6: {  	_ = 	snop  }
0x7: {  	_ = 	snop  }
__scs_overlays_trampoline_lowered:
0x8: {  	[smem:$0x3FA8] =	sst s0  }
0x9: {  	[smem:$0x3FA9] =	sst s1  }
0xa: {  	[smem:$0x3FAA] =	sst s2  }
0xb: {  	[smem:$0x3FAB] =	sst s3  }
0xc: {  	[smem:$0x3FAC] =	sst s4  }
0xd: {  	[smem:$0x3FAD] =	sst s5  }
0xe: {  	[smem:$0x3FAE] =	sst s6  }
0xf: {  	[smem:$0x3FAF] =	sst s7  }
0x10: {  	[smem:$0x3FB0] =	sst s8  }
0x11: {  	[smem:$0x3FB1] =	sst s9;
	s0 =	simm.s32 @!p0 $0x0  }
0x12: {  	s1 =	sld [smem:$0x3F97];
	s0 =	simm.s32 @p0 $0x1  }
0x13: {  	[smem:$0x3FB2] =	sst s0;
	s0 =	simm.s32 @!p1 $0x0  }
0x14: {  	s2 =	sld [smem:$0x3F96];
	s0 =	simm.s32 @p1 $0x1  }
0x15: {  	[smem:$0x3FB3] =	sst s0;
	s0 =	simm.s32 @!p2 $0x0  }
0x16: {  	s3 =	sld [smem:$0x3FDB];
	s0 =	simm.s32 @p2 $0x1  }
0x17: {  	s4 =	simm.s32 $0x1BF5;
	[smem:$0x3FB5] =	sst s0  }
0x18: {  	s0 =	sld [smem:$0x3F98];
	_ =	swait.ge [sflag:s4], $0x0  }
0x19: {  	s7 =	sld [smem:$0x3F99]  }
0x1a: {  	s8 =	sadd.s32 $0xFFFFE003, lr  }
0x1b: {  	s9 =	sadd.s32 $0xFFFFFEF7, lr;
	s5 =	simm.s32 $0xFFFFFFFF;
	p2 =	slt.u32 s8, $0xFFFFF086  }
0x1c: {  	p1 =	slt.u32 s9, $0xF7A;
	s5 =	simm.s32 @!p2 $0x0  }
0x1d: {  	s5 =	simm.s32 @p1 $0x1;
	p0 =	seq.s32 s7, s2  }
0x1e: {  	s7 =	smul.u32 @!p0 $0xF7A, s2;
	p2 =	seq.s32 @!p0 s5, $0x0  }
0x1f: {  	s9 =	smul.u32 $0xF7A, s1;
	s8 =	simm.s32 @!p0 $0x1BF5;
	p2 =	por !p2, p0  }
0x20: {  	[sflag:s8] =	ssyncset.s32 @!p0 $0xFFFFF086;
	s6 =	sadd.s32 @!p0 s3, s7;
	s7 =	simm.s32 @!p0 $0x108  }
0x21: {  	s3 =	sadd.s32 s3, s9;
	s6 =	sadd.s32 @!p0 $0x88, s6;
	s7 =	simm.s32 @p2 $0x1082  }
0x22: {  	[simem:s7], [sflag:s8] =	dma.local @!p0 [hbm:s6], $0xF7A  }
0x23: {  	s9 =	sor.u32 $0xD0000000, s2;
	s6 =	simm.s32 $0x108;
	_ =	swait.ge @!p0 [sflag:s8], $0x0  }
0x24: {  	s3 =	sadd.s32 $0x88, s3;
	s6 =	simm.s32 @!p1 $0x1082;
	[sflag:s4] =	ssyncset.s32 $0xFFFFF086  }
0x25: {  	[simem:s6], [sflag:s4] =	dma.local [hbm:s3], $0xF7A  }
0x26: {  	[smem:$0x3F99] =	sst s1;
	(tag) =	ssettag s2;
	_ =	strace s9  }
0x27: {  	s1 =	sld [smem:$0x3FA9]  }
0x28: {  	s2 =	sld [smem:$0x3FAA]  }
0x29: {  	s4 =	sld [smem:$0x3FAC]  }
0x2a: {  	p0 =	seq.s32 s5, $0x0;
	s5 =	sld [smem:$0x3FAD]  }
0x2b: {  	s6 =	sld [smem:$0x3FAE]  }
0x2c: {  	s7 =	sld [smem:$0x3FAF]  }
0x2d: {  	s3 =	simm.s32 $0x108;
	s8 =	sld [smem:$0x3FB0]  }
0x2e: {  	s3 =	simm.s32 @!p0 $0x1082;
	s9 =	sld [smem:$0x3FB1]  }
0x2f: {  	lr =	sadd.s32 s0, s3;
	s0 =	sld [smem:$0x3FA8]  }
0x30: {  	s3 =	sld [smem:$0x3FAB]  }
0x31: {  	[smem:$0x3FB4] =	sst s10  }
0x32: {  	s10 =	sld [smem:$0x3FB2];
	_ =	sdelay $0x3  }
0x33: {  	p0 =	seq.s32 s10, $0x1;
	s10 =	sld [smem:$0x3FB4];
	_ =	sdelay $0x3  }
0x34: {  	[smem:$0x3FB4] =	sst s10  }
0x35: {  	s10 =	sld [smem:$0x3FB3];
	_ =	sdelay $0x3  }
0x36: {  	p1 =	seq.s32 s10, $0x1;
	s10 =	sld [smem:$0x3FB4];
	_ =	sdelay $0x3  }
0x37: {  	[smem:$0x3FB4] =	sst s10  }
0x38: {  	s10 =	sld [smem:$0x3FB5]  }
0x39: {  	_ = 	snop;
	(pc) =	sbr.ind lr, $3  }
0x3a: {  	_ = 	snop  }
0x3b: {  	_ = 	snop  }
0x3c: {  	p2 =	seq.s32 s10, $0x1;
	s10 =	sld [smem:$0x3FB4]  }
0x3d: {  	_ =	shalt  }
0x3e: {  	_ =	shalt  }
0x3f: {  	_ =	shalt  }
0x40: {  	_ =	shalt  }
0x41: {  	_ =	shalt  }
0x42: {  	_ =	shalt  }
0x43: {  	_ =	shalt  }
0x44: {  	_ =	shalt  }
0x45: {  	_ =	shalt  }
0x46: {  	_ =	shalt  }
0x47: {  	_ =	shalt  }
0x48: {  	_ =	shalt  }
0x49: {  	_ =	shalt  }
0x4a: {  	_ =	shalt  }
0x4b: {  	_ =	shalt  }
0x4c: {  	_ =	shalt  }
0x4d: {  	_ =	shalt  }
0x4e: {  	_ =	shalt  }
0x4f: {  	_ =	shalt  }
0x50: {  	_ =	shalt  }
0x51: {  	_ =	shalt  }
0x52: {  	_ =	shalt  }
0x53: {  	_ =	shalt  }
0x54: {  	_ =	shalt  }
0x55: {  	_ =	shalt  }
0x56: {  	_ =	shalt  }
0x57: {  	_ =	shalt  }
0x58: {  	_ =	shalt  }
0x59: {  	_ =	shalt  }
0x5a: {  	_ =	shalt  }
0x5b: {  	_ =	shalt  }
0x5c: {  	_ =	shalt  }
0x5d: {  	_ =	shalt  }
0x5e: {  	_ =	shalt  }
0x5f: {  	_ =	shalt  }
0x60: {  	_ =	shalt  }
0x61: {  	_ =	shalt  }
0x62: {  	_ =	shalt  }
0x63: {  	_ =	shalt  }
0x64: {  	_ =	shalt  }
0x65: {  	_ =	shalt  }
0x66: {  	_ =	shalt  }
0x67: {  	_ =	shalt  }
0x68: {  	_ =	shalt  }
0x69: {  	_ =	shalt  }
0x6a: {  	_ =	shalt  }
0x6b: {  	_ =	shalt  }
0x6c: {  	_ =	shalt  }
0x6d: {  	_ =	shalt  }
0x6e: {  	_ =	shalt  }
0x6f: {  	_ =	shalt  }
0x70: {  	_ =	shalt  }
0x71: {  	_ =	shalt  }
0x72: {  	_ =	shalt  }
0x73: {  	_ =	shalt  }
0x74: {  	_ =	shalt  }
0x75: {  	_ =	shalt  }
0x76: {  	_ =	shalt  }
0x77: {  	_ =	shalt  }
0x78: {  	_ =	shalt  }
0x79: {  	_ =	shalt  }
0x7a: {  	_ =	shalt  }
0x7b: {  	_ =	shalt  }
0x7c: {  	_ =	shalt  }
0x7d: {  	_ =	shalt  }
0x7e: {  	_ =	shalt  }
0x7f: {  	_ =	shalt  }
0x80: {  	_ =	shalt  }
0x81: {  	_ =	shalt  }
0x82: {  	_ =	shalt  }
0x83: {  	_ =	shalt  }
0x84: {  	_ =	shalt  }
0x85: {  	_ =	shalt  }
0x86: {  	_ =	shalt  }
0x87: {  	_ =	shalt  }
.Lfunc_end0:
.L_simem_size_0:
called_computation.2_lowered:
.L_overlay_start_0:
0x88: {  	s2 =	sld [smem:$0x3FD9]  }
0x89: {  	s3 =	sld [smem:$0x3FFE];
	_ =	sdelay $0x1  }
0x8a: {  	s1 =	srdreg.scid  }
0x8b: {  	s0 =	sand.u32 $0x1, s1  }
0x8c: {  	s16 =	sshll.u32 s0, $0xA;
	s2 =	sadd.s32 s3, s2  }
0x8d: {  	s2 =	sadd.s32 s2, s16  }
0x8e: {  	[smem:$0x3FC0] =	sst s2  }
0x8f: {  	_ = 	snop  }
0x90: {  	(tm) =	ssettm $0x1  }
0x91: {  	s17 =	sld [smem:$0x3FFB];
	_ =	sdelay $0x3  }
0x92: {  	_ =	strace s17  }
0x93: {  	s2 =	sld [smem:$0x3FFC];
	_ =	sdelay $0x3  }
0x94: {  	_ =	strace s2  }
0x95: {  	s2 =	sld [smem:$0x3FFD];
	_ =	sdelay $0x3  }
0x96: {  	_ =	strace s2  }
0x97: {  	_ =	strace $0x8FFFFFFF  }
0x98: {  	s18 =	sld [smem:$0x3FDB];
	_ =	sdelay $0x1  }
0x99: {  	s19 =	simm.s32 $_scs_section_size  }
0x9a: {  	s4 =	simm.s32 $_size__tile_overlayer_lowered;
	s5 =	simm.s32 $_tile_overlayer_lowered  }
0x9b: {  	s22 =	simm.s32 $0x1BFF;
	s21 =	sshll.u32 s5, $0x1;
	s2 =	sadd.s32 s19, s18  }
0x9c: {  	s6 =	simm.s32 $0x0;
	s20 =	sshll.u32 s4, $0x1;
	s4 =	sadd.s32 s21, s2  }
0x9d: {  	[timem:s6], [sflag:s22] =	dma.local [hbm:s4], s20  }
0x9e: {  	_ =	swait.ge [sflag:s22], s20  }
0x9f: {  	s3 =	ssub.s32 $0x0, s20;
	[sflag:s22] =	ssyncset.done $0x0  }
0xa0: {  	[sflag:s22] =	ssyncadd.s32 s3;
	_ =	sdelay $0x1  }
0xa1: {  	s23 =	simm.s32 $0x1B8B  }
0xa2: {  	_ =	swait.ge [sflag:s23], $0x1  }
0xa3: {  	[sflag:s23] =	ssyncset.done $0x0  }
0xa4: {  	s25 =	simm.s32 $0x1B8E;
	s24 =	sld [smem:$0x3FFE];
	[sflag:s23] =	ssyncadd.s32 $0xFFFFFFFF  }
0xa5: {  	s26 =	simm.s32 $execute0_lowered;
	[smem:$0x3FD2] =	sst s25  }
0xa6: {  	s4 =	sshll.u32 s26, $0x1;
	_ =	strace $0x8000004C;
	[dreg:$0x1] =	wrdreg $0xFFFFFFFF  }
0xa7: {  	s28 =	simm.s32 $_size_execute0_lowered;
	s2 =	sadd.s32 s2, s4;
	[dreg:$0x0] =	wrdreg $0x0  }
0xa8: {  	s4 =	sshll.u32 s28, $0x1;
	[dreg:$0x2] =	wrdreg s2  }
0xa9: {  	[dreg:$0x3] =	wrdreg s4  }
0xaa: {  	[dreg:$0x4] =	wrdreg $0xC0  }
0xab: {  	_ =	task [dreg:s6], $0x5FFFF  }
0xac: {  	[dreg:$0x1] =	wrdreg $0xFFFFFFFF  }
0xad: {  	[dreg:$0x0] =	wrdreg $0x60  }
0xae: {  	[dreg:$0x2] =	wrdreg s24  }
0xaf: {  	[dreg:$0x3] =	wrdreg $0x90000  }
0xb0: {  	[dreg:$0x4] =	wrdreg $0x9  }
0xb1: {  	_ =	task.clear_ibuf [dreg:s6], $0x5FFFF;
	_ =	strace $0x9000004C  }
0xb2: {  	s29 =	simm.s32 $0x9;
	_ =	strace $0x8000004E  }
0xb3: {  	_ =	swait.ge [sflag:s29], $0x1  }
0xb4: {  	[sflag:s29] =	ssyncadd.s32 $0xFFFFFFFF  }
0xb5: {  	_ =	strace $0x9000004E  }
0xb6: {  	_ =	sfence  }
0xb7: {  	s30 =	sld [smem:$0x0];
	_ =	sdelay $0x2  }
0xb8: {  	s31 =	sshll.u32 s1, $0xD;
	s1 =	sshrl.u32 s1, $0x2  }
0xb9: {  	s3 =	sand.u32 $0x4000, s31;
	s1 =	sadd.s32 s1, s30  }
0xba: {  	s0 =	sor.u32 s3, s0;
	s1 =	sshll.u32 s1, $0x11  }
0xbb: {  	s0 =	sor.u32 s1, s0  }
0xbc: {  	s0 =	sadd.s32 $0x8F2B, s0  }
0xbd: {  	[sflag:s0] =	ssyncadd.remote.s32 $0x1  }
0xbe: {  	_ =	sfence.sel $0xFFFF  }
0xbf: {  	[dreg:$0x0] =	wrdreg $0xFFFFFFFF;
	(pc) =	sbr.abs _section_cstart, $3  }
0xc0: {  	[dreg:$0x1] =	wrdreg $0xFFFFFFFF  }
0xc1: {  	_ =	task.clear_ibuf [dreg:s6], $0x2FFFF;
	_ =	strace $0x9FFFFFFF  }
0xc2: {  	(tm) =	ssettm $0x7FFFFFFF  }
0xc3: {  	_ =	shalt  }
tec
execute0_lowered:
.L_overlay_start_1:
0x0: {  	(tag) =	ssettag $0x1  }
0x1: {  	s0 =	rddreg [dreg:$0x0]  }
0x2: {  	s1 =	rddreg [dreg:$0x1];
	s3 =	simm.s32 $0x0  }
0x3: {  	s25 =	simm.s32 $0x100;
	[smem:$0x7FF] =	sst s3  }
0x4: {  	s10 =	simm.s32 $0x480;
	_ =	strace $0x8000004D;
	[dreg:$0x3] =	wrdreg s25  }
0x5: {  	s26 =	simm.s32 $0x180;
	[dreg:$0x4] =	wrdreg s10  }
0x6: {  	s31 =	simm.s32 $0x500;
	[dreg:$0x5] =	wrdreg s26  }
0x7: {  	s12 =	simm.s32 $0x580;
	[dreg:$0x6] =	wrdreg s31  }
0x8: {  	s2 =	srdreg.scid;
	s13 =	simm.s32 $0x280;
	[dreg:$0x8] =	wrdreg s12  }
0x9: {  	s18 =	stileid.u32;
	s16 =	simm.s32 $0x600;
	[dreg:$0x9] =	wrdreg s13  }
0xa: {  	s17 =	simm.s32 $0x300;
	s19 =	simm.s32 $0x680;
	[dreg:$0xa] =	wrdreg s16  }
0xb: {  	s20 =	simm.s32 $0x380;
	s21 =	simm.s32 $0x700;
	[dreg:$0xb] =	wrdreg s17  }
0xc: {  	s23 =	simm.s32 $0x780;
	s24 =	simm.s32 $0x880;
	[dreg:$0xc] =	wrdreg s19  }
0xd: {  	s28 =	simm.s32 $0x2;
	s29 =	simm.s32 $0x3;
	[dreg:$0xd] =	wrdreg s20  }
0xe: {  	s30 =	simm.s32 $0x0;
	s2 =	sand.u32 $0x1, s2;
	[dreg:$0xe] =	wrdreg s21  }
0xf: {  	s7 =	smul.u32 $0x14000, s18;
	s4 =	sadd.s32 $0x63400, s0;
	[dreg:$0xf] =	wrdreg s23  }
0x10: {  	s5 =	sadd.s32 $0x59400, s0;
	s10 =	simm.s32 $0x200;
	[dreg:$0x10] =	wrdreg s24  }
0x11: {  	s6 =	smul.u32 $0x140000, s2;
	s25 =	simm.s32 $0x900;
	[dreg:$0x7] =	wrdreg s10  }
0x12: {  	s8 =	ssub.s32 $0x2, s2;
	s26 =	simm.s32 $0xC80;
	[dreg:$0x11] =	wrdreg s25  }
0x13: {  	s2 =	smul.u32 $0x28000, s2;
	s31 =	simm.s32 $0x980;
	[dreg:$0x12] =	wrdreg s26  }
0x14: {  	s16 =	simm.s32 $0x5;
	s20 =	simm.s32 $0xD80;
	[dreg:$0x13] =	wrdreg s31  }
0x15: {  	s17 =	simm.s32 $0x400;
	s21 =	simm.s32 $0xA80;
	[dreg:$0x16] =	wrdreg s20  }
0x16: {  	s23 =	simm.s32 $0xB00;
	s24 =	simm.s32 $0xE80;
	[dreg:$0x17] =	wrdreg s21  }
0x17: {  	s9 =	sshrl.u32 s8, $0x1;
	s20 =	simm.s32 $0x800;
	[dreg:$0x19] =	wrdreg s23  }
0x18: {  	s21 =	simm.s32 $0xC00;
	[dreg:$0x1a] =	wrdreg s24;
	s25 =	simm.s32 $0xB80  }
0x19: {  	s23 =	simm.s32 $0x1000;
	s26 =	simm.s32 $0xF00;
	s24 =	simm.s32 $0x4  }
0x1a: {  	s31 =	simm.s32 $0xF80;
	s7 =	sadd.s32 s7, s6;
	s6 =	sadd.s32 $0x1C00, s0  }
0x1b: {  	s15 =	ssub.s32 s8, s9;
	[dreg:$0x1b] =	wrdreg s25;
	s7 =	sshrl.u32 s7, $0x3  }
0x1c: {  	[dreg:$0x1c] =	wrdreg s26;
	s0 =	sadd.s32 s7, s0;
	s7 =	smul.u32 $0x2800, s18  }
0x1d: {  	[dreg:$0x1d] =	wrdreg s31;
	s25 =	simm.s32 $0x5000;
	s26 =	simm.s32 $0x1  }
0x1e: {  	s15 =	smax.u32 s15, $0x1;
	s8 =	sadd.s32 s7, s2;
	s14 =	sshrl.u32 s7, $0x3  }
0x1f: {  	s2 =	simm.s32 $0xD00;
	s11 =	sshrl.u32 s8, $0x3;
	s10 =	sadd.s32 s6, s14  }
0x20: {  	s22 =	sadd.s32 s4, s8;
	s14 =	sadd.s32 $0xB3400, s0;
	[dreg:$0x14] =	wrdreg s2  }
0x21: {  	s9 =	sadd.s32 s5, s11;
	s11 =	smul.u32 $0x50000, s18;
	[dreg:$0x1e] =	wrdreg s22  }
0x22: {  	s13 =	sadd.s32 $0x80, s10;
	s18 =	sshll.u32 s18, $0x6;
	s22 =	simm.s32 $0xE00  }
0x23: {  	s12 =	sadd.s32 $0x80, s9;
	s18 =	sor.u32 $0x1C05, s18;
	s11 =	sshrl.u32 s11, $0x2  }
0x24: {  	[dreg:$0x18] =	wrdreg s22;
	s19 =	sadd.s32 s11, s1;
	s11 =	simm.s32 $0xA00  }
0x25: {  	s22 =	simm.s32 $0x80;
	[dreg:$0x15] =	wrdreg s11;
	s19 =	sshrl.u32 s19, $0x3  }
.LBB2_1:
0x26: {  	[tilespmem:s3], [sflag:$0x5] =	stream.linear.gather [hbm4b:s9+s3], $0x400, $0x38;
	[tilespmem:$0x1D000] =	vst v63  }
0x27: {  	_ =	swait.ge [sflag:s16], $0x400  }
0x28: {  	[sflag:s16] =	ssyncset.done $0x0  }
0x29: {  	[sflag:s16] =	ssyncadd.s32 $0xFFFFFC00  }
0x2a: {  	[tilespmem:s17], [sflag:$0x5] =	stream.linear.gather [hbm4b:s10+s3], $0x400, $0x38;
	[tilespmem:$0x1D000] =	vst v63  }
0x2b: {  	_ =	swait.ge [sflag:s16], $0x400  }
0x2c: {  	[sflag:s16] =	ssyncset.done $0x0  }
0x2d: {  	s0 =	rddreg [dreg:$0x1e];
	[sflag:s16] =	ssyncadd.s32 $0xFFFFFC00  }
0x2e: {  	[spmem:s19], [sflag:s18] =	dma.local [hbm:s0], $0x2800  }
0x2f: {  	_ =	swait.ge [sflag:s16], $0x2800  }
0x30: {  	[sflag:s16] =	ssyncset.done $0x0  }
0x31: {  	[sflag:s16] =	ssyncadd.s32 $0xFFFFD800  }
0x32: {  	[bflag:$0x0] =	sbarrier.arrive $0xFFFF  }
0x33: {  	[tilespmem:s20], [sflag:$0x4] =	stream.linear.gather [hbm4b:s12+s3], $0x400, $0x38;
	[tilespmem:$0x1D000] =	vst v63  }
0x34: {  	_ = 	snop  }
0x35: {  	[tilespmem:s21], [sflag:$0x4] =	stream.linear.gather [hbm4b:s13+s3], $0x400, $0x38;
	[tilespmem:$0x1D000] =	vst v63  }
0x36: {  	_ = 	snop  }
0x37: {  	[tilespmem:s23], [sflag:$0x1] =	stream.indirect.gather [hbm4b:s4+s22], $0x80, s3, s22, $0xb8;
	[tilespmem:$0x1D000] =	vst v63  }
0x38: {  	_ =	swait.ge [sflag:s24], $0x400  }
0x39: {  	[sflag:s24] =	ssyncset.done $0x0  }
0x3a: {  	[sflag:s24] =	ssyncadd.s32 $0xFFFFFC00  }
0x3b: {  	_ =	swait.ge [sflag:s24], $0x400  }
0x3c: {  	[sflag:s24] =	ssyncset.done $0x0  }
0x3d: {  	[sflag:s24] =	ssyncadd.s32 $0xFFFFFC00  }
0x3e: {  	[tilespmem:s25], [sflag:$0x2] =	stream.indirect.gather [hbm4b:s4+s22], $0x80, s22, s22, $0xb8;
	[tilespmem:$0x1D000] =	vst v63  }
0x3f: {  	_ =	swait.ge [sflag:s26], $0x4000  }
0x40: {  	[sflag:s26] =	ssyncset.done $0x0  }
0x41: {  	[sflag:s26] =	ssyncadd.s32 $0xFFFFC000  }
0x42: {  	[spmem:s1] =	stream.indirect.scatter.add.f32 [tilespmem:s23], [sflag:$0x5], $0x80, s17, s22, $0xb8;
	[tilespmem:$0x1D000] =	vst v63  }
0x43: {  	_ =	swait.ge [sflag:s16], $0x4000  }
0x44: {  	[sflag:s16] =	ssyncset.done $0x0  }
0x45: {  	s11 =	rddreg [dreg:$0x3];
	[sflag:s16] =	ssyncadd.s32 $0xFFFFC000  }
0x46: {  	[tilespmem:s23], [sflag:$0x1] =	stream.indirect.gather [hbm4b:s4+s22], $0x80, s11, s22, $0xb8;
	[tilespmem:$0x1D000] =	vst v63  }
0x47: {  	_ =	swait.ge [sflag:s28], $0x4000  }
0x48: {  	[sflag:s28] =	ssyncset.done $0x0  }
0x49: {  	s2 =	rddreg [dreg:$0x4];
	[sflag:s28] =	ssyncadd.s32 $0xFFFFC000  }
0x4a: {  	[spmem:s1] =	stream.indirect.scatter.add.f32 [tilespmem:s25], [sflag:$0x5], $0x80, s2, s22, $0xb8;
	[tilespmem:$0x1D000] =	vst v63  }
0x4b: {  	_ =	swait.ge [sflag:s16], $0x4000  }
0x4c: {  	[sflag:s16] =	ssyncset.done $0x0  }
0x4d: {  	s11 =	rddreg [dreg:$0x5];
	[sflag:s16] =	ssyncadd.s32 $0xFFFFC000  }
0x4e: {  	[tilespmem:s25], [sflag:$0x2] =	stream.indirect.gather [hbm4b:s4+s22], $0x80, s11, s22, $0xb8;
	[tilespmem:$0x1D000] =	vst v63  }
0x4f: {  	_ =	swait.ge [sflag:s26], $0x4000  }
0x50: {  	[sflag:s26] =	ssyncset.done $0x0  }
0x51: {  	s2 =	rddreg [dreg:$0x6];
	[sflag:s26] =	ssyncadd.s32 $0xFFFFC000  }
0x52: {  	[spmem:s1] =	stream.indirect.scatter.add.f32 [tilespmem:s23], [sflag:$0x5], $0x80, s2, s22, $0xb8;
	[tilespmem:$0x1D000] =	vst v63  }
0x53: {  	_ =	swait.ge [sflag:s16], $0x4000  }
0x54: {  	[sflag:s16] =	ssyncset.done $0x0  }
0x55: {  	s11 =	rddreg [dreg:$0x7];
	[sflag:s16] =	ssyncadd.s32 $0xFFFFC000  }
0x56: {  	[tilespmem:s23], [sflag:$0x1] =	stream.indirect.gather [hbm4b:s4+s22], $0x80, s11, s22, $0xb8;
	[tilespmem:$0x1D000] =	vst v63  }
0x57: {  	_ =	swait.ge [sflag:s28], $0x4000  }
0x58: {  	[sflag:s28] =	ssyncset.done $0x0  }
0x59: {  	s2 =	rddreg [dreg:$0x8];
	[sflag:s28] =	ssyncadd.s32 $0xFFFFC000  }
0x5a: {  	[spmem:s1] =	stream.indirect.scatter.add.f32 [tilespmem:s25], [sflag:$0x5], $0x80, s2, s22, $0xb8;
	[tilespmem:$0x1D000] =	vst v63  }
0x5b: {  	_ =	swait.ge [sflag:s16], $0x4000  }
0x5c: {  	[sflag:s16] =	ssyncset.done $0x0  }
0x5d: {  	s11 =	rddreg [dreg:$0x9];
	[sflag:s16] =	ssyncadd.s32 $0xFFFFC000  }
0x5e: {  	[tilespmem:s25], [sflag:$0x2] =	stream.indirect.gather [hbm4b:s4+s22], $0x80, s11, s22, $0xb8;
	[tilespmem:$0x1D000] =	vst v63  }
0x5f: {  	_ =	swait.ge [sflag:s26], $0x4000  }
0x60: {  	[sflag:s26] =	ssyncset.done $0x0  }
0x61: {  	s2 =	rddreg [dreg:$0xa];
	[sflag:s26] =	ssyncadd.s32 $0xFFFFC000  }
0x62: {  	[spmem:s1] =	stream.indirect.scatter.add.f32 [tilespmem:s23], [sflag:$0x5], $0x80, s2, s22, $0xb8;
	[tilespmem:$0x1D000] =	vst v63  }
0x63: {  	_ =	swait.ge [sflag:s16], $0x4000  }
0x64: {  	[sflag:s16] =	ssyncset.done $0x0  }
0x65: {  	s11 =	rddreg [dreg:$0xb];
	[sflag:s16] =	ssyncadd.s32 $0xFFFFC000  }
0x66: {  	[tilespmem:s23], [sflag:$0x1] =	stream.indirect.gather [hbm4b:s4+s22], $0x80, s11, s22, $0xb8;
	[tilespmem:$0x1D000] =	vst v63  }
0x67: {  	_ =	swait.ge [sflag:s28], $0x4000  }
0x68: {  	[sflag:s28] =	ssyncset.done $0x0  }
0x69: {  	s2 =	rddreg [dreg:$0xc];
	[sflag:s28] =	ssyncadd.s32 $0xFFFFC000  }
0x6a: {  	[spmem:s1] =	stream.indirect.scatter.add.f32 [tilespmem:s25], [sflag:$0x5], $0x80, s2, s22, $0xb8;
	[tilespmem:$0x1D000] =	vst v63  }
0x6b: {  	_ =	swait.ge [sflag:s16], $0x4000  }
0x6c: {  	[sflag:s16] =	ssyncset.done $0x0  }
0x6d: {  	s11 =	rddreg [dreg:$0xd];
	[sflag:s16] =	ssyncadd.s32 $0xFFFFC000  }
0x6e: {  	[tilespmem:s25], [sflag:$0x2] =	stream.indirect.gather [hbm4b:s4+s22], $0x80, s11, s22, $0xb8;
	[tilespmem:$0x1D000] =	vst v63  }
0x6f: {  	_ =	swait.ge [sflag:s26], $0x4000  }
0x70: {  	[sflag:s26] =	ssyncset.done $0x0  }
0x71: {  	s2 =	rddreg [dreg:$0xe];
	[sflag:s26] =	ssyncadd.s32 $0xFFFFC000  }
0x72: {  	[spmem:s1] =	stream.indirect.scatter.add.f32 [tilespmem:s23], [sflag:$0x5], $0x80, s2, s22, $0xb8;
	[tilespmem:$0x1D000] =	vst v63  }
0x73: {  	_ =	swait.ge [sflag:s16], $0x4000  }
0x74: {  	[sflag:s16] =	ssyncset.done $0x0  }
0x75: {  	[sflag:s16] =	ssyncadd.s32 $0xFFFFC000  }
0x76: {  	[tilespmem:s23], [sflag:$0x1] =	stream.indirect.gather [hbm4b:s4+s22], $0x80, s20, s22, $0xb8;
	[tilespmem:$0x1D000] =	vst v63  }
0x77: {  	_ =	swait.ge [sflag:s28], $0x4000  }
0x78: {  	s2 =	smin.u32 s3, $0x7;
	[sflag:s28] =	ssyncset.done $0x0  }
0x79: {  	s2 =	sshll.u32 s2, $0xA;
	s11 =	rddreg [dreg:$0xf];
	[sflag:s28] =	ssyncadd.s32 $0xFFFFC000  }
0x7a: {  	[spmem:s1] =	stream.indirect.scatter.add.f32 [tilespmem:s25], [sflag:$0x5], $0x80, s11, s22, $0xb8;
	[tilespmem:$0x1D000] =	vst v63  }
0x7b: {  	s11 =	sadd.s32 $0x800, s2  }
0x7c: {  	_ =	swait.ge [sflag:s16], $0x4000;
	s2 =	sadd.s32 s8, s11  }
0x7d: {  	s0 =	sadd.s32 s7, s11;
	[sflag:s16] =	ssyncset.done $0x0;
	s2 =	sshrl.u32 s2, $0x3  }
0x7e: {  	s0 =	sshrl.u32 s0, $0x3;
	[sflag:s16] =	ssyncadd.s32 $0xFFFFC000;
	s2 =	sadd.s32 s5, s2  }
0x7f: {  	[tilespmem:s3], [sflag:$0x3] =	stream.linear.gather [hbm4b:s2+s3], $0x400, $0x38;
	[tilespmem:$0x1D000] =	vst v63  }
0x80: {  	s0 =	sadd.s32 s6, s0  }
0x81: {  	[tilespmem:s17], [sflag:$0x3] =	stream.linear.gather [hbm4b:s0+s3], $0x400, $0x38;
	[tilespmem:$0x1D000] =	vst v63  }
0x82: {  	_ =	swait.ge [sflag:s29], $0x400  }
0x83: {  	[sflag:s29] =	ssyncset.done $0x0  }
0x84: {  	[sflag:s29] =	ssyncadd.s32 $0xFFFFFC00  }
0x85: {  	_ =	swait.ge [sflag:s29], $0x400  }
0x86: {  	[sflag:s29] =	ssyncset.done $0x0  }
0x87: {  	s2 =	rddreg [dreg:$0x10];
	[sflag:s29] =	ssyncadd.s32 $0xFFFFFC00  }
0x88: {  	[tilespmem:s25], [sflag:$0x2] =	stream.indirect.gather [hbm4b:s4+s22], $0x80, s2, s22, $0xb8;
	[tilespmem:$0x1D000] =	vst v63  }
0x89: {  	_ =	swait.ge [sflag:s26], $0x4000  }
0x8a: {  	[sflag:s26] =	ssyncset.done $0x0  }
0x8b: {  	[sflag:s26] =	ssyncadd.s32 $0xFFFFC000  }
0x8c: {  	[spmem:s1] =	stream.indirect.scatter.add.f32 [tilespmem:s23], [sflag:$0x5], $0x80, s21, s22, $0xb8;
	[tilespmem:$0x1D000] =	vst v63  }
0x8d: {  	_ =	swait.ge [sflag:s16], $0x4000  }
0x8e: {  	[sflag:s16] =	ssyncset.done $0x0  }
0x8f: {  	s11 =	rddreg [dreg:$0x11];
	[sflag:s16] =	ssyncadd.s32 $0xFFFFC000  }
0x90: {  	[tilespmem:s23], [sflag:$0x1] =	stream.indirect.gather [hbm4b:s4+s22], $0x80, s11, s22, $0xb8;
	[tilespmem:$0x1D000] =	vst v63  }
0x91: {  	_ =	swait.ge [sflag:s28], $0x4000  }
0x92: {  	[sflag:s28] =	ssyncset.done $0x0  }
0x93: {  	s2 =	rddreg [dreg:$0x12];
	[sflag:s28] =	ssyncadd.s32 $0xFFFFC000  }
0x94: {  	[spmem:s1] =	stream.indirect.scatter.add.f32 [tilespmem:s25], [sflag:$0x5], $0x80, s2, s22, $0xb8;
	[tilespmem:$0x1D000] =	vst v63  }
0x95: {  	_ =	swait.ge [sflag:s16], $0x4000  }
0x96: {  	[sflag:s16] =	ssyncset.done $0x0  }
0x97: {  	s11 =	rddreg [dreg:$0x13];
	[sflag:s16] =	ssyncadd.s32 $0xFFFFC000  }
0x98: {  	[tilespmem:s25], [sflag:$0x2] =	stream.indirect.gather [hbm4b:s4+s22], $0x80, s11, s22, $0xb8;
	[tilespmem:$0x1D000] =	vst v63  }
0x99: {  	_ =	swait.ge [sflag:s26], $0x4000  }
0x9a: {  	[sflag:s26] =	ssyncset.done $0x0  }
0x9b: {  	s2 =	rddreg [dreg:$0x14];
	[sflag:s26] =	ssyncadd.s32 $0xFFFFC000  }
0x9c: {  	[spmem:s1] =	stream.indirect.scatter.add.f32 [tilespmem:s23], [sflag:$0x5], $0x80, s2, s22, $0xb8;
	[tilespmem:$0x1D000] =	vst v63  }
0x9d: {  	_ =	swait.ge [sflag:s16], $0x4000  }
0x9e: {  	[sflag:s16] =	ssyncset.done $0x0  }
0x9f: {  	s11 =	rddreg [dreg:$0x15];
	[sflag:s16] =	ssyncadd.s32 $0xFFFFC000  }
0xa0: {  	[tilespmem:s23], [sflag:$0x1] =	stream.indirect.gather [hbm4b:s4+s22], $0x80, s11, s22, $0xb8;
	[tilespmem:$0x1D000] =	vst v63  }
0xa1: {  	_ =	swait.ge [sflag:s28], $0x4000  }
0xa2: {  	[sflag:s28] =	ssyncset.done $0x0  }
0xa3: {  	s2 =	rddreg [dreg:$0x16];
	[sflag:s28] =	ssyncadd.s32 $0xFFFFC000  }
0xa4: {  	[spmem:s1] =	stream.indirect.scatter.add.f32 [tilespmem:s25], [sflag:$0x5], $0x80, s2, s22, $0xb8;
	[tilespmem:$0x1D000] =	vst v63  }
0xa5: {  	_ =	swait.ge [sflag:s16], $0x4000  }
0xa6: {  	[sflag:s16] =	ssyncset.done $0x0  }
0xa7: {  	s11 =	rddreg [dreg:$0x17];
	[sflag:s16] =	ssyncadd.s32 $0xFFFFC000  }
0xa8: {  	[tilespmem:s25], [sflag:$0x2] =	stream.indirect.gather [hbm4b:s4+s22], $0x80, s11, s22, $0xb8;
	[tilespmem:$0x1D000] =	vst v63  }
0xa9: {  	_ =	swait.ge [sflag:s26], $0x4000  }
0xaa: {  	[sflag:s26] =	ssyncset.done $0x0  }
0xab: {  	s2 =	rddreg [dreg:$0x18];
	[sflag:s26] =	ssyncadd.s32 $0xFFFFC000  }
0xac: {  	[spmem:s1] =	stream.indirect.scatter.add.f32 [tilespmem:s23], [sflag:$0x5], $0x80, s2, s22, $0xb8;
	[tilespmem:$0x1D000] =	vst v63  }
0xad: {  	_ =	swait.ge [sflag:s16], $0x4000  }
0xae: {  	[sflag:s16] =	ssyncset.done $0x0  }
0xaf: {  	s11 =	rddreg [dreg:$0x19];
	[sflag:s16] =	ssyncadd.s32 $0xFFFFC000  }
0xb0: {  	[tilespmem:s23], [sflag:$0x1] =	stream.indirect.gather [hbm4b:s4+s22], $0x80, s11, s22, $0xb8;
	[tilespmem:$0x1D000] =	vst v63  }
0xb1: {  	_ =	swait.ge [sflag:s28], $0x4000  }
0xb2: {  	[sflag:s28] =	ssyncset.done $0x0  }
0xb3: {  	s2 =	rddreg [dreg:$0x1a];
	[sflag:s28] =	ssyncadd.s32 $0xFFFFC000  }
0xb4: {  	[spmem:s1] =	stream.indirect.scatter.add.f32 [tilespmem:s25], [sflag:$0x5], $0x80, s2, s22, $0xb8;
	[tilespmem:$0x1D000] =	vst v63  }
0xb5: {  	_ =	swait.ge [sflag:s16], $0x4000  }
0xb6: {  	[sflag:s16] =	ssyncset.done $0x0  }
0xb7: {  	s11 =	rddreg [dreg:$0x1b];
	[sflag:s16] =	ssyncadd.s32 $0xFFFFC000  }
0xb8: {  	[tilespmem:s25], [sflag:$0x2] =	stream.indirect.gather [hbm4b:s4+s22], $0x80, s11, s22, $0xb8;
	[tilespmem:$0x1D000] =	vst v63  }
0xb9: {  	_ =	swait.ge [sflag:s26], $0x4000  }
0xba: {  	[sflag:s26] =	ssyncset.done $0x0  }
0xbb: {  	s2 =	rddreg [dreg:$0x1c];
	[sflag:s26] =	ssyncadd.s32 $0xFFFFC000  }
0xbc: {  	[spmem:s1] =	stream.indirect.scatter.add.f32 [tilespmem:s23], [sflag:$0x5], $0x80, s2, s22, $0xb8;
	[tilespmem:$0x1D000] =	vst v63  }
0xbd: {  	_ =	swait.ge [sflag:s16], $0x4000  }
0xbe: {  	[sflag:s16] =	ssyncset.done $0x0  }
0xbf: {  	[sflag:s16] =	ssyncadd.s32 $0xFFFFC000  }
0xc0: {  	[tilespmem:s23], [sflag:$0x1] =	stream.indirect.gather [hbm4b:s4+s22], $0x80, s3, s22, $0xb8;
	[tilespmem:$0x1D000] =	vst v63  }
0xc1: {  	s11 =	smin.u32 s3, $0x6;
	_ =	swait.ge [sflag:s28], $0x4000  }
0xc2: {  	s31 =	simm.s32 $0x2;
	s2 =	sshll.u32 s11, $0xA;
	[sflag:s28] =	ssyncset.done $0x0  }
0xc3: {  	s2 =	sadd.s32 $0xC00, s2;
	s0 =	rddreg [dreg:$0x1d];
	[sflag:s28] =	ssyncadd.s32 $0xFFFFC000  }
0xc4: {  	[spmem:s1] =	stream.indirect.scatter.add.f32 [tilespmem:s25], [sflag:$0x5], $0x80, s0, s22, $0xb8;
	[tilespmem:$0x1D000] =	vst v63  }
0xc5: {  	s11 =	sadd.s32 s8, s2;
	s2 =	sadd.s32 s7, s2;
	_ =	swait.ge [sflag:s16], $0x4000  }
0xc6: {  	s0 =	sshrl.u32 s11, $0x3;
	s11 =	sshrl.u32 s2, $0x3;
	[sflag:s16] =	ssyncset.done $0x0  }
0xc7: {  	s0 =	sadd.s32 s5, s0;
	s2 =	sadd.s32 s6, s11;
	[sflag:s16] =	ssyncadd.s32 $0xFFFFC000  }
0xc8: {  	[tilespmem:s20], [sflag:$0x4] =	stream.linear.gather [hbm4b:s0+s3], $0x400, $0x38;
	[tilespmem:$0x1D000] =	vst v63  }
.LBB2_2:
0xc9: {  	[tilespmem:s21], [sflag:$0x4] =	stream.linear.gather [hbm4b:s2+s3], $0x400, $0x38;
	[tilespmem:$0x1D000] =	vst v63  }
0xca: {  	_ =	swait.ge [sflag:s24], $0x400  }
0xcb: {  	[sflag:s24] =	ssyncset.done $0x0  }
0xcc: {  	[sflag:s24] =	ssyncadd.s32 $0xFFFFFC00  }
0xcd: {  	_ =	swait.ge [sflag:s24], $0x400  }
0xce: {  	[sflag:s24] =	ssyncset.done $0x0  }
0xcf: {  	[sflag:s24] =	ssyncadd.s32 $0xFFFFFC00  }
0xd0: {  	[tilespmem:s25], [sflag:$0x2] =	stream.indirect.gather [hbm4b:s4+s22], $0x80, s22, s22, $0xb8;
	[tilespmem:$0x1D000] =	vst v63  }
0xd1: {  	_ =	swait.ge [sflag:s26], $0x4000  }
0xd2: {  	[sflag:s26] =	ssyncset.done $0x0  }
0xd3: {  	[sflag:s26] =	ssyncadd.s32 $0xFFFFC000  }
0xd4: {  	[spmem:s1] =	stream.indirect.scatter.add.f32 [tilespmem:s23], [sflag:$0x5], $0x80, s17, s22, $0xb8;
	[tilespmem:$0x1D000] =	vst v63  }
0xd5: {  	_ =	swait.ge [sflag:s16], $0x4000  }
0xd6: {  	[sflag:s16] =	ssyncset.done $0x0  }
0xd7: {  	s11 =	rddreg [dreg:$0x3];
	[sflag:s16] =	ssyncadd.s32 $0xFFFFC000  }
0xd8: {  	[tilespmem:s23], [sflag:$0x1] =	stream.indirect.gather [hbm4b:s4+s22], $0x80, s11, s22, $0xb8;
	[tilespmem:$0x1D000] =	vst v63  }
0xd9: {  	_ =	swait.ge [sflag:s28], $0x4000  }
0xda: {  	[sflag:s28] =	ssyncset.done $0x0  }
0xdb: {  	s11 =	rddreg [dreg:$0x4];
	[sflag:s28] =	ssyncadd.s32 $0xFFFFC000  }
0xdc: {  	[spmem:s1] =	stream.indirect.scatter.add.f32 [tilespmem:s25], [sflag:$0x5], $0x80, s11, s22, $0xb8;
	[tilespmem:$0x1D000] =	vst v63  }
0xdd: {  	_ =	swait.ge [sflag:s16], $0x4000  }
0xde: {  	[sflag:s16] =	ssyncset.done $0x0  }
0xdf: {  	s11 =	rddreg [dreg:$0x5];
	[sflag:s16] =	ssyncadd.s32 $0xFFFFC000  }
0xe0: {  	[tilespmem:s25], [sflag:$0x2] =	stream.indirect.gather [hbm4b:s4+s22], $0x80, s11, s22, $0xb8;
	[tilespmem:$0x1D000] =	vst v63  }
0xe1: {  	_ =	swait.ge [sflag:s26], $0x4000  }
0xe2: {  	[sflag:s26] =	ssyncset.done $0x0  }
0xe3: {  	s11 =	rddreg [dreg:$0x6];
	[sflag:s26] =	ssyncadd.s32 $0xFFFFC000  }
0xe4: {  	[spmem:s1] =	stream.indirect.scatter.add.f32 [tilespmem:s23], [sflag:$0x5], $0x80, s11, s22, $0xb8;
	[tilespmem:$0x1D000] =	vst v63  }
0xe5: {  	_ =	swait.ge [sflag:s16], $0x4000  }
0xe6: {  	[sflag:s16] =	ssyncset.done $0x0  }
0xe7: {  	s11 =	rddreg [dreg:$0x7];
	[sflag:s16] =	ssyncadd.s32 $0xFFFFC000  }
0xe8: {  	[tilespmem:s23], [sflag:$0x1] =	stream.indirect.gather [hbm4b:s4+s22], $0x80, s11, s22, $0xb8;
	[tilespmem:$0x1D000] =	vst v63  }
0xe9: {  	_ =	swait.ge [sflag:s28], $0x4000  }
0xea: {  	[sflag:s28] =	ssyncset.done $0x0  }
0xeb: {  	s11 =	rddreg [dreg:$0x8];
	[sflag:s28] =	ssyncadd.s32 $0xFFFFC000  }
0xec: {  	[spmem:s1] =	stream.indirect.scatter.add.f32 [tilespmem:s25], [sflag:$0x5], $0x80, s11, s22, $0xb8;
	[tilespmem:$0x1D000] =	vst v63  }
0xed: {  	_ =	swait.ge [sflag:s16], $0x4000  }
0xee: {  	[sflag:s16] =	ssyncset.done $0x0  }
0xef: {  	s11 =	rddreg [dreg:$0x9];
	[sflag:s16] =	ssyncadd.s32 $0xFFFFC000  }
0xf0: {  	[tilespmem:s25], [sflag:$0x2] =	stream.indirect.gather [hbm4b:s4+s22], $0x80, s11, s22, $0xb8;
	[tilespmem:$0x1D000] =	vst v63  }
0xf1: {  	_ =	swait.ge [sflag:s26], $0x4000  }
0xf2: {  	[sflag:s26] =	ssyncset.done $0x0  }
0xf3: {  	s11 =	rddreg [dreg:$0xa];
	[sflag:s26] =	ssyncadd.s32 $0xFFFFC000  }
0xf4: {  	[spmem:s1] =	stream.indirect.scatter.add.f32 [tilespmem:s23], [sflag:$0x5], $0x80, s11, s22, $0xb8;
	[tilespmem:$0x1D000] =	vst v63  }
0xf5: {  	_ =	swait.ge [sflag:s16], $0x4000  }
0xf6: {  	[sflag:s16] =	ssyncset.done $0x0  }
0xf7: {  	s11 =	rddreg [dreg:$0xb];
	[sflag:s16] =	ssyncadd.s32 $0xFFFFC000  }
0xf8: {  	[tilespmem:s23], [sflag:$0x1] =	stream.indirect.gather [hbm4b:s4+s22], $0x80, s11, s22, $0xb8;
	[tilespmem:$0x1D000] =	vst v63  }
0xf9: {  	_ =	swait.ge [sflag:s28], $0x4000  }
0xfa: {  	[sflag:s28] =	ssyncset.done $0x0  }
0xfb: {  	s11 =	rddreg [dreg:$0xc];
	[sflag:s28] =	ssyncadd.s32 $0xFFFFC000  }
0xfc: {  	[spmem:s1] =	stream.indirect.scatter.add.f32 [tilespmem:s25], [sflag:$0x5], $0x80, s11, s22, $0xb8;
	[tilespmem:$0x1D000] =	vst v63  }
0xfd: {  	_ =	swait.ge [sflag:s16], $0x4000  }
0xfe: {  	[sflag:s16] =	ssyncset.done $0x0  }
0xff: {  	s11 =	rddreg [dreg:$0xd];
	[sflag:s16] =	ssyncadd.s32 $0xFFFFC000  }
0x100: {  	[tilespmem:s25], [sflag:$0x2] =	stream.indirect.gather [hbm4b:s4+s22], $0x80, s11, s22, $0xb8;
	[tilespmem:$0x1D000] =	vst v63  }
0x101: {  	_ =	swait.ge [sflag:s26], $0x4000  }
0x102: {  	[sflag:s26] =	ssyncset.done $0x0  }
0x103: {  	s11 =	rddreg [dreg:$0xe];
	[sflag:s26] =	ssyncadd.s32 $0xFFFFC000  }
0x104: {  	[spmem:s1] =	stream.indirect.scatter.add.f32 [tilespmem:s23], [sflag:$0x5], $0x80, s11, s22, $0xb8;
	[tilespmem:$0x1D000] =	vst v63  }
0x105: {  	_ =	swait.ge [sflag:s16], $0x4000  }
0x106: {  	[sflag:s16] =	ssyncset.done $0x0  }
0x107: {  	[sflag:s16] =	ssyncadd.s32 $0xFFFFC000  }
0x108: {  	[tilespmem:s23], [sflag:$0x1] =	stream.indirect.gather [hbm4b:s4+s22], $0x80, s20, s22, $0xb8;
	[tilespmem:$0x1D000] =	vst v63  }
0x109: {  	s0 =	smov.u32 s31;
	_ =	swait.ge [sflag:s28], $0x4000  }
0x10a: {  	s11 =	smin.u32 s0, $0x7;
	[sflag:s28] =	ssyncset.done $0x0  }
0x10b: {  	s11 =	sshll.u32 s11, $0xA;
	s2 =	rddreg [dreg:$0xf];
	[sflag:s28] =	ssyncadd.s32 $0xFFFFC000  }
0x10c: {  	[spmem:s1] =	stream.indirect.scatter.add.f32 [tilespmem:s25], [sflag:$0x5], $0x80, s2, s22, $0xb8;
	[tilespmem:$0x1D000] =	vst v63  }
0x10d: {  	s2 =	sadd.s32 $0x800, s11  }
0x10e: {  	_ =	swait.ge [sflag:s16], $0x4000;
	s11 =	sadd.s32 s8, s2  }
0x10f: {  	s2 =	sadd.s32 s7, s2;
	[sflag:s16] =	ssyncset.done $0x0;
	s11 =	sshrl.u32 s11, $0x3  }
0x110: {  	s2 =	sshrl.u32 s2, $0x3;
	[sflag:s16] =	ssyncadd.s32 $0xFFFFC000;
	s11 =	sadd.s32 s5, s11  }
0x111: {  	[tilespmem:s3], [sflag:$0x3] =	stream.linear.gather [hbm4b:s11+s3], $0x400, $0x38;
	[tilespmem:$0x1D000] =	vst v63  }
0x112: {  	s2 =	sadd.s32 s6, s2  }
0x113: {  	[tilespmem:s17], [sflag:$0x3] =	stream.linear.gather [hbm4b:s2+s3], $0x400, $0x38;
	[tilespmem:$0x1D000] =	vst v63  }
0x114: {  	_ =	swait.ge [sflag:s29], $0x400  }
0x115: {  	[sflag:s29] =	ssyncset.done $0x0  }
0x116: {  	[sflag:s29] =	ssyncadd.s32 $0xFFFFFC00  }
0x117: {  	_ =	swait.ge [sflag:s29], $0x400  }
0x118: {  	[sflag:s29] =	ssyncset.done $0x0  }
0x119: {  	s11 =	rddreg [dreg:$0x10];
	[sflag:s29] =	ssyncadd.s32 $0xFFFFFC00  }
0x11a: {  	[tilespmem:s25], [sflag:$0x2] =	stream.indirect.gather [hbm4b:s4+s22], $0x80, s11, s22, $0xb8;
	[tilespmem:$0x1D000] =	vst v63  }
0x11b: {  	_ =	swait.ge [sflag:s26], $0x4000  }
0x11c: {  	[sflag:s26] =	ssyncset.done $0x0  }
0x11d: {  	[sflag:s26] =	ssyncadd.s32 $0xFFFFC000  }
0x11e: {  	[spmem:s1] =	stream.indirect.scatter.add.f32 [tilespmem:s23], [sflag:$0x5], $0x80, s21, s22, $0xb8;
	[tilespmem:$0x1D000] =	vst v63  }
0x11f: {  	_ =	swait.ge [sflag:s16], $0x4000  }
0x120: {  	[sflag:s16] =	ssyncset.done $0x0  }
0x121: {  	s11 =	rddreg [dreg:$0x11];
	[sflag:s16] =	ssyncadd.s32 $0xFFFFC000  }
0x122: {  	[tilespmem:s23], [sflag:$0x1] =	stream.indirect.gather [hbm4b:s4+s22], $0x80, s11, s22, $0xb8;
	[tilespmem:$0x1D000] =	vst v63  }
0x123: {  	_ =	swait.ge [sflag:s28], $0x4000  }
0x124: {  	[sflag:s28] =	ssyncset.done $0x0  }
0x125: {  	s11 =	rddreg [dreg:$0x12];
	[sflag:s28] =	ssyncadd.s32 $0xFFFFC000  }
0x126: {  	[spmem:s1] =	stream.indirect.scatter.add.f32 [tilespmem:s25], [sflag:$0x5], $0x80, s11, s22, $0xb8;
	[tilespmem:$0x1D000] =	vst v63  }
0x127: {  	_ =	swait.ge [sflag:s16], $0x4000  }
0x128: {  	[sflag:s16] =	ssyncset.done $0x0  }
0x129: {  	s11 =	rddreg [dreg:$0x13];
	[sflag:s16] =	ssyncadd.s32 $0xFFFFC000  }
0x12a: {  	[tilespmem:s25], [sflag:$0x2] =	stream.indirect.gather [hbm4b:s4+s22], $0x80, s11, s22, $0xb8;
	[tilespmem:$0x1D000] =	vst v63  }
0x12b: {  	_ =	swait.ge [sflag:s26], $0x4000  }
0x12c: {  	[sflag:s26] =	ssyncset.done $0x0  }
0x12d: {  	s11 =	rddreg [dreg:$0x14];
	[sflag:s26] =	ssyncadd.s32 $0xFFFFC000  }
0x12e: {  	[spmem:s1] =	stream.indirect.scatter.add.f32 [tilespmem:s23], [sflag:$0x5], $0x80, s11, s22, $0xb8;
	[tilespmem:$0x1D000] =	vst v63  }
0x12f: {  	_ =	swait.ge [sflag:s16], $0x4000  }
0x130: {  	[sflag:s16] =	ssyncset.done $0x0  }
0x131: {  	s11 =	rddreg [dreg:$0x15];
	[sflag:s16] =	ssyncadd.s32 $0xFFFFC000  }
0x132: {  	[tilespmem:s23], [sflag:$0x1] =	stream.indirect.gather [hbm4b:s4+s22], $0x80, s11, s22, $0xb8;
	[tilespmem:$0x1D000] =	vst v63  }
0x133: {  	_ =	swait.ge [sflag:s28], $0x4000  }
0x134: {  	[sflag:s28] =	ssyncset.done $0x0  }
0x135: {  	s11 =	rddreg [dreg:$0x16];
	[sflag:s28] =	ssyncadd.s32 $0xFFFFC000  }
0x136: {  	[spmem:s1] =	stream.indirect.scatter.add.f32 [tilespmem:s25], [sflag:$0x5], $0x80, s11, s22, $0xb8;
	[tilespmem:$0x1D000] =	vst v63  }
0x137: {  	_ =	swait.ge [sflag:s16], $0x4000  }
0x138: {  	[sflag:s16] =	ssyncset.done $0x0  }
0x139: {  	s11 =	rddreg [dreg:$0x17];
	[sflag:s16] =	ssyncadd.s32 $0xFFFFC000  }
0x13a: {  	[tilespmem:s25], [sflag:$0x2] =	stream.indirect.gather [hbm4b:s4+s22], $0x80, s11, s22, $0xb8;
	[tilespmem:$0x1D000] =	vst v63  }
0x13b: {  	_ =	swait.ge [sflag:s26], $0x4000  }
0x13c: {  	[sflag:s26] =	ssyncset.done $0x0  }
0x13d: {  	s11 =	rddreg [dreg:$0x18];
	[sflag:s26] =	ssyncadd.s32 $0xFFFFC000  }
0x13e: {  	[spmem:s1] =	stream.indirect.scatter.add.f32 [tilespmem:s23], [sflag:$0x5], $0x80, s11, s22, $0xb8;
	[tilespmem:$0x1D000] =	vst v63  }
0x13f: {  	_ =	swait.ge [sflag:s16], $0x4000  }
0x140: {  	[sflag:s16] =	ssyncset.done $0x0  }
0x141: {  	s11 =	rddreg [dreg:$0x19];
	[sflag:s16] =	ssyncadd.s32 $0xFFFFC000  }
0x142: {  	[tilespmem:s23], [sflag:$0x1] =	stream.indirect.gather [hbm4b:s4+s22], $0x80, s11, s22, $0xb8;
	[tilespmem:$0x1D000] =	vst v63  }
0x143: {  	_ =	swait.ge [sflag:s28], $0x4000  }
0x144: {  	[sflag:s28] =	ssyncset.done $0x0  }
0x145: {  	s11 =	rddreg [dreg:$0x1a];
	[sflag:s28] =	ssyncadd.s32 $0xFFFFC000  }
0x146: {  	[spmem:s1] =	stream.indirect.scatter.add.f32 [tilespmem:s25], [sflag:$0x5], $0x80, s11, s22, $0xb8;
	[tilespmem:$0x1D000] =	vst v63  }
0x147: {  	_ =	swait.ge [sflag:s16], $0x4000  }
0x148: {  	[sflag:s16] =	ssyncset.done $0x0  }
0x149: {  	s11 =	rddreg [dreg:$0x1b];
	[sflag:s16] =	ssyncadd.s32 $0xFFFFC000  }
0x14a: {  	[tilespmem:s25], [sflag:$0x2] =	stream.indirect.gather [hbm4b:s4+s22], $0x80, s11, s22, $0xb8;
	[tilespmem:$0x1D000] =	vst v63  }
0x14b: {  	_ =	swait.ge [sflag:s26], $0x4000  }
0x14c: {  	[sflag:s26] =	ssyncset.done $0x0  }
0x14d: {  	s11 =	rddreg [dreg:$0x1c];
	[sflag:s26] =	ssyncadd.s32 $0xFFFFC000  }
0x14e: {  	[spmem:s1] =	stream.indirect.scatter.add.f32 [tilespmem:s23], [sflag:$0x5], $0x80, s11, s22, $0xb8;
	[tilespmem:$0x1D000] =	vst v63  }
0x14f: {  	_ =	swait.ge [sflag:s16], $0x4000  }
0x150: {  	[sflag:s16] =	ssyncset.done $0x0  }
0x151: {  	[sflag:s16] =	ssyncadd.s32 $0xFFFFC000  }
0x152: {  	[tilespmem:s23], [sflag:$0x1] =	stream.indirect.gather [hbm4b:s4+s22], $0x80, s3, s22, $0xb8;
	[tilespmem:$0x1D000] =	vst v63  }
0x153: {  	_ =	swait.ge [sflag:s28], $0x4000  }
0x154: {  	p0 =	sne.s32 s31, $0x8;
	s0 =	smin.u32 s0, $0x6;
	[sflag:s28] =	ssyncset.done $0x0  }
0x155: {  	s0 =	sshll.u32 s0, $0xA;
	s11 =	rddreg [dreg:$0x1d];
	[sflag:s28] =	ssyncadd.s32 $0xFFFFC000  }
0x156: {  	[spmem:s1] =	stream.indirect.scatter.add.f32 [tilespmem:s25], [sflag:$0x5], $0x80, s11, s22, $0xb8;
	[tilespmem:$0x1D000] =	vst v63  }
.Ltmp0:
0x157: {  	s31 =	sadd.s32 $0x2, s31;
	s0 =	sadd.s32 $0xC00, s0;
	(pc) =	sbr.rel @p0 .LBB2_2-.Ltmp0, $4  }
0x158: {  	s11 =	sadd.s32 s8, s0;
	s0 =	sadd.s32 s7, s0;
	_ =	swait.ge [sflag:s16], $0x4000  }
0x159: {  	s2 =	sshrl.u32 s11, $0x3;
	s0 =	sshrl.u32 s0, $0x3;
	[sflag:s16] =	ssyncset.done $0x0  }
0x15a: {  	s11 =	sadd.s32 s5, s2;
	s2 =	sadd.s32 s6, s0;
	[sflag:s16] =	ssyncadd.s32 $0xFFFFC000  }
0x15b: {  	[tilespmem:s20], [sflag:$0x4] =	stream.linear.gather [hbm4b:s11+s3], $0x400, $0x38;
	[tilespmem:$0x1D000] =	vst v63  }
0x15c: {  	[tilespmem:s21], [sflag:$0x4] =	stream.linear.gather [hbm4b:s2+s3], $0x400, $0x38;
	[tilespmem:$0x1D000] =	vst v63  }
0x15d: {  	_ =	swait.ge [sflag:s26], $0x4000  }
0x15e: {  	[sflag:s26] =	ssyncset.done $0x0  }
0x15f: {  	[sflag:s26] =	ssyncadd.s32 $0xFFFFC000  }
0x160: {  	_ =	swait.ge [sflag:s24], $0x400  }
0x161: {  	[sflag:s24] =	ssyncset.done $0x0  }
0x162: {  	[sflag:s24] =	ssyncadd.s32 $0xFFFFFC00  }
0x163: {  	_ =	swait.ge [sflag:s24], $0x400  }
0x164: {  	s30 =	sadd.s32 $0x1, s30;
	[sflag:s24] =	ssyncset.done $0x0  }
0x165: {  	p0 =	sne.s32 s30, s15;
	[sflag:s24] =	ssyncadd.s32 $0xFFFFFC00  }
.Ltmp1:
0x166: {  	[bflag:$0x0] =	sbarrier.arrive $0xFFFF;
	(pc) =	sbr.rel @p0 .LBB2_1-.Ltmp1, $4  }
0x167: {  	[hbm:s14], [sflag:s18] =	dma.local [spmem:s19], $0x2800  }
0x168: {  	_ =	swait.ge [sflag:s16], $0x2800  }
0x169: {  	[sflag:s16] =	ssyncset.done $0x0  }
0x16a: {  	[sflag:s16] =	ssyncadd.s32 $0xFFFFD800  }
0x16b: {  	_ =	sfence.sel $0x180000  }
0x16c: {  	[bflag:$0x0] =	sbarrier.arrive $0xFFFF  }
0x16d: {  	_ =	strace $0x9000004D  }
0x16e: {  	s0 =	stileid.u32;
	[bflag:$0x2] =	sbarrier.arrive $0xFFFF  }
0x16f: {  	p0 =	sne.s32 s0, $0x0;
	s0 =	rddreg [dreg:$0x2]  }
0x170: {  	s0 =	sadd.s32 @!p0 $0x100000, s0  }
0x171: {  	[sflag:s0] =	ssyncadd.tile.s32 @!p0 $0x1;
	_ =	shalt  }
.Lfunc_end2:
_tile_overlayer_lowered:
.L_overlay_start_2:
0x172: {  	(tag) =	ssettag $0x2  }
0x173: {  	s0 =	rddreg [dreg:$0x0];
	s2 =	stileid.u32  }
0x174: {  	s1 =	rddreg [dreg:$0x1];
	p0 =	sne.s32 s2, $0x0  }
0x175: {  	s3 =	rddreg [dreg:$0x2];
	[bflag:$0x3] =	sbarrier.arrive $0xFFFF;
	s2 =	simm.s32 @!p0 $0x1C05  }
0x176: {  	[timem:s3], [sflag:s2] =	dma.local @!p0 [hbm:s0], s1  }
0x177: {  	s0 =	simm.s32 @!p0 $0x5  }
0x178: {  	_ =	swait.ge @!p0 [sflag:s0], s1  }
0x179: {  	s1 =	ssub.s32 @!p0 $0x0, s1;
	[sflag:s0] =	ssyncset.done @!p0 $0x0  }
0x17a: {  	[sflag:s0] =	ssyncadd.s32 @!p0 s1  }
0x17b: {  	[bflag:$0x3] =	sbarrier.arrive $0xFFFF  }
0x17c: {  	_ =	shalt  }

// kernel: kernel.9.cloned.1.call-start
scs
__scs_entry_jumppad:
0x0: {  	(pc) =	sbr.rel $0x88, $3  }
0x1: {  	(tag) =	ssettag $0x0;
	lr =	simm.s32 $0x1  }
0x2: {  	[smem:$0x3F99] =	sst lr;
	_ =	strace $0xD0000000  }
0x3: {  	_ = 	snop  }
0x4: {  	_ = 	snop  }
0x5: {  	_ = 	snop  }
0x6: {  	_ = 	snop  }
0x7: {  	_ = 	snop  }
__scs_overlays_trampoline_lowered:
0x8: {  	[smem:$0x3FA8] =	sst s0  }
0x9: {  	[smem:$0x3FA9] =	sst s1  }
0xa: {  	[smem:$0x3FAA] =	sst s2  }
0xb: {  	[smem:$0x3FAB] =	sst s3  }
0xc: {  	[smem:$0x3FAC] =	sst s4  }
0xd: {  	[smem:$0x3FAD] =	sst s5  }
0xe: {  	[smem:$0x3FAE] =	sst s6  }
0xf: {  	[smem:$0x3FAF] =	sst s7  }
0x10: {  	[smem:$0x3FB0] =	sst s8  }
0x11: {  	[smem:$0x3FB1] =	sst s9;
	s0 =	simm.s32 @!p0 $0x0  }
0x12: {  	s1 =	sld [smem:$0x3F97];
	s0 =	simm.s32 @p0 $0x1  }
0x13: {  	[smem:$0x3FB2] =	sst s0;
	s0 =	simm.s32 @!p1 $0x0  }
0x14: {  	s2 =	sld [smem:$0x3F96];
	s0 =	simm.s32 @p1 $0x1  }
0x15: {  	[smem:$0x3FB3] =	sst s0;
	s0 =	simm.s32 @!p2 $0x0  }
0x16: {  	s3 =	sld [smem:$0x3FDB];
	s0 =	simm.s32 @p2 $0x1  }
0x17: {  	s4 =	simm.s32 $0x1BF5;
	[smem:$0x3FB5] =	sst s0  }
0x18: {  	s0 =	sld [smem:$0x3F98];
	_ =	swait.ge [sflag:s4], $0x0  }
0x19: {  	s7 =	sld [smem:$0x3F99]  }
0x1a: {  	s8 =	sadd.s32 $0xFFFFE003, lr  }
0x1b: {  	s9 =	sadd.s32 $0xFFFFFEF7, lr;
	s5 =	simm.s32 $0xFFFFFFFF;
	p2 =	slt.u32 s8, $0xFFFFF086  }
0x1c: {  	p1 =	slt.u32 s9, $0xF7A;
	s5 =	simm.s32 @!p2 $0x0  }
0x1d: {  	s5 =	simm.s32 @p1 $0x1;
	p0 =	seq.s32 s7, s2  }
0x1e: {  	s7 =	smul.u32 @!p0 $0xF7A, s2;
	p2 =	seq.s32 @!p0 s5, $0x0  }
0x1f: {  	s9 =	smul.u32 $0xF7A, s1;
	s8 =	simm.s32 @!p0 $0x1BF5;
	p2 =	por !p2, p0  }
0x20: {  	[sflag:s8] =	ssyncset.s32 @!p0 $0xFFFFF086;
	s6 =	sadd.s32 @!p0 s3, s7;
	s7 =	simm.s32 @!p0 $0x108  }
0x21: {  	s3 =	sadd.s32 s3, s9;
	s6 =	sadd.s32 @!p0 $0x88, s6;
	s7 =	simm.s32 @p2 $0x1082  }
0x22: {  	[simem:s7], [sflag:s8] =	dma.local @!p0 [hbm:s6], $0xF7A  }
0x23: {  	s9 =	sor.u32 $0xD0000000, s2;
	s6 =	simm.s32 $0x108;
	_ =	swait.ge @!p0 [sflag:s8], $0x0  }
0x24: {  	s3 =	sadd.s32 $0x88, s3;
	s6 =	simm.s32 @!p1 $0x1082;
	[sflag:s4] =	ssyncset.s32 $0xFFFFF086  }
0x25: {  	[simem:s6], [sflag:s4] =	dma.local [hbm:s3], $0xF7A  }
0x26: {  	[smem:$0x3F99] =	sst s1;
	(tag) =	ssettag s2;
	_ =	strace s9  }
0x27: {  	s1 =	sld [smem:$0x3FA9]  }
0x28: {  	s2 =	sld [smem:$0x3FAA]  }
0x29: {  	s4 =	sld [smem:$0x3FAC]  }
0x2a: {  	p0 =	seq.s32 s5, $0x0;
	s5 =	sld [smem:$0x3FAD]  }
0x2b: {  	s6 =	sld [smem:$0x3FAE]  }
0x2c: {  	s7 =	sld [smem:$0x3FAF]  }
0x2d: {  	s3 =	simm.s32 $0x108;
	s8 =	sld [smem:$0x3FB0]  }
0x2e: {  	s3 =	simm.s32 @!p0 $0x1082;
	s9 =	sld [smem:$0x3FB1]  }
0x2f: {  	lr =	sadd.s32 s0, s3;
	s0 =	sld [smem:$0x3FA8]  }
0x30: {  	s3 =	sld [smem:$0x3FAB]  }
0x31: {  	[smem:$0x3FB4] =	sst s10  }
0x32: {  	s10 =	sld [smem:$0x3FB2];
	_ =	sdelay $0x3  }
0x33: {  	p0 =	seq.s32 s10, $0x1;
	s10 =	sld [smem:$0x3FB4];
	_ =	sdelay $0x3  }
0x34: {  	[smem:$0x3FB4] =	sst s10  }
0x35: {  	s10 =	sld [smem:$0x3FB3];
	_ =	sdelay $0x3  }
0x36: {  	p1 =	seq.s32 s10, $0x1;
	s10 =	sld [smem:$0x3FB4];
	_ =	sdelay $0x3  }
0x37: {  	[smem:$0x3FB4] =	sst s10  }
0x38: {  	s10 =	sld [smem:$0x3FB5]  }
0x39: {  	_ = 	snop;
	(pc) =	sbr.ind lr, $3  }
0x3a: {  	_ = 	snop  }
0x3b: {  	_ = 	snop  }
0x3c: {  	p2 =	seq.s32 s10, $0x1;
	s10 =	sld [smem:$0x3FB4]  }
0x3d: {  	_ =	shalt  }
0x3e: {  	_ =	shalt  }
0x3f: {  	_ =	shalt  }
0x40: {  	_ =	shalt  }
0x41: {  	_ =	shalt  }
0x42: {  	_ =	shalt  }
0x43: {  	_ =	shalt  }
0x44: {  	_ =	shalt  }
0x45: {  	_ =	shalt  }
0x46: {  	_ =	shalt  }
0x47: {  	_ =	shalt  }
0x48: {  	_ =	shalt  }
0x49: {  	_ =	shalt  }
0x4a: {  	_ =	shalt  }
0x4b: {  	_ =	shalt  }
0x4c: {  	_ =	shalt  }
0x4d: {  	_ =	shalt  }
0x4e: {  	_ =	shalt  }
0x4f: {  	_ =	shalt  }
0x50: {  	_ =	shalt  }
0x51: {  	_ =	shalt  }
0x52: {  	_ =	shalt  }
0x53: {  	_ =	shalt  }
0x54: {  	_ =	shalt  }
0x55: {  	_ =	shalt  }
0x56: {  	_ =	shalt  }
0x57: {  	_ =	shalt  }
0x58: {  	_ =	shalt  }
0x59: {  	_ =	shalt  }
0x5a: {  	_ =	shalt  }
0x5b: {  	_ =	shalt  }
0x5c: {  	_ =	shalt  }
0x5d: {  	_ =	shalt  }
0x5e: {  	_ =	shalt  }
0x5f: {  	_ =	shalt  }
0x60: {  	_ =	shalt  }
0x61: {  	_ =	shalt  }
0x62: {  	_ =	shalt  }
0x63: {  	_ =	shalt  }
0x64: {  	_ =	shalt  }
0x65: {  	_ =	shalt  }
0x66: {  	_ =	shalt  }
0x67: {  	_ =	shalt  }
0x68: {  	_ =	shalt  }
0x69: {  	_ =	shalt  }
0x6a: {  	_ =	shalt  }
0x6b: {  	_ =	shalt  }
0x6c: {  	_ =	shalt  }
0x6d: {  	_ =	shalt  }
0x6e: {  	_ =	shalt  }
0x6f: {  	_ =	shalt  }
0x70: {  	_ =	shalt  }
0x71: {  	_ =	shalt  }
0x72: {  	_ =	shalt  }
0x73: {  	_ =	shalt  }
0x74: {  	_ =	shalt  }
0x75: {  	_ =	shalt  }
0x76: {  	_ =	shalt  }
0x77: {  	_ =	shalt  }
0x78: {  	_ =	shalt  }
0x79: {  	_ =	shalt  }
0x7a: {  	_ =	shalt  }
0x7b: {  	_ =	shalt  }
0x7c: {  	_ =	shalt  }
0x7d: {  	_ =	shalt  }
0x7e: {  	_ =	shalt  }
0x7f: {  	_ =	shalt  }
0x80: {  	_ =	shalt  }
0x81: {  	_ =	shalt  }
0x82: {  	_ =	shalt  }
0x83: {  	_ =	shalt  }
0x84: {  	_ =	shalt  }
0x85: {  	_ =	shalt  }
0x86: {  	_ =	shalt  }
0x87: {  	_ =	shalt  }
.Lfunc_end0:
.L_simem_size_0:
called_computation_lowered:
.L_overlay_start_0:
0x88: {  	s2 =	sld [smem:$0x3FD9]  }
0x89: {  	s3 =	sld [smem:$0x3FFE];
	_ =	sdelay $0x1  }
0x8a: {  	s1 =	srdreg.scid  }
0x8b: {  	s0 =	sand.u32 $0x1, s1  }
0x8c: {  	s16 =	sshll.u32 s0, $0xA;
	s2 =	sadd.s32 s3, s2  }
0x8d: {  	s2 =	sadd.s32 s2, s16  }
0x8e: {  	[smem:$0x3FC0] =	sst s2  }
0x8f: {  	_ = 	snop  }
0x90: {  	(tm) =	ssettm $0x1  }
0x91: {  	s17 =	sld [smem:$0x3FFB];
	_ =	sdelay $0x3  }
0x92: {  	_ =	strace s17  }
0x93: {  	s2 =	sld [smem:$0x3FFC];
	_ =	sdelay $0x3  }
0x94: {  	_ =	strace s2  }
0x95: {  	s2 =	sld [smem:$0x3FFD];
	_ =	sdelay $0x3  }
0x96: {  	_ =	strace s2  }
0x97: {  	_ =	strace $0x8FFFFFFF  }
0x98: {  	s18 =	sld [smem:$0x3FDB];
	_ =	sdelay $0x1  }
0x99: {  	s19 =	simm.s32 $_scs_section_size  }
0x9a: {  	s4 =	simm.s32 $_size__tile_overlayer_lowered;
	s5 =	simm.s32 $_tile_overlayer_lowered  }
0x9b: {  	s22 =	simm.s32 $0x1BFF;
	s21 =	sshll.u32 s5, $0x1;
	s2 =	sadd.s32 s19, s18  }
0x9c: {  	s6 =	simm.s32 $0x0;
	s20 =	sshll.u32 s4, $0x1;
	s4 =	sadd.s32 s21, s2  }
0x9d: {  	[timem:s6], [sflag:s22] =	dma.local [hbm:s4], s20  }
0x9e: {  	_ =	swait.ge [sflag:s22], s20  }
0x9f: {  	s3 =	ssub.s32 $0x0, s20;
	[sflag:s22] =	ssyncset.done $0x0  }
0xa0: {  	[sflag:s22] =	ssyncadd.s32 s3;
	_ =	sdelay $0x1  }
0xa1: {  	s23 =	simm.s32 $0x1B8B  }
0xa2: {  	_ =	swait.ge [sflag:s23], $0x1  }
0xa3: {  	[sflag:s23] =	ssyncset.done $0x0  }
0xa4: {  	s25 =	simm.s32 $0x1B8E;
	s24 =	sld [smem:$0x3FFE];
	[sflag:s23] =	ssyncadd.s32 $0xFFFFFFFF  }
0xa5: {  	s26 =	simm.s32 $execute0_lowered;
	[smem:$0x3FD2] =	sst s25  }
0xa6: {  	s4 =	sshll.u32 s26, $0x1;
	_ =	strace $0x80000046;
	[dreg:$0x1] =	wrdreg $0xFFFFFFFF  }
0xa7: {  	s28 =	simm.s32 $_size_execute0_lowered;
	s2 =	sadd.s32 s2, s4;
	[dreg:$0x0] =	wrdreg $0x0  }
0xa8: {  	s4 =	sshll.u32 s28, $0x1;
	[dreg:$0x2] =	wrdreg s2  }
0xa9: {  	[dreg:$0x3] =	wrdreg s4  }
0xaa: {  	[dreg:$0x4] =	wrdreg $0xC0  }
0xab: {  	_ =	task [dreg:s6], $0x5FFFF  }
0xac: {  	[dreg:$0x1] =	wrdreg $0xFFFFFFFF  }
0xad: {  	[dreg:$0x0] =	wrdreg $0x60  }
0xae: {  	[dreg:$0x2] =	wrdreg s24  }
0xaf: {  	[dreg:$0x3] =	wrdreg $0x68000  }
0xb0: {  	[dreg:$0x4] =	wrdreg $0x9  }
0xb1: {  	_ =	task.clear_ibuf [dreg:s6], $0x5FFFF;
	_ =	strace $0x90000046  }
0xb2: {  	s29 =	simm.s32 $0x9;
	_ =	strace $0x80000048  }
0xb3: {  	_ =	swait.ge [sflag:s29], $0x1  }
0xb4: {  	[sflag:s29] =	ssyncadd.s32 $0xFFFFFFFF  }
0xb5: {  	_ =	strace $0x90000048  }
0xb6: {  	_ =	sfence  }
0xb7: {  	s30 =	sld [smem:$0x0];
	_ =	sdelay $0x2  }
0xb8: {  	s31 =	sshll.u32 s1, $0xD;
	s1 =	sshrl.u32 s1, $0x2  }
0xb9: {  	s3 =	sand.u32 $0x4000, s31;
	s1 =	sadd.s32 s1, s30  }
0xba: {  	s0 =	sor.u32 s3, s0;
	s1 =	sshll.u32 s1, $0x11  }
0xbb: {  	s0 =	sor.u32 s1, s0  }
0xbc: {  	s0 =	sadd.s32 $0x8F2B, s0  }
0xbd: {  	[sflag:s0] =	ssyncadd.remote.s32 $0x1  }
0xbe: {  	_ =	sfence.sel $0xFFFF  }
0xbf: {  	[dreg:$0x0] =	wrdreg $0xFFFFFFFF;
	(pc) =	sbr.abs _section_cstart, $3  }
0xc0: {  	[dreg:$0x1] =	wrdreg $0xFFFFFFFF  }
0xc1: {  	_ =	task.clear_ibuf [dreg:s6], $0x2FFFF;
	_ =	strace $0x9FFFFFFF  }
0xc2: {  	(tm) =	ssettm $0x7FFFFFFF  }
0xc3: {  	_ =	shalt  }
tec
execute0_lowered:
.L_overlay_start_1:
0x0: {  	(tag) =	ssettag $0x1  }
0x1: {  	s5 =	rddreg [dreg:$0x0];
	s0 =	stileid.u32  }
0x2: {  	s1 =	srdreg.scid;
	s2 =	rddreg [dreg:$0x1]  }
0x3: {  	s3 =	simm.s32 $0x0;
	s13 =	simm.s32 $0x80;
	s4 =	smul.u32 $0x500, s0  }
0x4: {  	s6 =	sand.u32 $0x1, s1;
	s1 =	rddreg [dreg:$0x2];
	s8 =	smul.u32 $0x14000, s0  }
0x5: {  	s14 =	simm.s32 $0x0;
	[smem:$0x7FF] =	sst s3;
	s10 =	smul.u32 $0x50000, s0  }
0x6: {  	s31 =	sshll.u32 s0, $0x6;
	s7 =	smul.u32 $0x140000, s6;
	_ =	strace $0x80000047  }
0x7: {  	s30 =	ssub.s32 $0x2, s6;
	s6 =	smul.u32 $0x28, s6;
	s9 =	sadd.s32 s4, s5  }
0x8: {  	s4 =	sadd.s32 $0x6C00, s5;
	s11 =	sshrl.u32 s30, $0x1;
	s10 =	sshrl.u32 s10, $0x2  }
0x9: {  	s7 =	sadd.s32 s8, s7;
	s8 =	ssub.s32 s30, s11;
	s12 =	sadd.s32 s10, s2  }
0xa: {  	s10 =	simm.s32 $0x2800;
	s11 =	sor.u32 $0x1C01, s31;
	s7 =	sshrl.u32 s7, $0x3  }
0xb: {  	s8 =	smax.u32 s8, $0x1;
	s12 =	sshrl.u32 s12, $0x3;
	s7 =	sadd.s32 s7, s5  }
0xc: {  	s5 =	sadd.s32 $0x1C00, s9;
	s9 =	simm.s32 $0x1;
	s7 =	sadd.s32 $0x9400, s7  }
.LBB2_1:
0xd: {  	[tilespmem:s3], [sflag:$0x1] =	stream.linear.gather [hbm4b:s5+s3], $0x2800, $0x38;
	[tilespmem:$0x1A800] =	vst v63  }
0xe: {  	_ =	swait.ge [sflag:s9], $0x2800  }
0xf: {  	s15 =	simm.s32 $0x0;
	[sflag:s9] =	ssyncset.done $0x0  }
0x10: {  	s16 =	sadd.s32 $0xFFFFFFD8, s6;
	s15 =	sand.u32 $0x7, s15;
	[sflag:s9] =	ssyncadd.s32 $0xFFFFD800  }
0x11: {  	[tilespmem:s10], [sflag:$0x1] =	stream.linear.gather [hbm4b:s4+s3], $0x4000, $0x38;
	[tilespmem:$0x1A800] =	vst v63  }
0x12: {  	p0 =	seq.s32 s16, $0xFFFFFFD8;
	s31 =	sadd.s32 $0x28, s16;
	_ =	swait.ge [sflag:s9], $0x4000  }
0x13: {  	s16 =	simm.s32 $0x1;
	p1 =	sne.s32 s15, $0x0;
	[sflag:s9] =	ssyncset.done $0x0  }
0x14: {  	p0 =	por !p0, !p1;
	p1 =	por $0x0, $0x0;
	[sflag:s9] =	ssyncadd.s32 $0xFFFFC000  }
0x15: {  	[spmem:s12], [sflag:s11] =	dma.local [hbm:s4], $0x2800  }
.Ltmp0:
0x16: {  	p0 =	por !p0, !p0;
	_ =	swait.ge [sflag:s9], $0x2800;
	(pc) =	sbr.rel @p1 .LBB2_4-.Ltmp0, $4  }
0x17: {  	s15 =	sshrl.u32 s31, $0x3;
	s16 =	simm.s32 @!p0 $0x0;
	[sflag:s9] =	ssyncset.done $0x0  }
0x18: {  	s15 =	ssub.s32 s15, s16;
	[sflag:s9] =	ssyncadd.s32 $0xFFFFD800  }
0x19: {  	s15 =	sshll.u32 s15, $0xC;
	[bflag:$0x0] =	sbarrier.arrive $0xFFFF  }
0x1a: {  	s17 =	sand.u32 $0x380, s3;
	p0 =	por $0x0, $0x0;
	s18 =	sshra.s32 s15, $0x2  }
0x1b: {  	s15 =	simm.s32 $0x1;
	s16 =	sor.u32 s17, s18  }
0x1c: {  	[spmem:s2] =	stream.indirect.scatter.add.f32 [tilespmem:s10], [sflag:$0x1], $0x80, s16, s13, $0xb8;
	[tilespmem:$0x1A800] =	vst v63  }
0x1d: {  	s28 =	sadd.s32 $0xFFFFFFD9, s6;
	s15 =	sand.u32 $0x7, s15  }
0x1e: {  	p0 =	seq.s32 s28, $0xFFFFFFD8;
	p1 =	sne.s32 s15, $0x0  }
0x1f: {  	s29 =	sadd.s32 $0x28, s28;
	p0 =	por !p0, !p1;
	p1 =	por $0x0, $0x0  }
.Ltmp1:
0x20: {  	s16 =	simm.s32 $0x1;
	p0 =	por !p0, !p0;
	(pc) =	sbr.rel @p1 .LBB2_4-.Ltmp1, $4  }
0x21: {  	s30 =	sshrl.u32 s29, $0x3;
	s16 =	simm.s32 @!p0 $0x0  }
0x22: {  	s15 =	simm.s32 $0x80;
	_ =	swait.ge [sflag:s9], $0x4000;
	s16 =	ssub.s32 s30, s16  }
0x23: {  	s17 =	sand.u32 $0x380, s15;
	[sflag:s9] =	ssyncset.done $0x0;
	s31 =	sshll.u32 s16, $0xC  }
0x24: {  	p0 =	por $0x1, $0x1;
	s16 =	simm.s32 $0xFFFFFFDA;
	s18 =	sshra.s32 s31, $0x2  }
.LBB2_3:
0x25: {  	s19 =	sadd.s32 $0x28, s16;
	s17 =	sor.u32 s17, s18;
	[sflag:s9] =	ssyncadd.s32 $0xFFFFC000  }
0x26: {  	[spmem:s2] =	stream.indirect.scatter.add.f32 [tilespmem:s10], [sflag:$0x1], $0x80, s17, s13, $0xb8;
	[tilespmem:$0x1A800] =	vst v63  }
0x27: {  	s17 =	sadd.s32 s16, s6;
	s18 =	sand.u32 $0x7, s19  }
0x28: {  	p1 =	seq.s32 s17, $0xFFFFFFD8;
	p2 =	sne.s32 s18, $0x0  }
0x29: {  	p1 =	por !p1, !p2  }
0x2a: {  	s16 =	sadd.s32 $0x1, s16;
	s18 =	simm.s32 $0x1;
	p1 =	por !p1, !p1  }
0x2b: {  	s18 =	simm.s32 @!p1 $0x0;
	p1 =	seq.s32 s16, $0x0  }
.Ltmp2:
0x2c: {  	s17 =	sadd.s32 $0x28, s17;
	(pc) =	sbr.rel @!p1 .LBB2_3-.Ltmp2, $4  }
0x2d: {  	s15 =	sadd.s32 $0x80, s15;
	s17 =	sshrl.u32 s17, $0x3  }
0x2e: {  	s18 =	ssub.s32 s17, s18;
	s17 =	sand.u32 $0x380, s15  }
0x2f: {  	s18 =	sshll.u32 s18, $0xC;
	_ =	swait.ge [sflag:s9], $0x4000  }
0x30: {  	s18 =	sshra.s32 s18, $0x2;
	[sflag:s9] =	ssyncset.done $0x0  }
.LBB2_4:
0x31: {  	s15 =	sor.u32 s17, s18;
	[sflag:s9] =	ssyncadd.s32 @p0 $0xFFFFC000  }
0x32: {  	[spmem:s2] =	stream.indirect.scatter.add.f32 [tilespmem:s10], [sflag:$0x1], $0x80, s15, s13, $0xb8;
	[tilespmem:$0x1A800] =	vst v63  }
0x33: {  	_ =	swait.ge [sflag:s9], $0x4000  }
0x34: {  	s14 =	sadd.s32 $0x1, s14;
	[sflag:s9] =	ssyncset.done $0x0  }
0x35: {  	p0 =	sne.s32 s14, s8;
	[sflag:s9] =	ssyncadd.s32 $0xFFFFC000  }
.Ltmp3:
0x36: {  	[bflag:$0x0] =	sbarrier.arrive $0xFFFF;
	(pc) =	sbr.rel @p0 .LBB2_1-.Ltmp3, $4  }
0x37: {  	[hbm:s7], [sflag:s11] =	dma.local [spmem:s12], $0x2800  }
0x38: {  	_ =	swait.ge [sflag:s9], $0x2800  }
0x39: {  	[sflag:s9] =	ssyncset.done $0x0  }
0x3a: {  	[sflag:s9] =	ssyncadd.s32 $0xFFFFD800  }
0x3b: {  	_ =	sfence.sel $0x180000  }
0x3c: {  	[bflag:$0x0] =	sbarrier.arrive $0xFFFF  }
0x3d: {  	p0 =	sne.s32 s0, $0x0;
	_ =	strace $0x90000047  }
0x3e: {  	s0 =	sadd.s32 @!p0 $0x100000, s1;
	[bflag:$0x2] =	sbarrier.arrive $0xFFFF  }
0x3f: {  	[sflag:s0] =	ssyncadd.tile.s32 @!p0 $0x1;
	_ =	shalt  }
.Lfunc_end2:
_tile_overlayer_lowered:
.L_overlay_start_2:
0x40: {  	(tag) =	ssettag $0x2  }
0x41: {  	s0 =	rddreg [dreg:$0x0];
	s2 =	stileid.u32  }
0x42: {  	s1 =	rddreg [dreg:$0x1];
	p0 =	sne.s32 s2, $0x0  }
0x43: {  	s3 =	rddreg [dreg:$0x2];
	[bflag:$0x3] =	sbarrier.arrive $0xFFFF;
	s2 =	simm.s32 @!p0 $0x1C01  }
0x44: {  	[timem:s3], [sflag:s2] =	dma.local @!p0 [hbm:s0], s1  }
0x45: {  	s0 =	simm.s32 @!p0 $0x1  }
0x46: {  	_ =	swait.ge @!p0 [sflag:s0], s1  }
0x47: {  	s1 =	ssub.s32 @!p0 $0x0, s1;
	[sflag:s0] =	ssyncset.done @!p0 $0x0  }
0x48: {  	[sflag:s0] =	ssyncadd.s32 @!p0 s1  }
0x49: {  	[bflag:$0x3] =	sbarrier.arrive $0xFFFF  }
0x4a: {  	_ =	shalt  }

</sc_bundles>
